<compile_context>
chip_gen: v7x
topology: tpu7x:2x2x1
jax: 0.10.2.dev20260603
libtpu: 0.0.44.dev20260713+nightly
codegen_flags: <defaults>
</compile_context>

<pallas_src>
import functools

import jax
import jax.numpy as jnp
from jax import lax
from jax.experimental import pallas as pl
from jax.experimental.pallas import tpu as pltpu
from jax.experimental.pallas import tpu_sc as plsc

N = 10000
NPAD = 10240
D = 128
DOUT = 64
E = 320000
CHUNK = 128
CPT = 80
EPAD = 32 * CPT * CHUNK
NCHUNKS = EPAD // CHUNK
IB = 16
NC, NS = 2, 16
RPT = NPAD // NS
CPT0 = 128
CPT1 = 32
MAXPAIRS = max(CPT0, CPT1) // 2

_mesh = plsc.VectorSubcoreMesh(core_axis_name="c", subcore_axis_name="s")



@functools.partial(
    pl.kernel,
    out_type=jax.ShapeDtypeStruct((NC * NPAD,), jnp.float32),
    mesh=_mesh,
    scratch_types=[
        pltpu.VMEM((CPT, CHUNK), jnp.int32),
        pltpu.VMEM((RPT,), jnp.float32),
        pltpu.VMEM((CHUNK,), jnp.float32),
        pltpu.VMEM_SHARED((NPAD,), jnp.float32),
    ],
)
def _sc_degree(dst_hbm, out_hbm, idx_v, zeros_v, ones_v, acc):
    c = lax.axis_index("c")
    s = lax.axis_index("s")
    tile = c * NS + s
    pltpu.sync_copy(dst_hbm.at[pl.ds(pl.multiple_of(tile * CPT, 8), CPT)],
                    idx_v)

    def _fill(i, _):
        zeros_v[pl.ds(i * 16, 16)] = jnp.zeros((16,), jnp.float32)
        return 0

    lax.fori_loop(0, RPT // 16, _fill, 0)
    for j in range(CHUNK // 16):
        ones_v[pl.ds(j * 16, 16)] = jnp.ones((16,), jnp.float32)
    pltpu.sync_copy(zeros_v, acc.at[pl.ds(s * RPT, RPT)])
    plsc.subcore_barrier()

    def _body(j, _):
        pltpu.sync_copy(ones_v, acc.at[idx_v.at[j]], add=True)
        return 0

    lax.fori_loop(0, CPT, _body, 0)
    plsc.subcore_barrier()
    pltpu.sync_copy(acc.at[pl.ds(s * RPT, RPT)],
                    out_hbm.at[pl.ds(c * NPAD + s * RPT, RPT)])


@functools.partial(
    pl.kernel,
    out_type=jax.ShapeDtypeStruct((NC, RPT, D), jnp.float32),
    mesh=_mesh,
    scratch_types=[
        pltpu.VMEM((2, IB, CHUNK), jnp.int32),
        pltpu.VMEM((2, IB, CHUNK), jnp.int32),
        pltpu.VMEM((2, CHUNK, D), jnp.float32),
        pltpu.VMEM_SHARED((NPAD, D), jnp.float32),
        pltpu.SemaphoreType.DMA,
        pltpu.SemaphoreType.DMA,
        pltpu.SemaphoreType.DMA,
        pltpu.SemaphoreType.DMA,
    ],
)
def _sc_adj_apply(y_hbm, src_hbm, dst_hbm, out_hbm,
                  srcb, dstb, rows_v, acc, g0, g1, ssem, isem):
    c = lax.axis_index("c")
    s = lax.axis_index("s")
    base = jnp.where(c == 0, s * CPT0, NS * CPT0 + s * CPT1)
    my_pairs = jnp.where(c == 0, CPT0 // 2, CPT1 // 2)

    def _iblk(nb):
        return pl.ds(pl.multiple_of(base + nb * IB, 8), IB)

    pltpu.sync_copy(src_hbm.at[_iblk(0)], srcb.at[0])
    pltpu.sync_copy(dst_hbm.at[_iblk(0)], dstb.at[0])

    def _fill(i, _):
        for j in range(D // 16):
            rows_v[0, i, pl.ds(j * 16, 16)] = jnp.zeros((16,), jnp.float32)
        return 0

    lax.fori_loop(0, CHUNK, _fill, 0)
    for k in range(RPT // CHUNK):
        pltpu.sync_copy(rows_v.at[0],
                        acc.at[pl.ds(s * RPT + k * CHUNK, CHUNK)])

    def _gather_start(blk, row, buf, sem):
        pltpu.async_copy(y_hbm.at[srcb.at[blk, row]], rows_v.at[buf], sem)

    def _gather_wait(blk, row, buf, sem):
        pltpu.make_async_copy(y_hbm.at[srcb.at[blk, row]], rows_v.at[buf],
                              sem).wait()

    _gather_start(0, 0, 0, g0)
    plsc.subcore_barrier()

    def _body(t, _):
        a = 2 * t
        blk = (a // IB) % 2
        ra = a % IB

        @pl.when(jnp.logical_and(t % (IB // 2) == 0, t < my_pairs - IB // 2))
        def _():
            nxt = t // (IB // 2) + 1
            pltpu.async_copy(src_hbm.at[_iblk(nxt)], srcb.at[nxt % 2], isem)
            pltpu.async_copy(dst_hbm.at[_iblk(nxt)], dstb.at[nxt % 2], isem)

        _gather_wait(blk, ra, 0, g0)
        _gather_start(blk, ra + 1, 1, g1)
        sd_a = pltpu.async_copy(rows_v.at[0], acc.at[dstb.at[blk, ra]],
                                ssem, add=True)
        _gather_wait(blk, ra + 1, 1, g1)
        sd_a.wait()

        @pl.when(t < my_pairs - 1)
        def _():
            n = a + 2
            nblk = (n // IB) % 2
            nr = n % IB

            @pl.when(nr == 0)
            def _():
                pltpu.make_async_copy(src_hbm.at[_iblk(0)],
                                      srcb.at[nblk], isem).wait()
                pltpu.make_async_copy(dst_hbm.at[_iblk(0)],
                                      dstb.at[nblk], isem).wait()

            _gather_start(nblk, nr, 0, g0)

        pltpu.sync_copy(rows_v.at[1], acc.at[dstb.at[blk, ra + 1]],
                        add=True)
        return 0

    lax.fori_loop(0, my_pairs, _body, 0)
    plsc.subcore_barrier()

    @pl.when(s == 0)
    def _():
        pltpu.sync_copy(acc.at[pl.ds(0, RPT)], out_hbm.at[c])



BM = 1024
GRID = NPAD // BM


def _dinv(degp_ref):
    return lax.rsqrt(jnp.maximum(degp_ref[0] + degp_ref[1], 1.0))


def _prep_body(x_ref, w_ref, degp_ref, o_ref):
    o_ref[...] = jnp.dot(x_ref[...], w_ref[...],
                         preferred_element_type=jnp.float32) * _dinv(degp_ref)


def _mid_body(p_ref, degp_ref, b_ref, w_ref, o_ref):
    dinv = _dinv(degp_ref)
    h = jnp.maximum((p_ref[0] + p_ref[1]) * dinv + b_ref[...], 0.0)
    o_ref[...] = jnp.dot(h, w_ref[...],
                         preferred_element_type=jnp.float32) * dinv


def _head_body(p_ref, degp_ref, b2_ref, wf1_ref, bf1_ref, wf2_ref, bf2_ref,
               o_ref):
    dinv = _dinv(degp_ref)
    h = jnp.maximum((p_ref[0] + p_ref[1]) * dinv + b2_ref[...], 0.0)
    f = jnp.maximum(jnp.dot(h, wf1_ref[...],
                            preferred_element_type=jnp.float32) + bf1_ref[...],
                    0.0)
    o_ref[...] = jnp.dot(f, wf2_ref[...],
                         preferred_element_type=jnp.float32) + bf2_ref[...]


_row_spec = pl.BlockSpec((BM, D), lambda i: (i, 0))
_degp_spec = pl.BlockSpec((NC, BM, 1), lambda i: (0, i, 0))
_p_spec = pl.BlockSpec((NC, BM, D), lambda i: (0, i, 0))
_w_spec = pl.BlockSpec((D, D), lambda i: (0, 0))
_b_spec = pl.BlockSpec((1, D), lambda i: (0, 0))

_tc_prep = pl.pallas_call(
    _prep_body,
    grid=(GRID,),
    in_specs=[_row_spec, _w_spec, _degp_spec],
    out_specs=_row_spec,
    out_shape=jax.ShapeDtypeStruct((NPAD, D), jnp.float32),
)

_tc_mid = pl.pallas_call(
    _mid_body,
    grid=(GRID,),
    in_specs=[_p_spec, _degp_spec, _b_spec, _w_spec],
    out_specs=_row_spec,
    out_shape=jax.ShapeDtypeStruct((NPAD, D), jnp.float32),
)

_tc_head = pl.pallas_call(
    _head_body,
    grid=(GRID,),
    in_specs=[_p_spec, _degp_spec, _b_spec, _w_spec, _b_spec,
              pl.BlockSpec((D, DOUT), lambda i: (0, 0)),
              pl.BlockSpec((1, DOUT), lambda i: (0, 0))],
    out_specs=pl.BlockSpec((BM, DOUT), lambda i: (i, 0)),
    out_shape=jax.ShapeDtypeStruct((NPAD, DOUT), jnp.float32),
)


def kernel(x, edge_index, W1, b1, W2, b2, Wf1, bf1, Wf2, bf2):
    src = edge_index[0].astype(jnp.int32)
    dst = edge_index[1].astype(jnp.int32)
    pad = jnp.full((EPAD - E,), N, jnp.int32)
    src2d = jnp.concatenate([src, pad]).reshape(NCHUNKS, CHUNK)
    dst2d = jnp.concatenate([dst, pad]).reshape(NCHUNKS, CHUNK)
    x_pad = jnp.zeros((NPAD, D), jnp.float32).at[:N].set(x)

    degp = _sc_degree(dst2d).reshape(NC, NPAD)[:, :, None]
    y1 = _tc_prep(x_pad, W1, degp)

    def _blow(p):
        return jnp.zeros((NC, NPAD, D), jnp.float32).at[:, :RPT].set(p)

    p1 = _blow(_sc_adj_apply(y1, src2d, dst2d))
    y2 = _tc_mid(p1, degp, b1.reshape(1, D), W2)
    p2 = _blow(_sc_adj_apply(y2, src2d, dst2d))
    out = _tc_head(p2, degp, b2.reshape(1, D), Wf1, bf1.reshape(1, D),
                   Wf2, bf2.reshape(1, DOUT))
    return out[:N]

# --- scband reference (transcript-rebuilt; emitter-appended) ---
"""Pipeline reference for scband-model-67121748901910 (READ-ONLY COPY).

The authoritative reference and input builder live on the scoring server;
editing this copy changes nothing except your own understanding.
"""

import jax, jax.numpy as jnp
import numpy as np

N_NODES = 10000
N_EDGES = 320000
D_IN = 128
D_HID = 128
D_OUT = 64


def setup_inputs(seed: int = 0) -> dict:
    key = jax.random.key(seed)
    ks = jax.random.split(key, 12)
    x = jax.random.normal(ks[0], (N_NODES, D_IN), dtype=jnp.float32)
    edge_index = jax.random.randint(ks[1], (2, N_EDGES), 0, N_NODES, dtype=jnp.int64)
    s1 = 1.0 / np.sqrt(D_IN)
    s2 = 1.0 / np.sqrt(D_HID)
    W1 = jax.random.uniform(ks[2], (D_IN, D_HID), jnp.float32, -s1, s1)
    b1 = jnp.zeros((D_HID,), jnp.float32)
    W2 = jax.random.uniform(ks[3], (D_HID, D_HID), jnp.float32, -s2, s2)
    b2 = jnp.zeros((D_HID,), jnp.float32)
    Wf1 = jax.random.uniform(ks[4], (D_HID, D_HID), jnp.float32, -s2, s2)
    bf1 = jnp.zeros((D_HID,), jnp.float32)
    Wf2 = jax.random.uniform(ks[5], (D_HID, D_OUT), jnp.float32, -s2, s2)
    bf2 = jnp.zeros((D_OUT,), jnp.float32)
    return {"x": x, "edge_index": edge_index, "W1": W1, "b1": b1, "W2": W2, "b2": b2,
            "Wf1": Wf1, "bf1": bf1, "Wf2": Wf2, "bf2": bf2}


def _gcn_conv(x, edge_index, W, b):
    # GCN message passing: symmetric-normalized sum aggregation, then linear.
    src = edge_index[0]
    dst = edge_index[1]
    n = x.shape[0]
    ones = jnp.ones((edge_index.shape[1],), jnp.float32)
    deg = jnp.zeros((n,), jnp.float32).at[dst].add(ones)
    deg = jnp.maximum(deg, 1.0)
    dinv = jax.lax.rsqrt(deg)
    norm = dinv[src] * dinv[dst]
    msg = x[src] * norm[:, None]               # gather (SparseCore)
    agg = jnp.zeros((n, x.shape[1]), x.dtype).at[dst].add(msg)  # scatter-add
    return agg @ W + b


def reference(x, edge_index, W1, b1, W2, b2, Wf1, bf1, Wf2, bf2):
    # message passing stack (drop_p=0 so dropout is identity)
    h = _gcn_conv(x, edge_index, W1, b1)
    h = jax.nn.relu(h)
    h = _gcn_conv(h, edge_index, W2, b2)
    h = jax.nn.relu(h)
    # readout FFN head (mask=None -> applied to all nodes)
    h = jax.nn.relu(h @ Wf1 + bf1)
    out = h @ Wf2 + bf2
    return out

if __name__ == "__main__":
    import jax
    _d = setup_inputs()
    print(jax.jit(kernel)(*tuple(_d.values())))

</pallas_src>

<mosaic_0001>
#map = affine_map<(d0, d1) -> (0, 0)>
#map1 = affine_map<(d0, d1) -> (0, 0, 0)>
module attributes {stable_mosaic.version = 14 : i64} {
  func.func @_sc_adj_apply(%arg0: i32, %arg1: i32, %arg2: memref<10240x128xf32, #tpu.memory_space<hbm>>, %arg3: memref<2560x128xi32, #tpu.memory_space<hbm>>, %arg4: memref<2560x128xi32, #tpu.memory_space<hbm>>, %arg5: memref<2x640x128xf32, #tpu.memory_space<hbm>>, %arg6: memref<2x16x128xi32, #tpu.memory_space<vmem>>, %arg7: memref<2x16x128xi32, #tpu.memory_space<vmem>>, %arg8: memref<2x128x128xf32, #tpu.memory_space<vmem>>, %arg9: memref<10240x128xf32, #tpu.memory_space<vmem_shared>>, %arg10: memref<!tpu.dma_semaphore, #tpu.memory_space<semaphore_mem>>, %arg11: memref<!tpu.dma_semaphore, #tpu.memory_space<semaphore_mem>>, %arg12: memref<!tpu.dma_semaphore, #tpu.memory_space<semaphore_mem>>, %arg13: memref<!tpu.dma_semaphore, #tpu.memory_space<semaphore_mem>>) attributes {dimension_semantics = [#tpu.dimension_semantics<core_parallel>, #tpu.dimension_semantics<subcore_parallel>], iteration_bounds = array<i64: 2, 16>, scalar_prefetch = 0 : i64, scratch_operands = 8 : i64, tpu.core_type = #tpu.core_type<sc_vector_subcore>, window_params = [{transform_indices = #map}, {transform_indices = #map}, {transform_indices = #map}, {transform_indices = #map1}]} {
    %eq3A = arith.constant 0 : i32
    %eq3A_0 = arith.cmpi eq, %arg0, %eq3A : i32
    %mul3A = arith.constant 128 : i32
    %mul3A_1 = arith.muli %arg1, %mul3A : i32
    %mul3A_2 = arith.constant 32 : i32
    %mul3A_3 = arith.muli %arg1, %mul3A_2 : i32
    %add3A = arith.constant 2048 : i32
    %add3A_4 = arith.addi %add3A, %mul3A_3 : i32
    %select_n3A = arith.select %eq3A_0, %mul3A_1, %add3A_4 : i32
    %eq3A_5 = arith.constant 0 : i32
    %eq3A_6 = arith.cmpi eq, %arg0, %eq3A_5 : i32
    %jit3A = arith.constant 64 : i32
    %jit3A_7 = arith.constant 16 : i32
    %select_n3A_8 = arith.select %eq3A_6, %jit3A, %jit3A_7 : i32
    %add3A_9 = arith.constant 0 : i32
    %add3A_10 = arith.addi %select_n3A, %add3A_9 : i32
    %multiple_of3A = tpu.assume_multiple %add3A_10, 8 : i32
    %run_scoped3A = arith.constant 0 : i32
    "tpu.region"() ({
      %run_scoped3A_73 = tpu.sem_alloc : memref<!tpu.dma_semaphore, #tpu.memory_space<semaphore_mem>>
      %dma_start3A_74 = arith.constant 0 : i32
      %dma_start3A_75 = arith.constant 0 : i32
      %dma_start3A_76 = tpu.memref_slice %arg6[%run_scoped3A, %dma_start3A_74, %dma_start3A_75] : memref<2x16x128xi32, #tpu.memory_space<vmem>> -> memref<1x16x128xi32, #tpu.memory_space<vmem>>
      %dma_start3A_77 = tpu.memref_squeeze %dma_start3A_76 : memref<1x16x128xi32, #tpu.memory_space<vmem>> -> memref<16x128xi32, #tpu.memory_space<vmem>>
      %dma_start3A_78 = arith.constant 0 : i32
      %dma_start3A_79 = tpu.memref_slice %arg3[%multiple_of3A, %dma_start3A_78] : memref<2560x128xi32, #tpu.memory_space<hbm>> -> memref<16x128xi32, #tpu.memory_space<hbm>>
      %dma_start3A_80 = arith.constant 0 : i32
      %dma_start3A_81 = arith.constant 0 : i32
      %dma_start3A_82 = tpu.memref_slice %arg6[%run_scoped3A, %dma_start3A_80, %dma_start3A_81] : memref<2x16x128xi32, #tpu.memory_space<vmem>> -> memref<1x16x128xi32, #tpu.memory_space<vmem>>
      %dma_start3A_83 = tpu.memref_squeeze %dma_start3A_82 : memref<1x16x128xi32, #tpu.memory_space<vmem>> -> memref<16x128xi32, #tpu.memory_space<vmem>>
      %dma_start3A_84 = arith.constant 0 : i32
      %dma_start3A_85 = tpu.memref_slice %arg3[%multiple_of3A, %dma_start3A_84] : memref<2560x128xi32, #tpu.memory_space<hbm>> -> memref<16x128xi32, #tpu.memory_space<hbm>>
      tpu.enqueue_dma source(%dma_start3A_85 : memref<16x128xi32, #tpu.memory_space<hbm>>) target(%dma_start3A_83 : memref<16x128xi32, #tpu.memory_space<vmem>>) target_semaphore(%run_scoped3A_73 : memref<!tpu.dma_semaphore, #tpu.memory_space<semaphore_mem>>)
      %dma_wait3A = arith.constant 0 : i32
      %dma_wait3A_86 = arith.constant 0 : i32
      %dma_wait3A_87 = tpu.memref_slice %arg6[%run_scoped3A, %dma_wait3A, %dma_wait3A_86] : memref<2x16x128xi32, #tpu.memory_space<vmem>> -> memref<1x16x128xi32, #tpu.memory_space<vmem>>
      %dma_wait3A_88 = tpu.memref_squeeze %dma_wait3A_87 : memref<1x16x128xi32, #tpu.memory_space<vmem>> -> memref<16x128xi32, #tpu.memory_space<vmem>>
      %dma_wait3A_89 = arith.constant 0 : i32
      %dma_wait3A_90 = tpu.memref_slice %arg3[%multiple_of3A, %dma_wait3A_89] : memref<2560x128xi32, #tpu.memory_space<hbm>> -> memref<16x128xi32, #tpu.memory_space<hbm>>
      %dma_wait3A_91 = arith.constant 0 : i32
      %dma_wait3A_92 = arith.constant 0 : i32
      %dma_wait3A_93 = tpu.memref_slice %arg6[%run_scoped3A, %dma_wait3A_91, %dma_wait3A_92] : memref<2x16x128xi32, #tpu.memory_space<vmem>> -> memref<1x16x128xi32, #tpu.memory_space<vmem>>
      %dma_wait3A_94 = tpu.memref_squeeze %dma_wait3A_93 : memref<1x16x128xi32, #tpu.memory_space<vmem>> -> memref<16x128xi32, #tpu.memory_space<vmem>>
      %dma_wait3A_95 = arith.constant 0 : i32
      %dma_wait3A_96 = tpu.memref_slice %arg3[%multiple_of3A, %dma_wait3A_95] : memref<2560x128xi32, #tpu.memory_space<hbm>> -> memref<16x128xi32, #tpu.memory_space<hbm>>
      tpu.wait_dma2 semaphore(%run_scoped3A_73 : memref<!tpu.dma_semaphore, #tpu.memory_space<semaphore_mem>>) src(%dma_wait3A_96 : memref<16x128xi32, #tpu.memory_space<hbm>>) dst(%dma_wait3A_94 : memref<16x128xi32, #tpu.memory_space<vmem>>)
      tpu.yield
    }) : () -> ()
    %add3A_11 = arith.constant 0 : i32
    %add3A_12 = arith.addi %select_n3A, %add3A_11 : i32
    %multiple_of3A_13 = tpu.assume_multiple %add3A_12, 8 : i32
    %run_scoped3A_14 = arith.constant 0 : i32
    "tpu.region"() ({
      %run_scoped3A_73 = tpu.sem_alloc : memref<!tpu.dma_semaphore, #tpu.memory_space<semaphore_mem>>
      %dma_start3A_74 = arith.constant 0 : i32
      %dma_start3A_75 = arith.constant 0 : i32
      %dma_start3A_76 = tpu.memref_slice %arg7[%run_scoped3A_14, %dma_start3A_74, %dma_start3A_75] : memref<2x16x128xi32, #tpu.memory_space<vmem>> -> memref<1x16x128xi32, #tpu.memory_space<vmem>>
      %dma_start3A_77 = tpu.memref_squeeze %dma_start3A_76 : memref<1x16x128xi32, #tpu.memory_space<vmem>> -> memref<16x128xi32, #tpu.memory_space<vmem>>
      %dma_start3A_78 = arith.constant 0 : i32
      %dma_start3A_79 = tpu.memref_slice %arg4[%multiple_of3A_13, %dma_start3A_78] : memref<2560x128xi32, #tpu.memory_space<hbm>> -> memref<16x128xi32, #tpu.memory_space<hbm>>
      %dma_start3A_80 = arith.constant 0 : i32
      %dma_start3A_81 = arith.constant 0 : i32
      %dma_start3A_82 = tpu.memref_slice %arg7[%run_scoped3A_14, %dma_start3A_80, %dma_start3A_81] : memref<2x16x128xi32, #tpu.memory_space<vmem>> -> memref<1x16x128xi32, #tpu.memory_space<vmem>>
      %dma_start3A_83 = tpu.memref_squeeze %dma_start3A_82 : memref<1x16x128xi32, #tpu.memory_space<vmem>> -> memref<16x128xi32, #tpu.memory_space<vmem>>
      %dma_start3A_84 = arith.constant 0 : i32
      %dma_start3A_85 = tpu.memref_slice %arg4[%multiple_of3A_13, %dma_start3A_84] : memref<2560x128xi32, #tpu.memory_space<hbm>> -> memref<16x128xi32, #tpu.memory_space<hbm>>
      tpu.enqueue_dma source(%dma_start3A_85 : memref<16x128xi32, #tpu.memory_space<hbm>>) target(%dma_start3A_83 : memref<16x128xi32, #tpu.memory_space<vmem>>) target_semaphore(%run_scoped3A_73 : memref<!tpu.dma_semaphore, #tpu.memory_space<semaphore_mem>>)
      %dma_wait3A = arith.constant 0 : i32
      %dma_wait3A_86 = arith.constant 0 : i32
      %dma_wait3A_87 = tpu.memref_slice %arg7[%run_scoped3A_14, %dma_wait3A, %dma_wait3A_86] : memref<2x16x128xi32, #tpu.memory_space<vmem>> -> memref<1x16x128xi32, #tpu.memory_space<vmem>>
      %dma_wait3A_88 = tpu.memref_squeeze %dma_wait3A_87 : memref<1x16x128xi32, #tpu.memory_space<vmem>> -> memref<16x128xi32, #tpu.memory_space<vmem>>
      %dma_wait3A_89 = arith.constant 0 : i32
      %dma_wait3A_90 = tpu.memref_slice %arg4[%multiple_of3A_13, %dma_wait3A_89] : memref<2560x128xi32, #tpu.memory_space<hbm>> -> memref<16x128xi32, #tpu.memory_space<hbm>>
      %dma_wait3A_91 = arith.constant 0 : i32
      %dma_wait3A_92 = arith.constant 0 : i32
      %dma_wait3A_93 = tpu.memref_slice %arg7[%run_scoped3A_14, %dma_wait3A_91, %dma_wait3A_92] : memref<2x16x128xi32, #tpu.memory_space<vmem>> -> memref<1x16x128xi32, #tpu.memory_space<vmem>>
      %dma_wait3A_94 = tpu.memref_squeeze %dma_wait3A_93 : memref<1x16x128xi32, #tpu.memory_space<vmem>> -> memref<16x128xi32, #tpu.memory_space<vmem>>
      %dma_wait3A_95 = arith.constant 0 : i32
      %dma_wait3A_96 = tpu.memref_slice %arg4[%multiple_of3A_13, %dma_wait3A_95] : memref<2560x128xi32, #tpu.memory_space<hbm>> -> memref<16x128xi32, #tpu.memory_space<hbm>>
      tpu.wait_dma2 semaphore(%run_scoped3A_73 : memref<!tpu.dma_semaphore, #tpu.memory_space<semaphore_mem>>) src(%dma_wait3A_96 : memref<16x128xi32, #tpu.memory_space<hbm>>) dst(%dma_wait3A_94 : memref<16x128xi32, #tpu.memory_space<vmem>>)
      tpu.yield
    }) : () -> ()
    %scan3A = arith.constant 0 : i32
    %scan3A_15 = arith.constant 0 : i32
    %scan3A_16 = arith.constant 128 : i32
    %scan3A_17 = arith.addi %scan3A_15, %scan3A_16 : i32
    %scan3A_18 = arith.constant 1 : i32
    %scan3A_19 = scf.for %scan3A_73 = %scan3A_15 to %scan3A_17 step %scan3A_18 iter_args(%scan3A_74 = %scan3A) -> (i32)  : i32 {
      %broadcast_in_dim3A = arith.constant 0.000000e+00 : f32
      %broadcast_in_dim3A_75 = vector.broadcast %broadcast_in_dim3A : f32 to vector<16xf32>
      %swap3A = arith.constant 0 : i32
      %swap3A_76 = arith.index_cast %swap3A : i32 to index
      %swap3A_77 = arith.index_cast %scan3A_73 : i32 to index
      %swap3A_78 = arith.constant 0 : index
      %swap3A_79 = tpu.vector_load %arg8[%swap3A_76, %swap3A_77, %swap3A_78] {strides = array<i32>} : memref<2x128x128xf32, #tpu.memory_space<vmem>>, vector<1x1x16xf32>,
      %swap3A_80 = vector.shape_cast %swap3A_79 : vector<1x1x16xf32> to vector<16xf32>
      %swap3A_81 = vector.shape_cast %broadcast_in_dim3A_75 : vector<16xf32> to vector<1x1x16xf32>
      tpu.vector_store %arg8[%swap3A_76, %swap3A_77, %swap3A_78], %swap3A_81 {strides = array<i32>} : memref<2x128x128xf32, #tpu.memory_space<vmem>>, vector<1x1x16xf32>,
      %broadcast_in_dim3A_82 = arith.constant 0.000000e+00 : f32
      %broadcast_in_dim3A_83 = vector.broadcast %broadcast_in_dim3A_82 : f32 to vector<16xf32>
      %swap3A_84 = arith.constant 0 : i32
      %swap3A_85 = arith.index_cast %swap3A_84 : i32 to index
      %swap3A_86 = arith.index_cast %scan3A_73 : i32 to index
      %swap3A_87 = arith.constant 16 : index
      %swap3A_88 = tpu.vector_load %arg8[%swap3A_85, %swap3A_86, %swap3A_87] {strides = array<i32>} : memref<2x128x128xf32, #tpu.memory_space<vmem>>, vector<1x1x16xf32>,
      %swap3A_89 = vector.shape_cast %swap3A_88 : vector<1x1x16xf32> to vector<16xf32>
      %swap3A_90 = vector.shape_cast %broadcast_in_dim3A_83 : vector<16xf32> to vector<1x1x16xf32>
      tpu.vector_store %arg8[%swap3A_85, %swap3A_86, %swap3A_87], %swap3A_90 {strides = array<i32>} : memref<2x128x128xf32, #tpu.memory_space<vmem>>, vector<1x1x16xf32>,
      %broadcast_in_dim3A_91 = arith.constant 0.000000e+00 : f32
      %broadcast_in_dim3A_92 = vector.broadcast %broadcast_in_dim3A_91 : f32 to vector<16xf32>
      %swap3A_93 = arith.constant 0 : i32
      %swap3A_94 = arith.index_cast %swap3A_93 : i32 to index
      %swap3A_95 = arith.index_cast %scan3A_73 : i32 to index
      %swap3A_96 = arith.constant 32 : index
      %swap3A_97 = tpu.vector_load %arg8[%swap3A_94, %swap3A_95, %swap3A_96] {strides = array<i32>} : memref<2x128x128xf32, #tpu.memory_space<vmem>>, vector<1x1x16xf32>,
      %swap3A_98 = vector.shape_cast %swap3A_97 : vector<1x1x16xf32> to vector<16xf32>
      %swap3A_99 = vector.shape_cast %broadcast_in_dim3A_92 : vector<16xf32> to vector<1x1x16xf32>
      tpu.vector_store %arg8[%swap3A_94, %swap3A_95, %swap3A_96], %swap3A_99 {strides = array<i32>} : memref<2x128x128xf32, #tpu.memory_space<vmem>>, vector<1x1x16xf32>,
      %broadcast_in_dim3A_100 = arith.constant 0.000000e+00 : f32
      %broadcast_in_dim3A_101 = vector.broadcast %broadcast_in_dim3A_100 : f32 to vector<16xf32>
      %swap3A_102 = arith.constant 0 : i32
      %swap3A_103 = arith.index_cast %swap3A_102 : i32 to index
      %swap3A_104 = arith.index_cast %scan3A_73 : i32 to index
      %swap3A_105 = arith.constant 48 : index
      %swap3A_106 = tpu.vector_load %arg8[%swap3A_103, %swap3A_104, %swap3A_105] {strides = array<i32>} : memref<2x128x128xf32, #tpu.memory_space<vmem>>, vector<1x1x16xf32>,
      %swap3A_107 = vector.shape_cast %swap3A_106 : vector<1x1x16xf32> to vector<16xf32>
      %swap3A_108 = vector.shape_cast %broadcast_in_dim3A_101 : vector<16xf32> to vector<1x1x16xf32>
      tpu.vector_store %arg8[%swap3A_103, %swap3A_104, %swap3A_105], %swap3A_108 {strides = array<i32>} : memref<2x128x128xf32, #tpu.memory_space<vmem>>, vector<1x1x16xf32>,
      %broadcast_in_dim3A_109 = arith.constant 0.000000e+00 : f32
      %broadcast_in_dim3A_110 = vector.broadcast %broadcast_in_dim3A_109 : f32 to vector<16xf32>
      %swap3A_111 = arith.constant 0 : i32
      %swap3A_112 = arith.index_cast %swap3A_111 : i32 to index
      %swap3A_113 = arith.index_cast %scan3A_73 : i32 to index
      %swap3A_114 = arith.constant 64 : index
      %swap3A_115 = tpu.vector_load %arg8[%swap3A_112, %swap3A_113, %swap3A_114] {strides = array<i32>} : memref<2x128x128xf32, #tpu.memory_space<vmem>>, vector<1x1x16xf32>,
      %swap3A_116 = vector.shape_cast %swap3A_115 : vector<1x1x16xf32> to vector<16xf32>
      %swap3A_117 = vector.shape_cast %broadcast_in_dim3A_110 : vector<16xf32> to vector<1x1x16xf32>
      tpu.vector_store %arg8[%swap3A_112, %swap3A_113, %swap3A_114], %swap3A_117 {strides = array<i32>} : memref<2x128x128xf32, #tpu.memory_space<vmem>>, vector<1x1x16xf32>,
      %broadcast_in_dim3A_118 = arith.constant 0.000000e+00 : f32
      %broadcast_in_dim3A_119 = vector.broadcast %broadcast_in_dim3A_118 : f32 to vector<16xf32>
      %swap3A_120 = arith.constant 0 : i32
      %swap3A_121 = arith.index_cast %swap3A_120 : i32 to index
      %swap3A_122 = arith.index_cast %scan3A_73 : i32 to index
      %swap3A_123 = arith.constant 80 : index
      %swap3A_124 = tpu.vector_load %arg8[%swap3A_121, %swap3A_122, %swap3A_123] {strides = array<i32>} : memref<2x128x128xf32, #tpu.memory_space<vmem>>, vector<1x1x16xf32>,
      %swap3A_125 = vector.shape_cast %swap3A_124 : vector<1x1x16xf32> to vector<16xf32>
      %swap3A_126 = vector.shape_cast %broadcast_in_dim3A_119 : vector<16xf32> to vector<1x1x16xf32>
      tpu.vector_store %arg8[%swap3A_121, %swap3A_122, %swap3A_123], %swap3A_126 {strides = array<i32>} : memref<2x128x128xf32, #tpu.memory_space<vmem>>, vector<1x1x16xf32>,
      %broadcast_in_dim3A_127 = arith.constant 0.000000e+00 : f32
      %broadcast_in_dim3A_128 = vector.broadcast %broadcast_in_dim3A_127 : f32 to vector<16xf32>
      %swap3A_129 = arith.constant 0 : i32
      %swap3A_130 = arith.index_cast %swap3A_129 : i32 to index
      %swap3A_131 = arith.index_cast %scan3A_73 : i32 to index
      %swap3A_132 = arith.constant 96 : index
      %swap3A_133 = tpu.vector_load %arg8[%swap3A_130, %swap3A_131, %swap3A_132] {strides = array<i32>} : memref<2x128x128xf32, #tpu.memory_space<vmem>>, vector<1x1x16xf32>,
      %swap3A_134 = vector.shape_cast %swap3A_133 : vector<1x1x16xf32> to vector<16xf32>
      %swap3A_135 = vector.shape_cast %broadcast_in_dim3A_128 : vector<16xf32> to vector<1x1x16xf32>
      tpu.vector_store %arg8[%swap3A_130, %swap3A_131, %swap3A_132], %swap3A_135 {strides = array<i32>} : memref<2x128x128xf32, #tpu.memory_space<vmem>>, vector<1x1x16xf32>,
      %broadcast_in_dim3A_136 = arith.constant 0.000000e+00 : f32
      %broadcast_in_dim3A_137 = vector.broadcast %broadcast_in_dim3A_136 : f32 to vector<16xf32>
      %swap3A_138 = arith.constant 0 : i32
      %swap3A_139 = arith.index_cast %swap3A_138 : i32 to index
      %swap3A_140 = arith.index_cast %scan3A_73 : i32 to index
      %swap3A_141 = arith.constant 112 : index
      %swap3A_142 = tpu.vector_load %arg8[%swap3A_139, %swap3A_140, %swap3A_141] {strides = array<i32>} : memref<2x128x128xf32, #tpu.memory_space<vmem>>, vector<1x1x16xf32>,
      %swap3A_143 = vector.shape_cast %swap3A_142 : vector<1x1x16xf32> to vector<16xf32>
      %swap3A_144 = vector.shape_cast %broadcast_in_dim3A_137 : vector<16xf32> to vector<1x1x16xf32>
      tpu.vector_store %arg8[%swap3A_139, %swap3A_140, %swap3A_141], %swap3A_144 {strides = array<i32>} : memref<2x128x128xf32, #tpu.memory_space<vmem>>, vector<1x1x16xf32>,
      %scan3A_145 = arith.constant 0 : i32
      scf.yield %scan3A_145 : i32
    }
    %scan3A_20 = arith.constant 128 : i32
    %mul3A_21 = arith.constant 640 : i32
    %mul3A_22 = arith.muli %arg1, %mul3A_21 : i32
    %add3A_23 = arith.constant 0 : i32
    %add3A_24 = arith.addi %mul3A_22, %add3A_23 : i32
    %run_scoped3A_25 = arith.constant 0 : i32
    "tpu.region"() ({
      %run_scoped3A_73 = tpu.sem_alloc : memref<!tpu.dma_semaphore, #tpu.memory_space<semaphore_mem>>
      %dma_start3A_74 = arith.constant 0 : i32
      %dma_start3A_75 = arith.constant 0 : i32
      %dma_start3A_76 = tpu.memref_slice %arg8[%run_scoped3A_25, %dma_start3A_74, %dma_start3A_75] : memref<2x128x128xf32, #tpu.memory_space<vmem>> -> memref<1x128x128xf32, #tpu.memory_space<vmem>>
      %dma_start3A_77 = tpu.memref_squeeze %dma_start3A_76 : memref<1x128x128xf32, #tpu.memory_space<vmem>> -> memref<128x128xf32, #tpu.memory_space<vmem>>
      %dma_start3A_78 = arith.constant 0 : i32
      %dma_start3A_79 = tpu.memref_slice %arg9[%add3A_24, %dma_start3A_78] : memref<10240x128xf32, #tpu.memory_space<vmem_shared>> -> memref<128x128xf32, #tpu.memory_space<vmem_shared>>
      %dma_start3A_80 = arith.constant 0 : i32
      %dma_start3A_81 = tpu.memref_slice %arg9[%add3A_24, %dma_start3A_80] : memref<10240x128xf32, #tpu.memory_space<vmem_shared>> -> memref<128x128xf32, #tpu.memory_space<vmem_shared>>
      %dma_start3A_82 = arith.constant 0 : i32
      %dma_start3A_83 = arith.constant 0 : i32
      %dma_start3A_84 = tpu.memref_slice %arg8[%run_scoped3A_25, %dma_start3A_82, %dma_start3A_83] : memref<2x128x128xf32, #tpu.memory_space<vmem>> -> memref<1x128x128xf32, #tpu.memory_space<vmem>>
      %dma_start3A_85 = tpu.memref_squeeze %dma_start3A_84 : memref<1x128x128xf32, #tpu.memory_space<vmem>> -> memref<128x128xf32, #tpu.memory_space<vmem>>
      tpu.enqueue_dma source(%dma_start3A_85 : memref<128x128xf32, #tpu.memory_space<vmem>>) target(%dma_start3A_81 : memref<128x128xf32, #tpu.memory_space<vmem_shared>>) target_semaphore(%run_scoped3A_73 : memref<!tpu.dma_semaphore, #tpu.memory_space<semaphore_mem>>)
      %dma_wait3A = arith.constant 0 : i32
      %dma_wait3A_86 = arith.constant 0 : i32
      %dma_wait3A_87 = tpu.memref_slice %arg8[%run_scoped3A_25, %dma_wait3A, %dma_wait3A_86] : memref<2x128x128xf32, #tpu.memory_space<vmem>> -> memref<1x128x128xf32, #tpu.memory_space<vmem>>
      %dma_wait3A_88 = tpu.memref_squeeze %dma_wait3A_87 : memref<1x128x128xf32, #tpu.memory_space<vmem>> -> memref<128x128xf32, #tpu.memory_space<vmem>>
      %dma_wait3A_89 = arith.constant 0 : i32
      %dma_wait3A_90 = tpu.memref_slice %arg9[%add3A_24, %dma_wait3A_89] : memref<10240x128xf32, #tpu.memory_space<vmem_shared>> -> memref<128x128xf32, #tpu.memory_space<vmem_shared>>
      %dma_wait3A_91 = arith.constant 0 : i32
      %dma_wait3A_92 = tpu.memref_slice %arg9[%add3A_24, %dma_wait3A_91] : memref<10240x128xf32, #tpu.memory_space<vmem_shared>> -> memref<128x128xf32, #tpu.memory_space<vmem_shared>>
      %dma_wait3A_93 = arith.constant 0 : i32
      %dma_wait3A_94 = arith.constant 0 : i32
      %dma_wait3A_95 = tpu.memref_slice %arg8[%run_scoped3A_25, %dma_wait3A_93, %dma_wait3A_94] : memref<2x128x128xf32, #tpu.memory_space<vmem>> -> memref<1x128x128xf32, #tpu.memory_space<vmem>>
      %dma_wait3A_96 = tpu.memref_squeeze %dma_wait3A_95 : memref<1x128x128xf32, #tpu.memory_space<vmem>> -> memref<128x128xf32, #tpu.memory_space<vmem>>
      tpu.wait_dma2 semaphore(%run_scoped3A_73 : memref<!tpu.dma_semaphore, #tpu.memory_space<semaphore_mem>>) src(%dma_wait3A_96 : memref<128x128xf32, #tpu.memory_space<vmem>>) dst(%dma_wait3A_92 : memref<128x128xf32, #tpu.memory_space<vmem_shared>>)
      tpu.yield
    }) : () -> ()
    %mul3A_26 = arith.constant 640 : i32
    %mul3A_27 = arith.muli %arg1, %mul3A_26 : i32
    %add3A_28 = arith.constant 128 : i32
    %add3A_29 = arith.addi %mul3A_27, %add3A_28 : i32
    %run_scoped3A_30 = arith.constant 0 : i32
    "tpu.region"() ({
      %run_scoped3A_73 = tpu.sem_alloc : memref<!tpu.dma_semaphore, #tpu.memory_space<semaphore_mem>>
      %dma_start3A_74 = arith.constant 0 : i32
      %dma_start3A_75 = arith.constant 0 : i32
      %dma_start3A_76 = tpu.memref_slice %arg8[%run_scoped3A_30, %dma_start3A_74, %dma_start3A_75] : memref<2x128x128xf32, #tpu.memory_space<vmem>> -> memref<1x128x128xf32, #tpu.memory_space<vmem>>
      %dma_start3A_77 = tpu.memref_squeeze %dma_start3A_76 : memref<1x128x128xf32, #tpu.memory_space<vmem>> -> memref<128x128xf32, #tpu.memory_space<vmem>>
      %dma_start3A_78 = arith.constant 0 : i32
      %dma_start3A_79 = tpu.memref_slice %arg9[%add3A_29, %dma_start3A_78] : memref<10240x128xf32, #tpu.memory_space<vmem_shared>> -> memref<128x128xf32, #tpu.memory_space<vmem_shared>>
      %dma_start3A_80 = arith.constant 0 : i32
      %dma_start3A_81 = tpu.memref_slice %arg9[%add3A_29, %dma_start3A_80] : memref<10240x128xf32, #tpu.memory_space<vmem_shared>> -> memref<128x128xf32, #tpu.memory_space<vmem_shared>>
      %dma_start3A_82 = arith.constant 0 : i32
      %dma_start3A_83 = arith.constant 0 : i32
      %dma_start3A_84 = tpu.memref_slice %arg8[%run_scoped3A_30, %dma_start3A_82, %dma_start3A_83] : memref<2x128x128xf32, #tpu.memory_space<vmem>> -> memref<1x128x128xf32, #tpu.memory_space<vmem>>
      %dma_start3A_85 = tpu.memref_squeeze %dma_start3A_84 : memref<1x128x128xf32, #tpu.memory_space<vmem>> -> memref<128x128xf32, #tpu.memory_space<vmem>>
      tpu.enqueue_dma source(%dma_start3A_85 : memref<128x128xf32, #tpu.memory_space<vmem>>) target(%dma_start3A_81 : memref<128x128xf32, #tpu.memory_space<vmem_shared>>) target_semaphore(%run_scoped3A_73 : memref<!tpu.dma_semaphore, #tpu.memory_space<semaphore_mem>>)
      %dma_wait3A = arith.constant 0 : i32
      %dma_wait3A_86 = arith.constant 0 : i32
      %dma_wait3A_87 = tpu.memref_slice %arg8[%run_scoped3A_30, %dma_wait3A, %dma_wait3A_86] : memref<2x128x128xf32, #tpu.memory_space<vmem>> -> memref<1x128x128xf32, #tpu.memory_space<vmem>>
      %dma_wait3A_88 = tpu.memref_squeeze %dma_wait3A_87 : memref<1x128x128xf32, #tpu.memory_space<vmem>> -> memref<128x128xf32, #tpu.memory_space<vmem>>
      %dma_wait3A_89 = arith.constant 0 : i32
      %dma_wait3A_90 = tpu.memref_slice %arg9[%add3A_29, %dma_wait3A_89] : memref<10240x128xf32, #tpu.memory_space<vmem_shared>> -> memref<128x128xf32, #tpu.memory_space<vmem_shared>>
      %dma_wait3A_91 = arith.constant 0 : i32
      %dma_wait3A_92 = tpu.memref_slice %arg9[%add3A_29, %dma_wait3A_91] : memref<10240x128xf32, #tpu.memory_space<vmem_shared>> -> memref<128x128xf32, #tpu.memory_space<vmem_shared>>
      %dma_wait3A_93 = arith.constant 0 : i32
      %dma_wait3A_94 = arith.constant 0 : i32
      %dma_wait3A_95 = tpu.memref_slice %arg8[%run_scoped3A_30, %dma_wait3A_93, %dma_wait3A_94] : memref<2x128x128xf32, #tpu.memory_space<vmem>> -> memref<1x128x128xf32, #tpu.memory_space<vmem>>
      %dma_wait3A_96 = tpu.memref_squeeze %dma_wait3A_95 : memref<1x128x128xf32, #tpu.memory_space<vmem>> -> memref<128x128xf32, #tpu.memory_space<vmem>>
      tpu.wait_dma2 semaphore(%run_scoped3A_73 : memref<!tpu.dma_semaphore, #tpu.memory_space<semaphore_mem>>) src(%dma_wait3A_96 : memref<128x128xf32, #tpu.memory_space<vmem>>) dst(%dma_wait3A_92 : memref<128x128xf32, #tpu.memory_space<vmem_shared>>)
      tpu.yield
    }) : () -> ()
    %mul3A_31 = arith.constant 640 : i32
    %mul3A_32 = arith.muli %arg1, %mul3A_31 : i32
    %add3A_33 = arith.constant 256 : i32
    %add3A_34 = arith.addi %mul3A_32, %add3A_33 : i32
    %run_scoped3A_35 = arith.constant 0 : i32
    "tpu.region"() ({
      %run_scoped3A_73 = tpu.sem_alloc : memref<!tpu.dma_semaphore, #tpu.memory_space<semaphore_mem>>
      %dma_start3A_74 = arith.constant 0 : i32
      %dma_start3A_75 = arith.constant 0 : i32
      %dma_start3A_76 = tpu.memref_slice %arg8[%run_scoped3A_35, %dma_start3A_74, %dma_start3A_75] : memref<2x128x128xf32, #tpu.memory_space<vmem>> -> memref<1x128x128xf32, #tpu.memory_space<vmem>>
      %dma_start3A_77 = tpu.memref_squeeze %dma_start3A_76 : memref<1x128x128xf32, #tpu.memory_space<vmem>> -> memref<128x128xf32, #tpu.memory_space<vmem>>
      %dma_start3A_78 = arith.constant 0 : i32
      %dma_start3A_79 = tpu.memref_slice %arg9[%add3A_34, %dma_start3A_78] : memref<10240x128xf32, #tpu.memory_space<vmem_shared>> -> memref<128x128xf32, #tpu.memory_space<vmem_shared>>
      %dma_start3A_80 = arith.constant 0 : i32
      %dma_start3A_81 = tpu.memref_slice %arg9[%add3A_34, %dma_start3A_80] : memref<10240x128xf32, #tpu.memory_space<vmem_shared>> -> memref<128x128xf32, #tpu.memory_space<vmem_shared>>
      %dma_start3A_82 = arith.constant 0 : i32
      %dma_start3A_83 = arith.constant 0 : i32
      %dma_start3A_84 = tpu.memref_slice %arg8[%run_scoped3A_35, %dma_start3A_82, %dma_start3A_83] : memref<2x128x128xf32, #tpu.memory_space<vmem>> -> memref<1x128x128xf32, #tpu.memory_space<vmem>>
      %dma_start3A_85 = tpu.memref_squeeze %dma_start3A_84 : memref<1x128x128xf32, #tpu.memory_space<vmem>> -> memref<128x128xf32, #tpu.memory_space<vmem>>
      tpu.enqueue_dma source(%dma_start3A_85 : memref<128x128xf32, #tpu.memory_space<vmem>>) target(%dma_start3A_81 : memref<128x128xf32, #tpu.memory_space<vmem_shared>>) target_semaphore(%run_scoped3A_73 : memref<!tpu.dma_semaphore, #tpu.memory_space<semaphore_mem>>)
      %dma_wait3A = arith.constant 0 : i32
      %dma_wait3A_86 = arith.constant 0 : i32
      %dma_wait3A_87 = tpu.memref_slice %arg8[%run_scoped3A_35, %dma_wait3A, %dma_wait3A_86] : memref<2x128x128xf32, #tpu.memory_space<vmem>> -> memref<1x128x128xf32, #tpu.memory_space<vmem>>
      %dma_wait3A_88 = tpu.memref_squeeze %dma_wait3A_87 : memref<1x128x128xf32, #tpu.memory_space<vmem>> -> memref<128x128xf32, #tpu.memory_space<vmem>>
      %dma_wait3A_89 = arith.constant 0 : i32
      %dma_wait3A_90 = tpu.memref_slice %arg9[%add3A_34, %dma_wait3A_89] : memref<10240x128xf32, #tpu.memory_space<vmem_shared>> -> memref<128x128xf32, #tpu.memory_space<vmem_shared>>
      %dma_wait3A_91 = arith.constant 0 : i32
      %dma_wait3A_92 = tpu.memref_slice %arg9[%add3A_34, %dma_wait3A_91] : memref<10240x128xf32, #tpu.memory_space<vmem_shared>> -> memref<128x128xf32, #tpu.memory_space<vmem_shared>>
      %dma_wait3A_93 = arith.constant 0 : i32
      %dma_wait3A_94 = arith.constant 0 : i32
      %dma_wait3A_95 = tpu.memref_slice %arg8[%run_scoped3A_35, %dma_wait3A_93, %dma_wait3A_94] : memref<2x128x128xf32, #tpu.memory_space<vmem>> -> memref<1x128x128xf32, #tpu.memory_space<vmem>>
      %dma_wait3A_96 = tpu.memref_squeeze %dma_wait3A_95 : memref<1x128x128xf32, #tpu.memory_space<vmem>> -> memref<128x128xf32, #tpu.memory_space<vmem>>
      tpu.wait_dma2 semaphore(%run_scoped3A_73 : memref<!tpu.dma_semaphore, #tpu.memory_space<semaphore_mem>>) src(%dma_wait3A_96 : memref<128x128xf32, #tpu.memory_space<vmem>>) dst(%dma_wait3A_92 : memref<128x128xf32, #tpu.memory_space<vmem_shared>>)
      tpu.yield
    }) : () -> ()
    %mul3A_36 = arith.constant 640 : i32
    %mul3A_37 = arith.muli %arg1, %mul3A_36 : i32
    %add3A_38 = arith.constant 384 : i32
    %add3A_39 = arith.addi %mul3A_37, %add3A_38 : i32
    %run_scoped3A_40 = arith.constant 0 : i32
    "tpu.region"() ({
      %run_scoped3A_73 = tpu.sem_alloc : memref<!tpu.dma_semaphore, #tpu.memory_space<semaphore_mem>>
      %dma_start3A_74 = arith.constant 0 : i32
      %dma_start3A_75 = arith.constant 0 : i32
      %dma_start3A_76 = tpu.memref_slice %arg8[%run_scoped3A_40, %dma_start3A_74, %dma_start3A_75] : memref<2x128x128xf32, #tpu.memory_space<vmem>> -> memref<1x128x128xf32, #tpu.memory_space<vmem>>
      %dma_start3A_77 = tpu.memref_squeeze %dma_start3A_76 : memref<1x128x128xf32, #tpu.memory_space<vmem>> -> memref<128x128xf32, #tpu.memory_space<vmem>>
      %dma_start3A_78 = arith.constant 0 : i32
      %dma_start3A_79 = tpu.memref_slice %arg9[%add3A_39, %dma_start3A_78] : memref<10240x128xf32, #tpu.memory_space<vmem_shared>> -> memref<128x128xf32, #tpu.memory_space<vmem_shared>>
      %dma_start3A_80 = arith.constant 0 : i32
      %dma_start3A_81 = tpu.memref_slice %arg9[%add3A_39, %dma_start3A_80] : memref<10240x128xf32, #tpu.memory_space<vmem_shared>> -> memref<128x128xf32, #tpu.memory_space<vmem_shared>>
      %dma_start3A_82 = arith.constant 0 : i32
      %dma_start3A_83 = arith.constant 0 : i32
      %dma_start3A_84 = tpu.memref_slice %arg8[%run_scoped3A_40, %dma_start3A_82, %dma_start3A_83] : memref<2x128x128xf32, #tpu.memory_space<vmem>> -> memref<1x128x128xf32, #tpu.memory_space<vmem>>
      %dma_start3A_85 = tpu.memref_squeeze %dma_start3A_84 : memref<1x128x128xf32, #tpu.memory_space<vmem>> -> memref<128x128xf32, #tpu.memory_space<vmem>>
      tpu.enqueue_dma source(%dma_start3A_85 : memref<128x128xf32, #tpu.memory_space<vmem>>) target(%dma_start3A_81 : memref<128x128xf32, #tpu.memory_space<vmem_shared>>) target_semaphore(%run_scoped3A_73 : memref<!tpu.dma_semaphore, #tpu.memory_space<semaphore_mem>>)
      %dma_wait3A = arith.constant 0 : i32
      %dma_wait3A_86 = arith.constant 0 : i32
      %dma_wait3A_87 = tpu.memref_slice %arg8[%run_scoped3A_40, %dma_wait3A, %dma_wait3A_86] : memref<2x128x128xf32, #tpu.memory_space<vmem>> -> memref<1x128x128xf32, #tpu.memory_space<vmem>>
      %dma_wait3A_88 = tpu.memref_squeeze %dma_wait3A_87 : memref<1x128x128xf32, #tpu.memory_space<vmem>> -> memref<128x128xf32, #tpu.memory_space<vmem>>
      %dma_wait3A_89 = arith.constant 0 : i32
      %dma_wait3A_90 = tpu.memref_slice %arg9[%add3A_39, %dma_wait3A_89] : memref<10240x128xf32, #tpu.memory_space<vmem_shared>> -> memref<128x128xf32, #tpu.memory_space<vmem_shared>>
      %dma_wait3A_91 = arith.constant 0 : i32
      %dma_wait3A_92 = tpu.memref_slice %arg9[%add3A_39, %dma_wait3A_91] : memref<10240x128xf32, #tpu.memory_space<vmem_shared>> -> memref<128x128xf32, #tpu.memory_space<vmem_shared>>
      %dma_wait3A_93 = arith.constant 0 : i32
      %dma_wait3A_94 = arith.constant 0 : i32
      %dma_wait3A_95 = tpu.memref_slice %arg8[%run_scoped3A_40, %dma_wait3A_93, %dma_wait3A_94] : memref<2x128x128xf32, #tpu.memory_space<vmem>> -> memref<1x128x128xf32, #tpu.memory_space<vmem>>
      %dma_wait3A_96 = tpu.memref_squeeze %dma_wait3A_95 : memref<1x128x128xf32, #tpu.memory_space<vmem>> -> memref<128x128xf32, #tpu.memory_space<vmem>>
      tpu.wait_dma2 semaphore(%run_scoped3A_73 : memref<!tpu.dma_semaphore, #tpu.memory_space<semaphore_mem>>) src(%dma_wait3A_96 : memref<128x128xf32, #tpu.memory_space<vmem>>) dst(%dma_wait3A_92 : memref<128x128xf32, #tpu.memory_space<vmem_shared>>)
      tpu.yield
    }) : () -> ()
    %mul3A_41 = arith.constant 640 : i32
    %mul3A_42 = arith.muli %arg1, %mul3A_41 : i32
    %add3A_43 = arith.constant 512 : i32
    %add3A_44 = arith.addi %mul3A_42, %add3A_43 : i32
    %run_scoped3A_45 = arith.constant 0 : i32
    "tpu.region"() ({
      %run_scoped3A_73 = tpu.sem_alloc : memref<!tpu.dma_semaphore, #tpu.memory_space<semaphore_mem>>
      %dma_start3A_74 = arith.constant 0 : i32
      %dma_start3A_75 = arith.constant 0 : i32
      %dma_start3A_76 = tpu.memref_slice %arg8[%run_scoped3A_45, %dma_start3A_74, %dma_start3A_75] : memref<2x128x128xf32, #tpu.memory_space<vmem>> -> memref<1x128x128xf32, #tpu.memory_space<vmem>>
      %dma_start3A_77 = tpu.memref_squeeze %dma_start3A_76 : memref<1x128x128xf32, #tpu.memory_space<vmem>> -> memref<128x128xf32, #tpu.memory_space<vmem>>
      %dma_start3A_78 = arith.constant 0 : i32
      %dma_start3A_79 = tpu.memref_slice %arg9[%add3A_44, %dma_start3A_78] : memref<10240x128xf32, #tpu.memory_space<vmem_shared>> -> memref<128x128xf32, #tpu.memory_space<vmem_shared>>
      %dma_start3A_80 = arith.constant 0 : i32
      %dma_start3A_81 = tpu.memref_slice %arg9[%add3A_44, %dma_start3A_80] : memref<10240x128xf32, #tpu.memory_space<vmem_shared>> -> memref<128x128xf32, #tpu.memory_space<vmem_shared>>
      %dma_start3A_82 = arith.constant 0 : i32
      %dma_start3A_83 = arith.constant 0 : i32
      %dma_start3A_84 = tpu.memref_slice %arg8[%run_scoped3A_45, %dma_start3A_82, %dma_start3A_83] : memref<2x128x128xf32, #tpu.memory_space<vmem>> -> memref<1x128x128xf32, #tpu.memory_space<vmem>>
      %dma_start3A_85 = tpu.memref_squeeze %dma_start3A_84 : memref<1x128x128xf32, #tpu.memory_space<vmem>> -> memref<128x128xf32, #tpu.memory_space<vmem>>
      tpu.enqueue_dma source(%dma_start3A_85 : memref<128x128xf32, #tpu.memory_space<vmem>>) target(%dma_start3A_81 : memref<128x128xf32, #tpu.memory_space<vmem_shared>>) target_semaphore(%run_scoped3A_73 : memref<!tpu.dma_semaphore, #tpu.memory_space<semaphore_mem>>)
      %dma_wait3A = arith.constant 0 : i32
      %dma_wait3A_86 = arith.constant 0 : i32
      %dma_wait3A_87 = tpu.memref_slice %arg8[%run_scoped3A_45, %dma_wait3A, %dma_wait3A_86] : memref<2x128x128xf32, #tpu.memory_space<vmem>> -> memref<1x128x128xf32, #tpu.memory_space<vmem>>
      %dma_wait3A_88 = tpu.memref_squeeze %dma_wait3A_87 : memref<1x128x128xf32, #tpu.memory_space<vmem>> -> memref<128x128xf32, #tpu.memory_space<vmem>>
      %dma_wait3A_89 = arith.constant 0 : i32
      %dma_wait3A_90 = tpu.memref_slice %arg9[%add3A_44, %dma_wait3A_89] : memref<10240x128xf32, #tpu.memory_space<vmem_shared>> -> memref<128x128xf32, #tpu.memory_space<vmem_shared>>
      %dma_wait3A_91 = arith.constant 0 : i32
      %dma_wait3A_92 = tpu.memref_slice %arg9[%add3A_44, %dma_wait3A_91] : memref<10240x128xf32, #tpu.memory_space<vmem_shared>> -> memref<128x128xf32, #tpu.memory_space<vmem_shared>>
      %dma_wait3A_93 = arith.constant 0 : i32
      %dma_wait3A_94 = arith.constant 0 : i32
      %dma_wait3A_95 = tpu.memref_slice %arg8[%run_scoped3A_45, %dma_wait3A_93, %dma_wait3A_94] : memref<2x128x128xf32, #tpu.memory_space<vmem>> -> memref<1x128x128xf32, #tpu.memory_space<vmem>>
      %dma_wait3A_96 = tpu.memref_squeeze %dma_wait3A_95 : memref<1x128x128xf32, #tpu.memory_space<vmem>> -> memref<128x128xf32, #tpu.memory_space<vmem>>
      tpu.wait_dma2 semaphore(%run_scoped3A_73 : memref<!tpu.dma_semaphore, #tpu.memory_space<semaphore_mem>>) src(%dma_wait3A_96 : memref<128x128xf32, #tpu.memory_space<vmem>>) dst(%dma_wait3A_92 : memref<128x128xf32, #tpu.memory_space<vmem_shared>>)
      tpu.yield
    }) : () -> ()
    %dma_start3A = arith.constant 0 : i32
    %dma_start3A_46 = arith.constant 0 : i32
    %dma_start3A_47 = arith.constant 0 : i32
    %dma_start3A_48 = arith.constant 0 : i32
    %dma_start3A_49 = arith.constant 0 : i32
    %dma_start3A_50 = tpu.memref_slice %arg8[%dma_start3A_47, %dma_start3A_48, %dma_start3A_49] : memref<2x128x128xf32, #tpu.memory_space<vmem>> -> memref<1x128x128xf32, #tpu.memory_space<vmem>>
    %dma_start3A_51 = tpu.memref_squeeze %dma_start3A_50 : memref<1x128x128xf32, #tpu.memory_space<vmem>> -> memref<128x128xf32, #tpu.memory_space<vmem>>
    %dma_start3A_52 = arith.constant 0 : i32
    %dma_start3A_53 = tpu.memref_slice %arg6[%dma_start3A, %dma_start3A_46, %dma_start3A_52] : memref<2x16x128xi32, #tpu.memory_space<vmem>> -> memref<1x1x128xi32, #tpu.memory_space<vmem>>
    %dma_start3A_54 = tpu.memref_squeeze %dma_start3A_53 : memref<1x1x128xi32, #tpu.memory_space<vmem>> -> memref<128xi32, #tpu.memory_space<vmem>>
    %dma_start3A_55 = arith.constant 0 : i32
    %dma_start3A_56 = arith.constant 0 : i32
    %dma_start3A_57 = tpu.memref_slice %arg2[%dma_start3A_55, %dma_start3A_56] : memref<10240x128xf32, #tpu.memory_space<hbm>> -> memref<10240x128xf32, #tpu.memory_space<hbm>>
    tpu.enqueue_indirect_dma source(%dma_start3A_57 : memref<10240x128xf32, #tpu.memory_space<hbm>>) target(%dma_start3A_51 : memref<128x128xf32, #tpu.memory_space<vmem>>) offsets(%dma_start3A_54 : memref<128xi32, #tpu.memory_space<vmem>>) semaphore(%arg10 : memref<!tpu.dma_semaphore, #tpu.memory_space<semaphore_mem>>)
    %barrier3A = arith.constant 0 : index
    tpu.barrier barrier_id(%barrier3A)
    %while3A = arith.constant 0 : i32
    %while3A_58 = arith.constant 0 : i32
    %while3A_59 = arith.subi %select_n3A_8, %while3A : i32
    %while3A_60 = arith.addi %while3A, %while3A_59 : i32
    %while3A_61 = arith.constant 1 : i32
    %while3A_62 = arith.divsi %while3A_59, %while3A_61 : i32
    %while3A_63 = arith.muli %while3A_62, %while3A_61 : i32
    %while3A_64 = arith.addi %while3A, %while3A_63 : i32
    %while3A_65 = arith.constant 1 : i32
    %while3A_66 = scf.for %while3A_73 = %while3A to %while3A_64 step %while3A_65 iter_args(%while3A_74 = %while3A_58) -> (i32)  : i32 {
      %mul3A_75 = arith.constant 2 : i32
      %mul3A_76 = arith.muli %mul3A_75, %while3A_73 : i32
      %jit3A_77 = arith.constant 16 : i32
      %div3A = arith.divsi %mul3A_76, %jit3A_77 : i32
      %sign3A = arith.constant 0 : i32
      %sign3A_78 = arith.cmpi sgt, %mul3A_76, %sign3A : i32
      %sign3A_79 = arith.extui %sign3A_78 : i1 to i32
      %sign3A_80 = arith.constant 0 : i32
      %sign3A_81 = arith.cmpi slt, %mul3A_76, %sign3A_80 : i32
      %sign3A_82 = arith.extui %sign3A_81 : i1 to i32
      %sign3A_83 = arith.subi %sign3A_79, %sign3A_82 : i32
      %sign3A_84 = arith.constant 0 : i32
      %sign3A_85 = arith.cmpi sgt, %jit3A_77, %sign3A_84 : i32
      %sign3A_86 = arith.extui %sign3A_85 : i1 to i32
      %sign3A_87 = arith.constant 0 : i32
      %sign3A_88 = arith.cmpi slt, %jit3A_77, %sign3A_87 : i32
      %sign3A_89 = arith.extui %sign3A_88 : i1 to i32
      %sign3A_90 = arith.subi %sign3A_86, %sign3A_89 : i32
      %ne3A = arith.cmpi ne, %sign3A_83, %sign3A_90 : i32
      %rem3A = arith.remsi %mul3A_76, %jit3A_77 : i32
      %ne3A_91 = arith.constant 0 : i32
      %ne3A_92 = arith.cmpi ne, %rem3A, %ne3A_91 : i32
      %and3A = arith.andi %ne3A, %ne3A_92 : i1
      %sub3A = arith.constant 1 : i32
      %sub3A_93 = arith.subi %div3A, %sub3A : i32
      %select_n3A_94 = arith.select %and3A, %sub3A_93, %div3A : i32
      %jit3A_95 = arith.constant 2 : i32
      %eq3A_96 = arith.constant 0 : i32
      %eq3A_97 = arith.cmpi eq, %jit3A_95, %eq3A_96 : i32
      %jit3A_98 = arith.constant 1 : i32
      %select_n3A_99 = arith.select %eq3A_97, %jit3A_98, %jit3A_95 : i32
      %rem3A_100 = arith.remsi %select_n3A_94, %select_n3A_99 : i32
      %ne3A_101 = arith.constant 0 : i32
      %ne3A_102 = arith.cmpi ne, %rem3A_100, %ne3A_101 : i32
      %lt3A = arith.constant 0 : i32
      %lt3A_103 = arith.cmpi slt, %rem3A_100, %lt3A : i32
      %lt3A_104 = arith.constant 0 : i32
      %lt3A_105 = arith.cmpi slt, %select_n3A_99, %lt3A_104 : i32
      %ne3A_106 = arith.xori %lt3A_103, %lt3A_105 : i1
      %and3A_107 = arith.andi %ne3A_106, %ne3A_102 : i1
      %add3A_108 = arith.addi %rem3A_100, %select_n3A_99 : i32
      %select_n3A_109 = arith.select %and3A_107, %add3A_108, %rem3A_100 : i32
      %jit3A_110 = arith.constant 16 : i32
      %eq3A_111 = arith.constant 0 : i32
      %eq3A_112 = arith.cmpi eq, %jit3A_110, %eq3A_111 : i32
      %jit3A_113 = arith.constant 1 : i32
      %select_n3A_114 = arith.select %eq3A_112, %jit3A_113, %jit3A_110 : i32
      %rem3A_115 = arith.remsi %mul3A_76, %select_n3A_114 : i32
      %ne3A_116 = arith.constant 0 : i32
      %ne3A_117 = arith.cmpi ne, %rem3A_115, %ne3A_116 : i32
      %lt3A_118 = arith.constant 0 : i32
      %lt3A_119 = arith.cmpi slt, %rem3A_115, %lt3A_118 : i32
      %lt3A_120 = arith.constant 0 : i32
      %lt3A_121 = arith.cmpi slt, %select_n3A_114, %lt3A_120 : i32
      %ne3A_122 = arith.xori %lt3A_119, %lt3A_121 : i1
      %and3A_123 = arith.andi %ne3A_122, %ne3A_117 : i1
      %add3A_124 = arith.addi %rem3A_115, %select_n3A_114 : i32
      %select_n3A_125 = arith.select %and3A_123, %add3A_124, %rem3A_115 : i32
      %jit3A_126 = arith.constant 8 : i32
      %eq3A_127 = arith.constant 0 : i32
      %eq3A_128 = arith.cmpi eq, %jit3A_126, %eq3A_127 : i32
      %jit3A_129 = arith.constant 1 : i32
      %select_n3A_130 = arith.select %eq3A_128, %jit3A_129, %jit3A_126 : i32
      %rem3A_131 = arith.remsi %while3A_73, %select_n3A_130 : i32
      %ne3A_132 = arith.constant 0 : i32
      %ne3A_133 = arith.cmpi ne, %rem3A_131, %ne3A_132 : i32
      %lt3A_134 = arith.constant 0 : i32
      %lt3A_135 = arith.cmpi slt, %rem3A_131, %lt3A_134 : i32
      %lt3A_136 = arith.constant 0 : i32
      %lt3A_137 = arith.cmpi slt, %select_n3A_130, %lt3A_136 : i32
      %ne3A_138 = arith.xori %lt3A_135, %lt3A_137 : i1
      %and3A_139 = arith.andi %ne3A_138, %ne3A_133 : i1
      %add3A_140 = arith.addi %rem3A_131, %select_n3A_130 : i32
      %select_n3A_141 = arith.select %and3A_139, %add3A_140, %rem3A_131 : i32
      %eq3A_142 = arith.constant 0 : i32
      %eq3A_143 = arith.cmpi eq, %select_n3A_141, %eq3A_142 : i32
      %sub3A_144 = arith.constant 8 : i32
      %sub3A_145 = arith.subi %select_n3A_8, %sub3A_144 : i32
      %lt3A_146 = arith.cmpi slt, %while3A_73, %sub3A_145 : i32
      %and3A_147 = arith.andi %eq3A_143, %lt3A_146 : i1
      %convert_element_type3A_148 = arith.extui %and3A_147 : i1 to i32
      %cond3A_149 = arith.constant 0 : i32
      %cond3A_150 = arith.cmpi ne, %convert_element_type3A_148, %cond3A_149 : i32
      scf.if %cond3A_150 {
        %jit3A_219 = arith.constant 8 : i32
        %div3A_220 = arith.divsi %while3A_73, %jit3A_219 : i32
        %sign3A_221 = arith.constant 0 : i32
        %sign3A_222 = arith.cmpi sgt, %while3A_73, %sign3A_221 : i32
        %sign3A_223 = arith.extui %sign3A_222 : i1 to i32
        %sign3A_224 = arith.constant 0 : i32
        %sign3A_225 = arith.cmpi slt, %while3A_73, %sign3A_224 : i32
        %sign3A_226 = arith.extui %sign3A_225 : i1 to i32
        %sign3A_227 = arith.subi %sign3A_223, %sign3A_226 : i32
        %sign3A_228 = arith.constant 0 : i32
        %sign3A_229 = arith.cmpi sgt, %jit3A_219, %sign3A_228 : i32
        %sign3A_230 = arith.extui %sign3A_229 : i1 to i32
        %sign3A_231 = arith.constant 0 : i32
        %sign3A_232 = arith.cmpi slt, %jit3A_219, %sign3A_231 : i32
        %sign3A_233 = arith.extui %sign3A_232 : i1 to i32
        %sign3A_234 = arith.subi %sign3A_230, %sign3A_233 : i32
        %ne3A_235 = arith.cmpi ne, %sign3A_227, %sign3A_234 : i32
        %rem3A_236 = arith.remsi %while3A_73, %jit3A_219 : i32
        %ne3A_237 = arith.constant 0 : i32
        %ne3A_238 = arith.cmpi ne, %rem3A_236, %ne3A_237 : i32
        %and3A_239 = arith.andi %ne3A_235, %ne3A_238 : i1
        %sub3A_240 = arith.constant 1 : i32
        %sub3A_241 = arith.subi %div3A_220, %sub3A_240 : i32
        %select_n3A_242 = arith.select %and3A_239, %sub3A_241, %div3A_220 : i32
        %add3A_243 = arith.constant 1 : i32
        %add3A_244 = arith.addi %select_n3A_242, %add3A_243 : i32
        %mul3A_245 = arith.constant 16 : i32
        %mul3A_246 = arith.muli %add3A_244, %mul3A_245 : i32
        %add3A_247 = arith.addi %select_n3A, %mul3A_246 : i32
        %multiple_of3A_248 = tpu.assume_multiple %add3A_247, 8 : i32
        %jit3A_249 = arith.constant 2 : i32
        %eq3A_250 = arith.constant 0 : i32
        %eq3A_251 = arith.cmpi eq, %jit3A_249, %eq3A_250 : i32
        %jit3A_252 = arith.constant 1 : i32
        %select_n3A_253 = arith.select %eq3A_251, %jit3A_252, %jit3A_249 : i32
        %rem3A_254 = arith.remsi %add3A_244, %select_n3A_253 : i32
        %ne3A_255 = arith.constant 0 : i32
        %ne3A_256 = arith.cmpi ne, %rem3A_254, %ne3A_255 : i32
        %lt3A_257 = arith.constant 0 : i32
        %lt3A_258 = arith.cmpi slt, %rem3A_254, %lt3A_257 : i32
        %lt3A_259 = arith.constant 0 : i32
        %lt3A_260 = arith.cmpi slt, %select_n3A_253, %lt3A_259 : i32
        %ne3A_261 = arith.xori %lt3A_258, %lt3A_260 : i1
        %and3A_262 = arith.andi %ne3A_261, %ne3A_256 : i1
        %add3A_263 = arith.addi %rem3A_254, %select_n3A_253 : i32
        %select_n3A_264 = arith.select %and3A_262, %add3A_263, %rem3A_254 : i32
        %dma_start3A_265 = arith.constant 0 : i32
        %dma_start3A_266 = arith.constant 0 : i32
        %dma_start3A_267 = tpu.memref_slice %arg6[%select_n3A_264, %dma_start3A_265, %dma_start3A_266] : memref<2x16x128xi32, #tpu.memory_space<vmem>> -> memref<1x16x128xi32, #tpu.memory_space<vmem>>
        %dma_start3A_268 = tpu.memref_squeeze %dma_start3A_267 : memref<1x16x128xi32, #tpu.memory_space<vmem>> -> memref<16x128xi32, #tpu.memory_space<vmem>>
        %dma_start3A_269 = arith.constant 0 : i32
        %dma_start3A_270 = tpu.memref_slice %arg3[%multiple_of3A_248, %dma_start3A_269] : memref<2560x128xi32, #tpu.memory_space<hbm>> -> memref<16x128xi32, #tpu.memory_space<hbm>>
        %dma_start3A_271 = arith.constant 0 : i32
        %dma_start3A_272 = arith.constant 0 : i32
        %dma_start3A_273 = tpu.memref_slice %arg6[%select_n3A_264, %dma_start3A_271, %dma_start3A_272] : memref<2x16x128xi32, #tpu.memory_space<vmem>> -> memref<1x16x128xi32, #tpu.memory_space<vmem>>
        %dma_start3A_274 = tpu.memref_squeeze %dma_start3A_273 : memref<1x16x128xi32, #tpu.memory_space<vmem>> -> memref<16x128xi32, #tpu.memory_space<vmem>>
        %dma_start3A_275 = arith.constant 0 : i32
        %dma_start3A_276 = tpu.memref_slice %arg3[%multiple_of3A_248, %dma_start3A_275] : memref<2560x128xi32, #tpu.memory_space<hbm>> -> memref<16x128xi32, #tpu.memory_space<hbm>>
        tpu.enqueue_dma source(%dma_start3A_276 : memref<16x128xi32, #tpu.memory_space<hbm>>) target(%dma_start3A_274 : memref<16x128xi32, #tpu.memory_space<vmem>>) target_semaphore(%arg13 : memref<!tpu.dma_semaphore, #tpu.memory_space<semaphore_mem>>)
        %mul3A_277 = arith.constant 16 : i32
        %mul3A_278 = arith.muli %add3A_244, %mul3A_277 : i32
        %add3A_279 = arith.addi %select_n3A, %mul3A_278 : i32
        %multiple_of3A_280 = tpu.assume_multiple %add3A_279, 8 : i32
        %jit3A_281 = arith.constant 2 : i32
        %eq3A_282 = arith.constant 0 : i32
        %eq3A_283 = arith.cmpi eq, %jit3A_281, %eq3A_282 : i32
        %jit3A_284 = arith.constant 1 : i32
        %select_n3A_285 = arith.select %eq3A_283, %jit3A_284, %jit3A_281 : i32
        %rem3A_286 = arith.remsi %add3A_244, %select_n3A_285 : i32
        %ne3A_287 = arith.constant 0 : i32
        %ne3A_288 = arith.cmpi ne, %rem3A_286, %ne3A_287 : i32
        %lt3A_289 = arith.constant 0 : i32
        %lt3A_290 = arith.cmpi slt, %rem3A_286, %lt3A_289 : i32
        %lt3A_291 = arith.constant 0 : i32
        %lt3A_292 = arith.cmpi slt, %select_n3A_285, %lt3A_291 : i32
        %ne3A_293 = arith.xori %lt3A_290, %lt3A_292 : i1
        %and3A_294 = arith.andi %ne3A_293, %ne3A_288 : i1
        %add3A_295 = arith.addi %rem3A_286, %select_n3A_285 : i32
        %select_n3A_296 = arith.select %and3A_294, %add3A_295, %rem3A_286 : i32
        %dma_start3A_297 = arith.constant 0 : i32
        %dma_start3A_298 = arith.constant 0 : i32
        %dma_start3A_299 = tpu.memref_slice %arg7[%select_n3A_296, %dma_start3A_297, %dma_start3A_298] : memref<2x16x128xi32, #tpu.memory_space<vmem>> -> memref<1x16x128xi32, #tpu.memory_space<vmem>>
        %dma_start3A_300 = tpu.memref_squeeze %dma_start3A_299 : memref<1x16x128xi32, #tpu.memory_space<vmem>> -> memref<16x128xi32, #tpu.memory_space<vmem>>
        %dma_start3A_301 = arith.constant 0 : i32
        %dma_start3A_302 = tpu.memref_slice %arg4[%multiple_of3A_280, %dma_start3A_301] : memref<2560x128xi32, #tpu.memory_space<hbm>> -> memref<16x128xi32, #tpu.memory_space<hbm>>
        %dma_start3A_303 = arith.constant 0 : i32
        %dma_start3A_304 = arith.constant 0 : i32
        %dma_start3A_305 = tpu.memref_slice %arg7[%select_n3A_296, %dma_start3A_303, %dma_start3A_304] : memref<2x16x128xi32, #tpu.memory_space<vmem>> -> memref<1x16x128xi32, #tpu.memory_space<vmem>>
        %dma_start3A_306 = tpu.memref_squeeze %dma_start3A_305 : memref<1x16x128xi32, #tpu.memory_space<vmem>> -> memref<16x128xi32, #tpu.memory_space<vmem>>
        %dma_start3A_307 = arith.constant 0 : i32
        %dma_start3A_308 = tpu.memref_slice %arg4[%multiple_of3A_280, %dma_start3A_307] : memref<2560x128xi32, #tpu.memory_space<hbm>> -> memref<16x128xi32, #tpu.memory_space<hbm>>
        tpu.enqueue_dma source(%dma_start3A_308 : memref<16x128xi32, #tpu.memory_space<hbm>>) target(%dma_start3A_306 : memref<16x128xi32, #tpu.memory_space<vmem>>) target_semaphore(%arg13 : memref<!tpu.dma_semaphore, #tpu.memory_space<semaphore_mem>>)
      } else {
      }
      %dma_wait3A = arith.constant 0 : i32
      %dma_wait3A_151 = arith.constant 0 : i32
      %dma_wait3A_152 = arith.constant 0 : i32
      %dma_wait3A_153 = tpu.memref_slice %arg8[%dma_wait3A, %dma_wait3A_151, %dma_wait3A_152] : memref<2x128x128xf32, #tpu.memory_space<vmem>> -> memref<1x128x128xf32, #tpu.memory_space<vmem>>
      %dma_wait3A_154 = tpu.memref_squeeze %dma_wait3A_153 : memref<1x128x128xf32, #tpu.memory_space<vmem>> -> memref<128x128xf32, #tpu.memory_space<vmem>>
      %dma_wait3A_155 = arith.constant 0 : i32
      %dma_wait3A_156 = tpu.memref_slice %arg6[%select_n3A_109, %select_n3A_125, %dma_wait3A_155] : memref<2x16x128xi32, #tpu.memory_space<vmem>> -> memref<1x1x128xi32, #tpu.memory_space<vmem>>
      %dma_wait3A_157 = tpu.memref_squeeze %dma_wait3A_156 : memref<1x1x128xi32, #tpu.memory_space<vmem>> -> memref<128xi32, #tpu.memory_space<vmem>>
      %dma_wait3A_158 = arith.constant 0 : i32
      %dma_wait3A_159 = arith.constant 0 : i32
      %dma_wait3A_160 = tpu.memref_slice %arg2[%dma_wait3A_158, %dma_wait3A_159] : memref<10240x128xf32, #tpu.memory_space<hbm>> -> memref<10240x128xf32, #tpu.memory_space<hbm>>
      tpu.wait_indirect_dma semaphore(%arg10 : memref<!tpu.dma_semaphore, #tpu.memory_space<semaphore_mem>>) src(%dma_wait3A_160 : memref<10240x128xf32, #tpu.memory_space<hbm>>) dst(%dma_wait3A_154 : memref<128x128xf32, #tpu.memory_space<vmem>>)
      %add3A_161 = arith.constant 1 : i32
      %add3A_162 = arith.addi %select_n3A_125, %add3A_161 : i32
      %dma_start3A_163 = arith.constant 1 : i32
      %dma_start3A_164 = arith.constant 0 : i32
      %dma_start3A_165 = arith.constant 0 : i32
      %dma_start3A_166 = tpu.memref_slice %arg8[%dma_start3A_163, %dma_start3A_164, %dma_start3A_165] : memref<2x128x128xf32, #tpu.memory_space<vmem>> -> memref<1x128x128xf32, #tpu.memory_space<vmem>>
      %dma_start3A_167 = tpu.memref_squeeze %dma_start3A_166 : memref<1x128x128xf32, #tpu.memory_space<vmem>> -> memref<128x128xf32, #tpu.memory_space<vmem>>
      %dma_start3A_168 = arith.constant 0 : i32
      %dma_start3A_169 = tpu.memref_slice %arg6[%select_n3A_109, %add3A_162, %dma_start3A_168] : memref<2x16x128xi32, #tpu.memory_space<vmem>> -> memref<1x1x128xi32, #tpu.memory_space<vmem>>
      %dma_start3A_170 = tpu.memref_squeeze %dma_start3A_169 : memref<1x1x128xi32, #tpu.memory_space<vmem>> -> memref<128xi32, #tpu.memory_space<vmem>>
      %dma_start3A_171 = arith.constant 0 : i32
      %dma_start3A_172 = arith.constant 0 : i32
      %dma_start3A_173 = tpu.memref_slice %arg2[%dma_start3A_171, %dma_start3A_172] : memref<10240x128xf32, #tpu.memory_space<hbm>> -> memref<10240x128xf32, #tpu.memory_space<hbm>>
      tpu.enqueue_indirect_dma source(%dma_start3A_173 : memref<10240x128xf32, #tpu.memory_space<hbm>>) target(%dma_start3A_167 : memref<128x128xf32, #tpu.memory_space<vmem>>) offsets(%dma_start3A_170 : memref<128xi32, #tpu.memory_space<vmem>>) semaphore(%arg11 : memref<!tpu.dma_semaphore, #tpu.memory_space<semaphore_mem>>)
      %dma_start3A_174 = arith.constant 0 : i32
      %dma_start3A_175 = arith.constant 0 : i32
      %dma_start3A_176 = arith.constant 0 : i32
      %dma_start3A_177 = tpu.memref_slice %arg8[%dma_start3A_174, %dma_start3A_175, %dma_start3A_176] : memref<2x128x128xf32, #tpu.memory_space<vmem>> -> memref<1x128x128xf32, #tpu.memory_space<vmem>>
      %dma_start3A_178 = tpu.memref_squeeze %dma_start3A_177 : memref<1x128x128xf32, #tpu.memory_space<vmem>> -> memref<128x128xf32, #tpu.memory_space<vmem>>
      %dma_start3A_179 = arith.constant 0 : i32
      %dma_start3A_180 = tpu.memref_slice %arg7[%select_n3A_109, %select_n3A_125, %dma_start3A_179] : memref<2x16x128xi32, #tpu.memory_space<vmem>> -> memref<1x1x128xi32, #tpu.memory_space<vmem>>
      %dma_start3A_181 = tpu.memref_squeeze %dma_start3A_180 : memref<1x1x128xi32, #tpu.memory_space<vmem>> -> memref<128xi32, #tpu.memory_space<vmem>>
      %dma_start3A_182 = arith.constant 0 : i32
      %dma_start3A_183 = arith.constant 0 : i32
      %dma_start3A_184 = tpu.memref_slice %arg9[%dma_start3A_182, %dma_start3A_183] : memref<10240x128xf32, #tpu.memory_space<vmem_shared>> -> memref<10240x128xf32, #tpu.memory_space<vmem_shared>>
      tpu.enqueue_indirect_dma source(%dma_start3A_178 : memref<128x128xf32, #tpu.memory_space<vmem>>) target(%dma_start3A_184 : memref<10240x128xf32, #tpu.memory_space<vmem_shared>>) offsets(%dma_start3A_181 : memref<128xi32, #tpu.memory_space<vmem>>) semaphore(%arg12 : memref<!tpu.dma_semaphore, #tpu.memory_space<semaphore_mem>>) {add = true}
      %add3A_185 = arith.constant 1 : i32
      %add3A_186 = arith.addi %select_n3A_125, %add3A_185 : i32
      %dma_wait3A_187 = arith.constant 1 : i32
      %dma_wait3A_188 = arith.constant 0 : i32
      %dma_wait3A_189 = arith.constant 0 : i32
      %dma_wait3A_190 = tpu.memref_slice %arg8[%dma_wait3A_187, %dma_wait3A_188, %dma_wait3A_189] : memref<2x128x128xf32, #tpu.memory_space<vmem>> -> memref<1x128x128xf32, #tpu.memory_space<vmem>>
      %dma_wait3A_191 = tpu.memref_squeeze %dma_wait3A_190 : memref<1x128x128xf32, #tpu.memory_space<vmem>> -> memref<128x128xf32, #tpu.memory_space<vmem>>
      %dma_wait3A_192 = arith.constant 0 : i32
      %dma_wait3A_193 = tpu.memref_slice %arg6[%select_n3A_109, %add3A_186, %dma_wait3A_192] : memref<2x16x128xi32, #tpu.memory_space<vmem>> -> memref<1x1x128xi32, #tpu.memory_space<vmem>>
      %dma_wait3A_194 = tpu.memref_squeeze %dma_wait3A_193 : memref<1x1x128xi32, #tpu.memory_space<vmem>> -> memref<128xi32, #tpu.memory_space<vmem>>
      %dma_wait3A_195 = arith.constant 0 : i32
      %dma_wait3A_196 = arith.constant 0 : i32
      %dma_wait3A_197 = tpu.memref_slice %arg2[%dma_wait3A_195, %dma_wait3A_196] : memref<10240x128xf32, #tpu.memory_space<hbm>> -> memref<10240x128xf32, #tpu.memory_space<hbm>>
      tpu.wait_indirect_dma semaphore(%arg11 : memref<!tpu.dma_semaphore, #tpu.memory_space<semaphore_mem>>) src(%dma_wait3A_197 : memref<10240x128xf32, #tpu.memory_space<hbm>>) dst(%dma_wait3A_191 : memref<128x128xf32, #tpu.memory_space<vmem>>)
      %dma_wait3A_198 = arith.constant 0 : i32
      %dma_wait3A_199 = arith.constant 0 : i32
      %dma_wait3A_200 = arith.constant 0 : i32
      %dma_wait3A_201 = tpu.memref_slice %arg8[%dma_wait3A_198, %dma_wait3A_199, %dma_wait3A_200] : memref<2x128x128xf32, #tpu.memory_space<vmem>> -> memref<1x128x128xf32, #tpu.memory_space<vmem>>
      %dma_wait3A_202 = tpu.memref_squeeze %dma_wait3A_201 : memref<1x128x128xf32, #tpu.memory_space<vmem>> -> memref<128x128xf32, #tpu.memory_space<vmem>>
      %dma_wait3A_203 = arith.constant 0 : i32
      %dma_wait3A_204 = tpu.memref_slice %arg7[%select_n3A_109, %select_n3A_125, %dma_wait3A_203] : memref<2x16x128xi32, #tpu.memory_space<vmem>> -> memref<1x1x128xi32, #tpu.memory_space<vmem>>
      %dma_wait3A_205 = tpu.memref_squeeze %dma_wait3A_204 : memref<1x1x128xi32, #tpu.memory_space<vmem>> -> memref<128xi32, #tpu.memory_space<vmem>>
      %dma_wait3A_206 = arith.constant 0 : i32
      %dma_wait3A_207 = arith.constant 0 : i32
      %dma_wait3A_208 = tpu.memref_slice %arg9[%dma_wait3A_206, %dma_wait3A_207] : memref<10240x128xf32, #tpu.memory_space<vmem_shared>> -> memref<10240x128xf32, #tpu.memory_space<vmem_shared>>
      tpu.wait_indirect_dma semaphore(%arg12 : memref<!tpu.dma_semaphore, #tpu.memory_space<semaphore_mem>>) src(%dma_wait3A_202 : memref<128x128xf32, #tpu.memory_space<vmem>>) dst(%dma_wait3A_208 : memref<10240x128xf32, #tpu.memory_space<vmem_shared>>)
      %sub3A_209 = arith.constant 1 : i32
      %sub3A_210 = arith.subi %select_n3A_8, %sub3A_209 : i32
      %lt3A_211 = arith.cmpi slt, %while3A_73, %sub3A_210 : i32
      %convert_element_type3A_212 = arith.extui %lt3A_211 : i1 to i32
      %cond3A_213 = arith.constant 0 : i32
      %cond3A_214 = arith.cmpi ne, %convert_element_type3A_212, %cond3A_213 : i32
      scf.if %cond3A_214 {
        %add3A_219 = arith.constant 2 : i32
        %add3A_220 = arith.addi %mul3A_76, %add3A_219 : i32
        %jit3A_221 = arith.constant 16 : i32
        %div3A_222 = arith.divsi %add3A_220, %jit3A_221 : i32
        %sign3A_223 = arith.constant 0 : i32
        %sign3A_224 = arith.cmpi sgt, %add3A_220, %sign3A_223 : i32
        %sign3A_225 = arith.extui %sign3A_224 : i1 to i32
        %sign3A_226 = arith.constant 0 : i32
        %sign3A_227 = arith.cmpi slt, %add3A_220, %sign3A_226 : i32
        %sign3A_228 = arith.extui %sign3A_227 : i1 to i32
        %sign3A_229 = arith.subi %sign3A_225, %sign3A_228 : i32
        %sign3A_230 = arith.constant 0 : i32
        %sign3A_231 = arith.cmpi sgt, %jit3A_221, %sign3A_230 : i32
        %sign3A_232 = arith.extui %sign3A_231 : i1 to i32
        %sign3A_233 = arith.constant 0 : i32
        %sign3A_234 = arith.cmpi slt, %jit3A_221, %sign3A_233 : i32
        %sign3A_235 = arith.extui %sign3A_234 : i1 to i32
        %sign3A_236 = arith.subi %sign3A_232, %sign3A_235 : i32
        %ne3A_237 = arith.cmpi ne, %sign3A_229, %sign3A_236 : i32
        %rem3A_238 = arith.remsi %add3A_220, %jit3A_221 : i32
        %ne3A_239 = arith.constant 0 : i32
        %ne3A_240 = arith.cmpi ne, %rem3A_238, %ne3A_239 : i32
        %and3A_241 = arith.andi %ne3A_237, %ne3A_240 : i1
        %sub3A_242 = arith.constant 1 : i32
        %sub3A_243 = arith.subi %div3A_222, %sub3A_242 : i32
        %select_n3A_244 = arith.select %and3A_241, %sub3A_243, %div3A_222 : i32
        %jit3A_245 = arith.constant 2 : i32
        %eq3A_246 = arith.constant 0 : i32
        %eq3A_247 = arith.cmpi eq, %jit3A_245, %eq3A_246 : i32
        %jit3A_248 = arith.constant 1 : i32
        %select_n3A_249 = arith.select %eq3A_247, %jit3A_248, %jit3A_245 : i32
        %rem3A_250 = arith.remsi %select_n3A_244, %select_n3A_249 : i32
        %ne3A_251 = arith.constant 0 : i32
        %ne3A_252 = arith.cmpi ne, %rem3A_250, %ne3A_251 : i32
        %lt3A_253 = arith.constant 0 : i32
        %lt3A_254 = arith.cmpi slt, %rem3A_250, %lt3A_253 : i32
        %lt3A_255 = arith.constant 0 : i32
        %lt3A_256 = arith.cmpi slt, %select_n3A_249, %lt3A_255 : i32
        %ne3A_257 = arith.xori %lt3A_254, %lt3A_256 : i1
        %and3A_258 = arith.andi %ne3A_257, %ne3A_252 : i1
        %add3A_259 = arith.addi %rem3A_250, %select_n3A_249 : i32
        %select_n3A_260 = arith.select %and3A_258, %add3A_259, %rem3A_250 : i32
        %jit3A_261 = arith.constant 16 : i32
        %eq3A_262 = arith.constant 0 : i32
        %eq3A_263 = arith.cmpi eq, %jit3A_261, %eq3A_262 : i32
        %jit3A_264 = arith.constant 1 : i32
        %select_n3A_265 = arith.select %eq3A_263, %jit3A_264, %jit3A_261 : i32
        %rem3A_266 = arith.remsi %add3A_220, %select_n3A_265 : i32
        %ne3A_267 = arith.constant 0 : i32
        %ne3A_268 = arith.cmpi ne, %rem3A_266, %ne3A_267 : i32
        %lt3A_269 = arith.constant 0 : i32
        %lt3A_270 = arith.cmpi slt, %rem3A_266, %lt3A_269 : i32
        %lt3A_271 = arith.constant 0 : i32
        %lt3A_272 = arith.cmpi slt, %select_n3A_265, %lt3A_271 : i32
        %ne3A_273 = arith.xori %lt3A_270, %lt3A_272 : i1
        %and3A_274 = arith.andi %ne3A_273, %ne3A_268 : i1
        %add3A_275 = arith.addi %rem3A_266, %select_n3A_265 : i32
        %select_n3A_276 = arith.select %and3A_274, %add3A_275, %rem3A_266 : i32
        %eq3A_277 = arith.constant 0 : i32
        %eq3A_278 = arith.cmpi eq, %select_n3A_276, %eq3A_277 : i32
        %convert_element_type3A_279 = arith.extui %eq3A_278 : i1 to i32
        %cond3A_280 = arith.constant 0 : i32
        %cond3A_281 = arith.cmpi ne, %convert_element_type3A_279, %cond3A_280 : i32
        scf.if %cond3A_281 {
          %add3A_293 = arith.constant 0 : i32
          %add3A_294 = arith.addi %select_n3A, %add3A_293 : i32
          %multiple_of3A_295 = tpu.assume_multiple %add3A_294, 8 : i32
          %dma_wait3A_296 = arith.constant 0 : i32
          %dma_wait3A_297 = arith.constant 0 : i32
          %dma_wait3A_298 = tpu.memref_slice %arg6[%select_n3A_260, %dma_wait3A_296, %dma_wait3A_297] : memref<2x16x128xi32, #tpu.memory_space<vmem>> -> memref<1x16x128xi32, #tpu.memory_space<vmem>>
          %dma_wait3A_299 = tpu.memref_squeeze %dma_wait3A_298 : memref<1x16x128xi32, #tpu.memory_space<vmem>> -> memref<16x128xi32, #tpu.memory_space<vmem>>
          %dma_wait3A_300 = arith.constant 0 : i32
          %dma_wait3A_301 = tpu.memref_slice %arg3[%multiple_of3A_295, %dma_wait3A_300] : memref<2560x128xi32, #tpu.memory_space<hbm>> -> memref<16x128xi32, #tpu.memory_space<hbm>>
          %dma_wait3A_302 = arith.constant 0 : i32
          %dma_wait3A_303 = arith.constant 0 : i32
          %dma_wait3A_304 = tpu.memref_slice %arg6[%select_n3A_260, %dma_wait3A_302, %dma_wait3A_303] : memref<2x16x128xi32, #tpu.memory_space<vmem>> -> memref<1x16x128xi32, #tpu.memory_space<vmem>>
          %dma_wait3A_305 = tpu.memref_squeeze %dma_wait3A_304 : memref<1x16x128xi32, #tpu.memory_space<vmem>> -> memref<16x128xi32, #tpu.memory_space<vmem>>
          %dma_wait3A_306 = arith.constant 0 : i32
          %dma_wait3A_307 = tpu.memref_slice %arg3[%multiple_of3A_295, %dma_wait3A_306] : memref<2560x128xi32, #tpu.memory_space<hbm>> -> memref<16x128xi32, #tpu.memory_space<hbm>>
          tpu.wait_dma2 semaphore(%arg13 : memref<!tpu.dma_semaphore, #tpu.memory_space<semaphore_mem>>) src(%dma_wait3A_307 : memref<16x128xi32, #tpu.memory_space<hbm>>) dst(%dma_wait3A_305 : memref<16x128xi32, #tpu.memory_space<vmem>>)
          %add3A_308 = arith.constant 0 : i32
          %add3A_309 = arith.addi %select_n3A, %add3A_308 : i32
          %multiple_of3A_310 = tpu.assume_multiple %add3A_309, 8 : i32
          %dma_wait3A_311 = arith.constant 0 : i32
          %dma_wait3A_312 = arith.constant 0 : i32
          %dma_wait3A_313 = tpu.memref_slice %arg7[%select_n3A_260, %dma_wait3A_311, %dma_wait3A_312] : memref<2x16x128xi32, #tpu.memory_space<vmem>> -> memref<1x16x128xi32, #tpu.memory_space<vmem>>
          %dma_wait3A_314 = tpu.memref_squeeze %dma_wait3A_313 : memref<1x16x128xi32, #tpu.memory_space<vmem>> -> memref<16x128xi32, #tpu.memory_space<vmem>>
          %dma_wait3A_315 = arith.constant 0 : i32
          %dma_wait3A_316 = tpu.memref_slice %arg4[%multiple_of3A_310, %dma_wait3A_315] : memref<2560x128xi32, #tpu.memory_space<hbm>> -> memref<16x128xi32, #tpu.memory_space<hbm>>
          %dma_wait3A_317 = arith.constant 0 : i32
          %dma_wait3A_318 = arith.constant 0 : i32
          %dma_wait3A_319 = tpu.memref_slice %arg7[%select_n3A_260, %dma_wait3A_317, %dma_wait3A_318] : memref<2x16x128xi32, #tpu.memory_space<vmem>> -> memref<1x16x128xi32, #tpu.memory_space<vmem>>
          %dma_wait3A_320 = tpu.memref_squeeze %dma_wait3A_319 : memref<1x16x128xi32, #tpu.memory_space<vmem>> -> memref<16x128xi32, #tpu.memory_space<vmem>>
          %dma_wait3A_321 = arith.constant 0 : i32
          %dma_wait3A_322 = tpu.memref_slice %arg4[%multiple_of3A_310, %dma_wait3A_321] : memref<2560x128xi32, #tpu.memory_space<hbm>> -> memref<16x128xi32, #tpu.memory_space<hbm>>
          tpu.wait_dma2 semaphore(%arg13 : memref<!tpu.dma_semaphore, #tpu.memory_space<semaphore_mem>>) src(%dma_wait3A_322 : memref<16x128xi32, #tpu.memory_space<hbm>>) dst(%dma_wait3A_320 : memref<16x128xi32, #tpu.memory_space<vmem>>)
        } else {
        }
        %dma_start3A_282 = arith.constant 0 : i32
        %dma_start3A_283 = arith.constant 0 : i32
        %dma_start3A_284 = arith.constant 0 : i32
        %dma_start3A_285 = tpu.memref_slice %arg8[%dma_start3A_282, %dma_start3A_283, %dma_start3A_284] : memref<2x128x128xf32, #tpu.memory_space<vmem>> -> memref<1x128x128xf32, #tpu.memory_space<vmem>>
        %dma_start3A_286 = tpu.memref_squeeze %dma_start3A_285 : memref<1x128x128xf32, #tpu.memory_space<vmem>> -> memref<128x128xf32, #tpu.memory_space<vmem>>
        %dma_start3A_287 = arith.constant 0 : i32
        %dma_start3A_288 = tpu.memref_slice %arg6[%select_n3A_260, %select_n3A_276, %dma_start3A_287] : memref<2x16x128xi32, #tpu.memory_space<vmem>> -> memref<1x1x128xi32, #tpu.memory_space<vmem>>
        %dma_start3A_289 = tpu.memref_squeeze %dma_start3A_288 : memref<1x1x128xi32, #tpu.memory_space<vmem>> -> memref<128xi32, #tpu.memory_space<vmem>>
        %dma_start3A_290 = arith.constant 0 : i32
        %dma_start3A_291 = arith.constant 0 : i32
        %dma_start3A_292 = tpu.memref_slice %arg2[%dma_start3A_290, %dma_start3A_291] : memref<10240x128xf32, #tpu.memory_space<hbm>> -> memref<10240x128xf32, #tpu.memory_space<hbm>>
        tpu.enqueue_indirect_dma source(%dma_start3A_292 : memref<10240x128xf32, #tpu.memory_space<hbm>>) target(%dma_start3A_286 : memref<128x128xf32, #tpu.memory_space<vmem>>) offsets(%dma_start3A_289 : memref<128xi32, #tpu.memory_space<vmem>>) semaphore(%arg10 : memref<!tpu.dma_semaphore, #tpu.memory_space<semaphore_mem>>)
      } else {
      }
      %add3A_215 = arith.constant 1 : i32
      %add3A_216 = arith.addi %select_n3A_125, %add3A_215 : i32
      %run_scoped3A_217 = arith.constant 1 : i32
      "tpu.region"() ({
        %run_scoped3A_219 = tpu.sem_alloc : memref<!tpu.dma_semaphore, #tpu.memory_space<semaphore_mem>>
        %dma_start3A_220 = arith.constant 0 : i32
        %dma_start3A_221 = arith.constant 0 : i32
        %dma_start3A_222 = tpu.memref_slice %arg8[%run_scoped3A_217, %dma_start3A_220, %dma_start3A_221] : memref<2x128x128xf32, #tpu.memory_space<vmem>> -> memref<1x128x128xf32, #tpu.memory_space<vmem>>
        %dma_start3A_223 = tpu.memref_squeeze %dma_start3A_222 : memref<1x128x128xf32, #tpu.memory_space<vmem>> -> memref<128x128xf32, #tpu.memory_space<vmem>>
        %dma_start3A_224 = arith.constant 0 : i32
        %dma_start3A_225 = tpu.memref_slice %arg7[%select_n3A_109, %add3A_216, %dma_start3A_224] : memref<2x16x128xi32, #tpu.memory_space<vmem>> -> memref<1x1x128xi32, #tpu.memory_space<vmem>>
        %dma_start3A_226 = tpu.memref_squeeze %dma_start3A_225 : memref<1x1x128xi32, #tpu.memory_space<vmem>> -> memref<128xi32, #tpu.memory_space<vmem>>
        %dma_start3A_227 = arith.constant 0 : i32
        %dma_start3A_228 = arith.constant 0 : i32
        %dma_start3A_229 = tpu.memref_slice %arg9[%dma_start3A_227, %dma_start3A_228] : memref<10240x128xf32, #tpu.memory_space<vmem_shared>> -> memref<10240x128xf32, #tpu.memory_space<vmem_shared>>
        tpu.enqueue_indirect_dma source(%dma_start3A_223 : memref<128x128xf32, #tpu.memory_space<vmem>>) target(%dma_start3A_229 : memref<10240x128xf32, #tpu.memory_space<vmem_shared>>) offsets(%dma_start3A_226 : memref<128xi32, #tpu.memory_space<vmem>>) semaphore(%run_scoped3A_219 : memref<!tpu.dma_semaphore, #tpu.memory_space<semaphore_mem>>) {add = true}
        %dma_wait3A_230 = arith.constant 0 : i32
        %dma_wait3A_231 = arith.constant 0 : i32
        %dma_wait3A_232 = tpu.memref_slice %arg8[%run_scoped3A_217, %dma_wait3A_230, %dma_wait3A_231] : memref<2x128x128xf32, #tpu.memory_space<vmem>> -> memref<1x128x128xf32, #tpu.memory_space<vmem>>
        %dma_wait3A_233 = tpu.memref_squeeze %dma_wait3A_232 : memref<1x128x128xf32, #tpu.memory_space<vmem>> -> memref<128x128xf32, #tpu.memory_space<vmem>>
        %dma_wait3A_234 = arith.constant 0 : i32
        %dma_wait3A_235 = tpu.memref_slice %arg7[%select_n3A_109, %add3A_216, %dma_wait3A_234] : memref<2x16x128xi32, #tpu.memory_space<vmem>> -> memref<1x1x128xi32, #tpu.memory_space<vmem>>
        %dma_wait3A_236 = tpu.memref_squeeze %dma_wait3A_235 : memref<1x1x128xi32, #tpu.memory_space<vmem>> -> memref<128xi32, #tpu.memory_space<vmem>>
        %dma_wait3A_237 = arith.constant 0 : i32
        %dma_wait3A_238 = arith.constant 0 : i32
        %dma_wait3A_239 = tpu.memref_slice %arg9[%dma_wait3A_237, %dma_wait3A_238] : memref<10240x128xf32, #tpu.memory_space<vmem_shared>> -> memref<10240x128xf32, #tpu.memory_space<vmem_shared>>
        tpu.wait_indirect_dma semaphore(%run_scoped3A_219 : memref<!tpu.dma_semaphore, #tpu.memory_space<semaphore_mem>>) src(%dma_wait3A_233 : memref<128x128xf32, #tpu.memory_space<vmem>>) dst(%dma_wait3A_239 : memref<10240x128xf32, #tpu.memory_space<vmem_shared>>)
        tpu.yield
      }) : () -> ()
      %while3A_218 = arith.constant 0 : i32
      scf.yield %while3A_218 : i32
    }
    %while3A_67 = arith.constant 1 : i32
    %while3A_68 = scf.for %while3A_73 = %while3A_64 to %while3A_60 step %while3A_67 iter_args(%while3A_74 = %while3A_66) -> (i32)  : i32 {
      %mul3A_75 = arith.constant 2 : i32
      %mul3A_76 = arith.muli %mul3A_75, %while3A_73 : i32
      %jit3A_77 = arith.constant 16 : i32
      %div3A = arith.divsi %mul3A_76, %jit3A_77 : i32
      %sign3A = arith.constant 0 : i32
      %sign3A_78 = arith.cmpi sgt, %mul3A_76, %sign3A : i32
      %sign3A_79 = arith.extui %sign3A_78 : i1 to i32
      %sign3A_80 = arith.constant 0 : i32
      %sign3A_81 = arith.cmpi slt, %mul3A_76, %sign3A_80 : i32
      %sign3A_82 = arith.extui %sign3A_81 : i1 to i32
      %sign3A_83 = arith.subi %sign3A_79, %sign3A_82 : i32
      %sign3A_84 = arith.constant 0 : i32
      %sign3A_85 = arith.cmpi sgt, %jit3A_77, %sign3A_84 : i32
      %sign3A_86 = arith.extui %sign3A_85 : i1 to i32
      %sign3A_87 = arith.constant 0 : i32
      %sign3A_88 = arith.cmpi slt, %jit3A_77, %sign3A_87 : i32
      %sign3A_89 = arith.extui %sign3A_88 : i1 to i32
      %sign3A_90 = arith.subi %sign3A_86, %sign3A_89 : i32
      %ne3A = arith.cmpi ne, %sign3A_83, %sign3A_90 : i32
      %rem3A = arith.remsi %mul3A_76, %jit3A_77 : i32
      %ne3A_91 = arith.constant 0 : i32
      %ne3A_92 = arith.cmpi ne, %rem3A, %ne3A_91 : i32
      %and3A = arith.andi %ne3A, %ne3A_92 : i1
      %sub3A = arith.constant 1 : i32
      %sub3A_93 = arith.subi %div3A, %sub3A : i32
      %select_n3A_94 = arith.select %and3A, %sub3A_93, %div3A : i32
      %jit3A_95 = arith.constant 2 : i32
      %eq3A_96 = arith.constant 0 : i32
      %eq3A_97 = arith.cmpi eq, %jit3A_95, %eq3A_96 : i32
      %jit3A_98 = arith.constant 1 : i32
      %select_n3A_99 = arith.select %eq3A_97, %jit3A_98, %jit3A_95 : i32
      %rem3A_100 = arith.remsi %select_n3A_94, %select_n3A_99 : i32
      %ne3A_101 = arith.constant 0 : i32
      %ne3A_102 = arith.cmpi ne, %rem3A_100, %ne3A_101 : i32
      %lt3A = arith.constant 0 : i32
      %lt3A_103 = arith.cmpi slt, %rem3A_100, %lt3A : i32
      %lt3A_104 = arith.constant 0 : i32
      %lt3A_105 = arith.cmpi slt, %select_n3A_99, %lt3A_104 : i32
      %ne3A_106 = arith.xori %lt3A_103, %lt3A_105 : i1
      %and3A_107 = arith.andi %ne3A_106, %ne3A_102 : i1
      %add3A_108 = arith.addi %rem3A_100, %select_n3A_99 : i32
      %select_n3A_109 = arith.select %and3A_107, %add3A_108, %rem3A_100 : i32
      %jit3A_110 = arith.constant 16 : i32
      %eq3A_111 = arith.constant 0 : i32
      %eq3A_112 = arith.cmpi eq, %jit3A_110, %eq3A_111 : i32
      %jit3A_113 = arith.constant 1 : i32
      %select_n3A_114 = arith.select %eq3A_112, %jit3A_113, %jit3A_110 : i32
      %rem3A_115 = arith.remsi %mul3A_76, %select_n3A_114 : i32
      %ne3A_116 = arith.constant 0 : i32
      %ne3A_117 = arith.cmpi ne, %rem3A_115, %ne3A_116 : i32
      %lt3A_118 = arith.constant 0 : i32
      %lt3A_119 = arith.cmpi slt, %rem3A_115, %lt3A_118 : i32
      %lt3A_120 = arith.constant 0 : i32
      %lt3A_121 = arith.cmpi slt, %select_n3A_114, %lt3A_120 : i32
      %ne3A_122 = arith.xori %lt3A_119, %lt3A_121 : i1
      %and3A_123 = arith.andi %ne3A_122, %ne3A_117 : i1
      %add3A_124 = arith.addi %rem3A_115, %select_n3A_114 : i32
      %select_n3A_125 = arith.select %and3A_123, %add3A_124, %rem3A_115 : i32
      %jit3A_126 = arith.constant 8 : i32
      %eq3A_127 = arith.constant 0 : i32
      %eq3A_128 = arith.cmpi eq, %jit3A_126, %eq3A_127 : i32
      %jit3A_129 = arith.constant 1 : i32
      %select_n3A_130 = arith.select %eq3A_128, %jit3A_129, %jit3A_126 : i32
      %rem3A_131 = arith.remsi %while3A_73, %select_n3A_130 : i32
      %ne3A_132 = arith.constant 0 : i32
      %ne3A_133 = arith.cmpi ne, %rem3A_131, %ne3A_132 : i32
      %lt3A_134 = arith.constant 0 : i32
      %lt3A_135 = arith.cmpi slt, %rem3A_131, %lt3A_134 : i32
      %lt3A_136 = arith.constant 0 : i32
      %lt3A_137 = arith.cmpi slt, %select_n3A_130, %lt3A_136 : i32
      %ne3A_138 = arith.xori %lt3A_135, %lt3A_137 : i1
      %and3A_139 = arith.andi %ne3A_138, %ne3A_133 : i1
      %add3A_140 = arith.addi %rem3A_131, %select_n3A_130 : i32
      %select_n3A_141 = arith.select %and3A_139, %add3A_140, %rem3A_131 : i32
      %eq3A_142 = arith.constant 0 : i32
      %eq3A_143 = arith.cmpi eq, %select_n3A_141, %eq3A_142 : i32
      %sub3A_144 = arith.constant 8 : i32
      %sub3A_145 = arith.subi %select_n3A_8, %sub3A_144 : i32
      %lt3A_146 = arith.cmpi slt, %while3A_73, %sub3A_145 : i32
      %and3A_147 = arith.andi %eq3A_143, %lt3A_146 : i1
      %convert_element_type3A_148 = arith.extui %and3A_147 : i1 to i32
      %cond3A_149 = arith.constant 0 : i32
      %cond3A_150 = arith.cmpi ne, %convert_element_type3A_148, %cond3A_149 : i32
      scf.if %cond3A_150 {
        %jit3A_219 = arith.constant 8 : i32
        %div3A_220 = arith.divsi %while3A_73, %jit3A_219 : i32
        %sign3A_221 = arith.constant 0 : i32
        %sign3A_222 = arith.cmpi sgt, %while3A_73, %sign3A_221 : i32
        %sign3A_223 = arith.extui %sign3A_222 : i1 to i32
        %sign3A_224 = arith.constant 0 : i32
        %sign3A_225 = arith.cmpi slt, %while3A_73, %sign3A_224 : i32
        %sign3A_226 = arith.extui %sign3A_225 : i1 to i32
        %sign3A_227 = arith.subi %sign3A_223, %sign3A_226 : i32
        %sign3A_228 = arith.constant 0 : i32
        %sign3A_229 = arith.cmpi sgt, %jit3A_219, %sign3A_228 : i32
        %sign3A_230 = arith.extui %sign3A_229 : i1 to i32
        %sign3A_231 = arith.constant 0 : i32
        %sign3A_232 = arith.cmpi slt, %jit3A_219, %sign3A_231 : i32
        %sign3A_233 = arith.extui %sign3A_232 : i1 to i32
        %sign3A_234 = arith.subi %sign3A_230, %sign3A_233 : i32
        %ne3A_235 = arith.cmpi ne, %sign3A_227, %sign3A_234 : i32
        %rem3A_236 = arith.remsi %while3A_73, %jit3A_219 : i32
        %ne3A_237 = arith.constant 0 : i32
        %ne3A_238 = arith.cmpi ne, %rem3A_236, %ne3A_237 : i32
        %and3A_239 = arith.andi %ne3A_235, %ne3A_238 : i1
        %sub3A_240 = arith.constant 1 : i32
        %sub3A_241 = arith.subi %div3A_220, %sub3A_240 : i32
        %select_n3A_242 = arith.select %and3A_239, %sub3A_241, %div3A_220 : i32
        %add3A_243 = arith.constant 1 : i32
        %add3A_244 = arith.addi %select_n3A_242, %add3A_243 : i32
        %mul3A_245 = arith.constant 16 : i32
        %mul3A_246 = arith.muli %add3A_244, %mul3A_245 : i32
        %add3A_247 = arith.addi %select_n3A, %mul3A_246 : i32
        %multiple_of3A_248 = tpu.assume_multiple %add3A_247, 8 : i32
        %jit3A_249 = arith.constant 2 : i32
        %eq3A_250 = arith.constant 0 : i32
        %eq3A_251 = arith.cmpi eq, %jit3A_249, %eq3A_250 : i32
        %jit3A_252 = arith.constant 1 : i32
        %select_n3A_253 = arith.select %eq3A_251, %jit3A_252, %jit3A_249 : i32
        %rem3A_254 = arith.remsi %add3A_244, %select_n3A_253 : i32
        %ne3A_255 = arith.constant 0 : i32
        %ne3A_256 = arith.cmpi ne, %rem3A_254, %ne3A_255 : i32
        %lt3A_257 = arith.constant 0 : i32
        %lt3A_258 = arith.cmpi slt, %rem3A_254, %lt3A_257 : i32
        %lt3A_259 = arith.constant 0 : i32
        %lt3A_260 = arith.cmpi slt, %select_n3A_253, %lt3A_259 : i32
        %ne3A_261 = arith.xori %lt3A_258, %lt3A_260 : i1
        %and3A_262 = arith.andi %ne3A_261, %ne3A_256 : i1
        %add3A_263 = arith.addi %rem3A_254, %select_n3A_253 : i32
        %select_n3A_264 = arith.select %and3A_262, %add3A_263, %rem3A_254 : i32
        %dma_start3A_265 = arith.constant 0 : i32
        %dma_start3A_266 = arith.constant 0 : i32
        %dma_start3A_267 = tpu.memref_slice %arg6[%select_n3A_264, %dma_start3A_265, %dma_start3A_266] : memref<2x16x128xi32, #tpu.memory_space<vmem>> -> memref<1x16x128xi32, #tpu.memory_space<vmem>>
        %dma_start3A_268 = tpu.memref_squeeze %dma_start3A_267 : memref<1x16x128xi32, #tpu.memory_space<vmem>> -> memref<16x128xi32, #tpu.memory_space<vmem>>
        %dma_start3A_269 = arith.constant 0 : i32
        %dma_start3A_270 = tpu.memref_slice %arg3[%multiple_of3A_248, %dma_start3A_269] : memref<2560x128xi32, #tpu.memory_space<hbm>> -> memref<16x128xi32, #tpu.memory_space<hbm>>
        %dma_start3A_271 = arith.constant 0 : i32
        %dma_start3A_272 = arith.constant 0 : i32
        %dma_start3A_273 = tpu.memref_slice %arg6[%select_n3A_264, %dma_start3A_271, %dma_start3A_272] : memref<2x16x128xi32, #tpu.memory_space<vmem>> -> memref<1x16x128xi32, #tpu.memory_space<vmem>>
        %dma_start3A_274 = tpu.memref_squeeze %dma_start3A_273 : memref<1x16x128xi32, #tpu.memory_space<vmem>> -> memref<16x128xi32, #tpu.memory_space<vmem>>
        %dma_start3A_275 = arith.constant 0 : i32
        %dma_start3A_276 = tpu.memref_slice %arg3[%multiple_of3A_248, %dma_start3A_275] : memref<2560x128xi32, #tpu.memory_space<hbm>> -> memref<16x128xi32, #tpu.memory_space<hbm>>
        tpu.enqueue_dma source(%dma_start3A_276 : memref<16x128xi32, #tpu.memory_space<hbm>>) target(%dma_start3A_274 : memref<16x128xi32, #tpu.memory_space<vmem>>) target_semaphore(%arg13 : memref<!tpu.dma_semaphore, #tpu.memory_space<semaphore_mem>>)
        %mul3A_277 = arith.constant 16 : i32
        %mul3A_278 = arith.muli %add3A_244, %mul3A_277 : i32
        %add3A_279 = arith.addi %select_n3A, %mul3A_278 : i32
        %multiple_of3A_280 = tpu.assume_multiple %add3A_279, 8 : i32
        %jit3A_281 = arith.constant 2 : i32
        %eq3A_282 = arith.constant 0 : i32
        %eq3A_283 = arith.cmpi eq, %jit3A_281, %eq3A_282 : i32
        %jit3A_284 = arith.constant 1 : i32
        %select_n3A_285 = arith.select %eq3A_283, %jit3A_284, %jit3A_281 : i32
        %rem3A_286 = arith.remsi %add3A_244, %select_n3A_285 : i32
        %ne3A_287 = arith.constant 0 : i32
        %ne3A_288 = arith.cmpi ne, %rem3A_286, %ne3A_287 : i32
        %lt3A_289 = arith.constant 0 : i32
        %lt3A_290 = arith.cmpi slt, %rem3A_286, %lt3A_289 : i32
        %lt3A_291 = arith.constant 0 : i32
        %lt3A_292 = arith.cmpi slt, %select_n3A_285, %lt3A_291 : i32
        %ne3A_293 = arith.xori %lt3A_290, %lt3A_292 : i1
        %and3A_294 = arith.andi %ne3A_293, %ne3A_288 : i1
        %add3A_295 = arith.addi %rem3A_286, %select_n3A_285 : i32
        %select_n3A_296 = arith.select %and3A_294, %add3A_295, %rem3A_286 : i32
        %dma_start3A_297 = arith.constant 0 : i32
        %dma_start3A_298 = arith.constant 0 : i32
        %dma_start3A_299 = tpu.memref_slice %arg7[%select_n3A_296, %dma_start3A_297, %dma_start3A_298] : memref<2x16x128xi32, #tpu.memory_space<vmem>> -> memref<1x16x128xi32, #tpu.memory_space<vmem>>
        %dma_start3A_300 = tpu.memref_squeeze %dma_start3A_299 : memref<1x16x128xi32, #tpu.memory_space<vmem>> -> memref<16x128xi32, #tpu.memory_space<vmem>>
        %dma_start3A_301 = arith.constant 0 : i32
        %dma_start3A_302 = tpu.memref_slice %arg4[%multiple_of3A_280, %dma_start3A_301] : memref<2560x128xi32, #tpu.memory_space<hbm>> -> memref<16x128xi32, #tpu.memory_space<hbm>>
        %dma_start3A_303 = arith.constant 0 : i32
        %dma_start3A_304 = arith.constant 0 : i32
        %dma_start3A_305 = tpu.memref_slice %arg7[%select_n3A_296, %dma_start3A_303, %dma_start3A_304] : memref<2x16x128xi32, #tpu.memory_space<vmem>> -> memref<1x16x128xi32, #tpu.memory_space<vmem>>
        %dma_start3A_306 = tpu.memref_squeeze %dma_start3A_305 : memref<1x16x128xi32, #tpu.memory_space<vmem>> -> memref<16x128xi32, #tpu.memory_space<vmem>>
        %dma_start3A_307 = arith.constant 0 : i32
        %dma_start3A_308 = tpu.memref_slice %arg4[%multiple_of3A_280, %dma_start3A_307] : memref<2560x128xi32, #tpu.memory_space<hbm>> -> memref<16x128xi32, #tpu.memory_space<hbm>>
        tpu.enqueue_dma source(%dma_start3A_308 : memref<16x128xi32, #tpu.memory_space<hbm>>) target(%dma_start3A_306 : memref<16x128xi32, #tpu.memory_space<vmem>>) target_semaphore(%arg13 : memref<!tpu.dma_semaphore, #tpu.memory_space<semaphore_mem>>)
      } else {
      }
      %dma_wait3A = arith.constant 0 : i32
      %dma_wait3A_151 = arith.constant 0 : i32
      %dma_wait3A_152 = arith.constant 0 : i32
      %dma_wait3A_153 = tpu.memref_slice %arg8[%dma_wait3A, %dma_wait3A_151, %dma_wait3A_152] : memref<2x128x128xf32, #tpu.memory_space<vmem>> -> memref<1x128x128xf32, #tpu.memory_space<vmem>>
      %dma_wait3A_154 = tpu.memref_squeeze %dma_wait3A_153 : memref<1x128x128xf32, #tpu.memory_space<vmem>> -> memref<128x128xf32, #tpu.memory_space<vmem>>
      %dma_wait3A_155 = arith.constant 0 : i32
      %dma_wait3A_156 = tpu.memref_slice %arg6[%select_n3A_109, %select_n3A_125, %dma_wait3A_155] : memref<2x16x128xi32, #tpu.memory_space<vmem>> -> memref<1x1x128xi32, #tpu.memory_space<vmem>>
      %dma_wait3A_157 = tpu.memref_squeeze %dma_wait3A_156 : memref<1x1x128xi32, #tpu.memory_space<vmem>> -> memref<128xi32, #tpu.memory_space<vmem>>
      %dma_wait3A_158 = arith.constant 0 : i32
      %dma_wait3A_159 = arith.constant 0 : i32
      %dma_wait3A_160 = tpu.memref_slice %arg2[%dma_wait3A_158, %dma_wait3A_159] : memref<10240x128xf32, #tpu.memory_space<hbm>> -> memref<10240x128xf32, #tpu.memory_space<hbm>>
      tpu.wait_indirect_dma semaphore(%arg10 : memref<!tpu.dma_semaphore, #tpu.memory_space<semaphore_mem>>) src(%dma_wait3A_160 : memref<10240x128xf32, #tpu.memory_space<hbm>>) dst(%dma_wait3A_154 : memref<128x128xf32, #tpu.memory_space<vmem>>)
      %add3A_161 = arith.constant 1 : i32
      %add3A_162 = arith.addi %select_n3A_125, %add3A_161 : i32
      %dma_start3A_163 = arith.constant 1 : i32
      %dma_start3A_164 = arith.constant 0 : i32
      %dma_start3A_165 = arith.constant 0 : i32
      %dma_start3A_166 = tpu.memref_slice %arg8[%dma_start3A_163, %dma_start3A_164, %dma_start3A_165] : memref<2x128x128xf32, #tpu.memory_space<vmem>> -> memref<1x128x128xf32, #tpu.memory_space<vmem>>
      %dma_start3A_167 = tpu.memref_squeeze %dma_start3A_166 : memref<1x128x128xf32, #tpu.memory_space<vmem>> -> memref<128x128xf32, #tpu.memory_space<vmem>>
      %dma_start3A_168 = arith.constant 0 : i32
      %dma_start3A_169 = tpu.memref_slice %arg6[%select_n3A_109, %add3A_162, %dma_start3A_168] : memref<2x16x128xi32, #tpu.memory_space<vmem>> -> memref<1x1x128xi32, #tpu.memory_space<vmem>>
      %dma_start3A_170 = tpu.memref_squeeze %dma_start3A_169 : memref<1x1x128xi32, #tpu.memory_space<vmem>> -> memref<128xi32, #tpu.memory_space<vmem>>
      %dma_start3A_171 = arith.constant 0 : i32
      %dma_start3A_172 = arith.constant 0 : i32
      %dma_start3A_173 = tpu.memref_slice %arg2[%dma_start3A_171, %dma_start3A_172] : memref<10240x128xf32, #tpu.memory_space<hbm>> -> memref<10240x128xf32, #tpu.memory_space<hbm>>
      tpu.enqueue_indirect_dma source(%dma_start3A_173 : memref<10240x128xf32, #tpu.memory_space<hbm>>) target(%dma_start3A_167 : memref<128x128xf32, #tpu.memory_space<vmem>>) offsets(%dma_start3A_170 : memref<128xi32, #tpu.memory_space<vmem>>) semaphore(%arg11 : memref<!tpu.dma_semaphore, #tpu.memory_space<semaphore_mem>>)
      %dma_start3A_174 = arith.constant 0 : i32
      %dma_start3A_175 = arith.constant 0 : i32
      %dma_start3A_176 = arith.constant 0 : i32
      %dma_start3A_177 = tpu.memref_slice %arg8[%dma_start3A_174, %dma_start3A_175, %dma_start3A_176] : memref<2x128x128xf32, #tpu.memory_space<vmem>> -> memref<1x128x128xf32, #tpu.memory_space<vmem>>
      %dma_start3A_178 = tpu.memref_squeeze %dma_start3A_177 : memref<1x128x128xf32, #tpu.memory_space<vmem>> -> memref<128x128xf32, #tpu.memory_space<vmem>>
      %dma_start3A_179 = arith.constant 0 : i32
      %dma_start3A_180 = tpu.memref_slice %arg7[%select_n3A_109, %select_n3A_125, %dma_start3A_179] : memref<2x16x128xi32, #tpu.memory_space<vmem>> -> memref<1x1x128xi32, #tpu.memory_space<vmem>>
      %dma_start3A_181 = tpu.memref_squeeze %dma_start3A_180 : memref<1x1x128xi32, #tpu.memory_space<vmem>> -> memref<128xi32, #tpu.memory_space<vmem>>
      %dma_start3A_182 = arith.constant 0 : i32
      %dma_start3A_183 = arith.constant 0 : i32
      %dma_start3A_184 = tpu.memref_slice %arg9[%dma_start3A_182, %dma_start3A_183] : memref<10240x128xf32, #tpu.memory_space<vmem_shared>> -> memref<10240x128xf32, #tpu.memory_space<vmem_shared>>
      tpu.enqueue_indirect_dma source(%dma_start3A_178 : memref<128x128xf32, #tpu.memory_space<vmem>>) target(%dma_start3A_184 : memref<10240x128xf32, #tpu.memory_space<vmem_shared>>) offsets(%dma_start3A_181 : memref<128xi32, #tpu.memory_space<vmem>>) semaphore(%arg12 : memref<!tpu.dma_semaphore, #tpu.memory_space<semaphore_mem>>) {add = true}
      %add3A_185 = arith.constant 1 : i32
      %add3A_186 = arith.addi %select_n3A_125, %add3A_185 : i32
      %dma_wait3A_187 = arith.constant 1 : i32
      %dma_wait3A_188 = arith.constant 0 : i32
      %dma_wait3A_189 = arith.constant 0 : i32
      %dma_wait3A_190 = tpu.memref_slice %arg8[%dma_wait3A_187, %dma_wait3A_188, %dma_wait3A_189] : memref<2x128x128xf32, #tpu.memory_space<vmem>> -> memref<1x128x128xf32, #tpu.memory_space<vmem>>
      %dma_wait3A_191 = tpu.memref_squeeze %dma_wait3A_190 : memref<1x128x128xf32, #tpu.memory_space<vmem>> -> memref<128x128xf32, #tpu.memory_space<vmem>>
      %dma_wait3A_192 = arith.constant 0 : i32
      %dma_wait3A_193 = tpu.memref_slice %arg6[%select_n3A_109, %add3A_186, %dma_wait3A_192] : memref<2x16x128xi32, #tpu.memory_space<vmem>> -> memref<1x1x128xi32, #tpu.memory_space<vmem>>
      %dma_wait3A_194 = tpu.memref_squeeze %dma_wait3A_193 : memref<1x1x128xi32, #tpu.memory_space<vmem>> -> memref<128xi32, #tpu.memory_space<vmem>>
      %dma_wait3A_195 = arith.constant 0 : i32
      %dma_wait3A_196 = arith.constant 0 : i32
      %dma_wait3A_197 = tpu.memref_slice %arg2[%dma_wait3A_195, %dma_wait3A_196] : memref<10240x128xf32, #tpu.memory_space<hbm>> -> memref<10240x128xf32, #tpu.memory_space<hbm>>
      tpu.wait_indirect_dma semaphore(%arg11 : memref<!tpu.dma_semaphore, #tpu.memory_space<semaphore_mem>>) src(%dma_wait3A_197 : memref<10240x128xf32, #tpu.memory_space<hbm>>) dst(%dma_wait3A_191 : memref<128x128xf32, #tpu.memory_space<vmem>>)
      %dma_wait3A_198 = arith.constant 0 : i32
      %dma_wait3A_199 = arith.constant 0 : i32
      %dma_wait3A_200 = arith.constant 0 : i32
      %dma_wait3A_201 = tpu.memref_slice %arg8[%dma_wait3A_198, %dma_wait3A_199, %dma_wait3A_200] : memref<2x128x128xf32, #tpu.memory_space<vmem>> -> memref<1x128x128xf32, #tpu.memory_space<vmem>>
      %dma_wait3A_202 = tpu.memref_squeeze %dma_wait3A_201 : memref<1x128x128xf32, #tpu.memory_space<vmem>> -> memref<128x128xf32, #tpu.memory_space<vmem>>
      %dma_wait3A_203 = arith.constant 0 : i32
      %dma_wait3A_204 = tpu.memref_slice %arg7[%select_n3A_109, %select_n3A_125, %dma_wait3A_203] : memref<2x16x128xi32, #tpu.memory_space<vmem>> -> memref<1x1x128xi32, #tpu.memory_space<vmem>>
      %dma_wait3A_205 = tpu.memref_squeeze %dma_wait3A_204 : memref<1x1x128xi32, #tpu.memory_space<vmem>> -> memref<128xi32, #tpu.memory_space<vmem>>
      %dma_wait3A_206 = arith.constant 0 : i32
      %dma_wait3A_207 = arith.constant 0 : i32
      %dma_wait3A_208 = tpu.memref_slice %arg9[%dma_wait3A_206, %dma_wait3A_207] : memref<10240x128xf32, #tpu.memory_space<vmem_shared>> -> memref<10240x128xf32, #tpu.memory_space<vmem_shared>>
      tpu.wait_indirect_dma semaphore(%arg12 : memref<!tpu.dma_semaphore, #tpu.memory_space<semaphore_mem>>) src(%dma_wait3A_202 : memref<128x128xf32, #tpu.memory_space<vmem>>) dst(%dma_wait3A_208 : memref<10240x128xf32, #tpu.memory_space<vmem_shared>>)
      %sub3A_209 = arith.constant 1 : i32
      %sub3A_210 = arith.subi %select_n3A_8, %sub3A_209 : i32
      %lt3A_211 = arith.cmpi slt, %while3A_73, %sub3A_210 : i32
      %convert_element_type3A_212 = arith.extui %lt3A_211 : i1 to i32
      %cond3A_213 = arith.constant 0 : i32
      %cond3A_214 = arith.cmpi ne, %convert_element_type3A_212, %cond3A_213 : i32
      scf.if %cond3A_214 {
        %add3A_219 = arith.constant 2 : i32
        %add3A_220 = arith.addi %mul3A_76, %add3A_219 : i32
        %jit3A_221 = arith.constant 16 : i32
        %div3A_222 = arith.divsi %add3A_220, %jit3A_221 : i32
        %sign3A_223 = arith.constant 0 : i32
        %sign3A_224 = arith.cmpi sgt, %add3A_220, %sign3A_223 : i32
        %sign3A_225 = arith.extui %sign3A_224 : i1 to i32
        %sign3A_226 = arith.constant 0 : i32
        %sign3A_227 = arith.cmpi slt, %add3A_220, %sign3A_226 : i32
        %sign3A_228 = arith.extui %sign3A_227 : i1 to i32
        %sign3A_229 = arith.subi %sign3A_225, %sign3A_228 : i32
        %sign3A_230 = arith.constant 0 : i32
        %sign3A_231 = arith.cmpi sgt, %jit3A_221, %sign3A_230 : i32
        %sign3A_232 = arith.extui %sign3A_231 : i1 to i32
        %sign3A_233 = arith.constant 0 : i32
        %sign3A_234 = arith.cmpi slt, %jit3A_221, %sign3A_233 : i32
        %sign3A_235 = arith.extui %sign3A_234 : i1 to i32
        %sign3A_236 = arith.subi %sign3A_232, %sign3A_235 : i32
        %ne3A_237 = arith.cmpi ne, %sign3A_229, %sign3A_236 : i32
        %rem3A_238 = arith.remsi %add3A_220, %jit3A_221 : i32
        %ne3A_239 = arith.constant 0 : i32
        %ne3A_240 = arith.cmpi ne, %rem3A_238, %ne3A_239 : i32
        %and3A_241 = arith.andi %ne3A_237, %ne3A_240 : i1
        %sub3A_242 = arith.constant 1 : i32
        %sub3A_243 = arith.subi %div3A_222, %sub3A_242 : i32
        %select_n3A_244 = arith.select %and3A_241, %sub3A_243, %div3A_222 : i32
        %jit3A_245 = arith.constant 2 : i32
        %eq3A_246 = arith.constant 0 : i32
        %eq3A_247 = arith.cmpi eq, %jit3A_245, %eq3A_246 : i32
        %jit3A_248 = arith.constant 1 : i32
        %select_n3A_249 = arith.select %eq3A_247, %jit3A_248, %jit3A_245 : i32
        %rem3A_250 = arith.remsi %select_n3A_244, %select_n3A_249 : i32
        %ne3A_251 = arith.constant 0 : i32
        %ne3A_252 = arith.cmpi ne, %rem3A_250, %ne3A_251 : i32
        %lt3A_253 = arith.constant 0 : i32
        %lt3A_254 = arith.cmpi slt, %rem3A_250, %lt3A_253 : i32
        %lt3A_255 = arith.constant 0 : i32
        %lt3A_256 = arith.cmpi slt, %select_n3A_249, %lt3A_255 : i32
        %ne3A_257 = arith.xori %lt3A_254, %lt3A_256 : i1
        %and3A_258 = arith.andi %ne3A_257, %ne3A_252 : i1
        %add3A_259 = arith.addi %rem3A_250, %select_n3A_249 : i32
        %select_n3A_260 = arith.select %and3A_258, %add3A_259, %rem3A_250 : i32
        %jit3A_261 = arith.constant 16 : i32
        %eq3A_262 = arith.constant 0 : i32
        %eq3A_263 = arith.cmpi eq, %jit3A_261, %eq3A_262 : i32
        %jit3A_264 = arith.constant 1 : i32
        %select_n3A_265 = arith.select %eq3A_263, %jit3A_264, %jit3A_261 : i32
        %rem3A_266 = arith.remsi %add3A_220, %select_n3A_265 : i32
        %ne3A_267 = arith.constant 0 : i32
        %ne3A_268 = arith.cmpi ne, %rem3A_266, %ne3A_267 : i32
        %lt3A_269 = arith.constant 0 : i32
        %lt3A_270 = arith.cmpi slt, %rem3A_266, %lt3A_269 : i32
        %lt3A_271 = arith.constant 0 : i32
        %lt3A_272 = arith.cmpi slt, %select_n3A_265, %lt3A_271 : i32
        %ne3A_273 = arith.xori %lt3A_270, %lt3A_272 : i1
        %and3A_274 = arith.andi %ne3A_273, %ne3A_268 : i1
        %add3A_275 = arith.addi %rem3A_266, %select_n3A_265 : i32
        %select_n3A_276 = arith.select %and3A_274, %add3A_275, %rem3A_266 : i32
        %eq3A_277 = arith.constant 0 : i32
        %eq3A_278 = arith.cmpi eq, %select_n3A_276, %eq3A_277 : i32
        %convert_element_type3A_279 = arith.extui %eq3A_278 : i1 to i32
        %cond3A_280 = arith.constant 0 : i32
        %cond3A_281 = arith.cmpi ne, %convert_element_type3A_279, %cond3A_280 : i32
        scf.if %cond3A_281 {
          %add3A_293 = arith.constant 0 : i32
          %add3A_294 = arith.addi %select_n3A, %add3A_293 : i32
          %multiple_of3A_295 = tpu.assume_multiple %add3A_294, 8 : i32
          %dma_wait3A_296 = arith.constant 0 : i32
          %dma_wait3A_297 = arith.constant 0 : i32
          %dma_wait3A_298 = tpu.memref_slice %arg6[%select_n3A_260, %dma_wait3A_296, %dma_wait3A_297] : memref<2x16x128xi32, #tpu.memory_space<vmem>> -> memref<1x16x128xi32, #tpu.memory_space<vmem>>
          %dma_wait3A_299 = tpu.memref_squeeze %dma_wait3A_298 : memref<1x16x128xi32, #tpu.memory_space<vmem>> -> memref<16x128xi32, #tpu.memory_space<vmem>>
          %dma_wait3A_300 = arith.constant 0 : i32
          %dma_wait3A_301 = tpu.memref_slice %arg3[%multiple_of3A_295, %dma_wait3A_300] : memref<2560x128xi32, #tpu.memory_space<hbm>> -> memref<16x128xi32, #tpu.memory_space<hbm>>
          %dma_wait3A_302 = arith.constant 0 : i32
          %dma_wait3A_303 = arith.constant 0 : i32
          %dma_wait3A_304 = tpu.memref_slice %arg6[%select_n3A_260, %dma_wait3A_302, %dma_wait3A_303] : memref<2x16x128xi32, #tpu.memory_space<vmem>> -> memref<1x16x128xi32, #tpu.memory_space<vmem>>
          %dma_wait3A_305 = tpu.memref_squeeze %dma_wait3A_304 : memref<1x16x128xi32, #tpu.memory_space<vmem>> -> memref<16x128xi32, #tpu.memory_space<vmem>>
          %dma_wait3A_306 = arith.constant 0 : i32
          %dma_wait3A_307 = tpu.memref_slice %arg3[%multiple_of3A_295, %dma_wait3A_306] : memref<2560x128xi32, #tpu.memory_space<hbm>> -> memref<16x128xi32, #tpu.memory_space<hbm>>
          tpu.wait_dma2 semaphore(%arg13 : memref<!tpu.dma_semaphore, #tpu.memory_space<semaphore_mem>>) src(%dma_wait3A_307 : memref<16x128xi32, #tpu.memory_space<hbm>>) dst(%dma_wait3A_305 : memref<16x128xi32, #tpu.memory_space<vmem>>)
          %add3A_308 = arith.constant 0 : i32
          %add3A_309 = arith.addi %select_n3A, %add3A_308 : i32
          %multiple_of3A_310 = tpu.assume_multiple %add3A_309, 8 : i32
          %dma_wait3A_311 = arith.constant 0 : i32
          %dma_wait3A_312 = arith.constant 0 : i32
          %dma_wait3A_313 = tpu.memref_slice %arg7[%select_n3A_260, %dma_wait3A_311, %dma_wait3A_312] : memref<2x16x128xi32, #tpu.memory_space<vmem>> -> memref<1x16x128xi32, #tpu.memory_space<vmem>>
          %dma_wait3A_314 = tpu.memref_squeeze %dma_wait3A_313 : memref<1x16x128xi32, #tpu.memory_space<vmem>> -> memref<16x128xi32, #tpu.memory_space<vmem>>
          %dma_wait3A_315 = arith.constant 0 : i32
          %dma_wait3A_316 = tpu.memref_slice %arg4[%multiple_of3A_310, %dma_wait3A_315] : memref<2560x128xi32, #tpu.memory_space<hbm>> -> memref<16x128xi32, #tpu.memory_space<hbm>>
          %dma_wait3A_317 = arith.constant 0 : i32
          %dma_wait3A_318 = arith.constant 0 : i32
          %dma_wait3A_319 = tpu.memref_slice %arg7[%select_n3A_260, %dma_wait3A_317, %dma_wait3A_318] : memref<2x16x128xi32, #tpu.memory_space<vmem>> -> memref<1x16x128xi32, #tpu.memory_space<vmem>>
          %dma_wait3A_320 = tpu.memref_squeeze %dma_wait3A_319 : memref<1x16x128xi32, #tpu.memory_space<vmem>> -> memref<16x128xi32, #tpu.memory_space<vmem>>
          %dma_wait3A_321 = arith.constant 0 : i32
          %dma_wait3A_322 = tpu.memref_slice %arg4[%multiple_of3A_310, %dma_wait3A_321] : memref<2560x128xi32, #tpu.memory_space<hbm>> -> memref<16x128xi32, #tpu.memory_space<hbm>>
          tpu.wait_dma2 semaphore(%arg13 : memref<!tpu.dma_semaphore, #tpu.memory_space<semaphore_mem>>) src(%dma_wait3A_322 : memref<16x128xi32, #tpu.memory_space<hbm>>) dst(%dma_wait3A_320 : memref<16x128xi32, #tpu.memory_space<vmem>>)
        } else {
        }
        %dma_start3A_282 = arith.constant 0 : i32
        %dma_start3A_283 = arith.constant 0 : i32
        %dma_start3A_284 = arith.constant 0 : i32
        %dma_start3A_285 = tpu.memref_slice %arg8[%dma_start3A_282, %dma_start3A_283, %dma_start3A_284] : memref<2x128x128xf32, #tpu.memory_space<vmem>> -> memref<1x128x128xf32, #tpu.memory_space<vmem>>
        %dma_start3A_286 = tpu.memref_squeeze %dma_start3A_285 : memref<1x128x128xf32, #tpu.memory_space<vmem>> -> memref<128x128xf32, #tpu.memory_space<vmem>>
        %dma_start3A_287 = arith.constant 0 : i32
        %dma_start3A_288 = tpu.memref_slice %arg6[%select_n3A_260, %select_n3A_276, %dma_start3A_287] : memref<2x16x128xi32, #tpu.memory_space<vmem>> -> memref<1x1x128xi32, #tpu.memory_space<vmem>>
        %dma_start3A_289 = tpu.memref_squeeze %dma_start3A_288 : memref<1x1x128xi32, #tpu.memory_space<vmem>> -> memref<128xi32, #tpu.memory_space<vmem>>
        %dma_start3A_290 = arith.constant 0 : i32
        %dma_start3A_291 = arith.constant 0 : i32
        %dma_start3A_292 = tpu.memref_slice %arg2[%dma_start3A_290, %dma_start3A_291] : memref<10240x128xf32, #tpu.memory_space<hbm>> -> memref<10240x128xf32, #tpu.memory_space<hbm>>
        tpu.enqueue_indirect_dma source(%dma_start3A_292 : memref<10240x128xf32, #tpu.memory_space<hbm>>) target(%dma_start3A_286 : memref<128x128xf32, #tpu.memory_space<vmem>>) offsets(%dma_start3A_289 : memref<128xi32, #tpu.memory_space<vmem>>) semaphore(%arg10 : memref<!tpu.dma_semaphore, #tpu.memory_space<semaphore_mem>>)
      } else {
      }
      %add3A_215 = arith.constant 1 : i32
      %add3A_216 = arith.addi %select_n3A_125, %add3A_215 : i32
      %run_scoped3A_217 = arith.constant 1 : i32
      "tpu.region"() ({
        %run_scoped3A_219 = tpu.sem_alloc : memref<!tpu.dma_semaphore, #tpu.memory_space<semaphore_mem>>
        %dma_start3A_220 = arith.constant 0 : i32
        %dma_start3A_221 = arith.constant 0 : i32
        %dma_start3A_222 = tpu.memref_slice %arg8[%run_scoped3A_217, %dma_start3A_220, %dma_start3A_221] : memref<2x128x128xf32, #tpu.memory_space<vmem>> -> memref<1x128x128xf32, #tpu.memory_space<vmem>>
        %dma_start3A_223 = tpu.memref_squeeze %dma_start3A_222 : memref<1x128x128xf32, #tpu.memory_space<vmem>> -> memref<128x128xf32, #tpu.memory_space<vmem>>
        %dma_start3A_224 = arith.constant 0 : i32
        %dma_start3A_225 = tpu.memref_slice %arg7[%select_n3A_109, %add3A_216, %dma_start3A_224] : memref<2x16x128xi32, #tpu.memory_space<vmem>> -> memref<1x1x128xi32, #tpu.memory_space<vmem>>
        %dma_start3A_226 = tpu.memref_squeeze %dma_start3A_225 : memref<1x1x128xi32, #tpu.memory_space<vmem>> -> memref<128xi32, #tpu.memory_space<vmem>>
        %dma_start3A_227 = arith.constant 0 : i32
        %dma_start3A_228 = arith.constant 0 : i32
        %dma_start3A_229 = tpu.memref_slice %arg9[%dma_start3A_227, %dma_start3A_228] : memref<10240x128xf32, #tpu.memory_space<vmem_shared>> -> memref<10240x128xf32, #tpu.memory_space<vmem_shared>>
        tpu.enqueue_indirect_dma source(%dma_start3A_223 : memref<128x128xf32, #tpu.memory_space<vmem>>) target(%dma_start3A_229 : memref<10240x128xf32, #tpu.memory_space<vmem_shared>>) offsets(%dma_start3A_226 : memref<128xi32, #tpu.memory_space<vmem>>) semaphore(%run_scoped3A_219 : memref<!tpu.dma_semaphore, #tpu.memory_space<semaphore_mem>>) {add = true}
        %dma_wait3A_230 = arith.constant 0 : i32
        %dma_wait3A_231 = arith.constant 0 : i32
        %dma_wait3A_232 = tpu.memref_slice %arg8[%run_scoped3A_217, %dma_wait3A_230, %dma_wait3A_231] : memref<2x128x128xf32, #tpu.memory_space<vmem>> -> memref<1x128x128xf32, #tpu.memory_space<vmem>>
        %dma_wait3A_233 = tpu.memref_squeeze %dma_wait3A_232 : memref<1x128x128xf32, #tpu.memory_space<vmem>> -> memref<128x128xf32, #tpu.memory_space<vmem>>
        %dma_wait3A_234 = arith.constant 0 : i32
        %dma_wait3A_235 = tpu.memref_slice %arg7[%select_n3A_109, %add3A_216, %dma_wait3A_234] : memref<2x16x128xi32, #tpu.memory_space<vmem>> -> memref<1x1x128xi32, #tpu.memory_space<vmem>>
        %dma_wait3A_236 = tpu.memref_squeeze %dma_wait3A_235 : memref<1x1x128xi32, #tpu.memory_space<vmem>> -> memref<128xi32, #tpu.memory_space<vmem>>
        %dma_wait3A_237 = arith.constant 0 : i32
        %dma_wait3A_238 = arith.constant 0 : i32
        %dma_wait3A_239 = tpu.memref_slice %arg9[%dma_wait3A_237, %dma_wait3A_238] : memref<10240x128xf32, #tpu.memory_space<vmem_shared>> -> memref<10240x128xf32, #tpu.memory_space<vmem_shared>>
        tpu.wait_indirect_dma semaphore(%run_scoped3A_219 : memref<!tpu.dma_semaphore, #tpu.memory_space<semaphore_mem>>) src(%dma_wait3A_233 : memref<128x128xf32, #tpu.memory_space<vmem>>) dst(%dma_wait3A_239 : memref<10240x128xf32, #tpu.memory_space<vmem_shared>>)
        tpu.yield
      }) : () -> ()
      %while3A_218 = arith.constant 0 : i32
      scf.yield %while3A_218 : i32
    }
    %barrier3A_69 = arith.constant 0 : index
    tpu.barrier barrier_id(%barrier3A_69)
    %eq3A_70 = arith.constant 0 : i32
    %eq3A_71 = arith.cmpi eq, %arg1, %eq3A_70 : i32
    %convert_element_type3A = arith.extui %eq3A_71 : i1 to i32
    %cond3A = arith.constant 0 : i32
    %cond3A_72 = arith.cmpi ne, %convert_element_type3A, %cond3A : i32
    scf.if %cond3A_72 {
      "tpu.region"() ({
        %run_scoped3A_73 = tpu.sem_alloc : memref<!tpu.dma_semaphore, #tpu.memory_space<semaphore_mem>>
        %dma_start3A_74 = arith.constant 0 : i32
        %dma_start3A_75 = arith.constant 0 : i32
        %dma_start3A_76 = tpu.memref_slice %arg5[%arg0, %dma_start3A_74, %dma_start3A_75] : memref<2x640x128xf32, #tpu.memory_space<hbm>> -> memref<1x640x128xf32, #tpu.memory_space<hbm>>
        %dma_start3A_77 = tpu.memref_squeeze %dma_start3A_76 : memref<1x640x128xf32, #tpu.memory_space<hbm>> -> memref<640x128xf32, #tpu.memory_space<hbm>>
        %dma_start3A_78 = arith.constant 0 : i32
        %dma_start3A_79 = arith.constant 0 : i32
        %dma_start3A_80 = tpu.memref_slice %arg9[%dma_start3A_78, %dma_start3A_79] : memref<10240x128xf32, #tpu.memory_space<vmem_shared>> -> memref<640x128xf32, #tpu.memory_space<vmem_shared>>
        tpu.enqueue_dma source(%dma_start3A_80 : memref<640x128xf32, #tpu.memory_space<vmem_shared>>) target(%dma_start3A_77 : memref<640x128xf32, #tpu.memory_space<hbm>>) target_semaphore(%run_scoped3A_73 : memref<!tpu.dma_semaphore, #tpu.memory_space<semaphore_mem>>)
        %dma_wait3A = arith.constant 0 : i32
        %dma_wait3A_81 = arith.constant 0 : i32
        %dma_wait3A_82 = tpu.memref_slice %arg5[%arg0, %dma_wait3A, %dma_wait3A_81] : memref<2x640x128xf32, #tpu.memory_space<hbm>> -> memref<1x640x128xf32, #tpu.memory_space<hbm>>
        %dma_wait3A_83 = tpu.memref_squeeze %dma_wait3A_82 : memref<1x640x128xf32, #tpu.memory_space<hbm>> -> memref<640x128xf32, #tpu.memory_space<hbm>>
        %dma_wait3A_84 = arith.constant 0 : i32
        %dma_wait3A_85 = arith.constant 0 : i32
        %dma_wait3A_86 = tpu.memref_slice %arg9[%dma_wait3A_84, %dma_wait3A_85] : memref<10240x128xf32, #tpu.memory_space<vmem_shared>> -> memref<640x128xf32, #tpu.memory_space<vmem_shared>>
        tpu.wait_dma2 semaphore(%run_scoped3A_73 : memref<!tpu.dma_semaphore, #tpu.memory_space<semaphore_mem>>) src(%dma_wait3A_86 : memref<640x128xf32, #tpu.memory_space<vmem_shared>>) dst(%dma_wait3A_83 : memref<640x128xf32, #tpu.memory_space<hbm>>)
        tpu.yield
      }) : () -> ()
    } else {
    }
    return
  }
}

#map = affine_map<(d0, d1) -> (0, 0)>
#map1 = affine_map<(d0, d1) -> (0)>
module attributes {stable_mosaic.version = 14 : i64} {
  func.func @_sc_degree(%arg0: i32, %arg1: i32, %arg2: memref<2560x128xi32, #tpu.memory_space<hbm>>, %arg3: memref<20480xf32, #tpu.memory_space<hbm>>, %arg4: memref<80x128xi32, #tpu.memory_space<vmem>>, %arg5: memref<640xf32, #tpu.memory_space<vmem>>, %arg6: memref<128xf32, #tpu.memory_space<vmem>>, %arg7: memref<10240xf32, #tpu.memory_space<vmem_shared>>) attributes {dimension_semantics = [#tpu.dimension_semantics<core_parallel>, #tpu.dimension_semantics<subcore_parallel>], iteration_bounds = array<i64: 2, 16>, scalar_prefetch = 0 : i64, scratch_operands = 4 : i64, tpu.core_type = #tpu.core_type<sc_vector_subcore>, window_params = [{transform_indices = #map}, {transform_indices = #map1}]} {
    %mul3A = arith.constant 16 : i32
    %mul3A_0 = arith.muli %arg0, %mul3A : i32
    %add3A = arith.addi %mul3A_0, %arg1 : i32
    %mul3A_1 = arith.constant 80 : i32
    %mul3A_2 = arith.muli %add3A, %mul3A_1 : i32
    %multiple_of3A = tpu.assume_multiple %mul3A_2, 8 : i32
    "tpu.region"() ({
      %run_scoped3A = tpu.sem_alloc : memref<!tpu.dma_semaphore, #tpu.memory_space<semaphore_mem>>
      %dma_start3A = arith.constant 0 : i32
      %dma_start3A_72 = tpu.memref_slice %arg2[%multiple_of3A, %dma_start3A] : memref<2560x128xi32, #tpu.memory_space<hbm>> -> memref<80x128xi32, #tpu.memory_space<hbm>>
      %dma_start3A_73 = arith.constant 0 : i32
      %dma_start3A_74 = tpu.memref_slice %arg2[%multiple_of3A, %dma_start3A_73] : memref<2560x128xi32, #tpu.memory_space<hbm>> -> memref<80x128xi32, #tpu.memory_space<hbm>>
      tpu.enqueue_dma source(%dma_start3A_74 : memref<80x128xi32, #tpu.memory_space<hbm>>) target(%arg4 : memref<80x128xi32, #tpu.memory_space<vmem>>) target_semaphore(%run_scoped3A : memref<!tpu.dma_semaphore, #tpu.memory_space<semaphore_mem>>)
      %dma_wait3A = arith.constant 0 : i32
      %dma_wait3A_75 = tpu.memref_slice %arg2[%multiple_of3A, %dma_wait3A] : memref<2560x128xi32, #tpu.memory_space<hbm>> -> memref<80x128xi32, #tpu.memory_space<hbm>>
      %dma_wait3A_76 = arith.constant 0 : i32
      %dma_wait3A_77 = tpu.memref_slice %arg2[%multiple_of3A, %dma_wait3A_76] : memref<2560x128xi32, #tpu.memory_space<hbm>> -> memref<80x128xi32, #tpu.memory_space<hbm>>
      tpu.wait_dma2 semaphore(%run_scoped3A : memref<!tpu.dma_semaphore, #tpu.memory_space<semaphore_mem>>) src(%dma_wait3A_77 : memref<80x128xi32, #tpu.memory_space<hbm>>) dst(%arg4 : memref<80x128xi32, #tpu.memory_space<vmem>>)
      tpu.yield
    }) : () -> ()
    %scan3A = arith.constant 0 : i32
    %scan3A_3 = arith.constant 0 : i32
    %scan3A_4 = arith.constant 40 : i32
    %scan3A_5 = arith.addi %scan3A_3, %scan3A_4 : i32
    %scan3A_6 = arith.constant 1 : i32
    %scan3A_7 = scf.for %scan3A_72 = %scan3A_3 to %scan3A_5 step %scan3A_6 iter_args(%scan3A_73 = %scan3A) -> (i32)  : i32 {
      %broadcast_in_dim3A_74 = arith.constant 0.000000e+00 : f32
      %broadcast_in_dim3A_75 = vector.broadcast %broadcast_in_dim3A_74 : f32 to vector<16xf32>
      %mul3A_76 = arith.constant 16 : i32
      %mul3A_77 = arith.muli %scan3A_72, %mul3A_76 : i32
      %swap3A_78 = arith.index_cast %mul3A_77 : i32 to index
      %swap3A_79 = tpu.vector_load %arg5[%swap3A_78] {strides = array<i32>} : memref<640xf32, #tpu.memory_space<vmem>>, vector<16xf32>,
      %swap3A_80 = vector.shape_cast %swap3A_79 : vector<16xf32> to vector<16xf32>
      %swap3A_81 = vector.shape_cast %broadcast_in_dim3A_75 : vector<16xf32> to vector<16xf32>
      tpu.vector_store %arg5[%swap3A_78], %swap3A_81 {strides = array<i32>} : memref<640xf32, #tpu.memory_space<vmem>>, vector<16xf32>,
      %scan3A_82 = arith.constant 0 : i32
      scf.yield %scan3A_82 : i32
    }
    %scan3A_8 = arith.constant 40 : i32
    %broadcast_in_dim3A = arith.constant 1.000000e+00 : f32
    %broadcast_in_dim3A_9 = vector.broadcast %broadcast_in_dim3A : f32 to vector<16xf32>
    %swap3A = arith.constant 0 : index
    %swap3A_10 = tpu.vector_load %arg6[%swap3A] {strides = array<i32>} : memref<128xf32, #tpu.memory_space<vmem>>, vector<16xf32>,
    %swap3A_11 = vector.shape_cast %swap3A_10 : vector<16xf32> to vector<16xf32>
    %swap3A_12 = vector.shape_cast %broadcast_in_dim3A_9 : vector<16xf32> to vector<16xf32>
    tpu.vector_store %arg6[%swap3A], %swap3A_12 {strides = array<i32>} : memref<128xf32, #tpu.memory_space<vmem>>, vector<16xf32>,
    %broadcast_in_dim3A_13 = arith.constant 1.000000e+00 : f32
    %broadcast_in_dim3A_14 = vector.broadcast %broadcast_in_dim3A_13 : f32 to vector<16xf32>
    %swap3A_15 = arith.constant 16 : index
    %swap3A_16 = tpu.vector_load %arg6[%swap3A_15] {strides = array<i32>} : memref<128xf32, #tpu.memory_space<vmem>>, vector<16xf32>,
    %swap3A_17 = vector.shape_cast %swap3A_16 : vector<16xf32> to vector<16xf32>
    %swap3A_18 = vector.shape_cast %broadcast_in_dim3A_14 : vector<16xf32> to vector<16xf32>
    tpu.vector_store %arg6[%swap3A_15], %swap3A_18 {strides = array<i32>} : memref<128xf32, #tpu.memory_space<vmem>>, vector<16xf32>,
    %broadcast_in_dim3A_19 = arith.constant 1.000000e+00 : f32
    %broadcast_in_dim3A_20 = vector.broadcast %broadcast_in_dim3A_19 : f32 to vector<16xf32>
    %swap3A_21 = arith.constant 32 : index
    %swap3A_22 = tpu.vector_load %arg6[%swap3A_21] {strides = array<i32>} : memref<128xf32, #tpu.memory_space<vmem>>, vector<16xf32>,
    %swap3A_23 = vector.shape_cast %swap3A_22 : vector<16xf32> to vector<16xf32>
    %swap3A_24 = vector.shape_cast %broadcast_in_dim3A_20 : vector<16xf32> to vector<16xf32>
    tpu.vector_store %arg6[%swap3A_21], %swap3A_24 {strides = array<i32>} : memref<128xf32, #tpu.memory_space<vmem>>, vector<16xf32>,
    %broadcast_in_dim3A_25 = arith.constant 1.000000e+00 : f32
    %broadcast_in_dim3A_26 = vector.broadcast %broadcast_in_dim3A_25 : f32 to vector<16xf32>
    %swap3A_27 = arith.constant 48 : index
    %swap3A_28 = tpu.vector_load %arg6[%swap3A_27] {strides = array<i32>} : memref<128xf32, #tpu.memory_space<vmem>>, vector<16xf32>,
    %swap3A_29 = vector.shape_cast %swap3A_28 : vector<16xf32> to vector<16xf32>
    %swap3A_30 = vector.shape_cast %broadcast_in_dim3A_26 : vector<16xf32> to vector<16xf32>
    tpu.vector_store %arg6[%swap3A_27], %swap3A_30 {strides = array<i32>} : memref<128xf32, #tpu.memory_space<vmem>>, vector<16xf32>,
    %broadcast_in_dim3A_31 = arith.constant 1.000000e+00 : f32
    %broadcast_in_dim3A_32 = vector.broadcast %broadcast_in_dim3A_31 : f32 to vector<16xf32>
    %swap3A_33 = arith.constant 64 : index
    %swap3A_34 = tpu.vector_load %arg6[%swap3A_33] {strides = array<i32>} : memref<128xf32, #tpu.memory_space<vmem>>, vector<16xf32>,
    %swap3A_35 = vector.shape_cast %swap3A_34 : vector<16xf32> to vector<16xf32>
    %swap3A_36 = vector.shape_cast %broadcast_in_dim3A_32 : vector<16xf32> to vector<16xf32>
    tpu.vector_store %arg6[%swap3A_33], %swap3A_36 {strides = array<i32>} : memref<128xf32, #tpu.memory_space<vmem>>, vector<16xf32>,
    %broadcast_in_dim3A_37 = arith.constant 1.000000e+00 : f32
    %broadcast_in_dim3A_38 = vector.broadcast %broadcast_in_dim3A_37 : f32 to vector<16xf32>
    %swap3A_39 = arith.constant 80 : index
    %swap3A_40 = tpu.vector_load %arg6[%swap3A_39] {strides = array<i32>} : memref<128xf32, #tpu.memory_space<vmem>>, vector<16xf32>,
    %swap3A_41 = vector.shape_cast %swap3A_40 : vector<16xf32> to vector<16xf32>
    %swap3A_42 = vector.shape_cast %broadcast_in_dim3A_38 : vector<16xf32> to vector<16xf32>
    tpu.vector_store %arg6[%swap3A_39], %swap3A_42 {strides = array<i32>} : memref<128xf32, #tpu.memory_space<vmem>>, vector<16xf32>,
    %broadcast_in_dim3A_43 = arith.constant 1.000000e+00 : f32
    %broadcast_in_dim3A_44 = vector.broadcast %broadcast_in_dim3A_43 : f32 to vector<16xf32>
    %swap3A_45 = arith.constant 96 : index
    %swap3A_46 = tpu.vector_load %arg6[%swap3A_45] {strides = array<i32>} : memref<128xf32, #tpu.memory_space<vmem>>, vector<16xf32>,
    %swap3A_47 = vector.shape_cast %swap3A_46 : vector<16xf32> to vector<16xf32>
    %swap3A_48 = vector.shape_cast %broadcast_in_dim3A_44 : vector<16xf32> to vector<16xf32>
    tpu.vector_store %arg6[%swap3A_45], %swap3A_48 {strides = array<i32>} : memref<128xf32, #tpu.memory_space<vmem>>, vector<16xf32>,
    %broadcast_in_dim3A_49 = arith.constant 1.000000e+00 : f32
    %broadcast_in_dim3A_50 = vector.broadcast %broadcast_in_dim3A_49 : f32 to vector<16xf32>
    %swap3A_51 = arith.constant 112 : index
    %swap3A_52 = tpu.vector_load %arg6[%swap3A_51] {strides = array<i32>} : memref<128xf32, #tpu.memory_space<vmem>>, vector<16xf32>,
    %swap3A_53 = vector.shape_cast %swap3A_52 : vector<16xf32> to vector<16xf32>
    %swap3A_54 = vector.shape_cast %broadcast_in_dim3A_50 : vector<16xf32> to vector<16xf32>
    tpu.vector_store %arg6[%swap3A_51], %swap3A_54 {strides = array<i32>} : memref<128xf32, #tpu.memory_space<vmem>>, vector<16xf32>,
    %mul3A_55 = arith.constant 640 : i32
    %mul3A_56 = arith.muli %arg1, %mul3A_55 : i32
    "tpu.region"() ({
      %run_scoped3A = tpu.sem_alloc : memref<!tpu.dma_semaphore, #tpu.memory_space<semaphore_mem>>
      %dma_start3A = tpu.memref_slice %arg7[%mul3A_56] : memref<10240xf32, #tpu.memory_space<vmem_shared>> -> memref<640xf32, #tpu.memory_space<vmem_shared>>
      %dma_start3A_72 = tpu.memref_slice %arg7[%mul3A_56] : memref<10240xf32, #tpu.memory_space<vmem_shared>> -> memref<640xf32, #tpu.memory_space<vmem_shared>>
      tpu.enqueue_dma source(%arg5 : memref<640xf32, #tpu.memory_space<vmem>>) target(%dma_start3A_72 : memref<640xf32, #tpu.memory_space<vmem_shared>>) target_semaphore(%run_scoped3A : memref<!tpu.dma_semaphore, #tpu.memory_space<semaphore_mem>>)
      %dma_wait3A = tpu.memref_slice %arg7[%mul3A_56] : memref<10240xf32, #tpu.memory_space<vmem_shared>> -> memref<640xf32, #tpu.memory_space<vmem_shared>>
      %dma_wait3A_73 = tpu.memref_slice %arg7[%mul3A_56] : memref<10240xf32, #tpu.memory_space<vmem_shared>> -> memref<640xf32, #tpu.memory_space<vmem_shared>>
      tpu.wait_dma2 semaphore(%run_scoped3A : memref<!tpu.dma_semaphore, #tpu.memory_space<semaphore_mem>>) src(%arg5 : memref<640xf32, #tpu.memory_space<vmem>>) dst(%dma_wait3A_73 : memref<640xf32, #tpu.memory_space<vmem_shared>>)
      tpu.yield
    }) : () -> ()
    %barrier3A = arith.constant 0 : index
    tpu.barrier barrier_id(%barrier3A)
    %scan3A_57 = arith.constant 0 : i32
    %scan3A_58 = arith.constant 0 : i32
    %scan3A_59 = arith.constant 80 : i32
    %scan3A_60 = arith.addi %scan3A_58, %scan3A_59 : i32
    %scan3A_61 = arith.constant 1 : i32
    %scan3A_62 = scf.for %scan3A_72 = %scan3A_58 to %scan3A_60 step %scan3A_61 iter_args(%scan3A_73 = %scan3A_57) -> (i32)  : i32 {
      "tpu.region"() ({
        %run_scoped3A = tpu.sem_alloc : memref<!tpu.dma_semaphore, #tpu.memory_space<semaphore_mem>>
        %dma_start3A = arith.constant 0 : i32
        %dma_start3A_75 = tpu.memref_slice %arg4[%scan3A_72, %dma_start3A] : memref<80x128xi32, #tpu.memory_space<vmem>> -> memref<1x128xi32, #tpu.memory_space<vmem>>
        %dma_start3A_76 = tpu.memref_squeeze %dma_start3A_75 : memref<1x128xi32, #tpu.memory_space<vmem>> -> memref<128xi32, #tpu.memory_space<vmem>>
        %dma_start3A_77 = arith.constant 0 : i32
        %dma_start3A_78 = tpu.memref_slice %arg7[%dma_start3A_77] : memref<10240xf32, #tpu.memory_space<vmem_shared>> -> memref<10240xf32, #tpu.memory_space<vmem_shared>>
        tpu.enqueue_indirect_dma source(%arg6 : memref<128xf32, #tpu.memory_space<vmem>>) target(%dma_start3A_78 : memref<10240xf32, #tpu.memory_space<vmem_shared>>) offsets(%dma_start3A_76 : memref<128xi32, #tpu.memory_space<vmem>>) semaphore(%run_scoped3A : memref<!tpu.dma_semaphore, #tpu.memory_space<semaphore_mem>>) {add = true}
        %dma_wait3A = arith.constant 0 : i32
        %dma_wait3A_79 = tpu.memref_slice %arg4[%scan3A_72, %dma_wait3A] : memref<80x128xi32, #tpu.memory_space<vmem>> -> memref<1x128xi32, #tpu.memory_space<vmem>>
        %dma_wait3A_80 = tpu.memref_squeeze %dma_wait3A_79 : memref<1x128xi32, #tpu.memory_space<vmem>> -> memref<128xi32, #tpu.memory_space<vmem>>
        %dma_wait3A_81 = arith.constant 0 : i32
        %dma_wait3A_82 = tpu.memref_slice %arg7[%dma_wait3A_81] : memref<10240xf32, #tpu.memory_space<vmem_shared>> -> memref<10240xf32, #tpu.memory_space<vmem_shared>>
        tpu.wait_indirect_dma semaphore(%run_scoped3A : memref<!tpu.dma_semaphore, #tpu.memory_space<semaphore_mem>>) src(%arg6 : memref<128xf32, #tpu.memory_space<vmem>>) dst(%dma_wait3A_82 : memref<10240xf32, #tpu.memory_space<vmem_shared>>)
        tpu.yield
      }) : () -> ()
      %scan3A_74 = arith.constant 0 : i32
      scf.yield %scan3A_74 : i32
    }
    %scan3A_63 = arith.constant 80 : i32
    %barrier3A_64 = arith.constant 0 : index
    tpu.barrier barrier_id(%barrier3A_64)
    %mul3A_65 = arith.constant 640 : i32
    %mul3A_66 = arith.muli %arg1, %mul3A_65 : i32
    %mul3A_67 = arith.constant 10240 : i32
    %mul3A_68 = arith.muli %arg0, %mul3A_67 : i32
    %mul3A_69 = arith.constant 640 : i32
    %mul3A_70 = arith.muli %arg1, %mul3A_69 : i32
    %add3A_71 = arith.addi %mul3A_68, %mul3A_70 : i32
    "tpu.region"() ({
      %run_scoped3A = tpu.sem_alloc : memref<!tpu.dma_semaphore, #tpu.memory_space<semaphore_mem>>
      %dma_start3A = tpu.memref_slice %arg3[%add3A_71] : memref<20480xf32, #tpu.memory_space<hbm>> -> memref<640xf32, #tpu.memory_space<hbm>>
      %dma_start3A_72 = tpu.memref_slice %arg7[%mul3A_66] : memref<10240xf32, #tpu.memory_space<vmem_shared>> -> memref<640xf32, #tpu.memory_space<vmem_shared>>
      tpu.enqueue_dma source(%dma_start3A_72 : memref<640xf32, #tpu.memory_space<vmem_shared>>) target(%dma_start3A : memref<640xf32, #tpu.memory_space<hbm>>) target_semaphore(%run_scoped3A : memref<!tpu.dma_semaphore, #tpu.memory_space<semaphore_mem>>)
      %dma_wait3A = tpu.memref_slice %arg3[%add3A_71] : memref<20480xf32, #tpu.memory_space<hbm>> -> memref<640xf32, #tpu.memory_space<hbm>>
      %dma_wait3A_73 = tpu.memref_slice %arg7[%mul3A_66] : memref<10240xf32, #tpu.memory_space<vmem_shared>> -> memref<640xf32, #tpu.memory_space<vmem_shared>>
      tpu.wait_dma2 semaphore(%run_scoped3A : memref<!tpu.dma_semaphore, #tpu.memory_space<semaphore_mem>>) src(%dma_wait3A_73 : memref<640xf32, #tpu.memory_space<vmem_shared>>) dst(%dma_wait3A : memref<640xf32, #tpu.memory_space<hbm>>)
      tpu.yield
    }) : () -> ()
    return
  }
}

#map = affine_map<(d0, d1) -> (0, 0)>
#map1 = affine_map<(d0, d1) -> (0, 0, 0)>
module attributes {stable_mosaic.version = 14 : i64} {
  func.func @_sc_adj_apply(%arg0: i32, %arg1: i32, %arg2: memref<10240x128xf32, #tpu.memory_space<hbm>>, %arg3: memref<2560x128xi32, #tpu.memory_space<hbm>>, %arg4: memref<2560x128xi32, #tpu.memory_space<hbm>>, %arg5: memref<2x640x128xf32, #tpu.memory_space<hbm>>, %arg6: memref<2x16x128xi32, #tpu.memory_space<vmem>>, %arg7: memref<2x16x128xi32, #tpu.memory_space<vmem>>, %arg8: memref<2x128x128xf32, #tpu.memory_space<vmem>>, %arg9: memref<10240x128xf32, #tpu.memory_space<vmem_shared>>, %arg10: memref<!tpu.dma_semaphore, #tpu.memory_space<semaphore_mem>>, %arg11: memref<!tpu.dma_semaphore, #tpu.memory_space<semaphore_mem>>, %arg12: memref<!tpu.dma_semaphore, #tpu.memory_space<semaphore_mem>>, %arg13: memref<!tpu.dma_semaphore, #tpu.memory_space<semaphore_mem>>) attributes {dimension_semantics = [#tpu.dimension_semantics<core_parallel>, #tpu.dimension_semantics<subcore_parallel>], iteration_bounds = array<i64: 2, 16>, scalar_prefetch = 0 : i64, scratch_operands = 8 : i64, tpu.core_type = #tpu.core_type<sc_vector_subcore>, window_params = [{transform_indices = #map}, {transform_indices = #map}, {transform_indices = #map}, {transform_indices = #map1}]} {
    %eq3A = arith.constant 0 : i32
    %eq3A_0 = arith.cmpi eq, %arg0, %eq3A : i32
    %mul3A = arith.constant 128 : i32
    %mul3A_1 = arith.muli %arg1, %mul3A : i32
    %mul3A_2 = arith.constant 32 : i32
    %mul3A_3 = arith.muli %arg1, %mul3A_2 : i32
    %add3A = arith.constant 2048 : i32
    %add3A_4 = arith.addi %add3A, %mul3A_3 : i32
    %select_n3A = arith.select %eq3A_0, %mul3A_1, %add3A_4 : i32
    %eq3A_5 = arith.constant 0 : i32
    %eq3A_6 = arith.cmpi eq, %arg0, %eq3A_5 : i32
    %jit3A = arith.constant 64 : i32
    %jit3A_7 = arith.constant 16 : i32
    %select_n3A_8 = arith.select %eq3A_6, %jit3A, %jit3A_7 : i32
    %add3A_9 = arith.constant 0 : i32
    %add3A_10 = arith.addi %select_n3A, %add3A_9 : i32
    %multiple_of3A = tpu.assume_multiple %add3A_10, 8 : i32
    %run_scoped3A = arith.constant 0 : i32
    "tpu.region"() ({
      %run_scoped3A_73 = tpu.sem_alloc : memref<!tpu.dma_semaphore, #tpu.memory_space<semaphore_mem>>
      %dma_start3A_74 = arith.constant 0 : i32
      %dma_start3A_75 = arith.constant 0 : i32
      %dma_start3A_76 = tpu.memref_slice %arg6[%run_scoped3A, %dma_start3A_74, %dma_start3A_75] : memref<2x16x128xi32, #tpu.memory_space<vmem>> -> memref<1x16x128xi32, #tpu.memory_space<vmem>>
      %dma_start3A_77 = tpu.memref_squeeze %dma_start3A_76 : memref<1x16x128xi32, #tpu.memory_space<vmem>> -> memref<16x128xi32, #tpu.memory_space<vmem>>
      %dma_start3A_78 = arith.constant 0 : i32
      %dma_start3A_79 = tpu.memref_slice %arg3[%multiple_of3A, %dma_start3A_78] : memref<2560x128xi32, #tpu.memory_space<hbm>> -> memref<16x128xi32, #tpu.memory_space<hbm>>
      %dma_start3A_80 = arith.constant 0 : i32
      %dma_start3A_81 = arith.constant 0 : i32
      %dma_start3A_82 = tpu.memref_slice %arg6[%run_scoped3A, %dma_start3A_80, %dma_start3A_81] : memref<2x16x128xi32, #tpu.memory_space<vmem>> -> memref<1x16x128xi32, #tpu.memory_space<vmem>>
      %dma_start3A_83 = tpu.memref_squeeze %dma_start3A_82 : memref<1x16x128xi32, #tpu.memory_space<vmem>> -> memref<16x128xi32, #tpu.memory_space<vmem>>
      %dma_start3A_84 = arith.constant 0 : i32
      %dma_start3A_85 = tpu.memref_slice %arg3[%multiple_of3A, %dma_start3A_84] : memref<2560x128xi32, #tpu.memory_space<hbm>> -> memref<16x128xi32, #tpu.memory_space<hbm>>
      tpu.enqueue_dma source(%dma_start3A_85 : memref<16x128xi32, #tpu.memory_space<hbm>>) target(%dma_start3A_83 : memref<16x128xi32, #tpu.memory_space<vmem>>) target_semaphore(%run_scoped3A_73 : memref<!tpu.dma_semaphore, #tpu.memory_space<semaphore_mem>>)
      %dma_wait3A = arith.constant 0 : i32
      %dma_wait3A_86 = arith.constant 0 : i32
      %dma_wait3A_87 = tpu.memref_slice %arg6[%run_scoped3A, %dma_wait3A, %dma_wait3A_86] : memref<2x16x128xi32, #tpu.memory_space<vmem>> -> memref<1x16x128xi32, #tpu.memory_space<vmem>>
      %dma_wait3A_88 = tpu.memref_squeeze %dma_wait3A_87 : memref<1x16x128xi32, #tpu.memory_space<vmem>> -> memref<16x128xi32, #tpu.memory_space<vmem>>
      %dma_wait3A_89 = arith.constant 0 : i32
      %dma_wait3A_90 = tpu.memref_slice %arg3[%multiple_of3A, %dma_wait3A_89] : memref<2560x128xi32, #tpu.memory_space<hbm>> -> memref<16x128xi32, #tpu.memory_space<hbm>>
      %dma_wait3A_91 = arith.constant 0 : i32
      %dma_wait3A_92 = arith.constant 0 : i32
      %dma_wait3A_93 = tpu.memref_slice %arg6[%run_scoped3A, %dma_wait3A_91, %dma_wait3A_92] : memref<2x16x128xi32, #tpu.memory_space<vmem>> -> memref<1x16x128xi32, #tpu.memory_space<vmem>>
      %dma_wait3A_94 = tpu.memref_squeeze %dma_wait3A_93 : memref<1x16x128xi32, #tpu.memory_space<vmem>> -> memref<16x128xi32, #tpu.memory_space<vmem>>
      %dma_wait3A_95 = arith.constant 0 : i32
      %dma_wait3A_96 = tpu.memref_slice %arg3[%multiple_of3A, %dma_wait3A_95] : memref<2560x128xi32, #tpu.memory_space<hbm>> -> memref<16x128xi32, #tpu.memory_space<hbm>>
      tpu.wait_dma2 semaphore(%run_scoped3A_73 : memref<!tpu.dma_semaphore, #tpu.memory_space<semaphore_mem>>) src(%dma_wait3A_96 : memref<16x128xi32, #tpu.memory_space<hbm>>) dst(%dma_wait3A_94 : memref<16x128xi32, #tpu.memory_space<vmem>>)
      tpu.yield
    }) : () -> ()
    %add3A_11 = arith.constant 0 : i32
    %add3A_12 = arith.addi %select_n3A, %add3A_11 : i32
    %multiple_of3A_13 = tpu.assume_multiple %add3A_12, 8 : i32
    %run_scoped3A_14 = arith.constant 0 : i32
    "tpu.region"() ({
      %run_scoped3A_73 = tpu.sem_alloc : memref<!tpu.dma_semaphore, #tpu.memory_space<semaphore_mem>>
      %dma_start3A_74 = arith.constant 0 : i32
      %dma_start3A_75 = arith.constant 0 : i32
      %dma_start3A_76 = tpu.memref_slice %arg7[%run_scoped3A_14, %dma_start3A_74, %dma_start3A_75] : memref<2x16x128xi32, #tpu.memory_space<vmem>> -> memref<1x16x128xi32, #tpu.memory_space<vmem>>
      %dma_start3A_77 = tpu.memref_squeeze %dma_start3A_76 : memref<1x16x128xi32, #tpu.memory_space<vmem>> -> memref<16x128xi32, #tpu.memory_space<vmem>>
      %dma_start3A_78 = arith.constant 0 : i32
      %dma_start3A_79 = tpu.memref_slice %arg4[%multiple_of3A_13, %dma_start3A_78] : memref<2560x128xi32, #tpu.memory_space<hbm>> -> memref<16x128xi32, #tpu.memory_space<hbm>>
      %dma_start3A_80 = arith.constant 0 : i32
      %dma_start3A_81 = arith.constant 0 : i32
      %dma_start3A_82 = tpu.memref_slice %arg7[%run_scoped3A_14, %dma_start3A_80, %dma_start3A_81] : memref<2x16x128xi32, #tpu.memory_space<vmem>> -> memref<1x16x128xi32, #tpu.memory_space<vmem>>
      %dma_start3A_83 = tpu.memref_squeeze %dma_start3A_82 : memref<1x16x128xi32, #tpu.memory_space<vmem>> -> memref<16x128xi32, #tpu.memory_space<vmem>>
      %dma_start3A_84 = arith.constant 0 : i32
      %dma_start3A_85 = tpu.memref_slice %arg4[%multiple_of3A_13, %dma_start3A_84] : memref<2560x128xi32, #tpu.memory_space<hbm>> -> memref<16x128xi32, #tpu.memory_space<hbm>>
      tpu.enqueue_dma source(%dma_start3A_85 : memref<16x128xi32, #tpu.memory_space<hbm>>) target(%dma_start3A_83 : memref<16x128xi32, #tpu.memory_space<vmem>>) target_semaphore(%run_scoped3A_73 : memref<!tpu.dma_semaphore, #tpu.memory_space<semaphore_mem>>)
      %dma_wait3A = arith.constant 0 : i32
      %dma_wait3A_86 = arith.constant 0 : i32
      %dma_wait3A_87 = tpu.memref_slice %arg7[%run_scoped3A_14, %dma_wait3A, %dma_wait3A_86] : memref<2x16x128xi32, #tpu.memory_space<vmem>> -> memref<1x16x128xi32, #tpu.memory_space<vmem>>
      %dma_wait3A_88 = tpu.memref_squeeze %dma_wait3A_87 : memref<1x16x128xi32, #tpu.memory_space<vmem>> -> memref<16x128xi32, #tpu.memory_space<vmem>>
      %dma_wait3A_89 = arith.constant 0 : i32
      %dma_wait3A_90 = tpu.memref_slice %arg4[%multiple_of3A_13, %dma_wait3A_89] : memref<2560x128xi32, #tpu.memory_space<hbm>> -> memref<16x128xi32, #tpu.memory_space<hbm>>
      %dma_wait3A_91 = arith.constant 0 : i32
      %dma_wait3A_92 = arith.constant 0 : i32
      %dma_wait3A_93 = tpu.memref_slice %arg7[%run_scoped3A_14, %dma_wait3A_91, %dma_wait3A_92] : memref<2x16x128xi32, #tpu.memory_space<vmem>> -> memref<1x16x128xi32, #tpu.memory_space<vmem>>
      %dma_wait3A_94 = tpu.memref_squeeze %dma_wait3A_93 : memref<1x16x128xi32, #tpu.memory_space<vmem>> -> memref<16x128xi32, #tpu.memory_space<vmem>>
      %dma_wait3A_95 = arith.constant 0 : i32
      %dma_wait3A_96 = tpu.memref_slice %arg4[%multiple_of3A_13, %dma_wait3A_95] : memref<2560x128xi32, #tpu.memory_space<hbm>> -> memref<16x128xi32, #tpu.memory_space<hbm>>
      tpu.wait_dma2 semaphore(%run_scoped3A_73 : memref<!tpu.dma_semaphore, #tpu.memory_space<semaphore_mem>>) src(%dma_wait3A_96 : memref<16x128xi32, #tpu.memory_space<hbm>>) dst(%dma_wait3A_94 : memref<16x128xi32, #tpu.memory_space<vmem>>)
      tpu.yield
    }) : () -> ()
    %scan3A = arith.constant 0 : i32
    %scan3A_15 = arith.constant 0 : i32
    %scan3A_16 = arith.constant 128 : i32
    %scan3A_17 = arith.addi %scan3A_15, %scan3A_16 : i32
    %scan3A_18 = arith.constant 1 : i32
    %scan3A_19 = scf.for %scan3A_73 = %scan3A_15 to %scan3A_17 step %scan3A_18 iter_args(%scan3A_74 = %scan3A) -> (i32)  : i32 {
      %broadcast_in_dim3A = arith.constant 0.000000e+00 : f32
      %broadcast_in_dim3A_75 = vector.broadcast %broadcast_in_dim3A : f32 to vector<16xf32>
      %swap3A = arith.constant 0 : i32
      %swap3A_76 = arith.index_cast %swap3A : i32 to index
      %swap3A_77 = arith.index_cast %scan3A_73 : i32 to index
      %swap3A_78 = arith.constant 0 : index
      %swap3A_79 = tpu.vector_load %arg8[%swap3A_76, %swap3A_77, %swap3A_78] {strides = array<i32>} : memref<2x128x128xf32, #tpu.memory_space<vmem>>, vector<1x1x16xf32>,
      %swap3A_80 = vector.shape_cast %swap3A_79 : vector<1x1x16xf32> to vector<16xf32>
      %swap3A_81 = vector.shape_cast %broadcast_in_dim3A_75 : vector<16xf32> to vector<1x1x16xf32>
      tpu.vector_store %arg8[%swap3A_76, %swap3A_77, %swap3A_78], %swap3A_81 {strides = array<i32>} : memref<2x128x128xf32, #tpu.memory_space<vmem>>, vector<1x1x16xf32>,
      %broadcast_in_dim3A_82 = arith.constant 0.000000e+00 : f32
      %broadcast_in_dim3A_83 = vector.broadcast %broadcast_in_dim3A_82 : f32 to vector<16xf32>
      %swap3A_84 = arith.constant 0 : i32
      %swap3A_85 = arith.index_cast %swap3A_84 : i32 to index
      %swap3A_86 = arith.index_cast %scan3A_73 : i32 to index
      %swap3A_87 = arith.constant 16 : index
      %swap3A_88 = tpu.vector_load %arg8[%swap3A_85, %swap3A_86, %swap3A_87] {strides = array<i32>} : memref<2x128x128xf32, #tpu.memory_space<vmem>>, vector<1x1x16xf32>,
      %swap3A_89 = vector.shape_cast %swap3A_88 : vector<1x1x16xf32> to vector<16xf32>
      %swap3A_90 = vector.shape_cast %broadcast_in_dim3A_83 : vector<16xf32> to vector<1x1x16xf32>
      tpu.vector_store %arg8[%swap3A_85, %swap3A_86, %swap3A_87], %swap3A_90 {strides = array<i32>} : memref<2x128x128xf32, #tpu.memory_space<vmem>>, vector<1x1x16xf32>,
      %broadcast_in_dim3A_91 = arith.constant 0.000000e+00 : f32
      %broadcast_in_dim3A_92 = vector.broadcast %broadcast_in_dim3A_91 : f32 to vector<16xf32>
      %swap3A_93 = arith.constant 0 : i32
      %swap3A_94 = arith.index_cast %swap3A_93 : i32 to index
      %swap3A_95 = arith.index_cast %scan3A_73 : i32 to index
      %swap3A_96 = arith.constant 32 : index
      %swap3A_97 = tpu.vector_load %arg8[%swap3A_94, %swap3A_95, %swap3A_96] {strides = array<i32>} : memref<2x128x128xf32, #tpu.memory_space<vmem>>, vector<1x1x16xf32>,
      %swap3A_98 = vector.shape_cast %swap3A_97 : vector<1x1x16xf32> to vector<16xf32>
      %swap3A_99 = vector.shape_cast %broadcast_in_dim3A_92 : vector<16xf32> to vector<1x1x16xf32>
      tpu.vector_store %arg8[%swap3A_94, %swap3A_95, %swap3A_96], %swap3A_99 {strides = array<i32>} : memref<2x128x128xf32, #tpu.memory_space<vmem>>, vector<1x1x16xf32>,
      %broadcast_in_dim3A_100 = arith.constant 0.000000e+00 : f32
      %broadcast_in_dim3A_101 = vector.broadcast %broadcast_in_dim3A_100 : f32 to vector<16xf32>
      %swap3A_102 = arith.constant 0 : i32
      %swap3A_103 = arith.index_cast %swap3A_102 : i32 to index
      %swap3A_104 = arith.index_cast %scan3A_73 : i32 to index
      %swap3A_105 = arith.constant 48 : index
      %swap3A_106 = tpu.vector_load %arg8[%swap3A_103, %swap3A_104, %swap3A_105] {strides = array<i32>} : memref<2x128x128xf32, #tpu.memory_space<vmem>>, vector<1x1x16xf32>,
      %swap3A_107 = vector.shape_cast %swap3A_106 : vector<1x1x16xf32> to vector<16xf32>
      %swap3A_108 = vector.shape_cast %broadcast_in_dim3A_101 : vector<16xf32> to vector<1x1x16xf32>
      tpu.vector_store %arg8[%swap3A_103, %swap3A_104, %swap3A_105], %swap3A_108 {strides = array<i32>} : memref<2x128x128xf32, #tpu.memory_space<vmem>>, vector<1x1x16xf32>,
      %broadcast_in_dim3A_109 = arith.constant 0.000000e+00 : f32
      %broadcast_in_dim3A_110 = vector.broadcast %broadcast_in_dim3A_109 : f32 to vector<16xf32>
      %swap3A_111 = arith.constant 0 : i32
      %swap3A_112 = arith.index_cast %swap3A_111 : i32 to index
      %swap3A_113 = arith.index_cast %scan3A_73 : i32 to index
      %swap3A_114 = arith.constant 64 : index
      %swap3A_115 = tpu.vector_load %arg8[%swap3A_112, %swap3A_113, %swap3A_114] {strides = array<i32>} : memref<2x128x128xf32, #tpu.memory_space<vmem>>, vector<1x1x16xf32>,
      %swap3A_116 = vector.shape_cast %swap3A_115 : vector<1x1x16xf32> to vector<16xf32>
      %swap3A_117 = vector.shape_cast %broadcast_in_dim3A_110 : vector<16xf32> to vector<1x1x16xf32>
      tpu.vector_store %arg8[%swap3A_112, %swap3A_113, %swap3A_114], %swap3A_117 {strides = array<i32>} : memref<2x128x128xf32, #tpu.memory_space<vmem>>, vector<1x1x16xf32>,
      %broadcast_in_dim3A_118 = arith.constant 0.000000e+00 : f32
      %broadcast_in_dim3A_119 = vector.broadcast %broadcast_in_dim3A_118 : f32 to vector<16xf32>
      %swap3A_120 = arith.constant 0 : i32
      %swap3A_121 = arith.index_cast %swap3A_120 : i32 to index
      %swap3A_122 = arith.index_cast %scan3A_73 : i32 to index
      %swap3A_123 = arith.constant 80 : index
      %swap3A_124 = tpu.vector_load %arg8[%swap3A_121, %swap3A_122, %swap3A_123] {strides = array<i32>} : memref<2x128x128xf32, #tpu.memory_space<vmem>>, vector<1x1x16xf32>,
      %swap3A_125 = vector.shape_cast %swap3A_124 : vector<1x1x16xf32> to vector<16xf32>
      %swap3A_126 = vector.shape_cast %broadcast_in_dim3A_119 : vector<16xf32> to vector<1x1x16xf32>
      tpu.vector_store %arg8[%swap3A_121, %swap3A_122, %swap3A_123], %swap3A_126 {strides = array<i32>} : memref<2x128x128xf32, #tpu.memory_space<vmem>>, vector<1x1x16xf32>,
      %broadcast_in_dim3A_127 = arith.constant 0.000000e+00 : f32
      %broadcast_in_dim3A_128 = vector.broadcast %broadcast_in_dim3A_127 : f32 to vector<16xf32>
      %swap3A_129 = arith.constant 0 : i32
      %swap3A_130 = arith.index_cast %swap3A_129 : i32 to index
      %swap3A_131 = arith.index_cast %scan3A_73 : i32 to index
      %swap3A_132 = arith.constant 96 : index
      %swap3A_133 = tpu.vector_load %arg8[%swap3A_130, %swap3A_131, %swap3A_132] {strides = array<i32>} : memref<2x128x128xf32, #tpu.memory_space<vmem>>, vector<1x1x16xf32>,
      %swap3A_134 = vector.shape_cast %swap3A_133 : vector<1x1x16xf32> to vector<16xf32>
      %swap3A_135 = vector.shape_cast %broadcast_in_dim3A_128 : vector<16xf32> to vector<1x1x16xf32>
      tpu.vector_store %arg8[%swap3A_130, %swap3A_131, %swap3A_132], %swap3A_135 {strides = array<i32>} : memref<2x128x128xf32, #tpu.memory_space<vmem>>, vector<1x1x16xf32>,
      %broadcast_in_dim3A_136 = arith.constant 0.000000e+00 : f32
      %broadcast_in_dim3A_137 = vector.broadcast %broadcast_in_dim3A_136 : f32 to vector<16xf32>
      %swap3A_138 = arith.constant 0 : i32
      %swap3A_139 = arith.index_cast %swap3A_138 : i32 to index
      %swap3A_140 = arith.index_cast %scan3A_73 : i32 to index
      %swap3A_141 = arith.constant 112 : index
      %swap3A_142 = tpu.vector_load %arg8[%swap3A_139, %swap3A_140, %swap3A_141] {strides = array<i32>} : memref<2x128x128xf32, #tpu.memory_space<vmem>>, vector<1x1x16xf32>,
      %swap3A_143 = vector.shape_cast %swap3A_142 : vector<1x1x16xf32> to vector<16xf32>
      %swap3A_144 = vector.shape_cast %broadcast_in_dim3A_137 : vector<16xf32> to vector<1x1x16xf32>
      tpu.vector_store %arg8[%swap3A_139, %swap3A_140, %swap3A_141], %swap3A_144 {strides = array<i32>} : memref<2x128x128xf32, #tpu.memory_space<vmem>>, vector<1x1x16xf32>,
      %scan3A_145 = arith.constant 0 : i32
      scf.yield %scan3A_145 : i32
    }
    %scan3A_20 = arith.constant 128 : i32
    %mul3A_21 = arith.constant 640 : i32
    %mul3A_22 = arith.muli %arg1, %mul3A_21 : i32
    %add3A_23 = arith.constant 0 : i32
    %add3A_24 = arith.addi %mul3A_22, %add3A_23 : i32
    %run_scoped3A_25 = arith.constant 0 : i32
    "tpu.region"() ({
      %run_scoped3A_73 = tpu.sem_alloc : memref<!tpu.dma_semaphore, #tpu.memory_space<semaphore_mem>>
      %dma_start3A_74 = arith.constant 0 : i32
      %dma_start3A_75 = arith.constant 0 : i32
      %dma_start3A_76 = tpu.memref_slice %arg8[%run_scoped3A_25, %dma_start3A_74, %dma_start3A_75] : memref<2x128x128xf32, #tpu.memory_space<vmem>> -> memref<1x128x128xf32, #tpu.memory_space<vmem>>
      %dma_start3A_77 = tpu.memref_squeeze %dma_start3A_76 : memref<1x128x128xf32, #tpu.memory_space<vmem>> -> memref<128x128xf32, #tpu.memory_space<vmem>>
      %dma_start3A_78 = arith.constant 0 : i32
      %dma_start3A_79 = tpu.memref_slice %arg9[%add3A_24, %dma_start3A_78] : memref<10240x128xf32, #tpu.memory_space<vmem_shared>> -> memref<128x128xf32, #tpu.memory_space<vmem_shared>>
      %dma_start3A_80 = arith.constant 0 : i32
      %dma_start3A_81 = tpu.memref_slice %arg9[%add3A_24, %dma_start3A_80] : memref<10240x128xf32, #tpu.memory_space<vmem_shared>> -> memref<128x128xf32, #tpu.memory_space<vmem_shared>>
      %dma_start3A_82 = arith.constant 0 : i32
      %dma_start3A_83 = arith.constant 0 : i32
      %dma_start3A_84 = tpu.memref_slice %arg8[%run_scoped3A_25, %dma_start3A_82, %dma_start3A_83] : memref<2x128x128xf32, #tpu.memory_space<vmem>> -> memref<1x128x128xf32, #tpu.memory_space<vmem>>
      %dma_start3A_85 = tpu.memref_squeeze %dma_start3A_84 : memref<1x128x128xf32, #tpu.memory_space<vmem>> -> memref<128x128xf32, #tpu.memory_space<vmem>>
      tpu.enqueue_dma source(%dma_start3A_85 : memref<128x128xf32, #tpu.memory_space<vmem>>) target(%dma_start3A_81 : memref<128x128xf32, #tpu.memory_space<vmem_shared>>) target_semaphore(%run_scoped3A_73 : memref<!tpu.dma_semaphore, #tpu.memory_space<semaphore_mem>>)
      %dma_wait3A = arith.constant 0 : i32
      %dma_wait3A_86 = arith.constant 0 : i32
      %dma_wait3A_87 = tpu.memref_slice %arg8[%run_scoped3A_25, %dma_wait3A, %dma_wait3A_86] : memref<2x128x128xf32, #tpu.memory_space<vmem>> -> memref<1x128x128xf32, #tpu.memory_space<vmem>>
      %dma_wait3A_88 = tpu.memref_squeeze %dma_wait3A_87 : memref<1x128x128xf32, #tpu.memory_space<vmem>> -> memref<128x128xf32, #tpu.memory_space<vmem>>
      %dma_wait3A_89 = arith.constant 0 : i32
      %dma_wait3A_90 = tpu.memref_slice %arg9[%add3A_24, %dma_wait3A_89] : memref<10240x128xf32, #tpu.memory_space<vmem_shared>> -> memref<128x128xf32, #tpu.memory_space<vmem_shared>>
      %dma_wait3A_91 = arith.constant 0 : i32
      %dma_wait3A_92 = tpu.memref_slice %arg9[%add3A_24, %dma_wait3A_91] : memref<10240x128xf32, #tpu.memory_space<vmem_shared>> -> memref<128x128xf32, #tpu.memory_space<vmem_shared>>
      %dma_wait3A_93 = arith.constant 0 : i32
      %dma_wait3A_94 = arith.constant 0 : i32
      %dma_wait3A_95 = tpu.memref_slice %arg8[%run_scoped3A_25, %dma_wait3A_93, %dma_wait3A_94] : memref<2x128x128xf32, #tpu.memory_space<vmem>> -> memref<1x128x128xf32, #tpu.memory_space<vmem>>
      %dma_wait3A_96 = tpu.memref_squeeze %dma_wait3A_95 : memref<1x128x128xf32, #tpu.memory_space<vmem>> -> memref<128x128xf32, #tpu.memory_space<vmem>>
      tpu.wait_dma2 semaphore(%run_scoped3A_73 : memref<!tpu.dma_semaphore, #tpu.memory_space<semaphore_mem>>) src(%dma_wait3A_96 : memref<128x128xf32, #tpu.memory_space<vmem>>) dst(%dma_wait3A_92 : memref<128x128xf32, #tpu.memory_space<vmem_shared>>)
      tpu.yield
    }) : () -> ()
    %mul3A_26 = arith.constant 640 : i32
    %mul3A_27 = arith.muli %arg1, %mul3A_26 : i32
    %add3A_28 = arith.constant 128 : i32
    %add3A_29 = arith.addi %mul3A_27, %add3A_28 : i32
    %run_scoped3A_30 = arith.constant 0 : i32
    "tpu.region"() ({
      %run_scoped3A_73 = tpu.sem_alloc : memref<!tpu.dma_semaphore, #tpu.memory_space<semaphore_mem>>
      %dma_start3A_74 = arith.constant 0 : i32
      %dma_start3A_75 = arith.constant 0 : i32
      %dma_start3A_76 = tpu.memref_slice %arg8[%run_scoped3A_30, %dma_start3A_74, %dma_start3A_75] : memref<2x128x128xf32, #tpu.memory_space<vmem>> -> memref<1x128x128xf32, #tpu.memory_space<vmem>>
      %dma_start3A_77 = tpu.memref_squeeze %dma_start3A_76 : memref<1x128x128xf32, #tpu.memory_space<vmem>> -> memref<128x128xf32, #tpu.memory_space<vmem>>
      %dma_start3A_78 = arith.constant 0 : i32
      %dma_start3A_79 = tpu.memref_slice %arg9[%add3A_29, %dma_start3A_78] : memref<10240x128xf32, #tpu.memory_space<vmem_shared>> -> memref<128x128xf32, #tpu.memory_space<vmem_shared>>
      %dma_start3A_80 = arith.constant 0 : i32
      %dma_start3A_81 = tpu.memref_slice %arg9[%add3A_29, %dma_start3A_80] : memref<10240x128xf32, #tpu.memory_space<vmem_shared>> -> memref<128x128xf32, #tpu.memory_space<vmem_shared>>
      %dma_start3A_82 = arith.constant 0 : i32
      %dma_start3A_83 = arith.constant 0 : i32
      %dma_start3A_84 = tpu.memref_slice %arg8[%run_scoped3A_30, %dma_start3A_82, %dma_start3A_83] : memref<2x128x128xf32, #tpu.memory_space<vmem>> -> memref<1x128x128xf32, #tpu.memory_space<vmem>>
      %dma_start3A_85 = tpu.memref_squeeze %dma_start3A_84 : memref<1x128x128xf32, #tpu.memory_space<vmem>> -> memref<128x128xf32, #tpu.memory_space<vmem>>
      tpu.enqueue_dma source(%dma_start3A_85 : memref<128x128xf32, #tpu.memory_space<vmem>>) target(%dma_start3A_81 : memref<128x128xf32, #tpu.memory_space<vmem_shared>>) target_semaphore(%run_scoped3A_73 : memref<!tpu.dma_semaphore, #tpu.memory_space<semaphore_mem>>)
      %dma_wait3A = arith.constant 0 : i32
      %dma_wait3A_86 = arith.constant 0 : i32
      %dma_wait3A_87 = tpu.memref_slice %arg8[%run_scoped3A_30, %dma_wait3A, %dma_wait3A_86] : memref<2x128x128xf32, #tpu.memory_space<vmem>> -> memref<1x128x128xf32, #tpu.memory_space<vmem>>
      %dma_wait3A_88 = tpu.memref_squeeze %dma_wait3A_87 : memref<1x128x128xf32, #tpu.memory_space<vmem>> -> memref<128x128xf32, #tpu.memory_space<vmem>>
      %dma_wait3A_89 = arith.constant 0 : i32
      %dma_wait3A_90 = tpu.memref_slice %arg9[%add3A_29, %dma_wait3A_89] : memref<10240x128xf32, #tpu.memory_space<vmem_shared>> -> memref<128x128xf32, #tpu.memory_space<vmem_shared>>
      %dma_wait3A_91 = arith.constant 0 : i32
      %dma_wait3A_92 = tpu.memref_slice %arg9[%add3A_29, %dma_wait3A_91] : memref<10240x128xf32, #tpu.memory_space<vmem_shared>> -> memref<128x128xf32, #tpu.memory_space<vmem_shared>>
      %dma_wait3A_93 = arith.constant 0 : i32
      %dma_wait3A_94 = arith.constant 0 : i32
      %dma_wait3A_95 = tpu.memref_slice %arg8[%run_scoped3A_30, %dma_wait3A_93, %dma_wait3A_94] : memref<2x128x128xf32, #tpu.memory_space<vmem>> -> memref<1x128x128xf32, #tpu.memory_space<vmem>>
      %dma_wait3A_96 = tpu.memref_squeeze %dma_wait3A_95 : memref<1x128x128xf32, #tpu.memory_space<vmem>> -> memref<128x128xf32, #tpu.memory_space<vmem>>
      tpu.wait_dma2 semaphore(%run_scoped3A_73 : memref<!tpu.dma_semaphore, #tpu.memory_space<semaphore_mem>>) src(%dma_wait3A_96 : memref<128x128xf32, #tpu.memory_space<vmem>>) dst(%dma_wait3A_92 : memref<128x128xf32, #tpu.memory_space<vmem_shared>>)
      tpu.yield
    }) : () -> ()
    %mul3A_31 = arith.constant 640 : i32
    %mul3A_32 = arith.muli %arg1, %mul3A_31 : i32
    %add3A_33 = arith.constant 256 : i32
    %add3A_34 = arith.addi %mul3A_32, %add3A_33 : i32
    %run_scoped3A_35 = arith.constant 0 : i32
    "tpu.region"() ({
      %run_scoped3A_73 = tpu.sem_alloc : memref<!tpu.dma_semaphore, #tpu.memory_space<semaphore_mem>>
      %dma_start3A_74 = arith.constant 0 : i32
      %dma_start3A_75 = arith.constant 0 : i32
      %dma_start3A_76 = tpu.memref_slice %arg8[%run_scoped3A_35, %dma_start3A_74, %dma_start3A_75] : memref<2x128x128xf32, #tpu.memory_space<vmem>> -> memref<1x128x128xf32, #tpu.memory_space<vmem>>
      %dma_start3A_77 = tpu.memref_squeeze %dma_start3A_76 : memref<1x128x128xf32, #tpu.memory_space<vmem>> -> memref<128x128xf32, #tpu.memory_space<vmem>>
      %dma_start3A_78 = arith.constant 0 : i32
      %dma_start3A_79 = tpu.memref_slice %arg9[%add3A_34, %dma_start3A_78] : memref<10240x128xf32, #tpu.memory_space<vmem_shared>> -> memref<128x128xf32, #tpu.memory_space<vmem_shared>>
      %dma_start3A_80 = arith.constant 0 : i32
      %dma_start3A_81 = tpu.memref_slice %arg9[%add3A_34, %dma_start3A_80] : memref<10240x128xf32, #tpu.memory_space<vmem_shared>> -> memref<128x128xf32, #tpu.memory_space<vmem_shared>>
      %dma_start3A_82 = arith.constant 0 : i32
      %dma_start3A_83 = arith.constant 0 : i32
      %dma_start3A_84 = tpu.memref_slice %arg8[%run_scoped3A_35, %dma_start3A_82, %dma_start3A_83] : memref<2x128x128xf32, #tpu.memory_space<vmem>> -> memref<1x128x128xf32, #tpu.memory_space<vmem>>
      %dma_start3A_85 = tpu.memref_squeeze %dma_start3A_84 : memref<1x128x128xf32, #tpu.memory_space<vmem>> -> memref<128x128xf32, #tpu.memory_space<vmem>>
      tpu.enqueue_dma source(%dma_start3A_85 : memref<128x128xf32, #tpu.memory_space<vmem>>) target(%dma_start3A_81 : memref<128x128xf32, #tpu.memory_space<vmem_shared>>) target_semaphore(%run_scoped3A_73 : memref<!tpu.dma_semaphore, #tpu.memory_space<semaphore_mem>>)
      %dma_wait3A = arith.constant 0 : i32
      %dma_wait3A_86 = arith.constant 0 : i32
      %dma_wait3A_87 = tpu.memref_slice %arg8[%run_scoped3A_35, %dma_wait3A, %dma_wait3A_86] : memref<2x128x128xf32, #tpu.memory_space<vmem>> -> memref<1x128x128xf32, #tpu.memory_space<vmem>>
      %dma_wait3A_88 = tpu.memref_squeeze %dma_wait3A_87 : memref<1x128x128xf32, #tpu.memory_space<vmem>> -> memref<128x128xf32, #tpu.memory_space<vmem>>
      %dma_wait3A_89 = arith.constant 0 : i32
      %dma_wait3A_90 = tpu.memref_slice %arg9[%add3A_34, %dma_wait3A_89] : memref<10240x128xf32, #tpu.memory_space<vmem_shared>> -> memref<128x128xf32, #tpu.memory_space<vmem_shared>>
      %dma_wait3A_91 = arith.constant 0 : i32
      %dma_wait3A_92 = tpu.memref_slice %arg9[%add3A_34, %dma_wait3A_91] : memref<10240x128xf32, #tpu.memory_space<vmem_shared>> -> memref<128x128xf32, #tpu.memory_space<vmem_shared>>
      %dma_wait3A_93 = arith.constant 0 : i32
      %dma_wait3A_94 = arith.constant 0 : i32
      %dma_wait3A_95 = tpu.memref_slice %arg8[%run_scoped3A_35, %dma_wait3A_93, %dma_wait3A_94] : memref<2x128x128xf32, #tpu.memory_space<vmem>> -> memref<1x128x128xf32, #tpu.memory_space<vmem>>
      %dma_wait3A_96 = tpu.memref_squeeze %dma_wait3A_95 : memref<1x128x128xf32, #tpu.memory_space<vmem>> -> memref<128x128xf32, #tpu.memory_space<vmem>>
      tpu.wait_dma2 semaphore(%run_scoped3A_73 : memref<!tpu.dma_semaphore, #tpu.memory_space<semaphore_mem>>) src(%dma_wait3A_96 : memref<128x128xf32, #tpu.memory_space<vmem>>) dst(%dma_wait3A_92 : memref<128x128xf32, #tpu.memory_space<vmem_shared>>)
      tpu.yield
    }) : () -> ()
    %mul3A_36 = arith.constant 640 : i32
    %mul3A_37 = arith.muli %arg1, %mul3A_36 : i32
    %add3A_38 = arith.constant 384 : i32
    %add3A_39 = arith.addi %mul3A_37, %add3A_38 : i32
    %run_scoped3A_40 = arith.constant 0 : i32
    "tpu.region"() ({
      %run_scoped3A_73 = tpu.sem_alloc : memref<!tpu.dma_semaphore, #tpu.memory_space<semaphore_mem>>
      %dma_start3A_74 = arith.constant 0 : i32
      %dma_start3A_75 = arith.constant 0 : i32
      %dma_start3A_76 = tpu.memref_slice %arg8[%run_scoped3A_40, %dma_start3A_74, %dma_start3A_75] : memref<2x128x128xf32, #tpu.memory_space<vmem>> -> memref<1x128x128xf32, #tpu.memory_space<vmem>>
      %dma_start3A_77 = tpu.memref_squeeze %dma_start3A_76 : memref<1x128x128xf32, #tpu.memory_space<vmem>> -> memref<128x128xf32, #tpu.memory_space<vmem>>
      %dma_start3A_78 = arith.constant 0 : i32
      %dma_start3A_79 = tpu.memref_slice %arg9[%add3A_39, %dma_start3A_78] : memref<10240x128xf32, #tpu.memory_space<vmem_shared>> -> memref<128x128xf32, #tpu.memory_space<vmem_shared>>
      %dma_start3A_80 = arith.constant 0 : i32
      %dma_start3A_81 = tpu.memref_slice %arg9[%add3A_39, %dma_start3A_80] : memref<10240x128xf32, #tpu.memory_space<vmem_shared>> -> memref<128x128xf32, #tpu.memory_space<vmem_shared>>
      %dma_start3A_82 = arith.constant 0 : i32
      %dma_start3A_83 = arith.constant 0 : i32
      %dma_start3A_84 = tpu.memref_slice %arg8[%run_scoped3A_40, %dma_start3A_82, %dma_start3A_83] : memref<2x128x128xf32, #tpu.memory_space<vmem>> -> memref<1x128x128xf32, #tpu.memory_space<vmem>>
      %dma_start3A_85 = tpu.memref_squeeze %dma_start3A_84 : memref<1x128x128xf32, #tpu.memory_space<vmem>> -> memref<128x128xf32, #tpu.memory_space<vmem>>
      tpu.enqueue_dma source(%dma_start3A_85 : memref<128x128xf32, #tpu.memory_space<vmem>>) target(%dma_start3A_81 : memref<128x128xf32, #tpu.memory_space<vmem_shared>>) target_semaphore(%run_scoped3A_73 : memref<!tpu.dma_semaphore, #tpu.memory_space<semaphore_mem>>)
      %dma_wait3A = arith.constant 0 : i32
      %dma_wait3A_86 = arith.constant 0 : i32
      %dma_wait3A_87 = tpu.memref_slice %arg8[%run_scoped3A_40, %dma_wait3A, %dma_wait3A_86] : memref<2x128x128xf32, #tpu.memory_space<vmem>> -> memref<1x128x128xf32, #tpu.memory_space<vmem>>
      %dma_wait3A_88 = tpu.memref_squeeze %dma_wait3A_87 : memref<1x128x128xf32, #tpu.memory_space<vmem>> -> memref<128x128xf32, #tpu.memory_space<vmem>>
      %dma_wait3A_89 = arith.constant 0 : i32
      %dma_wait3A_90 = tpu.memref_slice %arg9[%add3A_39, %dma_wait3A_89] : memref<10240x128xf32, #tpu.memory_space<vmem_shared>> -> memref<128x128xf32, #tpu.memory_space<vmem_shared>>
      %dma_wait3A_91 = arith.constant 0 : i32
      %dma_wait3A_92 = tpu.memref_slice %arg9[%add3A_39, %dma_wait3A_91] : memref<10240x128xf32, #tpu.memory_space<vmem_shared>> -> memref<128x128xf32, #tpu.memory_space<vmem_shared>>
      %dma_wait3A_93 = arith.constant 0 : i32
      %dma_wait3A_94 = arith.constant 0 : i32
      %dma_wait3A_95 = tpu.memref_slice %arg8[%run_scoped3A_40, %dma_wait3A_93, %dma_wait3A_94] : memref<2x128x128xf32, #tpu.memory_space<vmem>> -> memref<1x128x128xf32, #tpu.memory_space<vmem>>
      %dma_wait3A_96 = tpu.memref_squeeze %dma_wait3A_95 : memref<1x128x128xf32, #tpu.memory_space<vmem>> -> memref<128x128xf32, #tpu.memory_space<vmem>>
      tpu.wait_dma2 semaphore(%run_scoped3A_73 : memref<!tpu.dma_semaphore, #tpu.memory_space<semaphore_mem>>) src(%dma_wait3A_96 : memref<128x128xf32, #tpu.memory_space<vmem>>) dst(%dma_wait3A_92 : memref<128x128xf32, #tpu.memory_space<vmem_shared>>)
      tpu.yield
    }) : () -> ()
    %mul3A_41 = arith.constant 640 : i32
    %mul3A_42 = arith.muli %arg1, %mul3A_41 : i32
    %add3A_43 = arith.constant 512 : i32
    %add3A_44 = arith.addi %mul3A_42, %add3A_43 : i32
    %run_scoped3A_45 = arith.constant 0 : i32
    "tpu.region"() ({
      %run_scoped3A_73 = tpu.sem_alloc : memref<!tpu.dma_semaphore, #tpu.memory_space<semaphore_mem>>
      %dma_start3A_74 = arith.constant 0 : i32
      %dma_start3A_75 = arith.constant 0 : i32
      %dma_start3A_76 = tpu.memref_slice %arg8[%run_scoped3A_45, %dma_start3A_74, %dma_start3A_75] : memref<2x128x128xf32, #tpu.memory_space<vmem>> -> memref<1x128x128xf32, #tpu.memory_space<vmem>>
      %dma_start3A_77 = tpu.memref_squeeze %dma_start3A_76 : memref<1x128x128xf32, #tpu.memory_space<vmem>> -> memref<128x128xf32, #tpu.memory_space<vmem>>
      %dma_start3A_78 = arith.constant 0 : i32
      %dma_start3A_79 = tpu.memref_slice %arg9[%add3A_44, %dma_start3A_78] : memref<10240x128xf32, #tpu.memory_space<vmem_shared>> -> memref<128x128xf32, #tpu.memory_space<vmem_shared>>
      %dma_start3A_80 = arith.constant 0 : i32
      %dma_start3A_81 = tpu.memref_slice %arg9[%add3A_44, %dma_start3A_80] : memref<10240x128xf32, #tpu.memory_space<vmem_shared>> -> memref<128x128xf32, #tpu.memory_space<vmem_shared>>
      %dma_start3A_82 = arith.constant 0 : i32
      %dma_start3A_83 = arith.constant 0 : i32
      %dma_start3A_84 = tpu.memref_slice %arg8[%run_scoped3A_45, %dma_start3A_82, %dma_start3A_83] : memref<2x128x128xf32, #tpu.memory_space<vmem>> -> memref<1x128x128xf32, #tpu.memory_space<vmem>>
      %dma_start3A_85 = tpu.memref_squeeze %dma_start3A_84 : memref<1x128x128xf32, #tpu.memory_space<vmem>> -> memref<128x128xf32, #tpu.memory_space<vmem>>
      tpu.enqueue_dma source(%dma_start3A_85 : memref<128x128xf32, #tpu.memory_space<vmem>>) target(%dma_start3A_81 : memref<128x128xf32, #tpu.memory_space<vmem_shared>>) target_semaphore(%run_scoped3A_73 : memref<!tpu.dma_semaphore, #tpu.memory_space<semaphore_mem>>)
      %dma_wait3A = arith.constant 0 : i32
      %dma_wait3A_86 = arith.constant 0 : i32
      %dma_wait3A_87 = tpu.memref_slice %arg8[%run_scoped3A_45, %dma_wait3A, %dma_wait3A_86] : memref<2x128x128xf32, #tpu.memory_space<vmem>> -> memref<1x128x128xf32, #tpu.memory_space<vmem>>
      %dma_wait3A_88 = tpu.memref_squeeze %dma_wait3A_87 : memref<1x128x128xf32, #tpu.memory_space<vmem>> -> memref<128x128xf32, #tpu.memory_space<vmem>>
      %dma_wait3A_89 = arith.constant 0 : i32
      %dma_wait3A_90 = tpu.memref_slice %arg9[%add3A_44, %dma_wait3A_89] : memref<10240x128xf32, #tpu.memory_space<vmem_shared>> -> memref<128x128xf32, #tpu.memory_space<vmem_shared>>
      %dma_wait3A_91 = arith.constant 0 : i32
      %dma_wait3A_92 = tpu.memref_slice %arg9[%add3A_44, %dma_wait3A_91] : memref<10240x128xf32, #tpu.memory_space<vmem_shared>> -> memref<128x128xf32, #tpu.memory_space<vmem_shared>>
      %dma_wait3A_93 = arith.constant 0 : i32
      %dma_wait3A_94 = arith.constant 0 : i32
      %dma_wait3A_95 = tpu.memref_slice %arg8[%run_scoped3A_45, %dma_wait3A_93, %dma_wait3A_94] : memref<2x128x128xf32, #tpu.memory_space<vmem>> -> memref<1x128x128xf32, #tpu.memory_space<vmem>>
      %dma_wait3A_96 = tpu.memref_squeeze %dma_wait3A_95 : memref<1x128x128xf32, #tpu.memory_space<vmem>> -> memref<128x128xf32, #tpu.memory_space<vmem>>
      tpu.wait_dma2 semaphore(%run_scoped3A_73 : memref<!tpu.dma_semaphore, #tpu.memory_space<semaphore_mem>>) src(%dma_wait3A_96 : memref<128x128xf32, #tpu.memory_space<vmem>>) dst(%dma_wait3A_92 : memref<128x128xf32, #tpu.memory_space<vmem_shared>>)
      tpu.yield
    }) : () -> ()
    %dma_start3A = arith.constant 0 : i32
    %dma_start3A_46 = arith.constant 0 : i32
    %dma_start3A_47 = arith.constant 0 : i32
    %dma_start3A_48 = arith.constant 0 : i32
    %dma_start3A_49 = arith.constant 0 : i32
    %dma_start3A_50 = tpu.memref_slice %arg8[%dma_start3A_47, %dma_start3A_48, %dma_start3A_49] : memref<2x128x128xf32, #tpu.memory_space<vmem>> -> memref<1x128x128xf32, #tpu.memory_space<vmem>>
    %dma_start3A_51 = tpu.memref_squeeze %dma_start3A_50 : memref<1x128x128xf32, #tpu.memory_space<vmem>> -> memref<128x128xf32, #tpu.memory_space<vmem>>
    %dma_start3A_52 = arith.constant 0 : i32
    %dma_start3A_53 = tpu.memref_slice %arg6[%dma_start3A, %dma_start3A_46, %dma_start3A_52] : memref<2x16x128xi32, #tpu.memory_space<vmem>> -> memref<1x1x128xi32, #tpu.memory_space<vmem>>
    %dma_start3A_54 = tpu.memref_squeeze %dma_start3A_53 : memref<1x1x128xi32, #tpu.memory_space<vmem>> -> memref<128xi32, #tpu.memory_space<vmem>>
    %dma_start3A_55 = arith.constant 0 : i32
    %dma_start3A_56 = arith.constant 0 : i32
    %dma_start3A_57 = tpu.memref_slice %arg2[%dma_start3A_55, %dma_start3A_56] : memref<10240x128xf32, #tpu.memory_space<hbm>> -> memref<10240x128xf32, #tpu.memory_space<hbm>>
    tpu.enqueue_indirect_dma source(%dma_start3A_57 : memref<10240x128xf32, #tpu.memory_space<hbm>>) target(%dma_start3A_51 : memref<128x128xf32, #tpu.memory_space<vmem>>) offsets(%dma_start3A_54 : memref<128xi32, #tpu.memory_space<vmem>>) semaphore(%arg10 : memref<!tpu.dma_semaphore, #tpu.memory_space<semaphore_mem>>)
    %barrier3A = arith.constant 0 : index
    tpu.barrier barrier_id(%barrier3A)
    %while3A = arith.constant 0 : i32
    %while3A_58 = arith.constant 0 : i32
    %while3A_59 = arith.subi %select_n3A_8, %while3A : i32
    %while3A_60 = arith.addi %while3A, %while3A_59 : i32
    %while3A_61 = arith.constant 1 : i32
    %while3A_62 = arith.divsi %while3A_59, %while3A_61 : i32
    %while3A_63 = arith.muli %while3A_62, %while3A_61 : i32
    %while3A_64 = arith.addi %while3A, %while3A_63 : i32
    %while3A_65 = arith.constant 1 : i32
    %while3A_66 = scf.for %while3A_73 = %while3A to %while3A_64 step %while3A_65 iter_args(%while3A_74 = %while3A_58) -> (i32)  : i32 {
      %mul3A_75 = arith.constant 2 : i32
      %mul3A_76 = arith.muli %mul3A_75, %while3A_73 : i32
      %jit3A_77 = arith.constant 16 : i32
      %div3A = arith.divsi %mul3A_76, %jit3A_77 : i32
      %sign3A = arith.constant 0 : i32
      %sign3A_78 = arith.cmpi sgt, %mul3A_76, %sign3A : i32
      %sign3A_79 = arith.extui %sign3A_78 : i1 to i32
      %sign3A_80 = arith.constant 0 : i32
      %sign3A_81 = arith.cmpi slt, %mul3A_76, %sign3A_80 : i32
      %sign3A_82 = arith.extui %sign3A_81 : i1 to i32
      %sign3A_83 = arith.subi %sign3A_79, %sign3A_82 : i32
      %sign3A_84 = arith.constant 0 : i32
      %sign3A_85 = arith.cmpi sgt, %jit3A_77, %sign3A_84 : i32
      %sign3A_86 = arith.extui %sign3A_85 : i1 to i32
      %sign3A_87 = arith.constant 0 : i32
      %sign3A_88 = arith.cmpi slt, %jit3A_77, %sign3A_87 : i32
      %sign3A_89 = arith.extui %sign3A_88 : i1 to i32
      %sign3A_90 = arith.subi %sign3A_86, %sign3A_89 : i32
      %ne3A = arith.cmpi ne, %sign3A_83, %sign3A_90 : i32
      %rem3A = arith.remsi %mul3A_76, %jit3A_77 : i32
      %ne3A_91 = arith.constant 0 : i32
      %ne3A_92 = arith.cmpi ne, %rem3A, %ne3A_91 : i32
      %and3A = arith.andi %ne3A, %ne3A_92 : i1
      %sub3A = arith.constant 1 : i32
      %sub3A_93 = arith.subi %div3A, %sub3A : i32
      %select_n3A_94 = arith.select %and3A, %sub3A_93, %div3A : i32
      %jit3A_95 = arith.constant 2 : i32
      %eq3A_96 = arith.constant 0 : i32
      %eq3A_97 = arith.cmpi eq, %jit3A_95, %eq3A_96 : i32
      %jit3A_98 = arith.constant 1 : i32
      %select_n3A_99 = arith.select %eq3A_97, %jit3A_98, %jit3A_95 : i32
      %rem3A_100 = arith.remsi %select_n3A_94, %select_n3A_99 : i32
      %ne3A_101 = arith.constant 0 : i32
      %ne3A_102 = arith.cmpi ne, %rem3A_100, %ne3A_101 : i32
      %lt3A = arith.constant 0 : i32
      %lt3A_103 = arith.cmpi slt, %rem3A_100, %lt3A : i32
      %lt3A_104 = arith.constant 0 : i32
      %lt3A_105 = arith.cmpi slt, %select_n3A_99, %lt3A_104 : i32
      %ne3A_106 = arith.xori %lt3A_103, %lt3A_105 : i1
      %and3A_107 = arith.andi %ne3A_106, %ne3A_102 : i1
      %add3A_108 = arith.addi %rem3A_100, %select_n3A_99 : i32
      %select_n3A_109 = arith.select %and3A_107, %add3A_108, %rem3A_100 : i32
      %jit3A_110 = arith.constant 16 : i32
      %eq3A_111 = arith.constant 0 : i32
      %eq3A_112 = arith.cmpi eq, %jit3A_110, %eq3A_111 : i32
      %jit3A_113 = arith.constant 1 : i32
      %select_n3A_114 = arith.select %eq3A_112, %jit3A_113, %jit3A_110 : i32
      %rem3A_115 = arith.remsi %mul3A_76, %select_n3A_114 : i32
      %ne3A_116 = arith.constant 0 : i32
      %ne3A_117 = arith.cmpi ne, %rem3A_115, %ne3A_116 : i32
      %lt3A_118 = arith.constant 0 : i32
      %lt3A_119 = arith.cmpi slt, %rem3A_115, %lt3A_118 : i32
      %lt3A_120 = arith.constant 0 : i32
      %lt3A_121 = arith.cmpi slt, %select_n3A_114, %lt3A_120 : i32
      %ne3A_122 = arith.xori %lt3A_119, %lt3A_121 : i1
      %and3A_123 = arith.andi %ne3A_122, %ne3A_117 : i1
      %add3A_124 = arith.addi %rem3A_115, %select_n3A_114 : i32
      %select_n3A_125 = arith.select %and3A_123, %add3A_124, %rem3A_115 : i32
      %jit3A_126 = arith.constant 8 : i32
      %eq3A_127 = arith.constant 0 : i32
      %eq3A_128 = arith.cmpi eq, %jit3A_126, %eq3A_127 : i32
      %jit3A_129 = arith.constant 1 : i32
      %select_n3A_130 = arith.select %eq3A_128, %jit3A_129, %jit3A_126 : i32
      %rem3A_131 = arith.remsi %while3A_73, %select_n3A_130 : i32
      %ne3A_132 = arith.constant 0 : i32
      %ne3A_133 = arith.cmpi ne, %rem3A_131, %ne3A_132 : i32
      %lt3A_134 = arith.constant 0 : i32
      %lt3A_135 = arith.cmpi slt, %rem3A_131, %lt3A_134 : i32
      %lt3A_136 = arith.constant 0 : i32
      %lt3A_137 = arith.cmpi slt, %select_n3A_130, %lt3A_136 : i32
      %ne3A_138 = arith.xori %lt3A_135, %lt3A_137 : i1
      %and3A_139 = arith.andi %ne3A_138, %ne3A_133 : i1
      %add3A_140 = arith.addi %rem3A_131, %select_n3A_130 : i32
      %select_n3A_141 = arith.select %and3A_139, %add3A_140, %rem3A_131 : i32
      %eq3A_142 = arith.constant 0 : i32
      %eq3A_143 = arith.cmpi eq, %select_n3A_141, %eq3A_142 : i32
      %sub3A_144 = arith.constant 8 : i32
      %sub3A_145 = arith.subi %select_n3A_8, %sub3A_144 : i32
      %lt3A_146 = arith.cmpi slt, %while3A_73, %sub3A_145 : i32
      %and3A_147 = arith.andi %eq3A_143, %lt3A_146 : i1
      %convert_element_type3A_148 = arith.extui %and3A_147 : i1 to i32
      %cond3A_149 = arith.constant 0 : i32
      %cond3A_150 = arith.cmpi ne, %convert_element_type3A_148, %cond3A_149 : i32
      scf.if %cond3A_150 {
        %jit3A_219 = arith.constant 8 : i32
        %div3A_220 = arith.divsi %while3A_73, %jit3A_219 : i32
        %sign3A_221 = arith.constant 0 : i32
        %sign3A_222 = arith.cmpi sgt, %while3A_73, %sign3A_221 : i32
        %sign3A_223 = arith.extui %sign3A_222 : i1 to i32
        %sign3A_224 = arith.constant 0 : i32
        %sign3A_225 = arith.cmpi slt, %while3A_73, %sign3A_224 : i32
        %sign3A_226 = arith.extui %sign3A_225 : i1 to i32
        %sign3A_227 = arith.subi %sign3A_223, %sign3A_226 : i32
        %sign3A_228 = arith.constant 0 : i32
        %sign3A_229 = arith.cmpi sgt, %jit3A_219, %sign3A_228 : i32
        %sign3A_230 = arith.extui %sign3A_229 : i1 to i32
        %sign3A_231 = arith.constant 0 : i32
        %sign3A_232 = arith.cmpi slt, %jit3A_219, %sign3A_231 : i32
        %sign3A_233 = arith.extui %sign3A_232 : i1 to i32
        %sign3A_234 = arith.subi %sign3A_230, %sign3A_233 : i32
        %ne3A_235 = arith.cmpi ne, %sign3A_227, %sign3A_234 : i32
        %rem3A_236 = arith.remsi %while3A_73, %jit3A_219 : i32
        %ne3A_237 = arith.constant 0 : i32
        %ne3A_238 = arith.cmpi ne, %rem3A_236, %ne3A_237 : i32
        %and3A_239 = arith.andi %ne3A_235, %ne3A_238 : i1
        %sub3A_240 = arith.constant 1 : i32
        %sub3A_241 = arith.subi %div3A_220, %sub3A_240 : i32
        %select_n3A_242 = arith.select %and3A_239, %sub3A_241, %div3A_220 : i32
        %add3A_243 = arith.constant 1 : i32
        %add3A_244 = arith.addi %select_n3A_242, %add3A_243 : i32
        %mul3A_245 = arith.constant 16 : i32
        %mul3A_246 = arith.muli %add3A_244, %mul3A_245 : i32
        %add3A_247 = arith.addi %select_n3A, %mul3A_246 : i32
        %multiple_of3A_248 = tpu.assume_multiple %add3A_247, 8 : i32
        %jit3A_249 = arith.constant 2 : i32
        %eq3A_250 = arith.constant 0 : i32
        %eq3A_251 = arith.cmpi eq, %jit3A_249, %eq3A_250 : i32
        %jit3A_252 = arith.constant 1 : i32
        %select_n3A_253 = arith.select %eq3A_251, %jit3A_252, %jit3A_249 : i32
        %rem3A_254 = arith.remsi %add3A_244, %select_n3A_253 : i32
        %ne3A_255 = arith.constant 0 : i32
        %ne3A_256 = arith.cmpi ne, %rem3A_254, %ne3A_255 : i32
        %lt3A_257 = arith.constant 0 : i32
        %lt3A_258 = arith.cmpi slt, %rem3A_254, %lt3A_257 : i32
        %lt3A_259 = arith.constant 0 : i32
        %lt3A_260 = arith.cmpi slt, %select_n3A_253, %lt3A_259 : i32
        %ne3A_261 = arith.xori %lt3A_258, %lt3A_260 : i1
        %and3A_262 = arith.andi %ne3A_261, %ne3A_256 : i1
        %add3A_263 = arith.addi %rem3A_254, %select_n3A_253 : i32
        %select_n3A_264 = arith.select %and3A_262, %add3A_263, %rem3A_254 : i32
        %dma_start3A_265 = arith.constant 0 : i32
        %dma_start3A_266 = arith.constant 0 : i32
        %dma_start3A_267 = tpu.memref_slice %arg6[%select_n3A_264, %dma_start3A_265, %dma_start3A_266] : memref<2x16x128xi32, #tpu.memory_space<vmem>> -> memref<1x16x128xi32, #tpu.memory_space<vmem>>
        %dma_start3A_268 = tpu.memref_squeeze %dma_start3A_267 : memref<1x16x128xi32, #tpu.memory_space<vmem>> -> memref<16x128xi32, #tpu.memory_space<vmem>>
        %dma_start3A_269 = arith.constant 0 : i32
        %dma_start3A_270 = tpu.memref_slice %arg3[%multiple_of3A_248, %dma_start3A_269] : memref<2560x128xi32, #tpu.memory_space<hbm>> -> memref<16x128xi32, #tpu.memory_space<hbm>>
        %dma_start3A_271 = arith.constant 0 : i32
        %dma_start3A_272 = arith.constant 0 : i32
        %dma_start3A_273 = tpu.memref_slice %arg6[%select_n3A_264, %dma_start3A_271, %dma_start3A_272] : memref<2x16x128xi32, #tpu.memory_space<vmem>> -> memref<1x16x128xi32, #tpu.memory_space<vmem>>
        %dma_start3A_274 = tpu.memref_squeeze %dma_start3A_273 : memref<1x16x128xi32, #tpu.memory_space<vmem>> -> memref<16x128xi32, #tpu.memory_space<vmem>>
        %dma_start3A_275 = arith.constant 0 : i32
        %dma_start3A_276 = tpu.memref_slice %arg3[%multiple_of3A_248, %dma_start3A_275] : memref<2560x128xi32, #tpu.memory_space<hbm>> -> memref<16x128xi32, #tpu.memory_space<hbm>>
        tpu.enqueue_dma source(%dma_start3A_276 : memref<16x128xi32, #tpu.memory_space<hbm>>) target(%dma_start3A_274 : memref<16x128xi32, #tpu.memory_space<vmem>>) target_semaphore(%arg13 : memref<!tpu.dma_semaphore, #tpu.memory_space<semaphore_mem>>)
        %mul3A_277 = arith.constant 16 : i32
        %mul3A_278 = arith.muli %add3A_244, %mul3A_277 : i32
        %add3A_279 = arith.addi %select_n3A, %mul3A_278 : i32
        %multiple_of3A_280 = tpu.assume_multiple %add3A_279, 8 : i32
        %jit3A_281 = arith.constant 2 : i32
        %eq3A_282 = arith.constant 0 : i32
        %eq3A_283 = arith.cmpi eq, %jit3A_281, %eq3A_282 : i32
        %jit3A_284 = arith.constant 1 : i32
        %select_n3A_285 = arith.select %eq3A_283, %jit3A_284, %jit3A_281 : i32
        %rem3A_286 = arith.remsi %add3A_244, %select_n3A_285 : i32
        %ne3A_287 = arith.constant 0 : i32
        %ne3A_288 = arith.cmpi ne, %rem3A_286, %ne3A_287 : i32
        %lt3A_289 = arith.constant 0 : i32
        %lt3A_290 = arith.cmpi slt, %rem3A_286, %lt3A_289 : i32
        %lt3A_291 = arith.constant 0 : i32
        %lt3A_292 = arith.cmpi slt, %select_n3A_285, %lt3A_291 : i32
        %ne3A_293 = arith.xori %lt3A_290, %lt3A_292 : i1
        %and3A_294 = arith.andi %ne3A_293, %ne3A_288 : i1
        %add3A_295 = arith.addi %rem3A_286, %select_n3A_285 : i32
        %select_n3A_296 = arith.select %and3A_294, %add3A_295, %rem3A_286 : i32
        %dma_start3A_297 = arith.constant 0 : i32
        %dma_start3A_298 = arith.constant 0 : i32
        %dma_start3A_299 = tpu.memref_slice %arg7[%select_n3A_296, %dma_start3A_297, %dma_start3A_298] : memref<2x16x128xi32, #tpu.memory_space<vmem>> -> memref<1x16x128xi32, #tpu.memory_space<vmem>>
        %dma_start3A_300 = tpu.memref_squeeze %dma_start3A_299 : memref<1x16x128xi32, #tpu.memory_space<vmem>> -> memref<16x128xi32, #tpu.memory_space<vmem>>
        %dma_start3A_301 = arith.constant 0 : i32
        %dma_start3A_302 = tpu.memref_slice %arg4[%multiple_of3A_280, %dma_start3A_301] : memref<2560x128xi32, #tpu.memory_space<hbm>> -> memref<16x128xi32, #tpu.memory_space<hbm>>
        %dma_start3A_303 = arith.constant 0 : i32
        %dma_start3A_304 = arith.constant 0 : i32
        %dma_start3A_305 = tpu.memref_slice %arg7[%select_n3A_296, %dma_start3A_303, %dma_start3A_304] : memref<2x16x128xi32, #tpu.memory_space<vmem>> -> memref<1x16x128xi32, #tpu.memory_space<vmem>>
        %dma_start3A_306 = tpu.memref_squeeze %dma_start3A_305 : memref<1x16x128xi32, #tpu.memory_space<vmem>> -> memref<16x128xi32, #tpu.memory_space<vmem>>
        %dma_start3A_307 = arith.constant 0 : i32
        %dma_start3A_308 = tpu.memref_slice %arg4[%multiple_of3A_280, %dma_start3A_307] : memref<2560x128xi32, #tpu.memory_space<hbm>> -> memref<16x128xi32, #tpu.memory_space<hbm>>
        tpu.enqueue_dma source(%dma_start3A_308 : memref<16x128xi32, #tpu.memory_space<hbm>>) target(%dma_start3A_306 : memref<16x128xi32, #tpu.memory_space<vmem>>) target_semaphore(%arg13 : memref<!tpu.dma_semaphore, #tpu.memory_space<semaphore_mem>>)
      } else {
      }
      %dma_wait3A = arith.constant 0 : i32
      %dma_wait3A_151 = arith.constant 0 : i32
      %dma_wait3A_152 = arith.constant 0 : i32
      %dma_wait3A_153 = tpu.memref_slice %arg8[%dma_wait3A, %dma_wait3A_151, %dma_wait3A_152] : memref<2x128x128xf32, #tpu.memory_space<vmem>> -> memref<1x128x128xf32, #tpu.memory_space<vmem>>
      %dma_wait3A_154 = tpu.memref_squeeze %dma_wait3A_153 : memref<1x128x128xf32, #tpu.memory_space<vmem>> -> memref<128x128xf32, #tpu.memory_space<vmem>>
      %dma_wait3A_155 = arith.constant 0 : i32
      %dma_wait3A_156 = tpu.memref_slice %arg6[%select_n3A_109, %select_n3A_125, %dma_wait3A_155] : memref<2x16x128xi32, #tpu.memory_space<vmem>> -> memref<1x1x128xi32, #tpu.memory_space<vmem>>
      %dma_wait3A_157 = tpu.memref_squeeze %dma_wait3A_156 : memref<1x1x128xi32, #tpu.memory_space<vmem>> -> memref<128xi32, #tpu.memory_space<vmem>>
      %dma_wait3A_158 = arith.constant 0 : i32
      %dma_wait3A_159 = arith.constant 0 : i32
      %dma_wait3A_160 = tpu.memref_slice %arg2[%dma_wait3A_158, %dma_wait3A_159] : memref<10240x128xf32, #tpu.memory_space<hbm>> -> memref<10240x128xf32, #tpu.memory_space<hbm>>
      tpu.wait_indirect_dma semaphore(%arg10 : memref<!tpu.dma_semaphore, #tpu.memory_space<semaphore_mem>>) src(%dma_wait3A_160 : memref<10240x128xf32, #tpu.memory_space<hbm>>) dst(%dma_wait3A_154 : memref<128x128xf32, #tpu.memory_space<vmem>>)
      %add3A_161 = arith.constant 1 : i32
      %add3A_162 = arith.addi %select_n3A_125, %add3A_161 : i32
      %dma_start3A_163 = arith.constant 1 : i32
      %dma_start3A_164 = arith.constant 0 : i32
      %dma_start3A_165 = arith.constant 0 : i32
      %dma_start3A_166 = tpu.memref_slice %arg8[%dma_start3A_163, %dma_start3A_164, %dma_start3A_165] : memref<2x128x128xf32, #tpu.memory_space<vmem>> -> memref<1x128x128xf32, #tpu.memory_space<vmem>>
      %dma_start3A_167 = tpu.memref_squeeze %dma_start3A_166 : memref<1x128x128xf32, #tpu.memory_space<vmem>> -> memref<128x128xf32, #tpu.memory_space<vmem>>
      %dma_start3A_168 = arith.constant 0 : i32
      %dma_start3A_169 = tpu.memref_slice %arg6[%select_n3A_109, %add3A_162, %dma_start3A_168] : memref<2x16x128xi32, #tpu.memory_space<vmem>> -> memref<1x1x128xi32, #tpu.memory_space<vmem>>
      %dma_start3A_170 = tpu.memref_squeeze %dma_start3A_169 : memref<1x1x128xi32, #tpu.memory_space<vmem>> -> memref<128xi32, #tpu.memory_space<vmem>>
      %dma_start3A_171 = arith.constant 0 : i32
      %dma_start3A_172 = arith.constant 0 : i32
      %dma_start3A_173 = tpu.memref_slice %arg2[%dma_start3A_171, %dma_start3A_172] : memref<10240x128xf32, #tpu.memory_space<hbm>> -> memref<10240x128xf32, #tpu.memory_space<hbm>>
      tpu.enqueue_indirect_dma source(%dma_start3A_173 : memref<10240x128xf32, #tpu.memory_space<hbm>>) target(%dma_start3A_167 : memref<128x128xf32, #tpu.memory_space<vmem>>) offsets(%dma_start3A_170 : memref<128xi32, #tpu.memory_space<vmem>>) semaphore(%arg11 : memref<!tpu.dma_semaphore, #tpu.memory_space<semaphore_mem>>)
      %dma_start3A_174 = arith.constant 0 : i32
      %dma_start3A_175 = arith.constant 0 : i32
      %dma_start3A_176 = arith.constant 0 : i32
      %dma_start3A_177 = tpu.memref_slice %arg8[%dma_start3A_174, %dma_start3A_175, %dma_start3A_176] : memref<2x128x128xf32, #tpu.memory_space<vmem>> -> memref<1x128x128xf32, #tpu.memory_space<vmem>>
      %dma_start3A_178 = tpu.memref_squeeze %dma_start3A_177 : memref<1x128x128xf32, #tpu.memory_space<vmem>> -> memref<128x128xf32, #tpu.memory_space<vmem>>
      %dma_start3A_179 = arith.constant 0 : i32
      %dma_start3A_180 = tpu.memref_slice %arg7[%select_n3A_109, %select_n3A_125, %dma_start3A_179] : memref<2x16x128xi32, #tpu.memory_space<vmem>> -> memref<1x1x128xi32, #tpu.memory_space<vmem>>
      %dma_start3A_181 = tpu.memref_squeeze %dma_start3A_180 : memref<1x1x128xi32, #tpu.memory_space<vmem>> -> memref<128xi32, #tpu.memory_space<vmem>>
      %dma_start3A_182 = arith.constant 0 : i32
      %dma_start3A_183 = arith.constant 0 : i32
      %dma_start3A_184 = tpu.memref_slice %arg9[%dma_start3A_182, %dma_start3A_183] : memref<10240x128xf32, #tpu.memory_space<vmem_shared>> -> memref<10240x128xf32, #tpu.memory_space<vmem_shared>>
      tpu.enqueue_indirect_dma source(%dma_start3A_178 : memref<128x128xf32, #tpu.memory_space<vmem>>) target(%dma_start3A_184 : memref<10240x128xf32, #tpu.memory_space<vmem_shared>>) offsets(%dma_start3A_181 : memref<128xi32, #tpu.memory_space<vmem>>) semaphore(%arg12 : memref<!tpu.dma_semaphore, #tpu.memory_space<semaphore_mem>>) {add = true}
      %add3A_185 = arith.constant 1 : i32
      %add3A_186 = arith.addi %select_n3A_125, %add3A_185 : i32
      %dma_wait3A_187 = arith.constant 1 : i32
      %dma_wait3A_188 = arith.constant 0 : i32
      %dma_wait3A_189 = arith.constant 0 : i32
      %dma_wait3A_190 = tpu.memref_slice %arg8[%dma_wait3A_187, %dma_wait3A_188, %dma_wait3A_189] : memref<2x128x128xf32, #tpu.memory_space<vmem>> -> memref<1x128x128xf32, #tpu.memory_space<vmem>>
      %dma_wait3A_191 = tpu.memref_squeeze %dma_wait3A_190 : memref<1x128x128xf32, #tpu.memory_space<vmem>> -> memref<128x128xf32, #tpu.memory_space<vmem>>
      %dma_wait3A_192 = arith.constant 0 : i32
      %dma_wait3A_193 = tpu.memref_slice %arg6[%select_n3A_109, %add3A_186, %dma_wait3A_192] : memref<2x16x128xi32, #tpu.memory_space<vmem>> -> memref<1x1x128xi32, #tpu.memory_space<vmem>>
      %dma_wait3A_194 = tpu.memref_squeeze %dma_wait3A_193 : memref<1x1x128xi32, #tpu.memory_space<vmem>> -> memref<128xi32, #tpu.memory_space<vmem>>
      %dma_wait3A_195 = arith.constant 0 : i32
      %dma_wait3A_196 = arith.constant 0 : i32
      %dma_wait3A_197 = tpu.memref_slice %arg2[%dma_wait3A_195, %dma_wait3A_196] : memref<10240x128xf32, #tpu.memory_space<hbm>> -> memref<10240x128xf32, #tpu.memory_space<hbm>>
      tpu.wait_indirect_dma semaphore(%arg11 : memref<!tpu.dma_semaphore, #tpu.memory_space<semaphore_mem>>) src(%dma_wait3A_197 : memref<10240x128xf32, #tpu.memory_space<hbm>>) dst(%dma_wait3A_191 : memref<128x128xf32, #tpu.memory_space<vmem>>)
      %dma_wait3A_198 = arith.constant 0 : i32
      %dma_wait3A_199 = arith.constant 0 : i32
      %dma_wait3A_200 = arith.constant 0 : i32
      %dma_wait3A_201 = tpu.memref_slice %arg8[%dma_wait3A_198, %dma_wait3A_199, %dma_wait3A_200] : memref<2x128x128xf32, #tpu.memory_space<vmem>> -> memref<1x128x128xf32, #tpu.memory_space<vmem>>
      %dma_wait3A_202 = tpu.memref_squeeze %dma_wait3A_201 : memref<1x128x128xf32, #tpu.memory_space<vmem>> -> memref<128x128xf32, #tpu.memory_space<vmem>>
      %dma_wait3A_203 = arith.constant 0 : i32
      %dma_wait3A_204 = tpu.memref_slice %arg7[%select_n3A_109, %select_n3A_125, %dma_wait3A_203] : memref<2x16x128xi32, #tpu.memory_space<vmem>> -> memref<1x1x128xi32, #tpu.memory_space<vmem>>
      %dma_wait3A_205 = tpu.memref_squeeze %dma_wait3A_204 : memref<1x1x128xi32, #tpu.memory_space<vmem>> -> memref<128xi32, #tpu.memory_space<vmem>>
      %dma_wait3A_206 = arith.constant 0 : i32
      %dma_wait3A_207 = arith.constant 0 : i32
      %dma_wait3A_208 = tpu.memref_slice %arg9[%dma_wait3A_206, %dma_wait3A_207] : memref<10240x128xf32, #tpu.memory_space<vmem_shared>> -> memref<10240x128xf32, #tpu.memory_space<vmem_shared>>
      tpu.wait_indirect_dma semaphore(%arg12 : memref<!tpu.dma_semaphore, #tpu.memory_space<semaphore_mem>>) src(%dma_wait3A_202 : memref<128x128xf32, #tpu.memory_space<vmem>>) dst(%dma_wait3A_208 : memref<10240x128xf32, #tpu.memory_space<vmem_shared>>)
      %sub3A_209 = arith.constant 1 : i32
      %sub3A_210 = arith.subi %select_n3A_8, %sub3A_209 : i32
      %lt3A_211 = arith.cmpi slt, %while3A_73, %sub3A_210 : i32
      %convert_element_type3A_212 = arith.extui %lt3A_211 : i1 to i32
      %cond3A_213 = arith.constant 0 : i32
      %cond3A_214 = arith.cmpi ne, %convert_element_type3A_212, %cond3A_213 : i32
      scf.if %cond3A_214 {
        %add3A_219 = arith.constant 2 : i32
        %add3A_220 = arith.addi %mul3A_76, %add3A_219 : i32
        %jit3A_221 = arith.constant 16 : i32
        %div3A_222 = arith.divsi %add3A_220, %jit3A_221 : i32
        %sign3A_223 = arith.constant 0 : i32
        %sign3A_224 = arith.cmpi sgt, %add3A_220, %sign3A_223 : i32
        %sign3A_225 = arith.extui %sign3A_224 : i1 to i32
        %sign3A_226 = arith.constant 0 : i32
        %sign3A_227 = arith.cmpi slt, %add3A_220, %sign3A_226 : i32
        %sign3A_228 = arith.extui %sign3A_227 : i1 to i32
        %sign3A_229 = arith.subi %sign3A_225, %sign3A_228 : i32
        %sign3A_230 = arith.constant 0 : i32
        %sign3A_231 = arith.cmpi sgt, %jit3A_221, %sign3A_230 : i32
        %sign3A_232 = arith.extui %sign3A_231 : i1 to i32
        %sign3A_233 = arith.constant 0 : i32
        %sign3A_234 = arith.cmpi slt, %jit3A_221, %sign3A_233 : i32
        %sign3A_235 = arith.extui %sign3A_234 : i1 to i32
        %sign3A_236 = arith.subi %sign3A_232, %sign3A_235 : i32
        %ne3A_237 = arith.cmpi ne, %sign3A_229, %sign3A_236 : i32
        %rem3A_238 = arith.remsi %add3A_220, %jit3A_221 : i32
        %ne3A_239 = arith.constant 0 : i32
        %ne3A_240 = arith.cmpi ne, %rem3A_238, %ne3A_239 : i32
        %and3A_241 = arith.andi %ne3A_237, %ne3A_240 : i1
        %sub3A_242 = arith.constant 1 : i32
        %sub3A_243 = arith.subi %div3A_222, %sub3A_242 : i32
        %select_n3A_244 = arith.select %and3A_241, %sub3A_243, %div3A_222 : i32
        %jit3A_245 = arith.constant 2 : i32
        %eq3A_246 = arith.constant 0 : i32
        %eq3A_247 = arith.cmpi eq, %jit3A_245, %eq3A_246 : i32
        %jit3A_248 = arith.constant 1 : i32
        %select_n3A_249 = arith.select %eq3A_247, %jit3A_248, %jit3A_245 : i32
        %rem3A_250 = arith.remsi %select_n3A_244, %select_n3A_249 : i32
        %ne3A_251 = arith.constant 0 : i32
        %ne3A_252 = arith.cmpi ne, %rem3A_250, %ne3A_251 : i32
        %lt3A_253 = arith.constant 0 : i32
        %lt3A_254 = arith.cmpi slt, %rem3A_250, %lt3A_253 : i32
        %lt3A_255 = arith.constant 0 : i32
        %lt3A_256 = arith.cmpi slt, %select_n3A_249, %lt3A_255 : i32
        %ne3A_257 = arith.xori %lt3A_254, %lt3A_256 : i1
        %and3A_258 = arith.andi %ne3A_257, %ne3A_252 : i1
        %add3A_259 = arith.addi %rem3A_250, %select_n3A_249 : i32
        %select_n3A_260 = arith.select %and3A_258, %add3A_259, %rem3A_250 : i32
        %jit3A_261 = arith.constant 16 : i32
        %eq3A_262 = arith.constant 0 : i32
        %eq3A_263 = arith.cmpi eq, %jit3A_261, %eq3A_262 : i32
        %jit3A_264 = arith.constant 1 : i32
        %select_n3A_265 = arith.select %eq3A_263, %jit3A_264, %jit3A_261 : i32
        %rem3A_266 = arith.remsi %add3A_220, %select_n3A_265 : i32
        %ne3A_267 = arith.constant 0 : i32
        %ne3A_268 = arith.cmpi ne, %rem3A_266, %ne3A_267 : i32
        %lt3A_269 = arith.constant 0 : i32
        %lt3A_270 = arith.cmpi slt, %rem3A_266, %lt3A_269 : i32
        %lt3A_271 = arith.constant 0 : i32
        %lt3A_272 = arith.cmpi slt, %select_n3A_265, %lt3A_271 : i32
        %ne3A_273 = arith.xori %lt3A_270, %lt3A_272 : i1
        %and3A_274 = arith.andi %ne3A_273, %ne3A_268 : i1
        %add3A_275 = arith.addi %rem3A_266, %select_n3A_265 : i32
        %select_n3A_276 = arith.select %and3A_274, %add3A_275, %rem3A_266 : i32
        %eq3A_277 = arith.constant 0 : i32
        %eq3A_278 = arith.cmpi eq, %select_n3A_276, %eq3A_277 : i32
        %convert_element_type3A_279 = arith.extui %eq3A_278 : i1 to i32
        %cond3A_280 = arith.constant 0 : i32
        %cond3A_281 = arith.cmpi ne, %convert_element_type3A_279, %cond3A_280 : i32
        scf.if %cond3A_281 {
          %add3A_293 = arith.constant 0 : i32
          %add3A_294 = arith.addi %select_n3A, %add3A_293 : i32
          %multiple_of3A_295 = tpu.assume_multiple %add3A_294, 8 : i32
          %dma_wait3A_296 = arith.constant 0 : i32
          %dma_wait3A_297 = arith.constant 0 : i32
          %dma_wait3A_298 = tpu.memref_slice %arg6[%select_n3A_260, %dma_wait3A_296, %dma_wait3A_297] : memref<2x16x128xi32, #tpu.memory_space<vmem>> -> memref<1x16x128xi32, #tpu.memory_space<vmem>>
          %dma_wait3A_299 = tpu.memref_squeeze %dma_wait3A_298 : memref<1x16x128xi32, #tpu.memory_space<vmem>> -> memref<16x128xi32, #tpu.memory_space<vmem>>
          %dma_wait3A_300 = arith.constant 0 : i32
          %dma_wait3A_301 = tpu.memref_slice %arg3[%multiple_of3A_295, %dma_wait3A_300] : memref<2560x128xi32, #tpu.memory_space<hbm>> -> memref<16x128xi32, #tpu.memory_space<hbm>>
          %dma_wait3A_302 = arith.constant 0 : i32
          %dma_wait3A_303 = arith.constant 0 : i32
          %dma_wait3A_304 = tpu.memref_slice %arg6[%select_n3A_260, %dma_wait3A_302, %dma_wait3A_303] : memref<2x16x128xi32, #tpu.memory_space<vmem>> -> memref<1x16x128xi32, #tpu.memory_space<vmem>>
          %dma_wait3A_305 = tpu.memref_squeeze %dma_wait3A_304 : memref<1x16x128xi32, #tpu.memory_space<vmem>> -> memref<16x128xi32, #tpu.memory_space<vmem>>
          %dma_wait3A_306 = arith.constant 0 : i32
          %dma_wait3A_307 = tpu.memref_slice %arg3[%multiple_of3A_295, %dma_wait3A_306] : memref<2560x128xi32, #tpu.memory_space<hbm>> -> memref<16x128xi32, #tpu.memory_space<hbm>>
          tpu.wait_dma2 semaphore(%arg13 : memref<!tpu.dma_semaphore, #tpu.memory_space<semaphore_mem>>) src(%dma_wait3A_307 : memref<16x128xi32, #tpu.memory_space<hbm>>) dst(%dma_wait3A_305 : memref<16x128xi32, #tpu.memory_space<vmem>>)
          %add3A_308 = arith.constant 0 : i32
          %add3A_309 = arith.addi %select_n3A, %add3A_308 : i32
          %multiple_of3A_310 = tpu.assume_multiple %add3A_309, 8 : i32
          %dma_wait3A_311 = arith.constant 0 : i32
          %dma_wait3A_312 = arith.constant 0 : i32
          %dma_wait3A_313 = tpu.memref_slice %arg7[%select_n3A_260, %dma_wait3A_311, %dma_wait3A_312] : memref<2x16x128xi32, #tpu.memory_space<vmem>> -> memref<1x16x128xi32, #tpu.memory_space<vmem>>
          %dma_wait3A_314 = tpu.memref_squeeze %dma_wait3A_313 : memref<1x16x128xi32, #tpu.memory_space<vmem>> -> memref<16x128xi32, #tpu.memory_space<vmem>>
          %dma_wait3A_315 = arith.constant 0 : i32
          %dma_wait3A_316 = tpu.memref_slice %arg4[%multiple_of3A_310, %dma_wait3A_315] : memref<2560x128xi32, #tpu.memory_space<hbm>> -> memref<16x128xi32, #tpu.memory_space<hbm>>
          %dma_wait3A_317 = arith.constant 0 : i32
          %dma_wait3A_318 = arith.constant 0 : i32
          %dma_wait3A_319 = tpu.memref_slice %arg7[%select_n3A_260, %dma_wait3A_317, %dma_wait3A_318] : memref<2x16x128xi32, #tpu.memory_space<vmem>> -> memref<1x16x128xi32, #tpu.memory_space<vmem>>
          %dma_wait3A_320 = tpu.memref_squeeze %dma_wait3A_319 : memref<1x16x128xi32, #tpu.memory_space<vmem>> -> memref<16x128xi32, #tpu.memory_space<vmem>>
          %dma_wait3A_321 = arith.constant 0 : i32
          %dma_wait3A_322 = tpu.memref_slice %arg4[%multiple_of3A_310, %dma_wait3A_321] : memref<2560x128xi32, #tpu.memory_space<hbm>> -> memref<16x128xi32, #tpu.memory_space<hbm>>
          tpu.wait_dma2 semaphore(%arg13 : memref<!tpu.dma_semaphore, #tpu.memory_space<semaphore_mem>>) src(%dma_wait3A_322 : memref<16x128xi32, #tpu.memory_space<hbm>>) dst(%dma_wait3A_320 : memref<16x128xi32, #tpu.memory_space<vmem>>)
        } else {
        }
        %dma_start3A_282 = arith.constant 0 : i32
        %dma_start3A_283 = arith.constant 0 : i32
        %dma_start3A_284 = arith.constant 0 : i32
        %dma_start3A_285 = tpu.memref_slice %arg8[%dma_start3A_282, %dma_start3A_283, %dma_start3A_284] : memref<2x128x128xf32, #tpu.memory_space<vmem>> -> memref<1x128x128xf32, #tpu.memory_space<vmem>>
        %dma_start3A_286 = tpu.memref_squeeze %dma_start3A_285 : memref<1x128x128xf32, #tpu.memory_space<vmem>> -> memref<128x128xf32, #tpu.memory_space<vmem>>
        %dma_start3A_287 = arith.constant 0 : i32
        %dma_start3A_288 = tpu.memref_slice %arg6[%select_n3A_260, %select_n3A_276, %dma_start3A_287] : memref<2x16x128xi32, #tpu.memory_space<vmem>> -> memref<1x1x128xi32, #tpu.memory_space<vmem>>
        %dma_start3A_289 = tpu.memref_squeeze %dma_start3A_288 : memref<1x1x128xi32, #tpu.memory_space<vmem>> -> memref<128xi32, #tpu.memory_space<vmem>>
        %dma_start3A_290 = arith.constant 0 : i32
        %dma_start3A_291 = arith.constant 0 : i32
        %dma_start3A_292 = tpu.memref_slice %arg2[%dma_start3A_290, %dma_start3A_291] : memref<10240x128xf32, #tpu.memory_space<hbm>> -> memref<10240x128xf32, #tpu.memory_space<hbm>>
        tpu.enqueue_indirect_dma source(%dma_start3A_292 : memref<10240x128xf32, #tpu.memory_space<hbm>>) target(%dma_start3A_286 : memref<128x128xf32, #tpu.memory_space<vmem>>) offsets(%dma_start3A_289 : memref<128xi32, #tpu.memory_space<vmem>>) semaphore(%arg10 : memref<!tpu.dma_semaphore, #tpu.memory_space<semaphore_mem>>)
      } else {
      }
      %add3A_215 = arith.constant 1 : i32
      %add3A_216 = arith.addi %select_n3A_125, %add3A_215 : i32
      %run_scoped3A_217 = arith.constant 1 : i32
      "tpu.region"() ({
        %run_scoped3A_219 = tpu.sem_alloc : memref<!tpu.dma_semaphore, #tpu.memory_space<semaphore_mem>>
        %dma_start3A_220 = arith.constant 0 : i32
        %dma_start3A_221 = arith.constant 0 : i32
        %dma_start3A_222 = tpu.memref_slice %arg8[%run_scoped3A_217, %dma_start3A_220, %dma_start3A_221] : memref<2x128x128xf32, #tpu.memory_space<vmem>> -> memref<1x128x128xf32, #tpu.memory_space<vmem>>
        %dma_start3A_223 = tpu.memref_squeeze %dma_start3A_222 : memref<1x128x128xf32, #tpu.memory_space<vmem>> -> memref<128x128xf32, #tpu.memory_space<vmem>>
        %dma_start3A_224 = arith.constant 0 : i32
        %dma_start3A_225 = tpu.memref_slice %arg7[%select_n3A_109, %add3A_216, %dma_start3A_224] : memref<2x16x128xi32, #tpu.memory_space<vmem>> -> memref<1x1x128xi32, #tpu.memory_space<vmem>>
        %dma_start3A_226 = tpu.memref_squeeze %dma_start3A_225 : memref<1x1x128xi32, #tpu.memory_space<vmem>> -> memref<128xi32, #tpu.memory_space<vmem>>
        %dma_start3A_227 = arith.constant 0 : i32
        %dma_start3A_228 = arith.constant 0 : i32
        %dma_start3A_229 = tpu.memref_slice %arg9[%dma_start3A_227, %dma_start3A_228] : memref<10240x128xf32, #tpu.memory_space<vmem_shared>> -> memref<10240x128xf32, #tpu.memory_space<vmem_shared>>
        tpu.enqueue_indirect_dma source(%dma_start3A_223 : memref<128x128xf32, #tpu.memory_space<vmem>>) target(%dma_start3A_229 : memref<10240x128xf32, #tpu.memory_space<vmem_shared>>) offsets(%dma_start3A_226 : memref<128xi32, #tpu.memory_space<vmem>>) semaphore(%run_scoped3A_219 : memref<!tpu.dma_semaphore, #tpu.memory_space<semaphore_mem>>) {add = true}
        %dma_wait3A_230 = arith.constant 0 : i32
        %dma_wait3A_231 = arith.constant 0 : i32
        %dma_wait3A_232 = tpu.memref_slice %arg8[%run_scoped3A_217, %dma_wait3A_230, %dma_wait3A_231] : memref<2x128x128xf32, #tpu.memory_space<vmem>> -> memref<1x128x128xf32, #tpu.memory_space<vmem>>
        %dma_wait3A_233 = tpu.memref_squeeze %dma_wait3A_232 : memref<1x128x128xf32, #tpu.memory_space<vmem>> -> memref<128x128xf32, #tpu.memory_space<vmem>>
        %dma_wait3A_234 = arith.constant 0 : i32
        %dma_wait3A_235 = tpu.memref_slice %arg7[%select_n3A_109, %add3A_216, %dma_wait3A_234] : memref<2x16x128xi32, #tpu.memory_space<vmem>> -> memref<1x1x128xi32, #tpu.memory_space<vmem>>
        %dma_wait3A_236 = tpu.memref_squeeze %dma_wait3A_235 : memref<1x1x128xi32, #tpu.memory_space<vmem>> -> memref<128xi32, #tpu.memory_space<vmem>>
        %dma_wait3A_237 = arith.constant 0 : i32
        %dma_wait3A_238 = arith.constant 0 : i32
        %dma_wait3A_239 = tpu.memref_slice %arg9[%dma_wait3A_237, %dma_wait3A_238] : memref<10240x128xf32, #tpu.memory_space<vmem_shared>> -> memref<10240x128xf32, #tpu.memory_space<vmem_shared>>
        tpu.wait_indirect_dma semaphore(%run_scoped3A_219 : memref<!tpu.dma_semaphore, #tpu.memory_space<semaphore_mem>>) src(%dma_wait3A_233 : memref<128x128xf32, #tpu.memory_space<vmem>>) dst(%dma_wait3A_239 : memref<10240x128xf32, #tpu.memory_space<vmem_shared>>)
        tpu.yield
      }) : () -> ()
      %while3A_218 = arith.constant 0 : i32
      scf.yield %while3A_218 : i32
    }
    %while3A_67 = arith.constant 1 : i32
    %while3A_68 = scf.for %while3A_73 = %while3A_64 to %while3A_60 step %while3A_67 iter_args(%while3A_74 = %while3A_66) -> (i32)  : i32 {
      %mul3A_75 = arith.constant 2 : i32
      %mul3A_76 = arith.muli %mul3A_75, %while3A_73 : i32
      %jit3A_77 = arith.constant 16 : i32
      %div3A = arith.divsi %mul3A_76, %jit3A_77 : i32
      %sign3A = arith.constant 0 : i32
      %sign3A_78 = arith.cmpi sgt, %mul3A_76, %sign3A : i32
      %sign3A_79 = arith.extui %sign3A_78 : i1 to i32
      %sign3A_80 = arith.constant 0 : i32
      %sign3A_81 = arith.cmpi slt, %mul3A_76, %sign3A_80 : i32
      %sign3A_82 = arith.extui %sign3A_81 : i1 to i32
      %sign3A_83 = arith.subi %sign3A_79, %sign3A_82 : i32
      %sign3A_84 = arith.constant 0 : i32
      %sign3A_85 = arith.cmpi sgt, %jit3A_77, %sign3A_84 : i32
      %sign3A_86 = arith.extui %sign3A_85 : i1 to i32
      %sign3A_87 = arith.constant 0 : i32
      %sign3A_88 = arith.cmpi slt, %jit3A_77, %sign3A_87 : i32
      %sign3A_89 = arith.extui %sign3A_88 : i1 to i32
      %sign3A_90 = arith.subi %sign3A_86, %sign3A_89 : i32
      %ne3A = arith.cmpi ne, %sign3A_83, %sign3A_90 : i32
      %rem3A = arith.remsi %mul3A_76, %jit3A_77 : i32
      %ne3A_91 = arith.constant 0 : i32
      %ne3A_92 = arith.cmpi ne, %rem3A, %ne3A_91 : i32
      %and3A = arith.andi %ne3A, %ne3A_92 : i1
      %sub3A = arith.constant 1 : i32
      %sub3A_93 = arith.subi %div3A, %sub3A : i32
      %select_n3A_94 = arith.select %and3A, %sub3A_93, %div3A : i32
      %jit3A_95 = arith.constant 2 : i32
      %eq3A_96 = arith.constant 0 : i32
      %eq3A_97 = arith.cmpi eq, %jit3A_95, %eq3A_96 : i32
      %jit3A_98 = arith.constant 1 : i32
      %select_n3A_99 = arith.select %eq3A_97, %jit3A_98, %jit3A_95 : i32
      %rem3A_100 = arith.remsi %select_n3A_94, %select_n3A_99 : i32
      %ne3A_101 = arith.constant 0 : i32
      %ne3A_102 = arith.cmpi ne, %rem3A_100, %ne3A_101 : i32
      %lt3A = arith.constant 0 : i32
      %lt3A_103 = arith.cmpi slt, %rem3A_100, %lt3A : i32
      %lt3A_104 = arith.constant 0 : i32
      %lt3A_105 = arith.cmpi slt, %select_n3A_99, %lt3A_104 : i32
      %ne3A_106 = arith.xori %lt3A_103, %lt3A_105 : i1
      %and3A_107 = arith.andi %ne3A_106, %ne3A_102 : i1
      %add3A_108 = arith.addi %rem3A_100, %select_n3A_99 : i32
      %select_n3A_109 = arith.select %and3A_107, %add3A_108, %rem3A_100 : i32
      %jit3A_110 = arith.constant 16 : i32
      %eq3A_111 = arith.constant 0 : i32
      %eq3A_112 = arith.cmpi eq, %jit3A_110, %eq3A_111 : i32
      %jit3A_113 = arith.constant 1 : i32
      %select_n3A_114 = arith.select %eq3A_112, %jit3A_113, %jit3A_110 : i32
      %rem3A_115 = arith.remsi %mul3A_76, %select_n3A_114 : i32
      %ne3A_116 = arith.constant 0 : i32
      %ne3A_117 = arith.cmpi ne, %rem3A_115, %ne3A_116 : i32
      %lt3A_118 = arith.constant 0 : i32
      %lt3A_119 = arith.cmpi slt, %rem3A_115, %lt3A_118 : i32
      %lt3A_120 = arith.constant 0 : i32
      %lt3A_121 = arith.cmpi slt, %select_n3A_114, %lt3A_120 : i32
      %ne3A_122 = arith.xori %lt3A_119, %lt3A_121 : i1
      %and3A_123 = arith.andi %ne3A_122, %ne3A_117 : i1
      %add3A_124 = arith.addi %rem3A_115, %select_n3A_114 : i32
      %select_n3A_125 = arith.select %and3A_123, %add3A_124, %rem3A_115 : i32
      %jit3A_126 = arith.constant 8 : i32
      %eq3A_127 = arith.constant 0 : i32
      %eq3A_128 = arith.cmpi eq, %jit3A_126, %eq3A_127 : i32
      %jit3A_129 = arith.constant 1 : i32
      %select_n3A_130 = arith.select %eq3A_128, %jit3A_129, %jit3A_126 : i32
      %rem3A_131 = arith.remsi %while3A_73, %select_n3A_130 : i32
      %ne3A_132 = arith.constant 0 : i32
      %ne3A_133 = arith.cmpi ne, %rem3A_131, %ne3A_132 : i32
      %lt3A_134 = arith.constant 0 : i32
      %lt3A_135 = arith.cmpi slt, %rem3A_131, %lt3A_134 : i32
      %lt3A_136 = arith.constant 0 : i32
      %lt3A_137 = arith.cmpi slt, %select_n3A_130, %lt3A_136 : i32
      %ne3A_138 = arith.xori %lt3A_135, %lt3A_137 : i1
      %and3A_139 = arith.andi %ne3A_138, %ne3A_133 : i1
      %add3A_140 = arith.addi %rem3A_131, %select_n3A_130 : i32
      %select_n3A_141 = arith.select %and3A_139, %add3A_140, %rem3A_131 : i32
      %eq3A_142 = arith.constant 0 : i32
      %eq3A_143 = arith.cmpi eq, %select_n3A_141, %eq3A_142 : i32
      %sub3A_144 = arith.constant 8 : i32
      %sub3A_145 = arith.subi %select_n3A_8, %sub3A_144 : i32
      %lt3A_146 = arith.cmpi slt, %while3A_73, %sub3A_145 : i32
      %and3A_147 = arith.andi %eq3A_143, %lt3A_146 : i1
      %convert_element_type3A_148 = arith.extui %and3A_147 : i1 to i32
      %cond3A_149 = arith.constant 0 : i32
      %cond3A_150 = arith.cmpi ne, %convert_element_type3A_148, %cond3A_149 : i32
      scf.if %cond3A_150 {
        %jit3A_219 = arith.constant 8 : i32
        %div3A_220 = arith.divsi %while3A_73, %jit3A_219 : i32
        %sign3A_221 = arith.constant 0 : i32
        %sign3A_222 = arith.cmpi sgt, %while3A_73, %sign3A_221 : i32
        %sign3A_223 = arith.extui %sign3A_222 : i1 to i32
        %sign3A_224 = arith.constant 0 : i32
        %sign3A_225 = arith.cmpi slt, %while3A_73, %sign3A_224 : i32
        %sign3A_226 = arith.extui %sign3A_225 : i1 to i32
        %sign3A_227 = arith.subi %sign3A_223, %sign3A_226 : i32
        %sign3A_228 = arith.constant 0 : i32
        %sign3A_229 = arith.cmpi sgt, %jit3A_219, %sign3A_228 : i32
        %sign3A_230 = arith.extui %sign3A_229 : i1 to i32
        %sign3A_231 = arith.constant 0 : i32
        %sign3A_232 = arith.cmpi slt, %jit3A_219, %sign3A_231 : i32
        %sign3A_233 = arith.extui %sign3A_232 : i1 to i32
        %sign3A_234 = arith.subi %sign3A_230, %sign3A_233 : i32
        %ne3A_235 = arith.cmpi ne, %sign3A_227, %sign3A_234 : i32
        %rem3A_236 = arith.remsi %while3A_73, %jit3A_219 : i32
        %ne3A_237 = arith.constant 0 : i32
        %ne3A_238 = arith.cmpi ne, %rem3A_236, %ne3A_237 : i32
        %and3A_239 = arith.andi %ne3A_235, %ne3A_238 : i1
        %sub3A_240 = arith.constant 1 : i32
        %sub3A_241 = arith.subi %div3A_220, %sub3A_240 : i32
        %select_n3A_242 = arith.select %and3A_239, %sub3A_241, %div3A_220 : i32
        %add3A_243 = arith.constant 1 : i32
        %add3A_244 = arith.addi %select_n3A_242, %add3A_243 : i32
        %mul3A_245 = arith.constant 16 : i32
        %mul3A_246 = arith.muli %add3A_244, %mul3A_245 : i32
        %add3A_247 = arith.addi %select_n3A, %mul3A_246 : i32
        %multiple_of3A_248 = tpu.assume_multiple %add3A_247, 8 : i32
        %jit3A_249 = arith.constant 2 : i32
        %eq3A_250 = arith.constant 0 : i32
        %eq3A_251 = arith.cmpi eq, %jit3A_249, %eq3A_250 : i32
        %jit3A_252 = arith.constant 1 : i32
        %select_n3A_253 = arith.select %eq3A_251, %jit3A_252, %jit3A_249 : i32
        %rem3A_254 = arith.remsi %add3A_244, %select_n3A_253 : i32
        %ne3A_255 = arith.constant 0 : i32
        %ne3A_256 = arith.cmpi ne, %rem3A_254, %ne3A_255 : i32
        %lt3A_257 = arith.constant 0 : i32
        %lt3A_258 = arith.cmpi slt, %rem3A_254, %lt3A_257 : i32
        %lt3A_259 = arith.constant 0 : i32
        %lt3A_260 = arith.cmpi slt, %select_n3A_253, %lt3A_259 : i32
        %ne3A_261 = arith.xori %lt3A_258, %lt3A_260 : i1
        %and3A_262 = arith.andi %ne3A_261, %ne3A_256 : i1
        %add3A_263 = arith.addi %rem3A_254, %select_n3A_253 : i32
        %select_n3A_264 = arith.select %and3A_262, %add3A_263, %rem3A_254 : i32
        %dma_start3A_265 = arith.constant 0 : i32
        %dma_start3A_266 = arith.constant 0 : i32
        %dma_start3A_267 = tpu.memref_slice %arg6[%select_n3A_264, %dma_start3A_265, %dma_start3A_266] : memref<2x16x128xi32, #tpu.memory_space<vmem>> -> memref<1x16x128xi32, #tpu.memory_space<vmem>>
        %dma_start3A_268 = tpu.memref_squeeze %dma_start3A_267 : memref<1x16x128xi32, #tpu.memory_space<vmem>> -> memref<16x128xi32, #tpu.memory_space<vmem>>
        %dma_start3A_269 = arith.constant 0 : i32
        %dma_start3A_270 = tpu.memref_slice %arg3[%multiple_of3A_248, %dma_start3A_269] : memref<2560x128xi32, #tpu.memory_space<hbm>> -> memref<16x128xi32, #tpu.memory_space<hbm>>
        %dma_start3A_271 = arith.constant 0 : i32
        %dma_start3A_272 = arith.constant 0 : i32
        %dma_start3A_273 = tpu.memref_slice %arg6[%select_n3A_264, %dma_start3A_271, %dma_start3A_272] : memref<2x16x128xi32, #tpu.memory_space<vmem>> -> memref<1x16x128xi32, #tpu.memory_space<vmem>>
        %dma_start3A_274 = tpu.memref_squeeze %dma_start3A_273 : memref<1x16x128xi32, #tpu.memory_space<vmem>> -> memref<16x128xi32, #tpu.memory_space<vmem>>
        %dma_start3A_275 = arith.constant 0 : i32
        %dma_start3A_276 = tpu.memref_slice %arg3[%multiple_of3A_248, %dma_start3A_275] : memref<2560x128xi32, #tpu.memory_space<hbm>> -> memref<16x128xi32, #tpu.memory_space<hbm>>
        tpu.enqueue_dma source(%dma_start3A_276 : memref<16x128xi32, #tpu.memory_space<hbm>>) target(%dma_start3A_274 : memref<16x128xi32, #tpu.memory_space<vmem>>) target_semaphore(%arg13 : memref<!tpu.dma_semaphore, #tpu.memory_space<semaphore_mem>>)
        %mul3A_277 = arith.constant 16 : i32
        %mul3A_278 = arith.muli %add3A_244, %mul3A_277 : i32
        %add3A_279 = arith.addi %select_n3A, %mul3A_278 : i32
        %multiple_of3A_280 = tpu.assume_multiple %add3A_279, 8 : i32
        %jit3A_281 = arith.constant 2 : i32
        %eq3A_282 = arith.constant 0 : i32
        %eq3A_283 = arith.cmpi eq, %jit3A_281, %eq3A_282 : i32
        %jit3A_284 = arith.constant 1 : i32
        %select_n3A_285 = arith.select %eq3A_283, %jit3A_284, %jit3A_281 : i32
        %rem3A_286 = arith.remsi %add3A_244, %select_n3A_285 : i32
        %ne3A_287 = arith.constant 0 : i32
        %ne3A_288 = arith.cmpi ne, %rem3A_286, %ne3A_287 : i32
        %lt3A_289 = arith.constant 0 : i32
        %lt3A_290 = arith.cmpi slt, %rem3A_286, %lt3A_289 : i32
        %lt3A_291 = arith.constant 0 : i32
        %lt3A_292 = arith.cmpi slt, %select_n3A_285, %lt3A_291 : i32
        %ne3A_293 = arith.xori %lt3A_290, %lt3A_292 : i1
        %and3A_294 = arith.andi %ne3A_293, %ne3A_288 : i1
        %add3A_295 = arith.addi %rem3A_286, %select_n3A_285 : i32
        %select_n3A_296 = arith.select %and3A_294, %add3A_295, %rem3A_286 : i32
        %dma_start3A_297 = arith.constant 0 : i32
        %dma_start3A_298 = arith.constant 0 : i32
        %dma_start3A_299 = tpu.memref_slice %arg7[%select_n3A_296, %dma_start3A_297, %dma_start3A_298] : memref<2x16x128xi32, #tpu.memory_space<vmem>> -> memref<1x16x128xi32, #tpu.memory_space<vmem>>
        %dma_start3A_300 = tpu.memref_squeeze %dma_start3A_299 : memref<1x16x128xi32, #tpu.memory_space<vmem>> -> memref<16x128xi32, #tpu.memory_space<vmem>>
        %dma_start3A_301 = arith.constant 0 : i32
        %dma_start3A_302 = tpu.memref_slice %arg4[%multiple_of3A_280, %dma_start3A_301] : memref<2560x128xi32, #tpu.memory_space<hbm>> -> memref<16x128xi32, #tpu.memory_space<hbm>>
        %dma_start3A_303 = arith.constant 0 : i32
        %dma_start3A_304 = arith.constant 0 : i32
        %dma_start3A_305 = tpu.memref_slice %arg7[%select_n3A_296, %dma_start3A_303, %dma_start3A_304] : memref<2x16x128xi32, #tpu.memory_space<vmem>> -> memref<1x16x128xi32, #tpu.memory_space<vmem>>
        %dma_start3A_306 = tpu.memref_squeeze %dma_start3A_305 : memref<1x16x128xi32, #tpu.memory_space<vmem>> -> memref<16x128xi32, #tpu.memory_space<vmem>>
        %dma_start3A_307 = arith.constant 0 : i32
        %dma_start3A_308 = tpu.memref_slice %arg4[%multiple_of3A_280, %dma_start3A_307] : memref<2560x128xi32, #tpu.memory_space<hbm>> -> memref<16x128xi32, #tpu.memory_space<hbm>>
        tpu.enqueue_dma source(%dma_start3A_308 : memref<16x128xi32, #tpu.memory_space<hbm>>) target(%dma_start3A_306 : memref<16x128xi32, #tpu.memory_space<vmem>>) target_semaphore(%arg13 : memref<!tpu.dma_semaphore, #tpu.memory_space<semaphore_mem>>)
      } else {
      }
      %dma_wait3A = arith.constant 0 : i32
      %dma_wait3A_151 = arith.constant 0 : i32
      %dma_wait3A_152 = arith.constant 0 : i32
      %dma_wait3A_153 = tpu.memref_slice %arg8[%dma_wait3A, %dma_wait3A_151, %dma_wait3A_152] : memref<2x128x128xf32, #tpu.memory_space<vmem>> -> memref<1x128x128xf32, #tpu.memory_space<vmem>>
      %dma_wait3A_154 = tpu.memref_squeeze %dma_wait3A_153 : memref<1x128x128xf32, #tpu.memory_space<vmem>> -> memref<128x128xf32, #tpu.memory_space<vmem>>
      %dma_wait3A_155 = arith.constant 0 : i32
      %dma_wait3A_156 = tpu.memref_slice %arg6[%select_n3A_109, %select_n3A_125, %dma_wait3A_155] : memref<2x16x128xi32, #tpu.memory_space<vmem>> -> memref<1x1x128xi32, #tpu.memory_space<vmem>>
      %dma_wait3A_157 = tpu.memref_squeeze %dma_wait3A_156 : memref<1x1x128xi32, #tpu.memory_space<vmem>> -> memref<128xi32, #tpu.memory_space<vmem>>
      %dma_wait3A_158 = arith.constant 0 : i32
      %dma_wait3A_159 = arith.constant 0 : i32
      %dma_wait3A_160 = tpu.memref_slice %arg2[%dma_wait3A_158, %dma_wait3A_159] : memref<10240x128xf32, #tpu.memory_space<hbm>> -> memref<10240x128xf32, #tpu.memory_space<hbm>>
      tpu.wait_indirect_dma semaphore(%arg10 : memref<!tpu.dma_semaphore, #tpu.memory_space<semaphore_mem>>) src(%dma_wait3A_160 : memref<10240x128xf32, #tpu.memory_space<hbm>>) dst(%dma_wait3A_154 : memref<128x128xf32, #tpu.memory_space<vmem>>)
      %add3A_161 = arith.constant 1 : i32
      %add3A_162 = arith.addi %select_n3A_125, %add3A_161 : i32
      %dma_start3A_163 = arith.constant 1 : i32
      %dma_start3A_164 = arith.constant 0 : i32
      %dma_start3A_165 = arith.constant 0 : i32
      %dma_start3A_166 = tpu.memref_slice %arg8[%dma_start3A_163, %dma_start3A_164, %dma_start3A_165] : memref<2x128x128xf32, #tpu.memory_space<vmem>> -> memref<1x128x128xf32, #tpu.memory_space<vmem>>
      %dma_start3A_167 = tpu.memref_squeeze %dma_start3A_166 : memref<1x128x128xf32, #tpu.memory_space<vmem>> -> memref<128x128xf32, #tpu.memory_space<vmem>>
      %dma_start3A_168 = arith.constant 0 : i32
      %dma_start3A_169 = tpu.memref_slice %arg6[%select_n3A_109, %add3A_162, %dma_start3A_168] : memref<2x16x128xi32, #tpu.memory_space<vmem>> -> memref<1x1x128xi32, #tpu.memory_space<vmem>>
      %dma_start3A_170 = tpu.memref_squeeze %dma_start3A_169 : memref<1x1x128xi32, #tpu.memory_space<vmem>> -> memref<128xi32, #tpu.memory_space<vmem>>
      %dma_start3A_171 = arith.constant 0 : i32
      %dma_start3A_172 = arith.constant 0 : i32
      %dma_start3A_173 = tpu.memref_slice %arg2[%dma_start3A_171, %dma_start3A_172] : memref<10240x128xf32, #tpu.memory_space<hbm>> -> memref<10240x128xf32, #tpu.memory_space<hbm>>
      tpu.enqueue_indirect_dma source(%dma_start3A_173 : memref<10240x128xf32, #tpu.memory_space<hbm>>) target(%dma_start3A_167 : memref<128x128xf32, #tpu.memory_space<vmem>>) offsets(%dma_start3A_170 : memref<128xi32, #tpu.memory_space<vmem>>) semaphore(%arg11 : memref<!tpu.dma_semaphore, #tpu.memory_space<semaphore_mem>>)
      %dma_start3A_174 = arith.constant 0 : i32
      %dma_start3A_175 = arith.constant 0 : i32
      %dma_start3A_176 = arith.constant 0 : i32
      %dma_start3A_177 = tpu.memref_slice %arg8[%dma_start3A_174, %dma_start3A_175, %dma_start3A_176] : memref<2x128x128xf32, #tpu.memory_space<vmem>> -> memref<1x128x128xf32, #tpu.memory_space<vmem>>
      %dma_start3A_178 = tpu.memref_squeeze %dma_start3A_177 : memref<1x128x128xf32, #tpu.memory_space<vmem>> -> memref<128x128xf32, #tpu.memory_space<vmem>>
      %dma_start3A_179 = arith.constant 0 : i32
      %dma_start3A_180 = tpu.memref_slice %arg7[%select_n3A_109, %select_n3A_125, %dma_start3A_179] : memref<2x16x128xi32, #tpu.memory_space<vmem>> -> memref<1x1x128xi32, #tpu.memory_space<vmem>>
      %dma_start3A_181 = tpu.memref_squeeze %dma_start3A_180 : memref<1x1x128xi32, #tpu.memory_space<vmem>> -> memref<128xi32, #tpu.memory_space<vmem>>
      %dma_start3A_182 = arith.constant 0 : i32
      %dma_start3A_183 = arith.constant 0 : i32
      %dma_start3A_184 = tpu.memref_slice %arg9[%dma_start3A_182, %dma_start3A_183] : memref<10240x128xf32, #tpu.memory_space<vmem_shared>> -> memref<10240x128xf32, #tpu.memory_space<vmem_shared>>
      tpu.enqueue_indirect_dma source(%dma_start3A_178 : memref<128x128xf32, #tpu.memory_space<vmem>>) target(%dma_start3A_184 : memref<10240x128xf32, #tpu.memory_space<vmem_shared>>) offsets(%dma_start3A_181 : memref<128xi32, #tpu.memory_space<vmem>>) semaphore(%arg12 : memref<!tpu.dma_semaphore, #tpu.memory_space<semaphore_mem>>) {add = true}
      %add3A_185 = arith.constant 1 : i32
      %add3A_186 = arith.addi %select_n3A_125, %add3A_185 : i32
      %dma_wait3A_187 = arith.constant 1 : i32
      %dma_wait3A_188 = arith.constant 0 : i32
      %dma_wait3A_189 = arith.constant 0 : i32
      %dma_wait3A_190 = tpu.memref_slice %arg8[%dma_wait3A_187, %dma_wait3A_188, %dma_wait3A_189] : memref<2x128x128xf32, #tpu.memory_space<vmem>> -> memref<1x128x128xf32, #tpu.memory_space<vmem>>
      %dma_wait3A_191 = tpu.memref_squeeze %dma_wait3A_190 : memref<1x128x128xf32, #tpu.memory_space<vmem>> -> memref<128x128xf32, #tpu.memory_space<vmem>>
      %dma_wait3A_192 = arith.constant 0 : i32
      %dma_wait3A_193 = tpu.memref_slice %arg6[%select_n3A_109, %add3A_186, %dma_wait3A_192] : memref<2x16x128xi32, #tpu.memory_space<vmem>> -> memref<1x1x128xi32, #tpu.memory_space<vmem>>
      %dma_wait3A_194 = tpu.memref_squeeze %dma_wait3A_193 : memref<1x1x128xi32, #tpu.memory_space<vmem>> -> memref<128xi32, #tpu.memory_space<vmem>>
      %dma_wait3A_195 = arith.constant 0 : i32
      %dma_wait3A_196 = arith.constant 0 : i32
      %dma_wait3A_197 = tpu.memref_slice %arg2[%dma_wait3A_195, %dma_wait3A_196] : memref<10240x128xf32, #tpu.memory_space<hbm>> -> memref<10240x128xf32, #tpu.memory_space<hbm>>
      tpu.wait_indirect_dma semaphore(%arg11 : memref<!tpu.dma_semaphore, #tpu.memory_space<semaphore_mem>>) src(%dma_wait3A_197 : memref<10240x128xf32, #tpu.memory_space<hbm>>) dst(%dma_wait3A_191 : memref<128x128xf32, #tpu.memory_space<vmem>>)
      %dma_wait3A_198 = arith.constant 0 : i32
      %dma_wait3A_199 = arith.constant 0 : i32
      %dma_wait3A_200 = arith.constant 0 : i32
      %dma_wait3A_201 = tpu.memref_slice %arg8[%dma_wait3A_198, %dma_wait3A_199, %dma_wait3A_200] : memref<2x128x128xf32, #tpu.memory_space<vmem>> -> memref<1x128x128xf32, #tpu.memory_space<vmem>>
      %dma_wait3A_202 = tpu.memref_squeeze %dma_wait3A_201 : memref<1x128x128xf32, #tpu.memory_space<vmem>> -> memref<128x128xf32, #tpu.memory_space<vmem>>
      %dma_wait3A_203 = arith.constant 0 : i32
      %dma_wait3A_204 = tpu.memref_slice %arg7[%select_n3A_109, %select_n3A_125, %dma_wait3A_203] : memref<2x16x128xi32, #tpu.memory_space<vmem>> -> memref<1x1x128xi32, #tpu.memory_space<vmem>>
      %dma_wait3A_205 = tpu.memref_squeeze %dma_wait3A_204 : memref<1x1x128xi32, #tpu.memory_space<vmem>> -> memref<128xi32, #tpu.memory_space<vmem>>
      %dma_wait3A_206 = arith.constant 0 : i32
      %dma_wait3A_207 = arith.constant 0 : i32
      %dma_wait3A_208 = tpu.memref_slice %arg9[%dma_wait3A_206, %dma_wait3A_207] : memref<10240x128xf32, #tpu.memory_space<vmem_shared>> -> memref<10240x128xf32, #tpu.memory_space<vmem_shared>>
      tpu.wait_indirect_dma semaphore(%arg12 : memref<!tpu.dma_semaphore, #tpu.memory_space<semaphore_mem>>) src(%dma_wait3A_202 : memref<128x128xf32, #tpu.memory_space<vmem>>) dst(%dma_wait3A_208 : memref<10240x128xf32, #tpu.memory_space<vmem_shared>>)
      %sub3A_209 = arith.constant 1 : i32
      %sub3A_210 = arith.subi %select_n3A_8, %sub3A_209 : i32
      %lt3A_211 = arith.cmpi slt, %while3A_73, %sub3A_210 : i32
      %convert_element_type3A_212 = arith.extui %lt3A_211 : i1 to i32
      %cond3A_213 = arith.constant 0 : i32
      %cond3A_214 = arith.cmpi ne, %convert_element_type3A_212, %cond3A_213 : i32
      scf.if %cond3A_214 {
        %add3A_219 = arith.constant 2 : i32
        %add3A_220 = arith.addi %mul3A_76, %add3A_219 : i32
        %jit3A_221 = arith.constant 16 : i32
        %div3A_222 = arith.divsi %add3A_220, %jit3A_221 : i32
        %sign3A_223 = arith.constant 0 : i32
        %sign3A_224 = arith.cmpi sgt, %add3A_220, %sign3A_223 : i32
        %sign3A_225 = arith.extui %sign3A_224 : i1 to i32
        %sign3A_226 = arith.constant 0 : i32
        %sign3A_227 = arith.cmpi slt, %add3A_220, %sign3A_226 : i32
        %sign3A_228 = arith.extui %sign3A_227 : i1 to i32
        %sign3A_229 = arith.subi %sign3A_225, %sign3A_228 : i32
        %sign3A_230 = arith.constant 0 : i32
        %sign3A_231 = arith.cmpi sgt, %jit3A_221, %sign3A_230 : i32
        %sign3A_232 = arith.extui %sign3A_231 : i1 to i32
        %sign3A_233 = arith.constant 0 : i32
        %sign3A_234 = arith.cmpi slt, %jit3A_221, %sign3A_233 : i32
        %sign3A_235 = arith.extui %sign3A_234 : i1 to i32
        %sign3A_236 = arith.subi %sign3A_232, %sign3A_235 : i32
        %ne3A_237 = arith.cmpi ne, %sign3A_229, %sign3A_236 : i32
        %rem3A_238 = arith.remsi %add3A_220, %jit3A_221 : i32
        %ne3A_239 = arith.constant 0 : i32
        %ne3A_240 = arith.cmpi ne, %rem3A_238, %ne3A_239 : i32
        %and3A_241 = arith.andi %ne3A_237, %ne3A_240 : i1
        %sub3A_242 = arith.constant 1 : i32
        %sub3A_243 = arith.subi %div3A_222, %sub3A_242 : i32
        %select_n3A_244 = arith.select %and3A_241, %sub3A_243, %div3A_222 : i32
        %jit3A_245 = arith.constant 2 : i32
        %eq3A_246 = arith.constant 0 : i32
        %eq3A_247 = arith.cmpi eq, %jit3A_245, %eq3A_246 : i32
        %jit3A_248 = arith.constant 1 : i32
        %select_n3A_249 = arith.select %eq3A_247, %jit3A_248, %jit3A_245 : i32
        %rem3A_250 = arith.remsi %select_n3A_244, %select_n3A_249 : i32
        %ne3A_251 = arith.constant 0 : i32
        %ne3A_252 = arith.cmpi ne, %rem3A_250, %ne3A_251 : i32
        %lt3A_253 = arith.constant 0 : i32
        %lt3A_254 = arith.cmpi slt, %rem3A_250, %lt3A_253 : i32
        %lt3A_255 = arith.constant 0 : i32
        %lt3A_256 = arith.cmpi slt, %select_n3A_249, %lt3A_255 : i32
        %ne3A_257 = arith.xori %lt3A_254, %lt3A_256 : i1
        %and3A_258 = arith.andi %ne3A_257, %ne3A_252 : i1
        %add3A_259 = arith.addi %rem3A_250, %select_n3A_249 : i32
        %select_n3A_260 = arith.select %and3A_258, %add3A_259, %rem3A_250 : i32
        %jit3A_261 = arith.constant 16 : i32
        %eq3A_262 = arith.constant 0 : i32
        %eq3A_263 = arith.cmpi eq, %jit3A_261, %eq3A_262 : i32
        %jit3A_264 = arith.constant 1 : i32
        %select_n3A_265 = arith.select %eq3A_263, %jit3A_264, %jit3A_261 : i32
        %rem3A_266 = arith.remsi %add3A_220, %select_n3A_265 : i32
        %ne3A_267 = arith.constant 0 : i32
        %ne3A_268 = arith.cmpi ne, %rem3A_266, %ne3A_267 : i32
        %lt3A_269 = arith.constant 0 : i32
        %lt3A_270 = arith.cmpi slt, %rem3A_266, %lt3A_269 : i32
        %lt3A_271 = arith.constant 0 : i32
        %lt3A_272 = arith.cmpi slt, %select_n3A_265, %lt3A_271 : i32
        %ne3A_273 = arith.xori %lt3A_270, %lt3A_272 : i1
        %and3A_274 = arith.andi %ne3A_273, %ne3A_268 : i1
        %add3A_275 = arith.addi %rem3A_266, %select_n3A_265 : i32
        %select_n3A_276 = arith.select %and3A_274, %add3A_275, %rem3A_266 : i32
        %eq3A_277 = arith.constant 0 : i32
        %eq3A_278 = arith.cmpi eq, %select_n3A_276, %eq3A_277 : i32
        %convert_element_type3A_279 = arith.extui %eq3A_278 : i1 to i32
        %cond3A_280 = arith.constant 0 : i32
        %cond3A_281 = arith.cmpi ne, %convert_element_type3A_279, %cond3A_280 : i32
        scf.if %cond3A_281 {
          %add3A_293 = arith.constant 0 : i32
          %add3A_294 = arith.addi %select_n3A, %add3A_293 : i32
          %multiple_of3A_295 = tpu.assume_multiple %add3A_294, 8 : i32
          %dma_wait3A_296 = arith.constant 0 : i32
          %dma_wait3A_297 = arith.constant 0 : i32
          %dma_wait3A_298 = tpu.memref_slice %arg6[%select_n3A_260, %dma_wait3A_296, %dma_wait3A_297] : memref<2x16x128xi32, #tpu.memory_space<vmem>> -> memref<1x16x128xi32, #tpu.memory_space<vmem>>
          %dma_wait3A_299 = tpu.memref_squeeze %dma_wait3A_298 : memref<1x16x128xi32, #tpu.memory_space<vmem>> -> memref<16x128xi32, #tpu.memory_space<vmem>>
          %dma_wait3A_300 = arith.constant 0 : i32
          %dma_wait3A_301 = tpu.memref_slice %arg3[%multiple_of3A_295, %dma_wait3A_300] : memref<2560x128xi32, #tpu.memory_space<hbm>> -> memref<16x128xi32, #tpu.memory_space<hbm>>
          %dma_wait3A_302 = arith.constant 0 : i32
          %dma_wait3A_303 = arith.constant 0 : i32
          %dma_wait3A_304 = tpu.memref_slice %arg6[%select_n3A_260, %dma_wait3A_302, %dma_wait3A_303] : memref<2x16x128xi32, #tpu.memory_space<vmem>> -> memref<1x16x128xi32, #tpu.memory_space<vmem>>
          %dma_wait3A_305 = tpu.memref_squeeze %dma_wait3A_304 : memref<1x16x128xi32, #tpu.memory_space<vmem>> -> memref<16x128xi32, #tpu.memory_space<vmem>>
          %dma_wait3A_306 = arith.constant 0 : i32
          %dma_wait3A_307 = tpu.memref_slice %arg3[%multiple_of3A_295, %dma_wait3A_306] : memref<2560x128xi32, #tpu.memory_space<hbm>> -> memref<16x128xi32, #tpu.memory_space<hbm>>
          tpu.wait_dma2 semaphore(%arg13 : memref<!tpu.dma_semaphore, #tpu.memory_space<semaphore_mem>>) src(%dma_wait3A_307 : memref<16x128xi32, #tpu.memory_space<hbm>>) dst(%dma_wait3A_305 : memref<16x128xi32, #tpu.memory_space<vmem>>)
          %add3A_308 = arith.constant 0 : i32
          %add3A_309 = arith.addi %select_n3A, %add3A_308 : i32
          %multiple_of3A_310 = tpu.assume_multiple %add3A_309, 8 : i32
          %dma_wait3A_311 = arith.constant 0 : i32
          %dma_wait3A_312 = arith.constant 0 : i32
          %dma_wait3A_313 = tpu.memref_slice %arg7[%select_n3A_260, %dma_wait3A_311, %dma_wait3A_312] : memref<2x16x128xi32, #tpu.memory_space<vmem>> -> memref<1x16x128xi32, #tpu.memory_space<vmem>>
          %dma_wait3A_314 = tpu.memref_squeeze %dma_wait3A_313 : memref<1x16x128xi32, #tpu.memory_space<vmem>> -> memref<16x128xi32, #tpu.memory_space<vmem>>
          %dma_wait3A_315 = arith.constant 0 : i32
          %dma_wait3A_316 = tpu.memref_slice %arg4[%multiple_of3A_310, %dma_wait3A_315] : memref<2560x128xi32, #tpu.memory_space<hbm>> -> memref<16x128xi32, #tpu.memory_space<hbm>>
          %dma_wait3A_317 = arith.constant 0 : i32
          %dma_wait3A_318 = arith.constant 0 : i32
          %dma_wait3A_319 = tpu.memref_slice %arg7[%select_n3A_260, %dma_wait3A_317, %dma_wait3A_318] : memref<2x16x128xi32, #tpu.memory_space<vmem>> -> memref<1x16x128xi32, #tpu.memory_space<vmem>>
          %dma_wait3A_320 = tpu.memref_squeeze %dma_wait3A_319 : memref<1x16x128xi32, #tpu.memory_space<vmem>> -> memref<16x128xi32, #tpu.memory_space<vmem>>
          %dma_wait3A_321 = arith.constant 0 : i32
          %dma_wait3A_322 = tpu.memref_slice %arg4[%multiple_of3A_310, %dma_wait3A_321] : memref<2560x128xi32, #tpu.memory_space<hbm>> -> memref<16x128xi32, #tpu.memory_space<hbm>>
          tpu.wait_dma2 semaphore(%arg13 : memref<!tpu.dma_semaphore, #tpu.memory_space<semaphore_mem>>) src(%dma_wait3A_322 : memref<16x128xi32, #tpu.memory_space<hbm>>) dst(%dma_wait3A_320 : memref<16x128xi32, #tpu.memory_space<vmem>>)
        } else {
        }
        %dma_start3A_282 = arith.constant 0 : i32
        %dma_start3A_283 = arith.constant 0 : i32
        %dma_start3A_284 = arith.constant 0 : i32
        %dma_start3A_285 = tpu.memref_slice %arg8[%dma_start3A_282, %dma_start3A_283, %dma_start3A_284] : memref<2x128x128xf32, #tpu.memory_space<vmem>> -> memref<1x128x128xf32, #tpu.memory_space<vmem>>
        %dma_start3A_286 = tpu.memref_squeeze %dma_start3A_285 : memref<1x128x128xf32, #tpu.memory_space<vmem>> -> memref<128x128xf32, #tpu.memory_space<vmem>>
        %dma_start3A_287 = arith.constant 0 : i32
        %dma_start3A_288 = tpu.memref_slice %arg6[%select_n3A_260, %select_n3A_276, %dma_start3A_287] : memref<2x16x128xi32, #tpu.memory_space<vmem>> -> memref<1x1x128xi32, #tpu.memory_space<vmem>>
        %dma_start3A_289 = tpu.memref_squeeze %dma_start3A_288 : memref<1x1x128xi32, #tpu.memory_space<vmem>> -> memref<128xi32, #tpu.memory_space<vmem>>
        %dma_start3A_290 = arith.constant 0 : i32
        %dma_start3A_291 = arith.constant 0 : i32
        %dma_start3A_292 = tpu.memref_slice %arg2[%dma_start3A_290, %dma_start3A_291] : memref<10240x128xf32, #tpu.memory_space<hbm>> -> memref<10240x128xf32, #tpu.memory_space<hbm>>
        tpu.enqueue_indirect_dma source(%dma_start3A_292 : memref<10240x128xf32, #tpu.memory_space<hbm>>) target(%dma_start3A_286 : memref<128x128xf32, #tpu.memory_space<vmem>>) offsets(%dma_start3A_289 : memref<128xi32, #tpu.memory_space<vmem>>) semaphore(%arg10 : memref<!tpu.dma_semaphore, #tpu.memory_space<semaphore_mem>>)
      } else {
      }
      %add3A_215 = arith.constant 1 : i32
      %add3A_216 = arith.addi %select_n3A_125, %add3A_215 : i32
      %run_scoped3A_217 = arith.constant 1 : i32
      "tpu.region"() ({
        %run_scoped3A_219 = tpu.sem_alloc : memref<!tpu.dma_semaphore, #tpu.memory_space<semaphore_mem>>
        %dma_start3A_220 = arith.constant 0 : i32
        %dma_start3A_221 = arith.constant 0 : i32
        %dma_start3A_222 = tpu.memref_slice %arg8[%run_scoped3A_217, %dma_start3A_220, %dma_start3A_221] : memref<2x128x128xf32, #tpu.memory_space<vmem>> -> memref<1x128x128xf32, #tpu.memory_space<vmem>>
        %dma_start3A_223 = tpu.memref_squeeze %dma_start3A_222 : memref<1x128x128xf32, #tpu.memory_space<vmem>> -> memref<128x128xf32, #tpu.memory_space<vmem>>
        %dma_start3A_224 = arith.constant 0 : i32
        %dma_start3A_225 = tpu.memref_slice %arg7[%select_n3A_109, %add3A_216, %dma_start3A_224] : memref<2x16x128xi32, #tpu.memory_space<vmem>> -> memref<1x1x128xi32, #tpu.memory_space<vmem>>
        %dma_start3A_226 = tpu.memref_squeeze %dma_start3A_225 : memref<1x1x128xi32, #tpu.memory_space<vmem>> -> memref<128xi32, #tpu.memory_space<vmem>>
        %dma_start3A_227 = arith.constant 0 : i32
        %dma_start3A_228 = arith.constant 0 : i32
        %dma_start3A_229 = tpu.memref_slice %arg9[%dma_start3A_227, %dma_start3A_228] : memref<10240x128xf32, #tpu.memory_space<vmem_shared>> -> memref<10240x128xf32, #tpu.memory_space<vmem_shared>>
        tpu.enqueue_indirect_dma source(%dma_start3A_223 : memref<128x128xf32, #tpu.memory_space<vmem>>) target(%dma_start3A_229 : memref<10240x128xf32, #tpu.memory_space<vmem_shared>>) offsets(%dma_start3A_226 : memref<128xi32, #tpu.memory_space<vmem>>) semaphore(%run_scoped3A_219 : memref<!tpu.dma_semaphore, #tpu.memory_space<semaphore_mem>>) {add = true}
        %dma_wait3A_230 = arith.constant 0 : i32
        %dma_wait3A_231 = arith.constant 0 : i32
        %dma_wait3A_232 = tpu.memref_slice %arg8[%run_scoped3A_217, %dma_wait3A_230, %dma_wait3A_231] : memref<2x128x128xf32, #tpu.memory_space<vmem>> -> memref<1x128x128xf32, #tpu.memory_space<vmem>>
        %dma_wait3A_233 = tpu.memref_squeeze %dma_wait3A_232 : memref<1x128x128xf32, #tpu.memory_space<vmem>> -> memref<128x128xf32, #tpu.memory_space<vmem>>
        %dma_wait3A_234 = arith.constant 0 : i32
        %dma_wait3A_235 = tpu.memref_slice %arg7[%select_n3A_109, %add3A_216, %dma_wait3A_234] : memref<2x16x128xi32, #tpu.memory_space<vmem>> -> memref<1x1x128xi32, #tpu.memory_space<vmem>>
        %dma_wait3A_236 = tpu.memref_squeeze %dma_wait3A_235 : memref<1x1x128xi32, #tpu.memory_space<vmem>> -> memref<128xi32, #tpu.memory_space<vmem>>
        %dma_wait3A_237 = arith.constant 0 : i32
        %dma_wait3A_238 = arith.constant 0 : i32
        %dma_wait3A_239 = tpu.memref_slice %arg9[%dma_wait3A_237, %dma_wait3A_238] : memref<10240x128xf32, #tpu.memory_space<vmem_shared>> -> memref<10240x128xf32, #tpu.memory_space<vmem_shared>>
        tpu.wait_indirect_dma semaphore(%run_scoped3A_219 : memref<!tpu.dma_semaphore, #tpu.memory_space<semaphore_mem>>) src(%dma_wait3A_233 : memref<128x128xf32, #tpu.memory_space<vmem>>) dst(%dma_wait3A_239 : memref<10240x128xf32, #tpu.memory_space<vmem_shared>>)
        tpu.yield
      }) : () -> ()
      %while3A_218 = arith.constant 0 : i32
      scf.yield %while3A_218 : i32
    }
    %barrier3A_69 = arith.constant 0 : index
    tpu.barrier barrier_id(%barrier3A_69)
    %eq3A_70 = arith.constant 0 : i32
    %eq3A_71 = arith.cmpi eq, %arg1, %eq3A_70 : i32
    %convert_element_type3A = arith.extui %eq3A_71 : i1 to i32
    %cond3A = arith.constant 0 : i32
    %cond3A_72 = arith.cmpi ne, %convert_element_type3A, %cond3A : i32
    scf.if %cond3A_72 {
      "tpu.region"() ({
        %run_scoped3A_73 = tpu.sem_alloc : memref<!tpu.dma_semaphore, #tpu.memory_space<semaphore_mem>>
        %dma_start3A_74 = arith.constant 0 : i32
        %dma_start3A_75 = arith.constant 0 : i32
        %dma_start3A_76 = tpu.memref_slice %arg5[%arg0, %dma_start3A_74, %dma_start3A_75] : memref<2x640x128xf32, #tpu.memory_space<hbm>> -> memref<1x640x128xf32, #tpu.memory_space<hbm>>
        %dma_start3A_77 = tpu.memref_squeeze %dma_start3A_76 : memref<1x640x128xf32, #tpu.memory_space<hbm>> -> memref<640x128xf32, #tpu.memory_space<hbm>>
        %dma_start3A_78 = arith.constant 0 : i32
        %dma_start3A_79 = arith.constant 0 : i32
        %dma_start3A_80 = tpu.memref_slice %arg9[%dma_start3A_78, %dma_start3A_79] : memref<10240x128xf32, #tpu.memory_space<vmem_shared>> -> memref<640x128xf32, #tpu.memory_space<vmem_shared>>
        tpu.enqueue_dma source(%dma_start3A_80 : memref<640x128xf32, #tpu.memory_space<vmem_shared>>) target(%dma_start3A_77 : memref<640x128xf32, #tpu.memory_space<hbm>>) target_semaphore(%run_scoped3A_73 : memref<!tpu.dma_semaphore, #tpu.memory_space<semaphore_mem>>)
        %dma_wait3A = arith.constant 0 : i32
        %dma_wait3A_81 = arith.constant 0 : i32
        %dma_wait3A_82 = tpu.memref_slice %arg5[%arg0, %dma_wait3A, %dma_wait3A_81] : memref<2x640x128xf32, #tpu.memory_space<hbm>> -> memref<1x640x128xf32, #tpu.memory_space<hbm>>
        %dma_wait3A_83 = tpu.memref_squeeze %dma_wait3A_82 : memref<1x640x128xf32, #tpu.memory_space<hbm>> -> memref<640x128xf32, #tpu.memory_space<hbm>>
        %dma_wait3A_84 = arith.constant 0 : i32
        %dma_wait3A_85 = arith.constant 0 : i32
        %dma_wait3A_86 = tpu.memref_slice %arg9[%dma_wait3A_84, %dma_wait3A_85] : memref<10240x128xf32, #tpu.memory_space<vmem_shared>> -> memref<640x128xf32, #tpu.memory_space<vmem_shared>>
        tpu.wait_dma2 semaphore(%run_scoped3A_73 : memref<!tpu.dma_semaphore, #tpu.memory_space<semaphore_mem>>) src(%dma_wait3A_86 : memref<640x128xf32, #tpu.memory_space<vmem_shared>>) dst(%dma_wait3A_83 : memref<640x128xf32, #tpu.memory_space<hbm>>)
        tpu.yield
      }) : () -> ()
    } else {
    }
    return
  }
}

module attributes {stable_mosaic.version = 14 : i64} {
  func.func @_prep_body(%arg0: i32, %arg1: memref<1024x128xf32, #tpu.memory_space<vmem>>, %arg2: memref<128x128xf32, #tpu.memory_space<vmem>>, %arg3: memref<2x1024x1xf32, #tpu.memory_space<vmem>>, %arg4: memref<1024x128xf32, #tpu.memory_space<vmem>>) attributes {dimension_semantics = [#tpu.dimension_semantics<arbitrary>], iteration_bounds = array<i64: 10>, scalar_prefetch = 0 : i64, scratch_operands = 0 : i64, tpu.core_type = #tpu.core_type<tc>, window_params = [{transform_indices = @transform_0, window_bounds = array<i64: 1024, 128>}, {pipeline_mode = #tpu.pipeline_mode<synchronous>, transform_indices = @transform_1, window_bounds = array<i64: 128, 128>}, {transform_indices = @transform_2, window_bounds = array<i64: 2, 1024, 1>}, {transform_indices = @transform_3, window_bounds = array<i64: 1024, 128>}]} {
    %get3A = arith.constant 0 : index
    %get3A_0 = arith.constant 0 : index
    %get3A_1 = vector.load %arg1[%get3A, %get3A_0] : memref<1024x128xf32, #tpu.memory_space<vmem>>, vector<1024x128xf32>
    %get3A_2 = arith.constant 0 : index
    %get3A_3 = arith.constant 0 : index
    %get3A_4 = vector.load %arg2[%get3A_2, %get3A_3] : memref<128x128xf32, #tpu.memory_space<vmem>>, vector<128x128xf32>
    %dot_general3A = arith.constant dense<0.000000e+00> : vector<1024x128xf32>
    %dot_general3A_5 = tpu.matmul %get3A_1, %get3A_4, %dot_general3A {dimension_numbers = #tpu.dot_dimension_numbers<[1], [0], [0], [1], [0, 0, 1, 1], [], []>, transpose_lhs_hint = false} : vector<1024x128xf32>, vector<128x128xf32>, vector<1024x128xf32> -> vector<1024x128xf32>
    %get3A_6 = arith.constant 0 : index
    %get3A_7 = arith.constant 0 : index
    %get3A_8 = arith.constant 0 : index
    %get3A_9 = vector.load %arg3[%get3A_6, %get3A_7, %get3A_8] : memref<2x1024x1xf32, #tpu.memory_space<vmem>>, vector<1x1024x1xf32>
    %get3A_10 = vector.shape_cast %get3A_9 : vector<1x1024x1xf32> to vector<1024x1xf32>
    %get3A_11 = arith.constant 1 : index
    %get3A_12 = arith.constant 0 : index
    %get3A_13 = arith.constant 0 : index
    %get3A_14 = vector.load %arg3[%get3A_11, %get3A_12, %get3A_13] : memref<2x1024x1xf32, #tpu.memory_space<vmem>>, vector<1x1024x1xf32>
    %get3A_15 = vector.shape_cast %get3A_14 : vector<1x1024x1xf32> to vector<1024x1xf32>
    %add3A = arith.addf %get3A_10, %get3A_15 : vector<1024x1xf32>
    %max3A = arith.constant 1.000000e+00 : f32
    %max3A_16 = vector.broadcast %max3A : f32 to vector<1024x1xf32>
    %max3A_17 = arith.maximumf %add3A, %max3A_16 : vector<1024x1xf32>
    %rsqrt3A = math.rsqrt %max3A_17 : vector<1024x1xf32>
    %mul3A = vector.broadcast %rsqrt3A : vector<1024x1xf32> to vector<1024x128xf32>
    %mul3A_18 = arith.mulf %dot_general3A_5, %mul3A : vector<1024x128xf32>
    %swap3A = arith.constant 0 : index
    %swap3A_19 = arith.constant 0 : index
    %swap3A_20 = vector.load %arg4[%swap3A, %swap3A_19] : memref<1024x128xf32, #tpu.memory_space<vmem>>, vector<1024x128xf32>
    tpu.vector_store %arg4[%swap3A, %swap3A_19], %mul3A_18 {strides = array<i32>} : memref<1024x128xf32, #tpu.memory_space<vmem>>, vector<1024x128xf32>,
    return
  }
  func.func @transform_0(%arg0: i32) -> (i32, i32) {
    %c0_i32 = arith.constant 0 : i32
    %c0_i32_0 = arith.constant 0 : i32
    return %arg0, %c0_i32 : i32, i32
  }
  func.func @transform_1(%arg0: i32) -> (i32, i32) {
    %c0_i32 = arith.constant 0 : i32
    %c0_i32_0 = arith.constant 0 : i32
    %c0_i32_1 = arith.constant 0 : i32
    return %c0_i32, %c0_i32_0 : i32, i32
  }
  func.func @transform_2(%arg0: i32) -> (i32, i32, i32) {
    %c0_i32 = arith.constant 0 : i32
    %c0_i32_0 = arith.constant 0 : i32
    %c0_i32_1 = arith.constant 0 : i32
    return %c0_i32, %arg0, %c0_i32_0 : i32, i32, i32
  }
  func.func @transform_3(%arg0: i32) -> (i32, i32) {
    %c0_i32 = arith.constant 0 : i32
    %c0_i32_0 = arith.constant 0 : i32
    return %arg0, %c0_i32 : i32, i32
  }
}

module attributes {stable_mosaic.version = 14 : i64} {
  func.func @_mid_body(%arg0: i32, %arg1: memref<2x1024x128xf32, #tpu.memory_space<vmem>>, %arg2: memref<2x1024x1xf32, #tpu.memory_space<vmem>>, %arg3: memref<1x128xf32, #tpu.memory_space<vmem>>, %arg4: memref<128x128xf32, #tpu.memory_space<vmem>>, %arg5: memref<1024x128xf32, #tpu.memory_space<vmem>>) attributes {dimension_semantics = [#tpu.dimension_semantics<arbitrary>], iteration_bounds = array<i64: 10>, scalar_prefetch = 0 : i64, scratch_operands = 0 : i64, tpu.core_type = #tpu.core_type<tc>, window_params = [{transform_indices = @transform_0, window_bounds = array<i64: 2, 1024, 128>}, {transform_indices = @transform_1, window_bounds = array<i64: 2, 1024, 1>}, {pipeline_mode = #tpu.pipeline_mode<synchronous>, transform_indices = @transform_2, window_bounds = array<i64: 1, 128>}, {pipeline_mode = #tpu.pipeline_mode<synchronous>, transform_indices = @transform_3, window_bounds = array<i64: 128, 128>}, {transform_indices = @transform_4, window_bounds = array<i64: 1024, 128>}]} {
    %get3A = arith.constant 0 : index
    %get3A_0 = arith.constant 0 : index
    %get3A_1 = arith.constant 0 : index
    %get3A_2 = vector.load %arg2[%get3A, %get3A_0, %get3A_1] : memref<2x1024x1xf32, #tpu.memory_space<vmem>>, vector<1x1024x1xf32>
    %get3A_3 = vector.shape_cast %get3A_2 : vector<1x1024x1xf32> to vector<1024x1xf32>
    %get3A_4 = arith.constant 1 : index
    %get3A_5 = arith.constant 0 : index
    %get3A_6 = arith.constant 0 : index
    %get3A_7 = vector.load %arg2[%get3A_4, %get3A_5, %get3A_6] : memref<2x1024x1xf32, #tpu.memory_space<vmem>>, vector<1x1024x1xf32>
    %get3A_8 = vector.shape_cast %get3A_7 : vector<1x1024x1xf32> to vector<1024x1xf32>
    %add3A = arith.addf %get3A_3, %get3A_8 : vector<1024x1xf32>
    %max3A = arith.constant 1.000000e+00 : f32
    %max3A_9 = vector.broadcast %max3A : f32 to vector<1024x1xf32>
    %max3A_10 = arith.maximumf %add3A, %max3A_9 : vector<1024x1xf32>
    %rsqrt3A = math.rsqrt %max3A_10 : vector<1024x1xf32>
    %get3A_11 = arith.constant 0 : index
    %get3A_12 = arith.constant 0 : index
    %get3A_13 = arith.constant 0 : index
    %get3A_14 = vector.load %arg1[%get3A_11, %get3A_12, %get3A_13] : memref<2x1024x128xf32, #tpu.memory_space<vmem>>, vector<1x1024x128xf32>
    %get3A_15 = vector.shape_cast %get3A_14 : vector<1x1024x128xf32> to vector<1024x128xf32>
    %get3A_16 = arith.constant 1 : index
    %get3A_17 = arith.constant 0 : index
    %get3A_18 = arith.constant 0 : index
    %get3A_19 = vector.load %arg1[%get3A_16, %get3A_17, %get3A_18] : memref<2x1024x128xf32, #tpu.memory_space<vmem>>, vector<1x1024x128xf32>
    %get3A_20 = vector.shape_cast %get3A_19 : vector<1x1024x128xf32> to vector<1024x128xf32>
    %add3A_21 = arith.addf %get3A_15, %get3A_20 : vector<1024x128xf32>
    %mul3A = vector.broadcast %rsqrt3A : vector<1024x1xf32> to vector<1024x128xf32>
    %mul3A_22 = arith.mulf %add3A_21, %mul3A : vector<1024x128xf32>
    %get3A_23 = arith.constant 0 : index
    %get3A_24 = arith.constant 0 : index
    %get3A_25 = vector.load %arg3[%get3A_23, %get3A_24] : memref<1x128xf32, #tpu.memory_space<vmem>>, vector<1x128xf32>
    %add3A_26 = vector.broadcast %get3A_25 : vector<1x128xf32> to vector<1024x128xf32>
    %add3A_27 = arith.addf %mul3A_22, %add3A_26 : vector<1024x128xf32>
    %max3A_28 = arith.constant 0.000000e+00 : f32
    %max3A_29 = vector.broadcast %max3A_28 : f32 to vector<1024x128xf32>
    %max3A_30 = arith.maximumf %add3A_27, %max3A_29 : vector<1024x128xf32>
    %get3A_31 = arith.constant 0 : index
    %get3A_32 = arith.constant 0 : index
    %get3A_33 = vector.load %arg4[%get3A_31, %get3A_32] : memref<128x128xf32, #tpu.memory_space<vmem>>, vector<128x128xf32>
    %dot_general3A = arith.constant dense<0.000000e+00> : vector<1024x128xf32>
    %dot_general3A_34 = tpu.matmul %max3A_30, %get3A_33, %dot_general3A {dimension_numbers = #tpu.dot_dimension_numbers<[1], [0], [0], [1], [0, 0, 1, 1], [], []>, transpose_lhs_hint = false} : vector<1024x128xf32>, vector<128x128xf32>, vector<1024x128xf32> -> vector<1024x128xf32>
    %mul3A_35 = vector.broadcast %rsqrt3A : vector<1024x1xf32> to vector<1024x128xf32>
    %mul3A_36 = arith.mulf %dot_general3A_34, %mul3A_35 : vector<1024x128xf32>
    %swap3A = arith.constant 0 : index
    %swap3A_37 = arith.constant 0 : index
    %swap3A_38 = vector.load %arg5[%swap3A, %swap3A_37] : memref<1024x128xf32, #tpu.memory_space<vmem>>, vector<1024x128xf32>
    tpu.vector_store %arg5[%swap3A, %swap3A_37], %mul3A_36 {strides = array<i32>} : memref<1024x128xf32, #tpu.memory_space<vmem>>, vector<1024x128xf32>,
    return
  }
  func.func @transform_0(%arg0: i32) -> (i32, i32, i32) {
    %c0_i32 = arith.constant 0 : i32
    %c0_i32_0 = arith.constant 0 : i32
    %c0_i32_1 = arith.constant 0 : i32
    return %c0_i32, %arg0, %c0_i32_0 : i32, i32, i32
  }
  func.func @transform_1(%arg0: i32) -> (i32, i32, i32) {
    %c0_i32 = arith.constant 0 : i32
    %c0_i32_0 = arith.constant 0 : i32
    %c0_i32_1 = arith.constant 0 : i32
    return %c0_i32, %arg0, %c0_i32_0 : i32, i32, i32
  }
  func.func @transform_2(%arg0: i32) -> (i32, i32) {
    %c0_i32 = arith.constant 0 : i32
    %c0_i32_0 = arith.constant 0 : i32
    %c0_i32_1 = arith.constant 0 : i32
    return %c0_i32, %c0_i32_0 : i32, i32
  }
  func.func @transform_3(%arg0: i32) -> (i32, i32) {
    %c0_i32 = arith.constant 0 : i32
    %c0_i32_0 = arith.constant 0 : i32
    %c0_i32_1 = arith.constant 0 : i32
    return %c0_i32, %c0_i32_0 : i32, i32
  }
  func.func @transform_4(%arg0: i32) -> (i32, i32) {
    %c0_i32 = arith.constant 0 : i32
    %c0_i32_0 = arith.constant 0 : i32
    return %arg0, %c0_i32 : i32, i32
  }
}

module attributes {stable_mosaic.version = 14 : i64} {
  func.func @_head_body(%arg0: i32, %arg1: memref<2x1024x128xf32, #tpu.memory_space<vmem>>, %arg2: memref<2x1024x1xf32, #tpu.memory_space<vmem>>, %arg3: memref<1x128xf32, #tpu.memory_space<vmem>>, %arg4: memref<128x128xf32, #tpu.memory_space<vmem>>, %arg5: memref<1x128xf32, #tpu.memory_space<vmem>>, %arg6: memref<128x64xf32, #tpu.memory_space<vmem>>, %arg7: memref<1x64xf32, #tpu.memory_space<vmem>>, %arg8: memref<1024x64xf32, #tpu.memory_space<vmem>>) attributes {dimension_semantics = [#tpu.dimension_semantics<arbitrary>], iteration_bounds = array<i64: 10>, scalar_prefetch = 0 : i64, scratch_operands = 0 : i64, tpu.core_type = #tpu.core_type<tc>, window_params = [{transform_indices = @transform_0, window_bounds = array<i64: 2, 1024, 128>}, {transform_indices = @transform_1, window_bounds = array<i64: 2, 1024, 1>}, {pipeline_mode = #tpu.pipeline_mode<synchronous>, transform_indices = @transform_2, window_bounds = array<i64: 1, 128>}, {pipeline_mode = #tpu.pipeline_mode<synchronous>, transform_indices = @transform_3, window_bounds = array<i64: 128, 128>}, {pipeline_mode = #tpu.pipeline_mode<synchronous>, transform_indices = @transform_4, window_bounds = array<i64: 1, 128>}, {pipeline_mode = #tpu.pipeline_mode<synchronous>, transform_indices = @transform_5, window_bounds = array<i64: 128, 64>}, {pipeline_mode = #tpu.pipeline_mode<synchronous>, transform_indices = @transform_6, window_bounds = array<i64: 1, 64>}, {transform_indices = @transform_7, window_bounds = array<i64: 1024, 64>}]} {
    %get3A = arith.constant 0 : index
    %get3A_0 = arith.constant 0 : index
    %get3A_1 = arith.constant 0 : index
    %get3A_2 = vector.load %arg2[%get3A, %get3A_0, %get3A_1] : memref<2x1024x1xf32, #tpu.memory_space<vmem>>, vector<1x1024x1xf32>
    %get3A_3 = vector.shape_cast %get3A_2 : vector<1x1024x1xf32> to vector<1024x1xf32>
    %get3A_4 = arith.constant 1 : index
    %get3A_5 = arith.constant 0 : index
    %get3A_6 = arith.constant 0 : index
    %get3A_7 = vector.load %arg2[%get3A_4, %get3A_5, %get3A_6] : memref<2x1024x1xf32, #tpu.memory_space<vmem>>, vector<1x1024x1xf32>
    %get3A_8 = vector.shape_cast %get3A_7 : vector<1x1024x1xf32> to vector<1024x1xf32>
    %add3A = arith.addf %get3A_3, %get3A_8 : vector<1024x1xf32>
    %max3A = arith.constant 1.000000e+00 : f32
    %max3A_9 = vector.broadcast %max3A : f32 to vector<1024x1xf32>
    %max3A_10 = arith.maximumf %add3A, %max3A_9 : vector<1024x1xf32>
    %rsqrt3A = math.rsqrt %max3A_10 : vector<1024x1xf32>
    %get3A_11 = arith.constant 0 : index
    %get3A_12 = arith.constant 0 : index
    %get3A_13 = arith.constant 0 : index
    %get3A_14 = vector.load %arg1[%get3A_11, %get3A_12, %get3A_13] : memref<2x1024x128xf32, #tpu.memory_space<vmem>>, vector<1x1024x128xf32>
    %get3A_15 = vector.shape_cast %get3A_14 : vector<1x1024x128xf32> to vector<1024x128xf32>
    %get3A_16 = arith.constant 1 : index
    %get3A_17 = arith.constant 0 : index
    %get3A_18 = arith.constant 0 : index
    %get3A_19 = vector.load %arg1[%get3A_16, %get3A_17, %get3A_18] : memref<2x1024x128xf32, #tpu.memory_space<vmem>>, vector<1x1024x128xf32>
    %get3A_20 = vector.shape_cast %get3A_19 : vector<1x1024x128xf32> to vector<1024x128xf32>
    %add3A_21 = arith.addf %get3A_15, %get3A_20 : vector<1024x128xf32>
    %mul3A = vector.broadcast %rsqrt3A : vector<1024x1xf32> to vector<1024x128xf32>
    %mul3A_22 = arith.mulf %add3A_21, %mul3A : vector<1024x128xf32>
    %get3A_23 = arith.constant 0 : index
    %get3A_24 = arith.constant 0 : index
    %get3A_25 = vector.load %arg3[%get3A_23, %get3A_24] : memref<1x128xf32, #tpu.memory_space<vmem>>, vector<1x128xf32>
    %add3A_26 = vector.broadcast %get3A_25 : vector<1x128xf32> to vector<1024x128xf32>
    %add3A_27 = arith.addf %mul3A_22, %add3A_26 : vector<1024x128xf32>
    %max3A_28 = arith.constant 0.000000e+00 : f32
    %max3A_29 = vector.broadcast %max3A_28 : f32 to vector<1024x128xf32>
    %max3A_30 = arith.maximumf %add3A_27, %max3A_29 : vector<1024x128xf32>
    %get3A_31 = arith.constant 0 : index
    %get3A_32 = arith.constant 0 : index
    %get3A_33 = vector.load %arg4[%get3A_31, %get3A_32] : memref<128x128xf32, #tpu.memory_space<vmem>>, vector<128x128xf32>
    %dot_general3A = arith.constant dense<0.000000e+00> : vector<1024x128xf32>
    %dot_general3A_34 = tpu.matmul %max3A_30, %get3A_33, %dot_general3A {dimension_numbers = #tpu.dot_dimension_numbers<[1], [0], [0], [1], [0, 0, 1, 1], [], []>, transpose_lhs_hint = false} : vector<1024x128xf32>, vector<128x128xf32>, vector<1024x128xf32> -> vector<1024x128xf32>
    %get3A_35 = arith.constant 0 : index
    %get3A_36 = arith.constant 0 : index
    %get3A_37 = vector.load %arg5[%get3A_35, %get3A_36] : memref<1x128xf32, #tpu.memory_space<vmem>>, vector<1x128xf32>
    %add3A_38 = vector.broadcast %get3A_37 : vector<1x128xf32> to vector<1024x128xf32>
    %add3A_39 = arith.addf %dot_general3A_34, %add3A_38 : vector<1024x128xf32>
    %max3A_40 = arith.constant 0.000000e+00 : f32
    %max3A_41 = vector.broadcast %max3A_40 : f32 to vector<1024x128xf32>
    %max3A_42 = arith.maximumf %add3A_39, %max3A_41 : vector<1024x128xf32>
    %get3A_43 = arith.constant 0 : index
    %get3A_44 = arith.constant 0 : index
    %get3A_45 = vector.load %arg6[%get3A_43, %get3A_44] : memref<128x64xf32, #tpu.memory_space<vmem>>, vector<128x64xf32>
    %dot_general3A_46 = arith.constant dense<0.000000e+00> : vector<1024x64xf32>
    %dot_general3A_47 = tpu.matmul %max3A_42, %get3A_45, %dot_general3A_46 {dimension_numbers = #tpu.dot_dimension_numbers<[1], [0], [0], [1], [0, 0, 1, 1], [], []>, transpose_lhs_hint = false} : vector<1024x128xf32>, vector<128x64xf32>, vector<1024x64xf32> -> vector<1024x64xf32>
    %get3A_48 = arith.constant 0 : index
    %get3A_49 = arith.constant 0 : index
    %get3A_50 = vector.load %arg7[%get3A_48, %get3A_49] : memref<1x64xf32, #tpu.memory_space<vmem>>, vector<1x64xf32>
    %add3A_51 = vector.broadcast %get3A_50 : vector<1x64xf32> to vector<1024x64xf32>
    %add3A_52 = arith.addf %dot_general3A_47, %add3A_51 : vector<1024x64xf32>
    %swap3A = arith.constant 0 : index
    %swap3A_53 = arith.constant 0 : index
    %swap3A_54 = vector.load %arg8[%swap3A, %swap3A_53] : memref<1024x64xf32, #tpu.memory_space<vmem>>, vector<1024x64xf32>
    tpu.vector_store %arg8[%swap3A, %swap3A_53], %add3A_52 {strides = array<i32>} : memref<1024x64xf32, #tpu.memory_space<vmem>>, vector<1024x64xf32>,
    return
  }
  func.func @transform_0(%arg0: i32) -> (i32, i32, i32) {
    %c0_i32 = arith.constant 0 : i32
    %c0_i32_0 = arith.constant 0 : i32
    %c0_i32_1 = arith.constant 0 : i32
    return %c0_i32, %arg0, %c0_i32_0 : i32, i32, i32
  }
  func.func @transform_1(%arg0: i32) -> (i32, i32, i32) {
    %c0_i32 = arith.constant 0 : i32
    %c0_i32_0 = arith.constant 0 : i32
    %c0_i32_1 = arith.constant 0 : i32
    return %c0_i32, %arg0, %c0_i32_0 : i32, i32, i32
  }
  func.func @transform_2(%arg0: i32) -> (i32, i32) {
    %c0_i32 = arith.constant 0 : i32
    %c0_i32_0 = arith.constant 0 : i32
    %c0_i32_1 = arith.constant 0 : i32
    return %c0_i32, %c0_i32_0 : i32, i32
  }
  func.func @transform_3(%arg0: i32) -> (i32, i32) {
    %c0_i32 = arith.constant 0 : i32
    %c0_i32_0 = arith.constant 0 : i32
    %c0_i32_1 = arith.constant 0 : i32
    return %c0_i32, %c0_i32_0 : i32, i32
  }
  func.func @transform_4(%arg0: i32) -> (i32, i32) {
    %c0_i32 = arith.constant 0 : i32
    %c0_i32_0 = arith.constant 0 : i32
    %c0_i32_1 = arith.constant 0 : i32
    return %c0_i32, %c0_i32_0 : i32, i32
  }
  func.func @transform_5(%arg0: i32) -> (i32, i32) {
    %c0_i32 = arith.constant 0 : i32
    %c0_i32_0 = arith.constant 0 : i32
    %c0_i32_1 = arith.constant 0 : i32
    return %c0_i32, %c0_i32_0 : i32, i32
  }
  func.func @transform_6(%arg0: i32) -> (i32, i32) {
    %c0_i32 = arith.constant 0 : i32
    %c0_i32_0 = arith.constant 0 : i32
    %c0_i32_1 = arith.constant 0 : i32
    return %c0_i32, %c0_i32_0 : i32, i32
  }
  func.func @transform_7(%arg0: i32) -> (i32, i32) {
    %c0_i32 = arith.constant 0 : i32
    %c0_i32_0 = arith.constant 0 : i32
    return %arg0, %c0_i32 : i32, i32
  }
}

</mosaic_0001>

<sc_bundles>
// kernel: kernel.11.cloned.1.call-start
scs
__scs_entry_jumppad:
0x0: {  	(pc) =	sbr.rel $0x88, $3  }
0x1: {  	(tag) =	ssettag $0x0;
	lr =	simm.s32 $0x1  }
0x2: {  	[smem:$0x3F97] =	sst lr;
	_ =	strace $0xD0000000  }
0x3: {  	_ = 	snop  }
0x4: {  	_ = 	snop  }
0x5: {  	_ = 	snop  }
0x6: {  	_ = 	snop  }
0x7: {  	_ = 	snop  }
__scs_overlays_trampoline_lowered:
0x8: {  	[smem:$0x3FA6] =	sst s0  }
0x9: {  	[smem:$0x3FA7] =	sst s1  }
0xa: {  	[smem:$0x3FA8] =	sst s2  }
0xb: {  	[smem:$0x3FA9] =	sst s3  }
0xc: {  	[smem:$0x3FAA] =	sst s4  }
0xd: {  	[smem:$0x3FAB] =	sst s5  }
0xe: {  	[smem:$0x3FAC] =	sst s6  }
0xf: {  	[smem:$0x3FAD] =	sst s7  }
0x10: {  	[smem:$0x3FAE] =	sst s8  }
0x11: {  	[smem:$0x3FAF] =	sst s9;
	s0 =	simm.s32 @!p0 $0x0  }
0x12: {  	s1 =	sld [smem:$0x3F95];
	s0 =	simm.s32 @p0 $0x1  }
0x13: {  	[smem:$0x3FB0] =	sst s0;
	s0 =	simm.s32 @!p1 $0x0  }
0x14: {  	s2 =	sld [smem:$0x3F94];
	s0 =	simm.s32 @p1 $0x1  }
0x15: {  	[smem:$0x3FB1] =	sst s0;
	s0 =	simm.s32 @!p2 $0x0  }
0x16: {  	s3 =	sld [smem:$0x3FDB];
	s0 =	simm.s32 @p2 $0x1  }
0x17: {  	s4 =	simm.s32 $0x1BF5;
	[smem:$0x3FB3] =	sst s0  }
0x18: {  	s0 =	sld [smem:$0x3F96];
	_ =	swait.ge [sflag:s4], $0x0  }
0x19: {  	s7 =	sld [smem:$0x3F97]  }
0x1a: {  	s8 =	sadd.s32 $0xFFFFE003, lr  }
0x1b: {  	s9 =	sadd.s32 $0xFFFFFEF7, lr;
	s5 =	simm.s32 $0xFFFFFFFF;
	p2 =	slt.u32 s8, $0xFFFFF086  }
0x1c: {  	p1 =	slt.u32 s9, $0xF7A;
	s5 =	simm.s32 @!p2 $0x0  }
0x1d: {  	s5 =	simm.s32 @p1 $0x1;
	p0 =	seq.s32 s7, s2  }
0x1e: {  	s7 =	smul.u32 @!p0 $0xF7A, s2;
	p2 =	seq.s32 @!p0 s5, $0x0  }
0x1f: {  	s9 =	smul.u32 $0xF7A, s1;
	s8 =	simm.s32 @!p0 $0x1BF5;
	p2 =	por !p2, p0  }
0x20: {  	[sflag:s8] =	ssyncset.s32 @!p0 $0xFFFFF086;
	s6 =	sadd.s32 @!p0 s3, s7;
	s7 =	simm.s32 @!p0 $0x108  }
0x21: {  	s3 =	sadd.s32 s3, s9;
	s6 =	sadd.s32 @!p0 $0x88, s6;
	s7 =	simm.s32 @p2 $0x1082  }
0x22: {  	[simem:s7], [sflag:s8] =	dma.local @!p0 [hbm:s6], $0xF7A  }
0x23: {  	s9 =	sor.u32 $0xD0000000, s2;
	s6 =	simm.s32 $0x108;
	_ =	swait.ge @!p0 [sflag:s8], $0x0  }
0x24: {  	s3 =	sadd.s32 $0x88, s3;
	s6 =	simm.s32 @!p1 $0x1082;
	[sflag:s4] =	ssyncset.s32 $0xFFFFF086  }
0x25: {  	[simem:s6], [sflag:s4] =	dma.local [hbm:s3], $0xF7A  }
0x26: {  	[smem:$0x3F97] =	sst s1;
	(tag) =	ssettag s2;
	_ =	strace s9  }
0x27: {  	s1 =	sld [smem:$0x3FA7]  }
0x28: {  	s2 =	sld [smem:$0x3FA8]  }
0x29: {  	s4 =	sld [smem:$0x3FAA]  }
0x2a: {  	p0 =	seq.s32 s5, $0x0;
	s5 =	sld [smem:$0x3FAB]  }
0x2b: {  	s6 =	sld [smem:$0x3FAC]  }
0x2c: {  	s7 =	sld [smem:$0x3FAD]  }
0x2d: {  	s3 =	simm.s32 $0x108;
	s8 =	sld [smem:$0x3FAE]  }
0x2e: {  	s3 =	simm.s32 @!p0 $0x1082;
	s9 =	sld [smem:$0x3FAF]  }
0x2f: {  	lr =	sadd.s32 s0, s3;
	s0 =	sld [smem:$0x3FA6]  }
0x30: {  	s3 =	sld [smem:$0x3FA9]  }
0x31: {  	[smem:$0x3FB2] =	sst s10  }
0x32: {  	s10 =	sld [smem:$0x3FB0];
	_ =	sdelay $0x3  }
0x33: {  	p0 =	seq.s32 s10, $0x1;
	s10 =	sld [smem:$0x3FB2];
	_ =	sdelay $0x3  }
0x34: {  	[smem:$0x3FB2] =	sst s10  }
0x35: {  	s10 =	sld [smem:$0x3FB1];
	_ =	sdelay $0x3  }
0x36: {  	p1 =	seq.s32 s10, $0x1;
	s10 =	sld [smem:$0x3FB2];
	_ =	sdelay $0x3  }
0x37: {  	[smem:$0x3FB2] =	sst s10  }
0x38: {  	s10 =	sld [smem:$0x3FB3]  }
0x39: {  	_ = 	snop;
	(pc) =	sbr.ind lr, $3  }
0x3a: {  	_ = 	snop  }
0x3b: {  	_ = 	snop  }
0x3c: {  	p2 =	seq.s32 s10, $0x1;
	s10 =	sld [smem:$0x3FB2]  }
0x3d: {  	_ =	shalt  }
0x3e: {  	_ =	shalt  }
0x3f: {  	_ =	shalt  }
0x40: {  	_ =	shalt  }
0x41: {  	_ =	shalt  }
0x42: {  	_ =	shalt  }
0x43: {  	_ =	shalt  }
0x44: {  	_ =	shalt  }
0x45: {  	_ =	shalt  }
0x46: {  	_ =	shalt  }
0x47: {  	_ =	shalt  }
0x48: {  	_ =	shalt  }
0x49: {  	_ =	shalt  }
0x4a: {  	_ =	shalt  }
0x4b: {  	_ =	shalt  }
0x4c: {  	_ =	shalt  }
0x4d: {  	_ =	shalt  }
0x4e: {  	_ =	shalt  }
0x4f: {  	_ =	shalt  }
0x50: {  	_ =	shalt  }
0x51: {  	_ =	shalt  }
0x52: {  	_ =	shalt  }
0x53: {  	_ =	shalt  }
0x54: {  	_ =	shalt  }
0x55: {  	_ =	shalt  }
0x56: {  	_ =	shalt  }
0x57: {  	_ =	shalt  }
0x58: {  	_ =	shalt  }
0x59: {  	_ =	shalt  }
0x5a: {  	_ =	shalt  }
0x5b: {  	_ =	shalt  }
0x5c: {  	_ =	shalt  }
0x5d: {  	_ =	shalt  }
0x5e: {  	_ =	shalt  }
0x5f: {  	_ =	shalt  }
0x60: {  	_ =	shalt  }
0x61: {  	_ =	shalt  }
0x62: {  	_ =	shalt  }
0x63: {  	_ =	shalt  }
0x64: {  	_ =	shalt  }
0x65: {  	_ =	shalt  }
0x66: {  	_ =	shalt  }
0x67: {  	_ =	shalt  }
0x68: {  	_ =	shalt  }
0x69: {  	_ =	shalt  }
0x6a: {  	_ =	shalt  }
0x6b: {  	_ =	shalt  }
0x6c: {  	_ =	shalt  }
0x6d: {  	_ =	shalt  }
0x6e: {  	_ =	shalt  }
0x6f: {  	_ =	shalt  }
0x70: {  	_ =	shalt  }
0x71: {  	_ =	shalt  }
0x72: {  	_ =	shalt  }
0x73: {  	_ =	shalt  }
0x74: {  	_ =	shalt  }
0x75: {  	_ =	shalt  }
0x76: {  	_ =	shalt  }
0x77: {  	_ =	shalt  }
0x78: {  	_ =	shalt  }
0x79: {  	_ =	shalt  }
0x7a: {  	_ =	shalt  }
0x7b: {  	_ =	shalt  }
0x7c: {  	_ =	shalt  }
0x7d: {  	_ =	shalt  }
0x7e: {  	_ =	shalt  }
0x7f: {  	_ =	shalt  }
0x80: {  	_ =	shalt  }
0x81: {  	_ =	shalt  }
0x82: {  	_ =	shalt  }
0x83: {  	_ =	shalt  }
0x84: {  	_ =	shalt  }
0x85: {  	_ =	shalt  }
0x86: {  	_ =	shalt  }
0x87: {  	_ =	shalt  }
.Lfunc_end0:
.L_simem_size_0:
called_computation.1_lowered:
.L_overlay_start_0:
0x88: {  	s2 =	sld [smem:$0x3FD9]  }
0x89: {  	s3 =	sld [smem:$0x3FFE];
	_ =	sdelay $0x1  }
0x8a: {  	s1 =	srdreg.scid  }
0x8b: {  	s0 =	sand.u32 $0x1, s1  }
0x8c: {  	s17 =	sshll.u32 s0, $0xA;
	s2 =	sadd.s32 s3, s2  }
0x8d: {  	s2 =	sadd.s32 s2, s17  }
0x8e: {  	[smem:$0x3FBE] =	sst s2  }
0x8f: {  	_ = 	snop  }
0x90: {  	s2 =	sld [smem:$0x3FD0];
	(tm) =	ssettm $0x1  }
0x91: {  	s18 =	sld [smem:$0x3FFB];
	_ =	sdelay $0x3  }
0x92: {  	_ =	strace s18  }
0x93: {  	s3 =	sld [smem:$0x3FFC];
	_ =	sdelay $0x3  }
0x94: {  	_ =	strace s3  }
0x95: {  	s3 =	sld [smem:$0x3FFD];
	_ =	sdelay $0x3  }
0x96: {  	_ =	strace s3  }
0x97: {  	_ =	strace $0x8FFFFFFF  }
0x98: {  	s19 =	sld [smem:$0x3FDB];
	_ =	sdelay $0x1  }
0x99: {  	s4 =	simm.s32 $_scs_section_size  }
0x9a: {  	s5 =	simm.s32 $_size__tile_overlayer_lowered;
	s6 =	simm.s32 $_tile_overlayer_lowered  }
0x9b: {  	s22 =	simm.s32 $0x1BFF;
	s21 =	sshll.u32 s6, $0x1;
	s3 =	sadd.s32 s4, s19  }
0x9c: {  	s7 =	simm.s32 $0x0;
	s20 =	sshll.u32 s5, $0x1;
	s5 =	sadd.s32 s21, s3  }
0x9d: {  	[timem:s7], [sflag:s22] =	dma.local [hbm:s5], s20  }
0x9e: {  	_ =	swait.ge [sflag:s22], s20  }
0x9f: {  	s4 =	ssub.s32 $0x0, s20;
	[sflag:s22] =	ssyncset.done $0x0  }
0xa0: {  	[sflag:s22] =	ssyncadd.s32 s4;
	_ =	sdelay $0x1  }
0xa1: {  	s23 =	simm.s32 $0x1B8B  }
0xa2: {  	_ =	swait.ge [sflag:s23], $0x1  }
0xa3: {  	[sflag:s23] =	ssyncset.done $0x0  }
0xa4: {  	s25 =	simm.s32 $0x1B8E;
	s24 =	sld [smem:$0x3FFE];
	[sflag:s23] =	ssyncadd.s32 $0xFFFFFFFF  }
0xa5: {  	s26 =	simm.s32 $execute0_lowered;
	[smem:$0x3FD2] =	sst s25  }
0xa6: {  	s5 =	sshll.u32 s26, $0x1;
	_ =	strace $0x80000049;
	[dreg:$0x1] =	wrdreg $0xFFFFFFFF  }
0xa7: {  	s28 =	simm.s32 $_size_execute0_lowered;
	s3 =	sadd.s32 s3, s5;
	[dreg:$0x0] =	wrdreg $0x0  }
0xa8: {  	s5 =	sshll.u32 s28, $0x1;
	[dreg:$0x2] =	wrdreg s3  }
0xa9: {  	[dreg:$0x3] =	wrdreg s5  }
0xaa: {  	[dreg:$0x4] =	wrdreg $0xC0  }
0xab: {  	_ =	task [dreg:s7], $0x5FFFF  }
0xac: {  	[dreg:$0x1] =	wrdreg $0xFFFFFFFF  }
0xad: {  	[dreg:$0x0] =	wrdreg $0x60  }
0xae: {  	[dreg:$0x2] =	wrdreg s24  }
0xaf: {  	[dreg:$0x3] =	wrdreg s2  }
0xb0: {  	[dreg:$0x4] =	wrdreg $0xA0000  }
0xb1: {  	[dreg:$0x5] =	wrdreg $0x9  }
0xb2: {  	_ =	task.clear_ibuf [dreg:s7], $0x6FFFF;
	_ =	strace $0x90000049  }
0xb3: {  	s29 =	simm.s32 $0x9;
	_ =	strace $0x8000004B  }
0xb4: {  	_ =	swait.ge [sflag:s29], $0x1  }
0xb5: {  	[sflag:s29] =	ssyncadd.s32 $0xFFFFFFFF  }
0xb6: {  	_ =	strace $0x9000004B  }
0xb7: {  	_ =	sfence  }
0xb8: {  	s30 =	sld [smem:$0x0];
	_ =	sdelay $0x2  }
0xb9: {  	s31 =	sshll.u32 s1, $0xD;
	s1 =	sshrl.u32 s1, $0x2  }
0xba: {  	s3 =	sand.u32 $0x4000, s31;
	s1 =	sadd.s32 s1, s30  }
0xbb: {  	s0 =	sor.u32 s3, s0;
	s1 =	sshll.u32 s1, $0x11  }
0xbc: {  	s0 =	sor.u32 s1, s0  }
0xbd: {  	s0 =	sadd.s32 $0x8F2B, s0  }
0xbe: {  	[sflag:s0] =	ssyncadd.remote.s32 $0x1  }
0xbf: {  	_ =	sfence.sel $0xFFFF  }
0xc0: {  	[dreg:$0x0] =	wrdreg $0xFFFFFFFF;
	(pc) =	sbr.abs _section_cstart, $3  }
0xc1: {  	[dreg:$0x1] =	wrdreg $0xFFFFFFFF  }
0xc2: {  	_ =	task.clear_ibuf [dreg:s7], $0x2FFFF;
	_ =	strace $0x9FFFFFFF  }
0xc3: {  	(tm) =	ssettm $0x7FFFFFFF  }
tec
execute0_lowered:
.L_overlay_start_1:
0x0: {  	(tag) =	ssettag $0x1  }
0x1: {  	s6 =	rddreg [dreg:$0x0]  }
0x2: {  	s1 =	rddreg [dreg:$0x1]  }
0x3: {  	s2 =	rddreg [dreg:$0x2];
	s0 =	simm.s32 $0x0  }
0x4: {  	s7 =	srdreg.scid;
	s24 =	stileid.u32;
	s18 =	simm.s32 $0x2000  }
0x5: {  	s19 =	simm.s32 $0x80;
	s20 =	simm.s32 $0x1;
	s21 =	simm.s32 $0x6000  }
0x6: {  	s22 =	simm.s32 $0x2;
	[smem:$0x7FF] =	sst s0;
	s4 =	sadd.s32 $0x5C400, s6  }
0x7: {  	s5 =	sadd.s32 $0x2400, s6;
	s7 =	sand.u32 $0x1, s7;
	s23 =	sshll.u32 s24, $0x5  }
0x8: {  	s11 =	sshll.u32 s24, $0x7;
	s25 =	smul.u32 $0x50000, s24;
	_ =	strace $0x8000004A  }
0x9: {  	s8 =	smul.u32 $0x2800, s7;
	s9 =	ssub.s32 $0x2, s7;
	p0 =	seq.s32 s7, $0x0  }
0xa: {  	s14 =	sor.u32 $0x800, s23;
	s23 =	simm.s32 $0x3;
	s10 =	sshrl.u32 s9, $0x1  }
0xb: {  	s14 =	smov.u32 @p0 s11;
	s28 =	sshrl.u32 s25, $0x2;
	s15 =	sadd.s32 s8, s6  }
0xc: {  	s16 =	ssub.s32 s9, s10;
	s6 =	simm.s32 $0x40;
	s26 =	sshll.u32 s14, $0x4  }
0xd: {  	s8 =	sadd.s32 s28, s2;
	s30 =	sshll.u32 s14, $0x7;
	s6 =	simm.s32 @!p0 $0x10  }
0xe: {  	s29 =	sadd.s32 s1, s26;
	s9 =	sadd.s32 s5, s26;
	s10 =	sadd.s32 $0x4000, s8  }
0xf: {  	s11 =	sadd.s32 $0x8000, s8;
	s12 =	sadd.s32 $0xC000, s8;
	s13 =	sadd.s32 $0x10000, s8  }
0x10: {  	s14 =	sadd.s32 $0x84400, s15;
	[dreg:$0x7] =	wrdreg s29;
	s17 =	sadd.s32 $0xFFFFFFF8, s6  }
0x11: {  	s15 =	smax.u32 s16, $0x1;
	s31 =	sadd.s32 $0xFFFFFFFF, s6;
	[dreg:$0x4] =	wrdreg s17  }
0x12: {  	s16 =	simm.s32 $0x5;
	[dreg:$0x6] =	wrdreg s31;
	s17 =	sor.u32 $0x800, s30  }
0x13: {  	v0 =	vimm.f32 $0.0e+00;
	p0 =	sne.s32 s24, $0x0;
	s24 =	simm.s32 $0x0;
	[dreg:$0x5] =	wrdreg s17  }
.LBB2_1:
0x14: {  	s0 =	simm.s32 $0x0;
	s3 =	rddreg [dreg:$0x7]  }
0x15: {  	[tilespmem:s0], [sflag:$0x5] =	stream.linear.gather [hbm4b:s3+s0], $0x800, $0x38;
	[tilespmem:$0x1E000] =	vst v63  }
0x16: {  	_ =	swait.ge [sflag:s16], $0x800  }
0x17: {  	[sflag:s16] =	ssyncset.done $0x0  }
0x18: {  	s31 =	simm.s32 $0x1000;
	[sflag:s16] =	ssyncadd.s32 $0xFFFFF800  }
0x19: {  	[tilespmem:s31], [sflag:$0x5] =	stream.linear.gather [hbm4b:s9+s0], $0x800, $0x38;
	[tilespmem:$0x1E000] =	vst v63  }
0x1a: {  	_ =	swait.ge [sflag:s16], $0x800  }
0x1b: {  	[sflag:s16] =	ssyncset.done $0x0  }
0x1c: {  	s25 =	simm.s32 $0x0;
	s26 =	simm.s32 $0x200;
	[sflag:s16] =	ssyncadd.s32 $0xFFFFF800  }
.LBB2_2:
0x1d: {  	p1 =	sne.s32 s26, $0xFE00;
	[tilespmem:s25+$0x2070] =	vst v0  }
0x1e: {  	[tilespmem:s25+$0x2000] =	vst v0  }
0x1f: {  	[tilespmem:s25+$0x2010] =	vst v0  }
.Ltmp0:
0x20: {  	[tilespmem:s25+$0x2020] =	vst v0;
	(pc) =	sbr.rel @p1 .LBB2_2-.Ltmp0, $4  }
0x21: {  	[tilespmem:s25+$0x2030] =	vst v0  }
0x22: {  	[tilespmem:s25+$0x2040] =	vst v0  }
0x23: {  	[tilespmem:s25+$0x2050] =	vst v0  }
0x24: {  	[tilespmem:s25+$0x2060] =	vst v0;
	s25 =	sshra.s32 s26, $0x2;
	s26 =	sadd.s32 $0x200, s26  }
0x25: {  	[tilespmem:s25+$0x2070] =	vst v0  }
0x26: {  	[tilespmem:s25+$0x2000] =	vst v0  }
0x27: {  	[tilespmem:s25+$0x2010] =	vst v0  }
0x28: {  	[tilespmem:s25+$0x2020] =	vst v0  }
0x29: {  	[tilespmem:s25+$0x2030] =	vst v0  }
0x2a: {  	[tilespmem:s25+$0x2040] =	vst v0  }
0x2b: {  	[tilespmem:s25+$0x2050] =	vst v0  }
0x2c: {  	[tilespmem:s25+$0x2060] =	vst v0  }
0x2d: {  	[spmem:s8] =	stream.linear.scatter [tilespmem:s18], [sflag:$0x5], $0x4000, $0x38;
	[tilespmem:$0x1E000] =	vst v63  }
0x2e: {  	_ =	swait.ge [sflag:s16], $0x4000  }
0x2f: {  	[sflag:s16] =	ssyncset.done $0x0  }
0x30: {  	[sflag:s16] =	ssyncadd.s32 $0xFFFFC000  }
0x31: {  	[spmem:s10] =	stream.linear.scatter [tilespmem:s18], [sflag:$0x5], $0x4000, $0x38;
	[tilespmem:$0x1E000] =	vst v63  }
0x32: {  	_ =	swait.ge [sflag:s16], $0x4000  }
0x33: {  	[sflag:s16] =	ssyncset.done $0x0  }
0x34: {  	[sflag:s16] =	ssyncadd.s32 $0xFFFFC000  }
0x35: {  	[spmem:s11] =	stream.linear.scatter [tilespmem:s18], [sflag:$0x5], $0x4000, $0x38;
	[tilespmem:$0x1E000] =	vst v63  }
0x36: {  	_ =	swait.ge [sflag:s16], $0x4000  }
0x37: {  	[sflag:s16] =	ssyncset.done $0x0  }
0x38: {  	[sflag:s16] =	ssyncadd.s32 $0xFFFFC000  }
0x39: {  	[spmem:s12] =	stream.linear.scatter [tilespmem:s18], [sflag:$0x5], $0x4000, $0x38;
	[tilespmem:$0x1E000] =	vst v63  }
0x3a: {  	_ =	swait.ge [sflag:s16], $0x4000  }
0x3b: {  	[sflag:s16] =	ssyncset.done $0x0  }
0x3c: {  	[sflag:s16] =	ssyncadd.s32 $0xFFFFC000  }
0x3d: {  	[spmem:s13] =	stream.linear.scatter [tilespmem:s18], [sflag:$0x5], $0x4000, $0x38;
	[tilespmem:$0x1E000] =	vst v63  }
0x3e: {  	p2 =	sne.s32 s6, $0x1;
	_ =	swait.ge [sflag:s16], $0x4000  }
.Ltmp1:
0x3f: {  	[sflag:s16] =	ssyncset.done $0x0;
	(pc) =	sbr.rel @!p2 .LBB2_4-.Ltmp1, $4  }
0x40: {  	s29 =	simm.s32 $0x0;
	[sflag:s16] =	ssyncadd.s32 $0xFFFFC000  }
0x41: {  	[tilespmem:s18], [sflag:$0x1] =	stream.indirect.gather [hbm4b:s4+s19], $0x80, s29, s19, $0xb8;
	[tilespmem:$0x1E000] =	vst v63  }
0x42: {  	[bflag:$0x0] =	sbarrier.arrive $0xFFFF  }
0x43: {  	s25 =	simm.s32 $0x1;
	p1 =	por $0x0, $0x0  }
0x44: {  	s26 =	rddreg [dreg:$0x4]  }
0x45: {  	s28 =	sand.u32 $0x7, s29;
	p1 =	sle.s32 s26, $0x0  }
0x46: {  	p2 =	sne.s32 @!p1 s28, $0x0  }
0x47: {  	s26 =	rddreg [dreg:$0x5];
	p1 =	por p2, p1  }
0x48: {  	s26 =	sadd.s32 @!p1 $0x0, s26  }
0x49: {  	s28 =	sxor.u32 @!p1 $0xFFFFFFFF, s29;
	s26 =	sshrl.u32 @!p1 s26, $0x3  }
0x4a: {  	s31 =	simm.s32 @!p1 $0x0;
	s28 =	sand.u32 @!p1 $0x800, s28;
	s30 =	sadd.s32 @!p1 s1, s26  }
0x4b: {  	[tilespmem:s28], [sflag:$0x4] =	stream.linear.gather @!p1 [hbm4b:s30+s31], $0x800, $0x38;
	[tilespmem:$0x1E000] =	vst v63  }
0x4c: {  	s7 =	sand.u32 $0xE, s29;
	s26 =	sadd.s32 @!p1 s5, s26;
	s28 =	sor.u32 @!p1 $0x1000, s28  }
0x4d: {  	[tilespmem:s28], [sflag:$0x4] =	stream.linear.gather @!p1 [hbm4b:s26+s31], $0x800, $0x38;
	[tilespmem:$0x1E000] =	vst v63  }
0x4e: {  	s17 =	sand.u32 $0x800, s29;
	s28 =	sshll.u32 s7, $0x7;
	_ =	swait.ge [sflag:s20], $0x4000  }
0x4f: {  	s26 =	sor.u32 s28, s17;
	[sflag:s20] =	ssyncset.done $0x0  }
0x50: {  	s28 =	sor.u32 $0x80, s26;
	[sflag:s20] =	ssyncadd.s32 $0xFFFFC000  }
0x51: {  	[tilespmem:s21], [sflag:$0x2] =	stream.indirect.gather [hbm4b:s4+s19], $0x80, s28, s19, $0xb8;
	[tilespmem:$0x1E000] =	vst v63  }
0x52: {  	s26 =	sor.u32 $0x1000, s26  }
0x53: {  	[spmem:s2] =	stream.indirect.scatter.add.f32 [tilespmem:s18], [sflag:$0x3], $0x80, s26, s19, $0xb8;
	[tilespmem:$0x1E000] =	vst v63  }
0x54: {  	_ =	swait.ge [sflag:s22], $0x4000  }
0x55: {  	[sflag:s22] =	ssyncset.done $0x0  }
0x56: {  	[sflag:s22] =	ssyncadd.s32 $0xFFFFC000  }
0x57: {  	_ =	swait.ge [sflag:s23], $0x4000  }
0x58: {  	s30 =	rddreg [dreg:$0x6]  }
0x59: {  	p1 =	sle.s32 s30, $0x0  }
0x5a: {  	s26 =	simm.s32 @!p1 $0x2  }
0x5b: {  	s26 =	sand.u32 @!p1 $0xE, s26  }
0x5c: {  	p2 =	sne.s32 @!p1 s26, $0x0  }
0x5d: {  	[sflag:s23] =	ssyncset.done $0x0;
	p2 =	por p2, p1  }
0x5e: {  	[sflag:s23] =	ssyncadd.s32 $0xFFFFC000;
	s29 =	simm.s32 @!p2 $0x4  }
0x5f: {  	_ =	swait.ge @!p2 [sflag:s29], $0x800  }
0x60: {  	[sflag:s29] =	ssyncset.done @!p2 $0x0  }
0x61: {  	s30 =	simm.s32 @!p1 $0x100;
	[sflag:s29] =	ssyncadd.s32 @!p2 $0xFFFFF800  }
0x62: {  	s30 =	sand.u32 @!p1 $0x800, s30;
	s26 =	sshll.u32 @!p1 s26, $0x7;
	_ =	swait.ge @!p2 [sflag:s29], $0x800  }
0x63: {  	s26 =	sor.u32 @!p1 s26, s30;
	s30 =	simm.s32 @!p1 $0x2000;
	[sflag:s29] =	ssyncset.done @!p2 $0x0  }
0x64: {  	[sflag:s29] =	ssyncadd.s32 @!p2 $0xFFFFF800;
	s29 =	simm.s32 @!p1 $0x80;
	p2 =	sne.s32 s6, $0x2  }
0x65: {  	[tilespmem:s30], [sflag:$0x1] =	stream.indirect.gather @!p1 [hbm4b:s4+s29], $0x80, s26, s29, $0xb8;
	[tilespmem:$0x1E000] =	vst v63  }
.Ltmp2:
0x66: {  	_ = 	snop;
	(pc) =	sbr.rel @!p2 .LBB2_6-.Ltmp2, $4  }
0x67: {  	s31 =	sor.u32 $0x1000, s28  }
0x68: {  	[spmem:s2] =	stream.indirect.scatter.add.f32 [tilespmem:s21], [sflag:$0x5], $0x80, s31, s19, $0xb8;
	[tilespmem:$0x1E000] =	vst v63  }
0x69: {  	s28 =	simm.s32 $0x2;
	s29 =	simm.s32 $0x2;
	_ =	swait.ge [sflag:s16], $0x4000  }
0x6a: {  	s26 =	simm.s32 $0x100;
	p1 =	por $0x1, $0x1;
	[sflag:s16] =	ssyncset.done $0x0  }
.LBB2_7:
0x6b: {  	s30 =	rddreg [dreg:$0x4]  }
0x6c: {  	s0 =	sand.u32 $0x7, s25;
	p3 =	sge.s32 s25, s30  }
0x6d: {  	p4 =	sne.s32 @!p3 s0, $0x0  }
0x6e: {  	s30 =	rddreg [dreg:$0x5];
	p3 =	por p4, p3  }
0x6f: {  	s0 =	sadd.s32 @!p3 s26, s30  }
0x70: {  	[sflag:s16] =	ssyncadd.s32 $0xFFFFC000;
	s30 =	sxor.u32 @!p3 $0xFFFFFFFF, s26;
	s0 =	sshrl.u32 @!p3 s0, $0x3  }
0x71: {  	s3 =	simm.s32 @!p3 $0x0;
	s30 =	sand.u32 @!p3 $0x800, s30;
	s17 =	sadd.s32 @!p3 s1, s0  }
0x72: {  	[tilespmem:s30], [sflag:$0x4] =	stream.linear.gather @!p3 [hbm4b:s17+s3], $0x800, $0x38;
	[tilespmem:$0x1E000] =	vst v63  }
0x73: {  	s7 =	sor.u32 @!p3 $0x1000, s30;
	s0 =	sadd.s32 @!p3 s5, s0;
	s30 =	sand.u32 $0xE, s28  }
0x74: {  	[tilespmem:s7], [sflag:$0x4] =	stream.linear.gather @!p3 [hbm4b:s0+s3], $0x800, $0x38;
	[tilespmem:$0x1E000] =	vst v63  }
0x75: {  	s17 =	sshll.u32 s30, $0x7;
	s7 =	sand.u32 $0x800, s26;
	_ =	swait.ge [sflag:s20], $0x4000  }
0x76: {  	s0 =	sor.u32 s17, s7;
	[sflag:s20] =	ssyncset.done $0x0  }
0x77: {  	s3 =	sor.u32 $0x80, s0;
	[sflag:s20] =	ssyncadd.s32 $0xFFFFC000  }
0x78: {  	[tilespmem:s21], [sflag:$0x2] =	stream.indirect.gather [hbm4b:s4+s19], $0x80, s3, s19, $0xb8;
	[tilespmem:$0x1E000] =	vst v63  }
0x79: {  	s0 =	sor.u32 $0x1000, s0  }
0x7a: {  	[spmem:s2] =	stream.indirect.scatter.add.f32 [tilespmem:s18], [sflag:$0x3], $0x80, s0, s19, $0xb8;
	[tilespmem:$0x1E000] =	vst v63  }
0x7b: {  	_ =	swait.ge [sflag:s22], $0x4000  }
0x7c: {  	[sflag:s22] =	ssyncset.done $0x0  }
0x7d: {  	[sflag:s22] =	ssyncadd.s32 $0xFFFFC000  }
0x7e: {  	_ =	swait.ge [sflag:s23], $0x4000  }
0x7f: {  	s30 =	rddreg [dreg:$0x6]  }
0x80: {  	p3 =	sge.s32 s25, s30  }
0x81: {  	s0 =	sadd.s32 @!p3 $0x2, s28  }
0x82: {  	s0 =	sand.u32 @!p3 $0xE, s0  }
0x83: {  	[sflag:s23] =	ssyncset.done $0x0;
	s7 =	sadd.s32 @!p3 $0x100, s26;
	p4 =	sne.s32 @!p3 s0, $0x0  }
0x84: {  	s7 =	sand.u32 @!p3 $0x800, s7;
	s0 =	sshll.u32 @!p3 s0, $0x7;
	p4 =	por p4, p3  }
0x85: {  	[sflag:s23] =	ssyncadd.s32 $0xFFFFC000;
	s0 =	sor.u32 @!p3 s0, s7;
	s7 =	simm.s32 @!p4 $0x4  }
0x86: {  	_ =	swait.ge @!p4 [sflag:s7], $0x800  }
0x87: {  	[sflag:s7] =	ssyncset.done @!p4 $0x0  }
0x88: {  	[sflag:s7] =	ssyncadd.s32 @!p4 $0xFFFFF800  }
0x89: {  	s31 =	smov.u32 s29;
	s29 =	sadd.s32 $0x1, s29;
	_ =	swait.ge @!p4 [sflag:s7], $0x800  }
0x8a: {  	p2 =	sne.s32 s6, s29;
	[sflag:s7] =	ssyncset.done @!p4 $0x0  }
0x8b: {  	s17 =	simm.s32 @!p3 $0x2000;
	[sflag:s7] =	ssyncadd.s32 @!p4 $0xFFFFF800;
	s7 =	simm.s32 @!p3 $0x80  }
0x8c: {  	[tilespmem:s17], [sflag:$0x1] =	stream.indirect.gather @!p3 [hbm4b:s4+s7], $0x80, s0, s7, $0xb8;
	[tilespmem:$0x1E000] =	vst v63  }
.Ltmp3:
0x8d: {  	_ = 	snop;
	(pc) =	sbr.rel @p2 .LBB2_7-.Ltmp3, $4  }
0x8e: {  	s25 =	smov.u32 s31;
	s31 =	sor.u32 $0x1000, s3  }
0x8f: {  	[spmem:s2] =	stream.indirect.scatter.add.f32 [tilespmem:s21], [sflag:$0x5], $0x80, s31, s19, $0xb8;
	[tilespmem:$0x1E000] =	vst v63  }
0x90: {  	_ =	swait.ge [sflag:s16], $0x4000  }
0x91: {  	s26 =	sadd.s32 $0x100, s26;
	s28 =	sadd.s32 $0x2, s28;
	[sflag:s16] =	ssyncset.done $0x0  }
0x92: {  	s29 =	smov.u32 s25  }
.LBB2_9:
0x93: {  	s0 =	rddreg [dreg:$0x4]  }
0x94: {  	s3 =	sand.u32 $0x7, s29;
	p2 =	sge.s32 s29, s0  }
0x95: {  	p3 =	sne.s32 @!p2 s3, $0x0  }
0x96: {  	s0 =	rddreg [dreg:$0x5];
	p2 =	por p3, p2  }
0x97: {  	s0 =	sadd.s32 @!p2 s26, s0  }
0x98: {  	[sflag:s16] =	ssyncadd.s32 @p1 $0xFFFFC000;
	s3 =	sxor.u32 @!p2 $0xFFFFFFFF, s26;
	s0 =	sshrl.u32 @!p2 s0, $0x3  }
0x99: {  	s17 =	simm.s32 @!p2 $0x0;
	s3 =	sand.u32 @!p2 $0x800, s3;
	s7 =	sadd.s32 @!p2 s1, s0  }
0x9a: {  	[tilespmem:s3], [sflag:$0x4] =	stream.linear.gather @!p2 [hbm4b:s7+s17], $0x800, $0x38;
	[tilespmem:$0x1E000] =	vst v63  }
0x9b: {  	s31 =	sand.u32 $0xE, s28;
	s0 =	sadd.s32 @!p2 s5, s0;
	s3 =	sor.u32 @!p2 $0x1000, s3  }
0x9c: {  	[tilespmem:s3], [sflag:$0x4] =	stream.linear.gather @!p2 [hbm4b:s0+s17], $0x800, $0x38;
	[tilespmem:$0x1E000] =	vst v63  }
0x9d: {  	s25 =	sshll.u32 s31, $0x7;
	s17 =	sand.u32 $0x800, s26;
	_ =	swait.ge [sflag:s20], $0x4000  }
0x9e: {  	s0 =	sor.u32 s25, s17;
	[sflag:s20] =	ssyncset.done $0x0  }
0x9f: {  	s3 =	sor.u32 $0x80, s0;
	[sflag:s20] =	ssyncadd.s32 $0xFFFFC000  }
0xa0: {  	[tilespmem:s21], [sflag:$0x2] =	stream.indirect.gather [hbm4b:s4+s19], $0x80, s3, s19, $0xb8;
	[tilespmem:$0x1E000] =	vst v63  }
0xa1: {  	s0 =	sor.u32 $0x1000, s0  }
0xa2: {  	[spmem:s2] =	stream.indirect.scatter.add.f32 [tilespmem:s18], [sflag:$0x3], $0x80, s0, s19, $0xb8;
	[tilespmem:$0x1E000] =	vst v63  }
0xa3: {  	_ =	swait.ge [sflag:s22], $0x4000  }
0xa4: {  	[sflag:s22] =	ssyncset.done $0x0  }
0xa5: {  	[sflag:s22] =	ssyncadd.s32 $0xFFFFC000  }
0xa6: {  	_ =	swait.ge [sflag:s23], $0x4000  }
0xa7: {  	s30 =	rddreg [dreg:$0x6]  }
0xa8: {  	p1 =	sge.s32 s29, s30  }
0xa9: {  	s0 =	sadd.s32 @!p1 $0x2, s28  }
0xaa: {  	s0 =	sand.u32 @!p1 $0xE, s0  }
0xab: {  	p2 =	sne.s32 @!p1 s0, $0x0  }
0xac: {  	[sflag:s23] =	ssyncset.done $0x0;
	p2 =	por p2, p1  }
0xad: {  	[sflag:s23] =	ssyncadd.s32 $0xFFFFC000;
	s7 =	simm.s32 @!p2 $0x4  }
0xae: {  	_ =	swait.ge @!p2 [sflag:s7], $0x800  }
0xaf: {  	[sflag:s7] =	ssyncset.done @!p2 $0x0  }
0xb0: {  	s17 =	sadd.s32 @!p1 $0x100, s26;
	[sflag:s7] =	ssyncadd.s32 @!p2 $0xFFFFF800  }
0xb1: {  	s17 =	sand.u32 @!p1 $0x800, s17;
	s0 =	sshll.u32 @!p1 s0, $0x7;
	_ =	swait.ge @!p2 [sflag:s7], $0x800  }
0xb2: {  	s0 =	sor.u32 @!p1 s0, s17;
	[sflag:s7] =	ssyncset.done @!p2 $0x0  }
0xb3: {  	s17 =	simm.s32 @!p1 $0x2000;
	[sflag:s7] =	ssyncadd.s32 @!p2 $0xFFFFF800;
	s7 =	simm.s32 @!p1 $0x80  }
0xb4: {  	[tilespmem:s17], [sflag:$0x1] =	stream.indirect.gather @!p1 [hbm4b:s4+s7], $0x80, s0, s7, $0xb8;
	[tilespmem:$0x1E000] =	vst v63  }
0xb5: {  	s31 =	sor.u32 $0x1000, s3  }
0xb6: {  	[spmem:s2] =	stream.indirect.scatter.add.f32 [tilespmem:s21], [sflag:$0x5], $0x80, s31, s19, $0xb8;
	[tilespmem:$0x1E000] =	vst v63  }
0xb7: {  	_ =	swait.ge [sflag:s16], $0x4000  }
0xb8: {  	[sflag:s16] =	ssyncset.done $0x0  }
0xb9: {  	s24 =	sadd.s32 $0x1, s24;
	s3 =	simm.s32 @!p0 $0x1C05;
	[sflag:s16] =	ssyncadd.s32 $0xFFFFC000  }
0xba: {  	s0 =	sshrl.u32 @!p0 s2, $0x3;
	p1 =	sne.s32 s24, s15;
	[bflag:$0x0] =	sbarrier.arrive $0xFFFF  }
0xbb: {  	[hbm:s14], [sflag:s3] =	dma.local @!p0 [spmem:s0], $0x2800  }
.Ltmp4:
0xbc: {  	_ = 	snop;
	(pc) =	sbr.rel @p1 .LBB2_1-.Ltmp4, $4  }
.Ltmp5:
0xbd: {  	s0 =	simm.s32 @!p0 $0x5;
	(pc) =	sbr.rel @!p1 .LBB2_10-.Ltmp5, $4  }
0xbe: {  	_ =	swait.ge @!p0 [sflag:s0], $0x2800  }
0xbf: {  	[sflag:s0] =	ssyncset.done @!p0 $0x0  }
0xc0: {  	[sflag:s0] =	ssyncadd.s32 @!p0 $0xFFFFD800  }
0xc1: {  	_ = 	snop  }
.LBB2_4:
.Ltmp6:
0xc2: {  	(pc) =	sbr.rel .LBB2_9-.Ltmp6, $2  }
0xc3: {  	_ =	sdelay $0x2  }
0xc4: {  	s26 =	simm.s32 $0x0;
	s28 =	simm.s32 $0x0  }
.LBB2_6:
.Ltmp7:
0xc5: {  	(pc) =	sbr.rel .LBB2_9-.Ltmp7, $2  }
0xc6: {  	_ =	sdelay $0x2  }
0xc7: {  	s29 =	simm.s32 $0x1  }
.LBB2_10:
0xc8: {  	_ =	sfence.sel $0x180000  }
0xc9: {  	[bflag:$0x0] =	sbarrier.arrive $0xFFFF  }
0xca: {  	_ =	strace $0x9000004A  }
0xcb: {  	[bflag:$0x2] =	sbarrier.arrive $0xFFFF  }
0xcc: {  	s0 =	rddreg [dreg:$0x3]  }
0xcd: {  	s0 =	sadd.s32 @!p0 $0x100000, s0  }
0xce: {  	[sflag:s0] =	ssyncadd.tile.s32 @!p0 $0x1;
	_ =	shalt  }
.Lfunc_end2:
_tile_overlayer_lowered:
.L_overlay_start_2:
0xcf: {  	(tag) =	ssettag $0x2  }
0xd0: {  	s0 =	rddreg [dreg:$0x0];
	s2 =	stileid.u32  }
0xd1: {  	s1 =	rddreg [dreg:$0x1];
	p0 =	sne.s32 s2, $0x0  }
0xd2: {  	s3 =	rddreg [dreg:$0x2];
	[bflag:$0x3] =	sbarrier.arrive $0xFFFF;
	s2 =	simm.s32 @!p0 $0x1C05  }
0xd3: {  	[timem:s3], [sflag:s2] =	dma.local @!p0 [hbm:s0], s1  }
0xd4: {  	s0 =	simm.s32 @!p0 $0x5  }
0xd5: {  	_ =	swait.ge @!p0 [sflag:s0], s1  }
0xd6: {  	s1 =	ssub.s32 @!p0 $0x0, s1;
	[sflag:s0] =	ssyncset.done @!p0 $0x0  }
0xd7: {  	[sflag:s0] =	ssyncadd.s32 @!p0 s1  }
0xd8: {  	[bflag:$0x3] =	sbarrier.arrive $0xFFFF  }
0xd9: {  	_ =	shalt  }

// kernel: kernel.14.cloned.1.call-start
scs
__scs_entry_jumppad:
0x0: {  	(pc) =	sbr.rel $0x88, $3  }
0x1: {  	(tag) =	ssettag $0x0;
	lr =	simm.s32 $0x1  }
0x2: {  	[smem:$0x3F97] =	sst lr;
	_ =	strace $0xD0000000  }
0x3: {  	_ = 	snop  }
0x4: {  	_ = 	snop  }
0x5: {  	_ = 	snop  }
0x6: {  	_ = 	snop  }
0x7: {  	_ = 	snop  }
__scs_overlays_trampoline_lowered:
0x8: {  	[smem:$0x3FA6] =	sst s0  }
0x9: {  	[smem:$0x3FA7] =	sst s1  }
0xa: {  	[smem:$0x3FA8] =	sst s2  }
0xb: {  	[smem:$0x3FA9] =	sst s3  }
0xc: {  	[smem:$0x3FAA] =	sst s4  }
0xd: {  	[smem:$0x3FAB] =	sst s5  }
0xe: {  	[smem:$0x3FAC] =	sst s6  }
0xf: {  	[smem:$0x3FAD] =	sst s7  }
0x10: {  	[smem:$0x3FAE] =	sst s8  }
0x11: {  	[smem:$0x3FAF] =	sst s9;
	s0 =	simm.s32 @!p0 $0x0  }
0x12: {  	s1 =	sld [smem:$0x3F95];
	s0 =	simm.s32 @p0 $0x1  }
0x13: {  	[smem:$0x3FB0] =	sst s0;
	s0 =	simm.s32 @!p1 $0x0  }
0x14: {  	s2 =	sld [smem:$0x3F94];
	s0 =	simm.s32 @p1 $0x1  }
0x15: {  	[smem:$0x3FB1] =	sst s0;
	s0 =	simm.s32 @!p2 $0x0  }
0x16: {  	s3 =	sld [smem:$0x3FDB];
	s0 =	simm.s32 @p2 $0x1  }
0x17: {  	s4 =	simm.s32 $0x1BF5;
	[smem:$0x3FB3] =	sst s0  }
0x18: {  	s0 =	sld [smem:$0x3F96];
	_ =	swait.ge [sflag:s4], $0x0  }
0x19: {  	s7 =	sld [smem:$0x3F97]  }
0x1a: {  	s8 =	sadd.s32 $0xFFFFE003, lr  }
0x1b: {  	s9 =	sadd.s32 $0xFFFFFEF7, lr;
	s5 =	simm.s32 $0xFFFFFFFF;
	p2 =	slt.u32 s8, $0xFFFFF086  }
0x1c: {  	p1 =	slt.u32 s9, $0xF7A;
	s5 =	simm.s32 @!p2 $0x0  }
0x1d: {  	s5 =	simm.s32 @p1 $0x1;
	p0 =	seq.s32 s7, s2  }
0x1e: {  	s7 =	smul.u32 @!p0 $0xF7A, s2;
	p2 =	seq.s32 @!p0 s5, $0x0  }
0x1f: {  	s9 =	smul.u32 $0xF7A, s1;
	s8 =	simm.s32 @!p0 $0x1BF5;
	p2 =	por !p2, p0  }
0x20: {  	[sflag:s8] =	ssyncset.s32 @!p0 $0xFFFFF086;
	s6 =	sadd.s32 @!p0 s3, s7;
	s7 =	simm.s32 @!p0 $0x108  }
0x21: {  	s3 =	sadd.s32 s3, s9;
	s6 =	sadd.s32 @!p0 $0x88, s6;
	s7 =	simm.s32 @p2 $0x1082  }
0x22: {  	[simem:s7], [sflag:s8] =	dma.local @!p0 [hbm:s6], $0xF7A  }
0x23: {  	s9 =	sor.u32 $0xD0000000, s2;
	s6 =	simm.s32 $0x108;
	_ =	swait.ge @!p0 [sflag:s8], $0x0  }
0x24: {  	s3 =	sadd.s32 $0x88, s3;
	s6 =	simm.s32 @!p1 $0x1082;
	[sflag:s4] =	ssyncset.s32 $0xFFFFF086  }
0x25: {  	[simem:s6], [sflag:s4] =	dma.local [hbm:s3], $0xF7A  }
0x26: {  	[smem:$0x3F97] =	sst s1;
	(tag) =	ssettag s2;
	_ =	strace s9  }
0x27: {  	s1 =	sld [smem:$0x3FA7]  }
0x28: {  	s2 =	sld [smem:$0x3FA8]  }
0x29: {  	s4 =	sld [smem:$0x3FAA]  }
0x2a: {  	p0 =	seq.s32 s5, $0x0;
	s5 =	sld [smem:$0x3FAB]  }
0x2b: {  	s6 =	sld [smem:$0x3FAC]  }
0x2c: {  	s7 =	sld [smem:$0x3FAD]  }
0x2d: {  	s3 =	simm.s32 $0x108;
	s8 =	sld [smem:$0x3FAE]  }
0x2e: {  	s3 =	simm.s32 @!p0 $0x1082;
	s9 =	sld [smem:$0x3FAF]  }
0x2f: {  	lr =	sadd.s32 s0, s3;
	s0 =	sld [smem:$0x3FA6]  }
0x30: {  	s3 =	sld [smem:$0x3FA9]  }
0x31: {  	[smem:$0x3FB2] =	sst s10  }
0x32: {  	s10 =	sld [smem:$0x3FB0];
	_ =	sdelay $0x3  }
0x33: {  	p0 =	seq.s32 s10, $0x1;
	s10 =	sld [smem:$0x3FB2];
	_ =	sdelay $0x3  }
0x34: {  	[smem:$0x3FB2] =	sst s10  }
0x35: {  	s10 =	sld [smem:$0x3FB1];
	_ =	sdelay $0x3  }
0x36: {  	p1 =	seq.s32 s10, $0x1;
	s10 =	sld [smem:$0x3FB2];
	_ =	sdelay $0x3  }
0x37: {  	[smem:$0x3FB2] =	sst s10  }
0x38: {  	s10 =	sld [smem:$0x3FB3]  }
0x39: {  	_ = 	snop;
	(pc) =	sbr.ind lr, $3  }
0x3a: {  	_ = 	snop  }
0x3b: {  	_ = 	snop  }
0x3c: {  	p2 =	seq.s32 s10, $0x1;
	s10 =	sld [smem:$0x3FB2]  }
0x3d: {  	_ =	shalt  }
0x3e: {  	_ =	shalt  }
0x3f: {  	_ =	shalt  }
0x40: {  	_ =	shalt  }
0x41: {  	_ =	shalt  }
0x42: {  	_ =	shalt  }
0x43: {  	_ =	shalt  }
0x44: {  	_ =	shalt  }
0x45: {  	_ =	shalt  }
0x46: {  	_ =	shalt  }
0x47: {  	_ =	shalt  }
0x48: {  	_ =	shalt  }
0x49: {  	_ =	shalt  }
0x4a: {  	_ =	shalt  }
0x4b: {  	_ =	shalt  }
0x4c: {  	_ =	shalt  }
0x4d: {  	_ =	shalt  }
0x4e: {  	_ =	shalt  }
0x4f: {  	_ =	shalt  }
0x50: {  	_ =	shalt  }
0x51: {  	_ =	shalt  }
0x52: {  	_ =	shalt  }
0x53: {  	_ =	shalt  }
0x54: {  	_ =	shalt  }
0x55: {  	_ =	shalt  }
0x56: {  	_ =	shalt  }
0x57: {  	_ =	shalt  }
0x58: {  	_ =	shalt  }
0x59: {  	_ =	shalt  }
0x5a: {  	_ =	shalt  }
0x5b: {  	_ =	shalt  }
0x5c: {  	_ =	shalt  }
0x5d: {  	_ =	shalt  }
0x5e: {  	_ =	shalt  }
0x5f: {  	_ =	shalt  }
0x60: {  	_ =	shalt  }
0x61: {  	_ =	shalt  }
0x62: {  	_ =	shalt  }
0x63: {  	_ =	shalt  }
0x64: {  	_ =	shalt  }
0x65: {  	_ =	shalt  }
0x66: {  	_ =	shalt  }
0x67: {  	_ =	shalt  }
0x68: {  	_ =	shalt  }
0x69: {  	_ =	shalt  }
0x6a: {  	_ =	shalt  }
0x6b: {  	_ =	shalt  }
0x6c: {  	_ =	shalt  }
0x6d: {  	_ =	shalt  }
0x6e: {  	_ =	shalt  }
0x6f: {  	_ =	shalt  }
0x70: {  	_ =	shalt  }
0x71: {  	_ =	shalt  }
0x72: {  	_ =	shalt  }
0x73: {  	_ =	shalt  }
0x74: {  	_ =	shalt  }
0x75: {  	_ =	shalt  }
0x76: {  	_ =	shalt  }
0x77: {  	_ =	shalt  }
0x78: {  	_ =	shalt  }
0x79: {  	_ =	shalt  }
0x7a: {  	_ =	shalt  }
0x7b: {  	_ =	shalt  }
0x7c: {  	_ =	shalt  }
0x7d: {  	_ =	shalt  }
0x7e: {  	_ =	shalt  }
0x7f: {  	_ =	shalt  }
0x80: {  	_ =	shalt  }
0x81: {  	_ =	shalt  }
0x82: {  	_ =	shalt  }
0x83: {  	_ =	shalt  }
0x84: {  	_ =	shalt  }
0x85: {  	_ =	shalt  }
0x86: {  	_ =	shalt  }
0x87: {  	_ =	shalt  }
.Lfunc_end0:
.L_simem_size_0:
called_computation.2_lowered:
.L_overlay_start_0:
0x88: {  	s2 =	sld [smem:$0x3FD9]  }
0x89: {  	s3 =	sld [smem:$0x3FFE];
	_ =	sdelay $0x1  }
0x8a: {  	s1 =	srdreg.scid  }
0x8b: {  	s0 =	sand.u32 $0x1, s1  }
0x8c: {  	s17 =	sshll.u32 s0, $0xA;
	s2 =	sadd.s32 s3, s2  }
0x8d: {  	s2 =	sadd.s32 s2, s17  }
0x8e: {  	[smem:$0x3FBE] =	sst s2  }
0x8f: {  	_ = 	snop  }
0x90: {  	s2 =	sld [smem:$0x3FD0];
	(tm) =	ssettm $0x1  }
0x91: {  	s18 =	sld [smem:$0x3FFB];
	_ =	sdelay $0x3  }
0x92: {  	_ =	strace s18  }
0x93: {  	s3 =	sld [smem:$0x3FFC];
	_ =	sdelay $0x3  }
0x94: {  	_ =	strace s3  }
0x95: {  	s3 =	sld [smem:$0x3FFD];
	_ =	sdelay $0x3  }
0x96: {  	_ =	strace s3  }
0x97: {  	_ =	strace $0x8FFFFFFF  }
0x98: {  	s19 =	sld [smem:$0x3FDB];
	_ =	sdelay $0x1  }
0x99: {  	s4 =	simm.s32 $_scs_section_size  }
0x9a: {  	s5 =	simm.s32 $_size__tile_overlayer_lowered;
	s6 =	simm.s32 $_tile_overlayer_lowered  }
0x9b: {  	s22 =	simm.s32 $0x1BFF;
	s21 =	sshll.u32 s6, $0x1;
	s3 =	sadd.s32 s4, s19  }
0x9c: {  	s7 =	simm.s32 $0x0;
	s20 =	sshll.u32 s5, $0x1;
	s5 =	sadd.s32 s21, s3  }
0x9d: {  	[timem:s7], [sflag:s22] =	dma.local [hbm:s5], s20  }
0x9e: {  	_ =	swait.ge [sflag:s22], s20  }
0x9f: {  	s4 =	ssub.s32 $0x0, s20;
	[sflag:s22] =	ssyncset.done $0x0  }
0xa0: {  	[sflag:s22] =	ssyncadd.s32 s4;
	_ =	sdelay $0x1  }
0xa1: {  	s23 =	simm.s32 $0x1B8B  }
0xa2: {  	_ =	swait.ge [sflag:s23], $0x1  }
0xa3: {  	[sflag:s23] =	ssyncset.done $0x0  }
0xa4: {  	s25 =	simm.s32 $0x1B8E;
	s24 =	sld [smem:$0x3FFE];
	[sflag:s23] =	ssyncadd.s32 $0xFFFFFFFF  }
0xa5: {  	s26 =	simm.s32 $execute0_lowered;
	[smem:$0x3FD2] =	sst s25  }
0xa6: {  	s5 =	sshll.u32 s26, $0x1;
	_ =	strace $0x8000004C;
	[dreg:$0x1] =	wrdreg $0xFFFFFFFF  }
0xa7: {  	s28 =	simm.s32 $_size_execute0_lowered;
	s3 =	sadd.s32 s3, s5;
	[dreg:$0x0] =	wrdreg $0x0  }
0xa8: {  	s5 =	sshll.u32 s28, $0x1;
	[dreg:$0x2] =	wrdreg s3  }
0xa9: {  	[dreg:$0x3] =	wrdreg s5  }
0xaa: {  	[dreg:$0x4] =	wrdreg $0xC0  }
0xab: {  	_ =	task [dreg:s7], $0x5FFFF  }
0xac: {  	[dreg:$0x1] =	wrdreg $0xFFFFFFFF  }
0xad: {  	[dreg:$0x0] =	wrdreg $0x60  }
0xae: {  	[dreg:$0x2] =	wrdreg s24  }
0xaf: {  	[dreg:$0x3] =	wrdreg s2  }
0xb0: {  	[dreg:$0x4] =	wrdreg $0xA0000  }
0xb1: {  	[dreg:$0x5] =	wrdreg $0x9  }
0xb2: {  	_ =	task.clear_ibuf [dreg:s7], $0x6FFFF;
	_ =	strace $0x9000004C  }
0xb3: {  	s29 =	simm.s32 $0x9;
	_ =	strace $0x8000004E  }
0xb4: {  	_ =	swait.ge [sflag:s29], $0x1  }
0xb5: {  	[sflag:s29] =	ssyncadd.s32 $0xFFFFFFFF  }
0xb6: {  	_ =	strace $0x9000004E  }
0xb7: {  	_ =	sfence  }
0xb8: {  	s30 =	sld [smem:$0x0];
	_ =	sdelay $0x2  }
0xb9: {  	s31 =	sshll.u32 s1, $0xD;
	s1 =	sshrl.u32 s1, $0x2  }
0xba: {  	s3 =	sand.u32 $0x4000, s31;
	s1 =	sadd.s32 s1, s30  }
0xbb: {  	s0 =	sor.u32 s3, s0;
	s1 =	sshll.u32 s1, $0x11  }
0xbc: {  	s0 =	sor.u32 s1, s0  }
0xbd: {  	s0 =	sadd.s32 $0x8F2B, s0  }
0xbe: {  	[sflag:s0] =	ssyncadd.remote.s32 $0x1  }
0xbf: {  	_ =	sfence.sel $0xFFFF  }
0xc0: {  	[dreg:$0x0] =	wrdreg $0xFFFFFFFF;
	(pc) =	sbr.abs _section_cstart, $3  }
0xc1: {  	[dreg:$0x1] =	wrdreg $0xFFFFFFFF  }
0xc2: {  	_ =	task.clear_ibuf [dreg:s7], $0x2FFFF;
	_ =	strace $0x9FFFFFFF  }
0xc3: {  	(tm) =	ssettm $0x7FFFFFFF  }
tec
execute0_lowered:
.L_overlay_start_1:
0x0: {  	(tag) =	ssettag $0x1  }
0x1: {  	s6 =	rddreg [dreg:$0x0]  }
0x2: {  	s1 =	rddreg [dreg:$0x1]  }
0x3: {  	s2 =	rddreg [dreg:$0x2];
	s0 =	simm.s32 $0x0  }
0x4: {  	s7 =	srdreg.scid;
	s24 =	stileid.u32;
	s18 =	simm.s32 $0x2000  }
0x5: {  	s19 =	simm.s32 $0x80;
	s20 =	simm.s32 $0x1;
	s21 =	simm.s32 $0x6000  }
0x6: {  	s22 =	simm.s32 $0x2;
	[smem:$0x7FF] =	sst s0;
	s4 =	sadd.s32 $0x5C400, s6  }
0x7: {  	s5 =	sadd.s32 $0x2400, s6;
	s7 =	sand.u32 $0x1, s7;
	s23 =	sshll.u32 s24, $0x5  }
0x8: {  	s11 =	sshll.u32 s24, $0x7;
	s25 =	smul.u32 $0x50000, s24;
	_ =	strace $0x8000004D  }
0x9: {  	s8 =	smul.u32 $0x2800, s7;
	s9 =	ssub.s32 $0x2, s7;
	p0 =	seq.s32 s7, $0x0  }
0xa: {  	s14 =	sor.u32 $0x800, s23;
	s23 =	simm.s32 $0x3;
	s10 =	sshrl.u32 s9, $0x1  }
0xb: {  	s14 =	smov.u32 @p0 s11;
	s28 =	sshrl.u32 s25, $0x2;
	s15 =	sadd.s32 s8, s6  }
0xc: {  	s16 =	ssub.s32 s9, s10;
	s6 =	simm.s32 $0x40;
	s26 =	sshll.u32 s14, $0x4  }
0xd: {  	s8 =	sadd.s32 s28, s2;
	s30 =	sshll.u32 s14, $0x7;
	s6 =	simm.s32 @!p0 $0x10  }
0xe: {  	s29 =	sadd.s32 s1, s26;
	s9 =	sadd.s32 s5, s26;
	s10 =	sadd.s32 $0x4000, s8  }
0xf: {  	s11 =	sadd.s32 $0x8000, s8;
	s12 =	sadd.s32 $0xC000, s8;
	s13 =	sadd.s32 $0x10000, s8  }
0x10: {  	s14 =	sadd.s32 $0x84400, s15;
	[dreg:$0x7] =	wrdreg s29;
	s17 =	sadd.s32 $0xFFFFFFF8, s6  }
0x11: {  	s15 =	smax.u32 s16, $0x1;
	s31 =	sadd.s32 $0xFFFFFFFF, s6;
	[dreg:$0x4] =	wrdreg s17  }
0x12: {  	s16 =	simm.s32 $0x5;
	[dreg:$0x6] =	wrdreg s31;
	s17 =	sor.u32 $0x800, s30  }
0x13: {  	v0 =	vimm.f32 $0.0e+00;
	p0 =	sne.s32 s24, $0x0;
	s24 =	simm.s32 $0x0;
	[dreg:$0x5] =	wrdreg s17  }
.LBB2_1:
0x14: {  	s0 =	simm.s32 $0x0;
	s3 =	rddreg [dreg:$0x7]  }
0x15: {  	[tilespmem:s0], [sflag:$0x5] =	stream.linear.gather [hbm4b:s3+s0], $0x800, $0x38;
	[tilespmem:$0x1E000] =	vst v63  }
0x16: {  	_ =	swait.ge [sflag:s16], $0x800  }
0x17: {  	[sflag:s16] =	ssyncset.done $0x0  }
0x18: {  	s31 =	simm.s32 $0x1000;
	[sflag:s16] =	ssyncadd.s32 $0xFFFFF800  }
0x19: {  	[tilespmem:s31], [sflag:$0x5] =	stream.linear.gather [hbm4b:s9+s0], $0x800, $0x38;
	[tilespmem:$0x1E000] =	vst v63  }
0x1a: {  	_ =	swait.ge [sflag:s16], $0x800  }
0x1b: {  	[sflag:s16] =	ssyncset.done $0x0  }
0x1c: {  	s25 =	simm.s32 $0x0;
	s26 =	simm.s32 $0x200;
	[sflag:s16] =	ssyncadd.s32 $0xFFFFF800  }
.LBB2_2:
0x1d: {  	p1 =	sne.s32 s26, $0xFE00;
	[tilespmem:s25+$0x2070] =	vst v0  }
0x1e: {  	[tilespmem:s25+$0x2000] =	vst v0  }
0x1f: {  	[tilespmem:s25+$0x2010] =	vst v0  }
.Ltmp0:
0x20: {  	[tilespmem:s25+$0x2020] =	vst v0;
	(pc) =	sbr.rel @p1 .LBB2_2-.Ltmp0, $4  }
0x21: {  	[tilespmem:s25+$0x2030] =	vst v0  }
0x22: {  	[tilespmem:s25+$0x2040] =	vst v0  }
0x23: {  	[tilespmem:s25+$0x2050] =	vst v0  }
0x24: {  	[tilespmem:s25+$0x2060] =	vst v0;
	s25 =	sshra.s32 s26, $0x2;
	s26 =	sadd.s32 $0x200, s26  }
0x25: {  	[tilespmem:s25+$0x2070] =	vst v0  }
0x26: {  	[tilespmem:s25+$0x2000] =	vst v0  }
0x27: {  	[tilespmem:s25+$0x2010] =	vst v0  }
0x28: {  	[tilespmem:s25+$0x2020] =	vst v0  }
0x29: {  	[tilespmem:s25+$0x2030] =	vst v0  }
0x2a: {  	[tilespmem:s25+$0x2040] =	vst v0  }
0x2b: {  	[tilespmem:s25+$0x2050] =	vst v0  }
0x2c: {  	[tilespmem:s25+$0x2060] =	vst v0  }
0x2d: {  	[spmem:s8] =	stream.linear.scatter [tilespmem:s18], [sflag:$0x5], $0x4000, $0x38;
	[tilespmem:$0x1E000] =	vst v63  }
0x2e: {  	_ =	swait.ge [sflag:s16], $0x4000  }
0x2f: {  	[sflag:s16] =	ssyncset.done $0x0  }
0x30: {  	[sflag:s16] =	ssyncadd.s32 $0xFFFFC000  }
0x31: {  	[spmem:s10] =	stream.linear.scatter [tilespmem:s18], [sflag:$0x5], $0x4000, $0x38;
	[tilespmem:$0x1E000] =	vst v63  }
0x32: {  	_ =	swait.ge [sflag:s16], $0x4000  }
0x33: {  	[sflag:s16] =	ssyncset.done $0x0  }
0x34: {  	[sflag:s16] =	ssyncadd.s32 $0xFFFFC000  }
0x35: {  	[spmem:s11] =	stream.linear.scatter [tilespmem:s18], [sflag:$0x5], $0x4000, $0x38;
	[tilespmem:$0x1E000] =	vst v63  }
0x36: {  	_ =	swait.ge [sflag:s16], $0x4000  }
0x37: {  	[sflag:s16] =	ssyncset.done $0x0  }
0x38: {  	[sflag:s16] =	ssyncadd.s32 $0xFFFFC000  }
0x39: {  	[spmem:s12] =	stream.linear.scatter [tilespmem:s18], [sflag:$0x5], $0x4000, $0x38;
	[tilespmem:$0x1E000] =	vst v63  }
0x3a: {  	_ =	swait.ge [sflag:s16], $0x4000  }
0x3b: {  	[sflag:s16] =	ssyncset.done $0x0  }
0x3c: {  	[sflag:s16] =	ssyncadd.s32 $0xFFFFC000  }
0x3d: {  	[spmem:s13] =	stream.linear.scatter [tilespmem:s18], [sflag:$0x5], $0x4000, $0x38;
	[tilespmem:$0x1E000] =	vst v63  }
0x3e: {  	p2 =	sne.s32 s6, $0x1;
	_ =	swait.ge [sflag:s16], $0x4000  }
.Ltmp1:
0x3f: {  	[sflag:s16] =	ssyncset.done $0x0;
	(pc) =	sbr.rel @!p2 .LBB2_4-.Ltmp1, $4  }
0x40: {  	s29 =	simm.s32 $0x0;
	[sflag:s16] =	ssyncadd.s32 $0xFFFFC000  }
0x41: {  	[tilespmem:s18], [sflag:$0x1] =	stream.indirect.gather [hbm4b:s4+s19], $0x80, s29, s19, $0xb8;
	[tilespmem:$0x1E000] =	vst v63  }
0x42: {  	[bflag:$0x0] =	sbarrier.arrive $0xFFFF  }
0x43: {  	s25 =	simm.s32 $0x1;
	p1 =	por $0x0, $0x0  }
0x44: {  	s26 =	rddreg [dreg:$0x4]  }
0x45: {  	s28 =	sand.u32 $0x7, s29;
	p1 =	sle.s32 s26, $0x0  }
0x46: {  	p2 =	sne.s32 @!p1 s28, $0x0  }
0x47: {  	s26 =	rddreg [dreg:$0x5];
	p1 =	por p2, p1  }
0x48: {  	s26 =	sadd.s32 @!p1 $0x0, s26  }
0x49: {  	s28 =	sxor.u32 @!p1 $0xFFFFFFFF, s29;
	s26 =	sshrl.u32 @!p1 s26, $0x3  }
0x4a: {  	s31 =	simm.s32 @!p1 $0x0;
	s28 =	sand.u32 @!p1 $0x800, s28;
	s30 =	sadd.s32 @!p1 s1, s26  }
0x4b: {  	[tilespmem:s28], [sflag:$0x4] =	stream.linear.gather @!p1 [hbm4b:s30+s31], $0x800, $0x38;
	[tilespmem:$0x1E000] =	vst v63  }
0x4c: {  	s7 =	sand.u32 $0xE, s29;
	s26 =	sadd.s32 @!p1 s5, s26;
	s28 =	sor.u32 @!p1 $0x1000, s28  }
0x4d: {  	[tilespmem:s28], [sflag:$0x4] =	stream.linear.gather @!p1 [hbm4b:s26+s31], $0x800, $0x38;
	[tilespmem:$0x1E000] =	vst v63  }
0x4e: {  	s17 =	sand.u32 $0x800, s29;
	s28 =	sshll.u32 s7, $0x7;
	_ =	swait.ge [sflag:s20], $0x4000  }
0x4f: {  	s26 =	sor.u32 s28, s17;
	[sflag:s20] =	ssyncset.done $0x0  }
0x50: {  	s28 =	sor.u32 $0x80, s26;
	[sflag:s20] =	ssyncadd.s32 $0xFFFFC000  }
0x51: {  	[tilespmem:s21], [sflag:$0x2] =	stream.indirect.gather [hbm4b:s4+s19], $0x80, s28, s19, $0xb8;
	[tilespmem:$0x1E000] =	vst v63  }
0x52: {  	s26 =	sor.u32 $0x1000, s26  }
0x53: {  	[spmem:s2] =	stream.indirect.scatter.add.f32 [tilespmem:s18], [sflag:$0x3], $0x80, s26, s19, $0xb8;
	[tilespmem:$0x1E000] =	vst v63  }
0x54: {  	_ =	swait.ge [sflag:s22], $0x4000  }
0x55: {  	[sflag:s22] =	ssyncset.done $0x0  }
0x56: {  	[sflag:s22] =	ssyncadd.s32 $0xFFFFC000  }
0x57: {  	_ =	swait.ge [sflag:s23], $0x4000  }
0x58: {  	s30 =	rddreg [dreg:$0x6]  }
0x59: {  	p1 =	sle.s32 s30, $0x0  }
0x5a: {  	s26 =	simm.s32 @!p1 $0x2  }
0x5b: {  	s26 =	sand.u32 @!p1 $0xE, s26  }
0x5c: {  	p2 =	sne.s32 @!p1 s26, $0x0  }
0x5d: {  	[sflag:s23] =	ssyncset.done $0x0;
	p2 =	por p2, p1  }
0x5e: {  	[sflag:s23] =	ssyncadd.s32 $0xFFFFC000;
	s29 =	simm.s32 @!p2 $0x4  }
0x5f: {  	_ =	swait.ge @!p2 [sflag:s29], $0x800  }
0x60: {  	[sflag:s29] =	ssyncset.done @!p2 $0x0  }
0x61: {  	s30 =	simm.s32 @!p1 $0x100;
	[sflag:s29] =	ssyncadd.s32 @!p2 $0xFFFFF800  }
0x62: {  	s30 =	sand.u32 @!p1 $0x800, s30;
	s26 =	sshll.u32 @!p1 s26, $0x7;
	_ =	swait.ge @!p2 [sflag:s29], $0x800  }
0x63: {  	s26 =	sor.u32 @!p1 s26, s30;
	s30 =	simm.s32 @!p1 $0x2000;
	[sflag:s29] =	ssyncset.done @!p2 $0x0  }
0x64: {  	[sflag:s29] =	ssyncadd.s32 @!p2 $0xFFFFF800;
	s29 =	simm.s32 @!p1 $0x80;
	p2 =	sne.s32 s6, $0x2  }
0x65: {  	[tilespmem:s30], [sflag:$0x1] =	stream.indirect.gather @!p1 [hbm4b:s4+s29], $0x80, s26, s29, $0xb8;
	[tilespmem:$0x1E000] =	vst v63  }
.Ltmp2:
0x66: {  	_ = 	snop;
	(pc) =	sbr.rel @!p2 .LBB2_6-.Ltmp2, $4  }
0x67: {  	s31 =	sor.u32 $0x1000, s28  }
0x68: {  	[spmem:s2] =	stream.indirect.scatter.add.f32 [tilespmem:s21], [sflag:$0x5], $0x80, s31, s19, $0xb8;
	[tilespmem:$0x1E000] =	vst v63  }
0x69: {  	s28 =	simm.s32 $0x2;
	s29 =	simm.s32 $0x2;
	_ =	swait.ge [sflag:s16], $0x4000  }
0x6a: {  	s26 =	simm.s32 $0x100;
	p1 =	por $0x1, $0x1;
	[sflag:s16] =	ssyncset.done $0x0  }
.LBB2_7:
0x6b: {  	s30 =	rddreg [dreg:$0x4]  }
0x6c: {  	s0 =	sand.u32 $0x7, s25;
	p3 =	sge.s32 s25, s30  }
0x6d: {  	p4 =	sne.s32 @!p3 s0, $0x0  }
0x6e: {  	s30 =	rddreg [dreg:$0x5];
	p3 =	por p4, p3  }
0x6f: {  	s0 =	sadd.s32 @!p3 s26, s30  }
0x70: {  	[sflag:s16] =	ssyncadd.s32 $0xFFFFC000;
	s30 =	sxor.u32 @!p3 $0xFFFFFFFF, s26;
	s0 =	sshrl.u32 @!p3 s0, $0x3  }
0x71: {  	s3 =	simm.s32 @!p3 $0x0;
	s30 =	sand.u32 @!p3 $0x800, s30;
	s17 =	sadd.s32 @!p3 s1, s0  }
0x72: {  	[tilespmem:s30], [sflag:$0x4] =	stream.linear.gather @!p3 [hbm4b:s17+s3], $0x800, $0x38;
	[tilespmem:$0x1E000] =	vst v63  }
0x73: {  	s7 =	sor.u32 @!p3 $0x1000, s30;
	s0 =	sadd.s32 @!p3 s5, s0;
	s30 =	sand.u32 $0xE, s28  }
0x74: {  	[tilespmem:s7], [sflag:$0x4] =	stream.linear.gather @!p3 [hbm4b:s0+s3], $0x800, $0x38;
	[tilespmem:$0x1E000] =	vst v63  }
0x75: {  	s17 =	sshll.u32 s30, $0x7;
	s7 =	sand.u32 $0x800, s26;
	_ =	swait.ge [sflag:s20], $0x4000  }
0x76: {  	s0 =	sor.u32 s17, s7;
	[sflag:s20] =	ssyncset.done $0x0  }
0x77: {  	s3 =	sor.u32 $0x80, s0;
	[sflag:s20] =	ssyncadd.s32 $0xFFFFC000  }
0x78: {  	[tilespmem:s21], [sflag:$0x2] =	stream.indirect.gather [hbm4b:s4+s19], $0x80, s3, s19, $0xb8;
	[tilespmem:$0x1E000] =	vst v63  }
0x79: {  	s0 =	sor.u32 $0x1000, s0  }
0x7a: {  	[spmem:s2] =	stream.indirect.scatter.add.f32 [tilespmem:s18], [sflag:$0x3], $0x80, s0, s19, $0xb8;
	[tilespmem:$0x1E000] =	vst v63  }
0x7b: {  	_ =	swait.ge [sflag:s22], $0x4000  }
0x7c: {  	[sflag:s22] =	ssyncset.done $0x0  }
0x7d: {  	[sflag:s22] =	ssyncadd.s32 $0xFFFFC000  }
0x7e: {  	_ =	swait.ge [sflag:s23], $0x4000  }
0x7f: {  	s30 =	rddreg [dreg:$0x6]  }
0x80: {  	p3 =	sge.s32 s25, s30  }
0x81: {  	s0 =	sadd.s32 @!p3 $0x2, s28  }
0x82: {  	s0 =	sand.u32 @!p3 $0xE, s0  }
0x83: {  	[sflag:s23] =	ssyncset.done $0x0;
	s7 =	sadd.s32 @!p3 $0x100, s26;
	p4 =	sne.s32 @!p3 s0, $0x0  }
0x84: {  	s7 =	sand.u32 @!p3 $0x800, s7;
	s0 =	sshll.u32 @!p3 s0, $0x7;
	p4 =	por p4, p3  }
0x85: {  	[sflag:s23] =	ssyncadd.s32 $0xFFFFC000;
	s0 =	sor.u32 @!p3 s0, s7;
	s7 =	simm.s32 @!p4 $0x4  }
0x86: {  	_ =	swait.ge @!p4 [sflag:s7], $0x800  }
0x87: {  	[sflag:s7] =	ssyncset.done @!p4 $0x0  }
0x88: {  	[sflag:s7] =	ssyncadd.s32 @!p4 $0xFFFFF800  }
0x89: {  	s31 =	smov.u32 s29;
	s29 =	sadd.s32 $0x1, s29;
	_ =	swait.ge @!p4 [sflag:s7], $0x800  }
0x8a: {  	p2 =	sne.s32 s6, s29;
	[sflag:s7] =	ssyncset.done @!p4 $0x0  }
0x8b: {  	s17 =	simm.s32 @!p3 $0x2000;
	[sflag:s7] =	ssyncadd.s32 @!p4 $0xFFFFF800;
	s7 =	simm.s32 @!p3 $0x80  }
0x8c: {  	[tilespmem:s17], [sflag:$0x1] =	stream.indirect.gather @!p3 [hbm4b:s4+s7], $0x80, s0, s7, $0xb8;
	[tilespmem:$0x1E000] =	vst v63  }
.Ltmp3:
0x8d: {  	_ = 	snop;
	(pc) =	sbr.rel @p2 .LBB2_7-.Ltmp3, $4  }
0x8e: {  	s25 =	smov.u32 s31;
	s31 =	sor.u32 $0x1000, s3  }
0x8f: {  	[spmem:s2] =	stream.indirect.scatter.add.f32 [tilespmem:s21], [sflag:$0x5], $0x80, s31, s19, $0xb8;
	[tilespmem:$0x1E000] =	vst v63  }
0x90: {  	_ =	swait.ge [sflag:s16], $0x4000  }
0x91: {  	s26 =	sadd.s32 $0x100, s26;
	s28 =	sadd.s32 $0x2, s28;
	[sflag:s16] =	ssyncset.done $0x0  }
0x92: {  	s29 =	smov.u32 s25  }
.LBB2_9:
0x93: {  	s0 =	rddreg [dreg:$0x4]  }
0x94: {  	s3 =	sand.u32 $0x7, s29;
	p2 =	sge.s32 s29, s0  }
0x95: {  	p3 =	sne.s32 @!p2 s3, $0x0  }
0x96: {  	s0 =	rddreg [dreg:$0x5];
	p2 =	por p3, p2  }
0x97: {  	s0 =	sadd.s32 @!p2 s26, s0  }
0x98: {  	[sflag:s16] =	ssyncadd.s32 @p1 $0xFFFFC000;
	s3 =	sxor.u32 @!p2 $0xFFFFFFFF, s26;
	s0 =	sshrl.u32 @!p2 s0, $0x3  }
0x99: {  	s17 =	simm.s32 @!p2 $0x0;
	s3 =	sand.u32 @!p2 $0x800, s3;
	s7 =	sadd.s32 @!p2 s1, s0  }
0x9a: {  	[tilespmem:s3], [sflag:$0x4] =	stream.linear.gather @!p2 [hbm4b:s7+s17], $0x800, $0x38;
	[tilespmem:$0x1E000] =	vst v63  }
0x9b: {  	s31 =	sand.u32 $0xE, s28;
	s0 =	sadd.s32 @!p2 s5, s0;
	s3 =	sor.u32 @!p2 $0x1000, s3  }
0x9c: {  	[tilespmem:s3], [sflag:$0x4] =	stream.linear.gather @!p2 [hbm4b:s0+s17], $0x800, $0x38;
	[tilespmem:$0x1E000] =	vst v63  }
0x9d: {  	s25 =	sshll.u32 s31, $0x7;
	s17 =	sand.u32 $0x800, s26;
	_ =	swait.ge [sflag:s20], $0x4000  }
0x9e: {  	s0 =	sor.u32 s25, s17;
	[sflag:s20] =	ssyncset.done $0x0  }
0x9f: {  	s3 =	sor.u32 $0x80, s0;
	[sflag:s20] =	ssyncadd.s32 $0xFFFFC000  }
0xa0: {  	[tilespmem:s21], [sflag:$0x2] =	stream.indirect.gather [hbm4b:s4+s19], $0x80, s3, s19, $0xb8;
	[tilespmem:$0x1E000] =	vst v63  }
0xa1: {  	s0 =	sor.u32 $0x1000, s0  }
0xa2: {  	[spmem:s2] =	stream.indirect.scatter.add.f32 [tilespmem:s18], [sflag:$0x3], $0x80, s0, s19, $0xb8;
	[tilespmem:$0x1E000] =	vst v63  }
0xa3: {  	_ =	swait.ge [sflag:s22], $0x4000  }
0xa4: {  	[sflag:s22] =	ssyncset.done $0x0  }
0xa5: {  	[sflag:s22] =	ssyncadd.s32 $0xFFFFC000  }
0xa6: {  	_ =	swait.ge [sflag:s23], $0x4000  }
0xa7: {  	s30 =	rddreg [dreg:$0x6]  }
0xa8: {  	p1 =	sge.s32 s29, s30  }
0xa9: {  	s0 =	sadd.s32 @!p1 $0x2, s28  }
0xaa: {  	s0 =	sand.u32 @!p1 $0xE, s0  }
0xab: {  	p2 =	sne.s32 @!p1 s0, $0x0  }
0xac: {  	[sflag:s23] =	ssyncset.done $0x0;
	p2 =	por p2, p1  }
0xad: {  	[sflag:s23] =	ssyncadd.s32 $0xFFFFC000;
	s7 =	simm.s32 @!p2 $0x4  }
0xae: {  	_ =	swait.ge @!p2 [sflag:s7], $0x800  }
0xaf: {  	[sflag:s7] =	ssyncset.done @!p2 $0x0  }
0xb0: {  	s17 =	sadd.s32 @!p1 $0x100, s26;
	[sflag:s7] =	ssyncadd.s32 @!p2 $0xFFFFF800  }
0xb1: {  	s17 =	sand.u32 @!p1 $0x800, s17;
	s0 =	sshll.u32 @!p1 s0, $0x7;
	_ =	swait.ge @!p2 [sflag:s7], $0x800  }
0xb2: {  	s0 =	sor.u32 @!p1 s0, s17;
	[sflag:s7] =	ssyncset.done @!p2 $0x0  }
0xb3: {  	s17 =	simm.s32 @!p1 $0x2000;
	[sflag:s7] =	ssyncadd.s32 @!p2 $0xFFFFF800;
	s7 =	simm.s32 @!p1 $0x80  }
0xb4: {  	[tilespmem:s17], [sflag:$0x1] =	stream.indirect.gather @!p1 [hbm4b:s4+s7], $0x80, s0, s7, $0xb8;
	[tilespmem:$0x1E000] =	vst v63  }
0xb5: {  	s31 =	sor.u32 $0x1000, s3  }
0xb6: {  	[spmem:s2] =	stream.indirect.scatter.add.f32 [tilespmem:s21], [sflag:$0x5], $0x80, s31, s19, $0xb8;
	[tilespmem:$0x1E000] =	vst v63  }
0xb7: {  	_ =	swait.ge [sflag:s16], $0x4000  }
0xb8: {  	[sflag:s16] =	ssyncset.done $0x0  }
0xb9: {  	s24 =	sadd.s32 $0x1, s24;
	s3 =	simm.s32 @!p0 $0x1C05;
	[sflag:s16] =	ssyncadd.s32 $0xFFFFC000  }
0xba: {  	s0 =	sshrl.u32 @!p0 s2, $0x3;
	p1 =	sne.s32 s24, s15;
	[bflag:$0x0] =	sbarrier.arrive $0xFFFF  }
0xbb: {  	[hbm:s14], [sflag:s3] =	dma.local @!p0 [spmem:s0], $0x2800  }
.Ltmp4:
0xbc: {  	_ = 	snop;
	(pc) =	sbr.rel @p1 .LBB2_1-.Ltmp4, $4  }
.Ltmp5:
0xbd: {  	s0 =	simm.s32 @!p0 $0x5;
	(pc) =	sbr.rel @!p1 .LBB2_10-.Ltmp5, $4  }
0xbe: {  	_ =	swait.ge @!p0 [sflag:s0], $0x2800  }
0xbf: {  	[sflag:s0] =	ssyncset.done @!p0 $0x0  }
0xc0: {  	[sflag:s0] =	ssyncadd.s32 @!p0 $0xFFFFD800  }
0xc1: {  	_ = 	snop  }
.LBB2_4:
.Ltmp6:
0xc2: {  	(pc) =	sbr.rel .LBB2_9-.Ltmp6, $2  }
0xc3: {  	_ =	sdelay $0x2  }
0xc4: {  	s26 =	simm.s32 $0x0;
	s28 =	simm.s32 $0x0  }
.LBB2_6:
.Ltmp7:
0xc5: {  	(pc) =	sbr.rel .LBB2_9-.Ltmp7, $2  }
0xc6: {  	_ =	sdelay $0x2  }
0xc7: {  	s29 =	simm.s32 $0x1  }
.LBB2_10:
0xc8: {  	_ =	sfence.sel $0x180000  }
0xc9: {  	[bflag:$0x0] =	sbarrier.arrive $0xFFFF  }
0xca: {  	_ =	strace $0x9000004D  }
0xcb: {  	[bflag:$0x2] =	sbarrier.arrive $0xFFFF  }
0xcc: {  	s0 =	rddreg [dreg:$0x3]  }
0xcd: {  	s0 =	sadd.s32 @!p0 $0x100000, s0  }
0xce: {  	[sflag:s0] =	ssyncadd.tile.s32 @!p0 $0x1;
	_ =	shalt  }
.Lfunc_end2:
_tile_overlayer_lowered:
.L_overlay_start_2:
0xcf: {  	(tag) =	ssettag $0x2  }
0xd0: {  	s0 =	rddreg [dreg:$0x0];
	s2 =	stileid.u32  }
0xd1: {  	s1 =	rddreg [dreg:$0x1];
	p0 =	sne.s32 s2, $0x0  }
0xd2: {  	s3 =	rddreg [dreg:$0x2];
	[bflag:$0x3] =	sbarrier.arrive $0xFFFF;
	s2 =	simm.s32 @!p0 $0x1C05  }
0xd3: {  	[timem:s3], [sflag:s2] =	dma.local @!p0 [hbm:s0], s1  }
0xd4: {  	s0 =	simm.s32 @!p0 $0x5  }
0xd5: {  	_ =	swait.ge @!p0 [sflag:s0], s1  }
0xd6: {  	s1 =	ssub.s32 @!p0 $0x0, s1;
	[sflag:s0] =	ssyncset.done @!p0 $0x0  }
0xd7: {  	[sflag:s0] =	ssyncadd.s32 @!p0 s1  }
0xd8: {  	[bflag:$0x3] =	sbarrier.arrive $0xFFFF  }
0xd9: {  	_ =	shalt  }

// kernel: kernel.8.cloned.1.call-start
scs
__scs_entry_jumppad:
0x0: {  	(pc) =	sbr.rel $0x88, $3  }
0x1: {  	(tag) =	ssettag $0x0;
	lr =	simm.s32 $0x1  }
0x2: {  	[smem:$0x3F97] =	sst lr;
	_ =	strace $0xD0000000  }
0x3: {  	_ = 	snop  }
0x4: {  	_ = 	snop  }
0x5: {  	_ = 	snop  }
0x6: {  	_ = 	snop  }
0x7: {  	_ = 	snop  }
__scs_overlays_trampoline_lowered:
0x8: {  	[smem:$0x3FA6] =	sst s0  }
0x9: {  	[smem:$0x3FA7] =	sst s1  }
0xa: {  	[smem:$0x3FA8] =	sst s2  }
0xb: {  	[smem:$0x3FA9] =	sst s3  }
0xc: {  	[smem:$0x3FAA] =	sst s4  }
0xd: {  	[smem:$0x3FAB] =	sst s5  }
0xe: {  	[smem:$0x3FAC] =	sst s6  }
0xf: {  	[smem:$0x3FAD] =	sst s7  }
0x10: {  	[smem:$0x3FAE] =	sst s8  }
0x11: {  	[smem:$0x3FAF] =	sst s9;
	s0 =	simm.s32 @!p0 $0x0  }
0x12: {  	s1 =	sld [smem:$0x3F95];
	s0 =	simm.s32 @p0 $0x1  }
0x13: {  	[smem:$0x3FB0] =	sst s0;
	s0 =	simm.s32 @!p1 $0x0  }
0x14: {  	s2 =	sld [smem:$0x3F94];
	s0 =	simm.s32 @p1 $0x1  }
0x15: {  	[smem:$0x3FB1] =	sst s0;
	s0 =	simm.s32 @!p2 $0x0  }
0x16: {  	s3 =	sld [smem:$0x3FDB];
	s0 =	simm.s32 @p2 $0x1  }
0x17: {  	s4 =	simm.s32 $0x1BF5;
	[smem:$0x3FB3] =	sst s0  }
0x18: {  	s0 =	sld [smem:$0x3F96];
	_ =	swait.ge [sflag:s4], $0x0  }
0x19: {  	s7 =	sld [smem:$0x3F97]  }
0x1a: {  	s8 =	sadd.s32 $0xFFFFE003, lr  }
0x1b: {  	s9 =	sadd.s32 $0xFFFFFEF7, lr;
	s5 =	simm.s32 $0xFFFFFFFF;
	p2 =	slt.u32 s8, $0xFFFFF086  }
0x1c: {  	p1 =	slt.u32 s9, $0xF7A;
	s5 =	simm.s32 @!p2 $0x0  }
0x1d: {  	s5 =	simm.s32 @p1 $0x1;
	p0 =	seq.s32 s7, s2  }
0x1e: {  	s7 =	smul.u32 @!p0 $0xF7A, s2;
	p2 =	seq.s32 @!p0 s5, $0x0  }
0x1f: {  	s9 =	smul.u32 $0xF7A, s1;
	s8 =	simm.s32 @!p0 $0x1BF5;
	p2 =	por !p2, p0  }
0x20: {  	[sflag:s8] =	ssyncset.s32 @!p0 $0xFFFFF086;
	s6 =	sadd.s32 @!p0 s3, s7;
	s7 =	simm.s32 @!p0 $0x108  }
0x21: {  	s3 =	sadd.s32 s3, s9;
	s6 =	sadd.s32 @!p0 $0x88, s6;
	s7 =	simm.s32 @p2 $0x1082  }
0x22: {  	[simem:s7], [sflag:s8] =	dma.local @!p0 [hbm:s6], $0xF7A  }
0x23: {  	s9 =	sor.u32 $0xD0000000, s2;
	s6 =	simm.s32 $0x108;
	_ =	swait.ge @!p0 [sflag:s8], $0x0  }
0x24: {  	s3 =	sadd.s32 $0x88, s3;
	s6 =	simm.s32 @!p1 $0x1082;
	[sflag:s4] =	ssyncset.s32 $0xFFFFF086  }
0x25: {  	[simem:s6], [sflag:s4] =	dma.local [hbm:s3], $0xF7A  }
0x26: {  	[smem:$0x3F97] =	sst s1;
	(tag) =	ssettag s2;
	_ =	strace s9  }
0x27: {  	s1 =	sld [smem:$0x3FA7]  }
0x28: {  	s2 =	sld [smem:$0x3FA8]  }
0x29: {  	s4 =	sld [smem:$0x3FAA]  }
0x2a: {  	p0 =	seq.s32 s5, $0x0;
	s5 =	sld [smem:$0x3FAB]  }
0x2b: {  	s6 =	sld [smem:$0x3FAC]  }
0x2c: {  	s7 =	sld [smem:$0x3FAD]  }
0x2d: {  	s3 =	simm.s32 $0x108;
	s8 =	sld [smem:$0x3FAE]  }
0x2e: {  	s3 =	simm.s32 @!p0 $0x1082;
	s9 =	sld [smem:$0x3FAF]  }
0x2f: {  	lr =	sadd.s32 s0, s3;
	s0 =	sld [smem:$0x3FA6]  }
0x30: {  	s3 =	sld [smem:$0x3FA9]  }
0x31: {  	[smem:$0x3FB2] =	sst s10  }
0x32: {  	s10 =	sld [smem:$0x3FB0];
	_ =	sdelay $0x3  }
0x33: {  	p0 =	seq.s32 s10, $0x1;
	s10 =	sld [smem:$0x3FB2];
	_ =	sdelay $0x3  }
0x34: {  	[smem:$0x3FB2] =	sst s10  }
0x35: {  	s10 =	sld [smem:$0x3FB1];
	_ =	sdelay $0x3  }
0x36: {  	p1 =	seq.s32 s10, $0x1;
	s10 =	sld [smem:$0x3FB2];
	_ =	sdelay $0x3  }
0x37: {  	[smem:$0x3FB2] =	sst s10  }
0x38: {  	s10 =	sld [smem:$0x3FB3]  }
0x39: {  	_ = 	snop;
	(pc) =	sbr.ind lr, $3  }
0x3a: {  	_ = 	snop  }
0x3b: {  	_ = 	snop  }
0x3c: {  	p2 =	seq.s32 s10, $0x1;
	s10 =	sld [smem:$0x3FB2]  }
0x3d: {  	_ =	shalt  }
0x3e: {  	_ =	shalt  }
0x3f: {  	_ =	shalt  }
0x40: {  	_ =	shalt  }
0x41: {  	_ =	shalt  }
0x42: {  	_ =	shalt  }
0x43: {  	_ =	shalt  }
0x44: {  	_ =	shalt  }
0x45: {  	_ =	shalt  }
0x46: {  	_ =	shalt  }
0x47: {  	_ =	shalt  }
0x48: {  	_ =	shalt  }
0x49: {  	_ =	shalt  }
0x4a: {  	_ =	shalt  }
0x4b: {  	_ =	shalt  }
0x4c: {  	_ =	shalt  }
0x4d: {  	_ =	shalt  }
0x4e: {  	_ =	shalt  }
0x4f: {  	_ =	shalt  }
0x50: {  	_ =	shalt  }
0x51: {  	_ =	shalt  }
0x52: {  	_ =	shalt  }
0x53: {  	_ =	shalt  }
0x54: {  	_ =	shalt  }
0x55: {  	_ =	shalt  }
0x56: {  	_ =	shalt  }
0x57: {  	_ =	shalt  }
0x58: {  	_ =	shalt  }
0x59: {  	_ =	shalt  }
0x5a: {  	_ =	shalt  }
0x5b: {  	_ =	shalt  }
0x5c: {  	_ =	shalt  }
0x5d: {  	_ =	shalt  }
0x5e: {  	_ =	shalt  }
0x5f: {  	_ =	shalt  }
0x60: {  	_ =	shalt  }
0x61: {  	_ =	shalt  }
0x62: {  	_ =	shalt  }
0x63: {  	_ =	shalt  }
0x64: {  	_ =	shalt  }
0x65: {  	_ =	shalt  }
0x66: {  	_ =	shalt  }
0x67: {  	_ =	shalt  }
0x68: {  	_ =	shalt  }
0x69: {  	_ =	shalt  }
0x6a: {  	_ =	shalt  }
0x6b: {  	_ =	shalt  }
0x6c: {  	_ =	shalt  }
0x6d: {  	_ =	shalt  }
0x6e: {  	_ =	shalt  }
0x6f: {  	_ =	shalt  }
0x70: {  	_ =	shalt  }
0x71: {  	_ =	shalt  }
0x72: {  	_ =	shalt  }
0x73: {  	_ =	shalt  }
0x74: {  	_ =	shalt  }
0x75: {  	_ =	shalt  }
0x76: {  	_ =	shalt  }
0x77: {  	_ =	shalt  }
0x78: {  	_ =	shalt  }
0x79: {  	_ =	shalt  }
0x7a: {  	_ =	shalt  }
0x7b: {  	_ =	shalt  }
0x7c: {  	_ =	shalt  }
0x7d: {  	_ =	shalt  }
0x7e: {  	_ =	shalt  }
0x7f: {  	_ =	shalt  }
0x80: {  	_ =	shalt  }
0x81: {  	_ =	shalt  }
0x82: {  	_ =	shalt  }
0x83: {  	_ =	shalt  }
0x84: {  	_ =	shalt  }
0x85: {  	_ =	shalt  }
0x86: {  	_ =	shalt  }
0x87: {  	_ =	shalt  }
.Lfunc_end0:
.L_simem_size_0:
called_computation_lowered:
.L_overlay_start_0:
0x88: {  	s2 =	sld [smem:$0x3FD9]  }
0x89: {  	s3 =	sld [smem:$0x3FFE];
	_ =	sdelay $0x1  }
0x8a: {  	s1 =	srdreg.scid  }
0x8b: {  	s0 =	sand.u32 $0x1, s1  }
0x8c: {  	s16 =	sshll.u32 s0, $0xA;
	s2 =	sadd.s32 s3, s2  }
0x8d: {  	s2 =	sadd.s32 s2, s16  }
0x8e: {  	[smem:$0x3FBE] =	sst s2  }
0x8f: {  	_ = 	snop  }
0x90: {  	(tm) =	ssettm $0x1  }
0x91: {  	s17 =	sld [smem:$0x3FFB];
	_ =	sdelay $0x3  }
0x92: {  	_ =	strace s17  }
0x93: {  	s2 =	sld [smem:$0x3FFC];
	_ =	sdelay $0x3  }
0x94: {  	_ =	strace s2  }
0x95: {  	s2 =	sld [smem:$0x3FFD];
	_ =	sdelay $0x3  }
0x96: {  	_ =	strace s2  }
0x97: {  	_ =	strace $0x8FFFFFFF  }
0x98: {  	s18 =	sld [smem:$0x3FDB];
	_ =	sdelay $0x1  }
0x99: {  	s19 =	simm.s32 $_scs_section_size  }
0x9a: {  	s4 =	simm.s32 $_size__tile_overlayer_lowered;
	s5 =	simm.s32 $_tile_overlayer_lowered  }
0x9b: {  	s22 =	simm.s32 $0x1BFF;
	s21 =	sshll.u32 s5, $0x1;
	s2 =	sadd.s32 s19, s18  }
0x9c: {  	s6 =	simm.s32 $0x0;
	s20 =	sshll.u32 s4, $0x1;
	s4 =	sadd.s32 s21, s2  }
0x9d: {  	[timem:s6], [sflag:s22] =	dma.local [hbm:s4], s20  }
0x9e: {  	_ =	swait.ge [sflag:s22], s20  }
0x9f: {  	s3 =	ssub.s32 $0x0, s20;
	[sflag:s22] =	ssyncset.done $0x0  }
0xa0: {  	[sflag:s22] =	ssyncadd.s32 s3;
	_ =	sdelay $0x1  }
0xa1: {  	s23 =	simm.s32 $0x1B8B  }
0xa2: {  	_ =	swait.ge [sflag:s23], $0x1  }
0xa3: {  	[sflag:s23] =	ssyncset.done $0x0  }
0xa4: {  	s25 =	simm.s32 $0x1B8E;
	s24 =	sld [smem:$0x3FFE];
	[sflag:s23] =	ssyncadd.s32 $0xFFFFFFFF  }
0xa5: {  	s26 =	simm.s32 $execute0_lowered;
	[smem:$0x3FD2] =	sst s25  }
0xa6: {  	s4 =	sshll.u32 s26, $0x1;
	_ =	strace $0x80000046;
	[dreg:$0x1] =	wrdreg $0xFFFFFFFF  }
0xa7: {  	s28 =	simm.s32 $_size_execute0_lowered;
	s2 =	sadd.s32 s2, s4;
	[dreg:$0x0] =	wrdreg $0x0  }
0xa8: {  	s4 =	sshll.u32 s28, $0x1;
	[dreg:$0x2] =	wrdreg s2  }
0xa9: {  	[dreg:$0x3] =	wrdreg s4  }
0xaa: {  	[dreg:$0x4] =	wrdreg $0xC0  }
0xab: {  	_ =	task [dreg:s6], $0x5FFFF  }
0xac: {  	[dreg:$0x1] =	wrdreg $0xFFFFFFFF  }
0xad: {  	[dreg:$0x0] =	wrdreg $0x60  }
0xae: {  	[dreg:$0x2] =	wrdreg s24  }
0xaf: {  	[dreg:$0x3] =	wrdreg $0x2B000  }
0xb0: {  	[dreg:$0x4] =	wrdreg $0x9  }
0xb1: {  	_ =	task.clear_ibuf [dreg:s6], $0x5FFFF;
	_ =	strace $0x90000046  }
0xb2: {  	s29 =	simm.s32 $0x9;
	_ =	strace $0x80000048  }
0xb3: {  	_ =	swait.ge [sflag:s29], $0x1  }
0xb4: {  	[sflag:s29] =	ssyncadd.s32 $0xFFFFFFFF  }
0xb5: {  	_ =	strace $0x90000048  }
0xb6: {  	_ =	sfence  }
0xb7: {  	s30 =	sld [smem:$0x0];
	_ =	sdelay $0x2  }
0xb8: {  	s31 =	sshll.u32 s1, $0xD;
	s1 =	sshrl.u32 s1, $0x2  }
0xb9: {  	s3 =	sand.u32 $0x4000, s31;
	s1 =	sadd.s32 s1, s30  }
0xba: {  	s0 =	sor.u32 s3, s0;
	s1 =	sshll.u32 s1, $0x11  }
0xbb: {  	s0 =	sor.u32 s1, s0  }
0xbc: {  	s0 =	sadd.s32 $0x8F2B, s0  }
0xbd: {  	[sflag:s0] =	ssyncadd.remote.s32 $0x1  }
0xbe: {  	_ =	sfence.sel $0xFFFF  }
0xbf: {  	[dreg:$0x0] =	wrdreg $0xFFFFFFFF;
	(pc) =	sbr.abs _section_cstart, $3  }
0xc0: {  	[dreg:$0x1] =	wrdreg $0xFFFFFFFF  }
0xc1: {  	_ =	task.clear_ibuf [dreg:s6], $0x2FFFF;
	_ =	strace $0x9FFFFFFF  }
0xc2: {  	(tm) =	ssettm $0x7FFFFFFF  }
0xc3: {  	_ =	shalt  }
tec
execute0_lowered:
.L_overlay_start_1:
0x0: {  	(tag) =	ssettag $0x1  }
0x1: {  	s4 =	rddreg [dreg:$0x0]  }
0x2: {  	s2 =	rddreg [dreg:$0x1];
	s3 =	srdreg.scid  }
0x3: {  	s1 =	stileid.u32;
	s0 =	rddreg [dreg:$0x2];
	s10 =	simm.s32 $0x80  }
0x4: {  	s11 =	simm.s32 $0x2A80;
	s14 =	simm.s32 $0x0;
	s5 =	sand.u32 $0x1, s3  }
0x5: {  	s6 =	smul.u32 $0x280, s1;
	s3 =	simm.s32 $0x0;
	s12 =	sshll.u32 s1, $0x6  }
0x6: {  	s7 =	sshll.u32 s5, $0x4;
	s8 =	smul.u32 $0x2800, s5;
	[smem:$0x7FF] =	sst s3  }
0x7: {  	s5 =	ssub.s32 $0x2, s5;
	s12 =	sor.u32 $0x1C01, s12;
	s7 =	sor.u32 s1, s7  }
0x8: {  	s9 =	sshrl.u32 s5, $0x1;
	s7 =	smul.u32 $0x500, s7;
	s8 =	sadd.s32 s6, s8  }
0x9: {  	_ =	strace $0x80000047;
	s9 =	ssub.s32 s5, s9;
	s8 =	sshrl.u32 s8, $0x3  }
0xa: {  	s5 =	sadd.s32 s6, s2;
	s7 =	sadd.s32 s7, s4;
	s8 =	sadd.s32 s8, s4  }
0xb: {  	s13 =	sshrl.u32 s5, $0x3;
	s4 =	sadd.s32 $0x2400, s7;
	s6 =	sadd.s32 $0xC400, s8  }
0xc: {  	v0 =	vimm.f32 $0.0e+00;
	v1 =	vimm.f32 $1.000000000e+00;
	s7 =	smax.u32 s9, $0x1;
	s8 =	simm.s32 $0x1;
	s9 =	simm.s32 $0x2800  }
.LBB2_1:
0xd: {  	[tilespmem:s3], [sflag:$0x1] =	stream.linear.gather [hbm4b:s4+s3], $0x2800, $0x38;
	[tilespmem:$0x2D80] =	vst v63  }
0xe: {  	_ =	swait.ge [sflag:s8], $0x2800  }
0xf: {  	[sflag:s8] =	ssyncset.done $0x0  }
0x10: {  	[sflag:s8] =	ssyncadd.s32 $0xFFFFD800  }
0x11: {  	[tilespmem:$0x2800] =	vst v0  }
0x12: {  	[tilespmem:$0x2810] =	vst v0  }
0x13: {  	[tilespmem:$0x2820] =	vst v0  }
0x14: {  	[tilespmem:$0x2830] =	vst v0  }
0x15: {  	[tilespmem:$0x2840] =	vst v0  }
0x16: {  	[tilespmem:$0x2850] =	vst v0  }
0x17: {  	[tilespmem:$0x2860] =	vst v0  }
0x18: {  	[tilespmem:$0x2870] =	vst v0  }
0x19: {  	[tilespmem:$0x2880] =	vst v0  }
0x1a: {  	[tilespmem:$0x2890] =	vst v0  }
0x1b: {  	[tilespmem:$0x28A0] =	vst v0  }
0x1c: {  	[tilespmem:$0x28B0] =	vst v0  }
0x1d: {  	[tilespmem:$0x28C0] =	vst v0  }
0x1e: {  	[tilespmem:$0x28D0] =	vst v0  }
0x1f: {  	[tilespmem:$0x28E0] =	vst v0  }
0x20: {  	[tilespmem:$0x28F0] =	vst v0  }
0x21: {  	[tilespmem:$0x2900] =	vst v0  }
0x22: {  	[tilespmem:$0x2910] =	vst v0  }
0x23: {  	[tilespmem:$0x2920] =	vst v0  }
0x24: {  	[tilespmem:$0x2930] =	vst v0  }
0x25: {  	[tilespmem:$0x2940] =	vst v0  }
0x26: {  	[tilespmem:$0x2950] =	vst v0  }
0x27: {  	[tilespmem:$0x2960] =	vst v0  }
0x28: {  	[tilespmem:$0x2970] =	vst v0  }
0x29: {  	[tilespmem:$0x2980] =	vst v0  }
0x2a: {  	[tilespmem:$0x2990] =	vst v0  }
0x2b: {  	[tilespmem:$0x29A0] =	vst v0  }
0x2c: {  	[tilespmem:$0x29B0] =	vst v0  }
0x2d: {  	[tilespmem:$0x29C0] =	vst v0  }
0x2e: {  	[tilespmem:$0x29D0] =	vst v0  }
0x2f: {  	[tilespmem:$0x29E0] =	vst v0  }
0x30: {  	[tilespmem:$0x29F0] =	vst v0  }
0x31: {  	[tilespmem:$0x2A00] =	vst v0  }
0x32: {  	[tilespmem:$0x2A10] =	vst v0  }
0x33: {  	[tilespmem:$0x2A20] =	vst v0  }
0x34: {  	[tilespmem:$0x2A30] =	vst v0  }
0x35: {  	[tilespmem:$0x2A40] =	vst v0  }
0x36: {  	[tilespmem:$0x2A50] =	vst v0  }
0x37: {  	[tilespmem:$0x2A60] =	vst v0  }
0x38: {  	[tilespmem:$0x2A70] =	vst v0  }
0x39: {  	[tilespmem:$0x2A80] =	vst v1  }
0x3a: {  	[tilespmem:$0x2A90] =	vst v1  }
0x3b: {  	[tilespmem:$0x2AA0] =	vst v1  }
0x3c: {  	[tilespmem:$0x2AB0] =	vst v1  }
0x3d: {  	[tilespmem:$0x2AC0] =	vst v1  }
0x3e: {  	[tilespmem:$0x2AD0] =	vst v1  }
0x3f: {  	[tilespmem:$0x2AE0] =	vst v1  }
0x40: {  	[tilespmem:$0x2AF0] =	vst v1  }
0x41: {  	[spmem:s5] =	stream.linear.scatter [tilespmem:s9], [sflag:$0x1], $0x280, $0x38;
	[tilespmem:$0x2D80] =	vst v63  }
0x42: {  	_ =	swait.ge [sflag:s8], $0x280  }
0x43: {  	[sflag:s8] =	ssyncset.done $0x0  }
0x44: {  	[sflag:s8] =	ssyncadd.s32 $0xFFFFFD80  }
0x45: {  	s15 =	simm.s32 $0x0;
	[bflag:$0x0] =	sbarrier.arrive $0xFFFF  }
0x46: {  	[spmem:s2] =	stream.indirect.scatter.add.f32 [tilespmem:s11], [sflag:$0x1], $0x1, s15, s10, $0xb8;
	[tilespmem:$0x2D80] =	vst v63  }
0x47: {  	_ =	swait.ge [sflag:s8], $0x80  }
0x48: {  	s15 =	simm.s32 $0x200;
	[sflag:s8] =	ssyncset.done $0x0  }
.LBB2_2:
0x49: {  	s16 =	sshra.s32 s15, $0x2;
	[sflag:s8] =	ssyncadd.s32 $0xFFFFFF80;
	p0 =	sne.s32 s15, $0x9E00  }
0x4a: {  	[spmem:s2] =	stream.indirect.scatter.add.f32 [tilespmem:s11], [sflag:$0x1], $0x1, s16, s10, $0xb8;
	[tilespmem:$0x2D80] =	vst v63  }
.Ltmp0:
0x4b: {  	_ = 	snop;
	(pc) =	sbr.rel @p0 .LBB2_2-.Ltmp0, $4  }
0x4c: {  	_ = 	snop  }
0x4d: {  	s15 =	sadd.s32 $0x200, s15  }
0x4e: {  	_ =	swait.ge [sflag:s8], $0x80  }
0x4f: {  	[sflag:s8] =	ssyncset.done $0x0  }
0x50: {  	s14 =	sadd.s32 $0x1, s14  }
0x51: {  	[sflag:s8] =	ssyncadd.s32 $0xFFFFFF80;
	p0 =	sne.s32 s14, s7  }
.Ltmp1:
0x52: {  	[bflag:$0x0] =	sbarrier.arrive $0xFFFF;
	(pc) =	sbr.rel @p0 .LBB2_1-.Ltmp1, $4  }
0x53: {  	[hbm:s6], [sflag:s12] =	dma.local [spmem:s13], $0x50  }
0x54: {  	_ =	swait.ge [sflag:s8], $0x50  }
0x55: {  	[sflag:s8] =	ssyncset.done $0x0  }
0x56: {  	[sflag:s8] =	ssyncadd.s32 $0xFFFFFFB0  }
0x57: {  	_ =	sfence.sel $0x180000  }
0x58: {  	[bflag:$0x0] =	sbarrier.arrive $0xFFFF  }
0x59: {  	p0 =	sne.s32 s1, $0x0;
	_ =	strace $0x90000047  }
0x5a: {  	s0 =	sadd.s32 @!p0 $0x100000, s0;
	[bflag:$0x2] =	sbarrier.arrive $0xFFFF  }
0x5b: {  	[sflag:s0] =	ssyncadd.tile.s32 @!p0 $0x1;
	_ =	shalt  }
.Lfunc_end2:
_tile_overlayer_lowered:
.L_overlay_start_2:
0x5c: {  	(tag) =	ssettag $0x2  }
0x5d: {  	s0 =	rddreg [dreg:$0x0];
	s2 =	stileid.u32  }
0x5e: {  	s1 =	rddreg [dreg:$0x1];
	p0 =	sne.s32 s2, $0x0  }
0x5f: {  	s3 =	rddreg [dreg:$0x2];
	[bflag:$0x3] =	sbarrier.arrive $0xFFFF;
	s2 =	simm.s32 @!p0 $0x1C01  }
0x60: {  	[timem:s3], [sflag:s2] =	dma.local @!p0 [hbm:s0], s1  }
0x61: {  	s0 =	simm.s32 @!p0 $0x1  }
0x62: {  	_ =	swait.ge @!p0 [sflag:s0], s1  }
0x63: {  	s1 =	ssub.s32 @!p0 $0x0, s1;
	[sflag:s0] =	ssyncset.done @!p0 $0x0  }
0x64: {  	[sflag:s0] =	ssyncadd.s32 @!p0 s1  }
0x65: {  	[bflag:$0x3] =	sbarrier.arrive $0xFFFF  }
0x66: {  	_ =	shalt  }

</sc_bundles>
